<compile_context>
chip_gen: v7x
topology: tpu7x:2x2x1
jax: 0.10.2.dev20260603
libtpu: 0.0.44.dev20260713+nightly
codegen_flags: <defaults>
</compile_context>

<pallas_src>
import functools

import jax
import jax.numpy as jnp
from jax import lax
from jax.experimental import pallas as pl
from jax.experimental.pallas import tpu as pltpu
from jax.experimental.pallas import tpu_sc as plsc

VOCAB = 1000
SEQ = 50
BATCH = 1024
NUM_CORES = 2
NUM_SUBCORES = 16
NUM_WORKERS = NUM_CORES * NUM_SUBCORES
LANES = 16

VCHUNK = 56
CHUNKS_PER_SLAB = -(-VOCAB // VCHUNK)
N_UNITS = SEQ * CHUNKS_PER_SLAB
N_COLS = 3


def _onehot_body(xt_hbm, t_hbm, xcols, buf, sem0, sem1):
    wid = lax.axis_index("s") * NUM_CORES + lax.axis_index("c")

    start = wid * N_UNITS // NUM_WORKERS
    n = (wid + 1) * N_UNITS // NUM_WORKERS - start
    l_lo = jnp.minimum(start // CHUNKS_PER_SLAB, SEQ - N_COLS)

    for j in range(N_COLS):
        pltpu.async_copy(
            xt_hbm.at[l_lo + j], xcols.at[pl.ds(j * BATCH, BATCH)], sem1
        )

    zeros16 = jnp.zeros((LANES,), jnp.float32)
    ones16 = jnp.full((LANES,), 1.0, jnp.float32)
    lane = lax.iota(jnp.int32, LANES)

    def zero_region(base_row):
        def zero_row(r, carry):
            for j in range(BATCH // LANES):
                buf[r + base_row, pl.ds(j * LANES, LANES)] = zeros16
            return carry

        lax.fori_loop(0, VCHUNK, zero_row, 0)

    def unit_params(u):
        l = u // CHUNKS_PER_SLAB
        c = u - l * CHUNKS_PER_SLAB
        v0 = pl.multiple_of(jnp.minimum(c * VCHUNK, VOCAB - VCHUNK), 8)
        return l, v0

    def scan_pass(li, v0, base_row, val16):
        def group8(i, carry):
            for gg in range(8):
                g = i * 8 + gg
                xs = xcols[pl.ds(li * BATCH + g * LANES, LANES)]
                rel = xs - v0
                mask = (rel >= 0) & (rel < VCHUNK)
                plsc.store_scatter(
                    buf, [rel + base_row, lane + g * LANES], val16, mask=mask
                )
            return carry

        lax.fori_loop(0, BATCH // LANES // 8, group8, 0)

    def do_unit(k, base_row, sem, first=False):
        u = start + k
        l, v0 = unit_params(u)

        if not first:
            pltpu.make_async_copy(
                buf.at[pl.ds(base_row, VCHUNK)],
                t_hbm.at[0, pl.ds(0, VCHUNK)],
                sem,
            ).wait()
            lp, v0p = unit_params(u - 2)
            scan_pass(lp - l_lo, v0p, base_row, zeros16)

        scan_pass(l - l_lo, v0, base_row, ones16)
        pltpu.async_copy(
            buf.at[pl.ds(base_row, VCHUNK)],
            t_hbm.at[l, pl.ds(v0, VCHUNK)],
            sem,
        )

    zero_region(0)
    for j in range(N_COLS):
        pltpu.make_async_copy(
            xt_hbm.at[l_lo + j], xcols.at[pl.ds(j * BATCH, BATCH)], sem1
        ).wait()
    do_unit(0, 0, sem0, first=True)
    zero_region(VCHUNK)
    do_unit(1, VCHUNK, sem1, first=True)

    def pair_body(p, carry):
        do_unit(2 + p * 2, 0, sem0)
        do_unit(3 + p * 2, VCHUNK, sem1)
        return carry

    lax.fori_loop(0, (n - 2) // 2, pair_body, 0)

    @pl.when(n % 2 == 1)
    def _():
        do_unit(n - 1, 0, sem0)

    pltpu.make_async_copy(
        buf.at[pl.ds(0, VCHUNK)], t_hbm.at[0, pl.ds(0, VCHUNK)], sem0
    ).wait()
    pltpu.make_async_copy(
        buf.at[pl.ds(VCHUNK, VCHUNK)], t_hbm.at[0, pl.ds(0, VCHUNK)], sem1
    ).wait()


def kernel(x):
    B, L = x.shape

    run = functools.partial(
        pl.kernel,
        mesh=plsc.VectorSubcoreMesh(core_axis_name="c", subcore_axis_name="s"),
        out_type=jax.ShapeDtypeStruct((L, VOCAB, B), jnp.float32),
        scratch_types=[
            pltpu.VMEM((N_COLS * B,), jnp.int32),
            pltpu.VMEM((2 * VCHUNK, B), jnp.float32),
            pltpu.SemaphoreType.DMA,
            pltpu.SemaphoreType.DMA,
        ],
        compiler_params=pltpu.CompilerParams(needs_layout_passes=False),
    )(_onehot_body)

    t = run(x.T)
    return jnp.transpose(t, (2, 0, 1))

# --- scband reference (transcript-rebuilt; emitter-appended) ---
"""Pipeline reference for scband-one-hot-vector-encoding-62843961475696 (READ-ONLY COPY).

The authoritative reference and input builder live on the scoring server;
editing this copy changes nothing except your own understanding.
"""

import jax, jax.numpy as jnp
import numpy as np

VOCAB_SIZE = 1000
BATCH = 1024
SEQ_LEN = 50

def setup_inputs(seed: int = 0) -> dict:
    key = jax.random.key(seed)
    x = jax.random.randint(key, (BATCH, SEQ_LEN), 0, VOCAB_SIZE, dtype=jnp.int64 if jax.config.jax_enable_x64 else jnp.int32)
    return {"x": x}

def reference(x):
    # Faithful translation of OneHotVectorEncoding.forward:
    # create zeros [B, L, V] and scatter-set 1.0 at (i, j, x[i][j]).
    B, L = x.shape
    out = jnp.zeros((B, L, VOCAB_SIZE), dtype=jnp.float32)
    bi = jnp.arange(B)[:, None]  # [B,1]
    li = jnp.arange(L)[None, :]  # [1,L]
    out = out.at[bi, li, x].set(1.0)
    return out

if __name__ == "__main__":
    import jax
    _d = setup_inputs()
    print(jax.jit(kernel)(*tuple(_d.values())))

</pallas_src>

<mosaic_0001>
#map = affine_map<(d0, d1) -> (0, 0)>
#map1 = affine_map<(d0, d1) -> (0, 0, 0)>
module attributes {stable_mosaic.version = 14 : i64} {
  func.func @_onehot_body(%arg0: i32, %arg1: i32, %arg2: memref<50x1024xi32, #tpu.memory_space<hbm>>, %arg3: memref<50x1000x1024xf32, #tpu.memory_space<hbm>>, %arg4: memref<3072xi32, #tpu.memory_space<vmem>>, %arg5: memref<112x1024xf32, #tpu.memory_space<vmem>>, %arg6: memref<!tpu.dma_semaphore, #tpu.memory_space<semaphore_mem>>, %arg7: memref<!tpu.dma_semaphore, #tpu.memory_space<semaphore_mem>>) attributes {dimension_semantics = [#tpu.dimension_semantics<core_parallel>, #tpu.dimension_semantics<subcore_parallel>], iteration_bounds = array<i64: 2, 16>, scalar_prefetch = 0 : i64, scratch_operands = 4 : i64, tpu.core_type = #tpu.core_type<sc_vector_subcore>, window_params = [{transform_indices = #map}, {transform_indices = #map1}]} {
    %mul3A = arith.constant 2 : i32
    %mul3A_0 = arith.muli %arg1, %mul3A : i32
    %add3A = arith.addi %mul3A_0, %arg0 : i32
    %mul3A_1 = arith.constant 900 : i32
    %mul3A_2 = arith.muli %add3A, %mul3A_1 : i32
    %jit3A = arith.constant 32 : i32
    %div3A = arith.divsi %mul3A_2, %jit3A : i32
    %sign3A = arith.constant 0 : i32
    %sign3A_3 = arith.cmpi sgt, %mul3A_2, %sign3A : i32
    %sign3A_4 = arith.extui %sign3A_3 : i1 to i32
    %sign3A_5 = arith.constant 0 : i32
    %sign3A_6 = arith.cmpi slt, %mul3A_2, %sign3A_5 : i32
    %sign3A_7 = arith.extui %sign3A_6 : i1 to i32
    %sign3A_8 = arith.subi %sign3A_4, %sign3A_7 : i32
    %sign3A_9 = arith.constant 0 : i32
    %sign3A_10 = arith.cmpi sgt, %jit3A, %sign3A_9 : i32
    %sign3A_11 = arith.extui %sign3A_10 : i1 to i32
    %sign3A_12 = arith.constant 0 : i32
    %sign3A_13 = arith.cmpi slt, %jit3A, %sign3A_12 : i32
    %sign3A_14 = arith.extui %sign3A_13 : i1 to i32
    %sign3A_15 = arith.subi %sign3A_11, %sign3A_14 : i32
    %ne3A = arith.cmpi ne, %sign3A_8, %sign3A_15 : i32
    %rem3A = arith.remsi %mul3A_2, %jit3A : i32
    %ne3A_16 = arith.constant 0 : i32
    %ne3A_17 = arith.cmpi ne, %rem3A, %ne3A_16 : i32
    %and3A = arith.andi %ne3A, %ne3A_17 : i1
    %sub3A = arith.constant 1 : i32
    %sub3A_18 = arith.subi %div3A, %sub3A : i32
    %select_n3A = arith.select %and3A, %sub3A_18, %div3A : i32
    %add3A_19 = arith.constant 1 : i32
    %add3A_20 = arith.addi %add3A, %add3A_19 : i32
    %mul3A_21 = arith.constant 900 : i32
    %mul3A_22 = arith.muli %add3A_20, %mul3A_21 : i32
    %jit3A_23 = arith.constant 32 : i32
    %div3A_24 = arith.divsi %mul3A_22, %jit3A_23 : i32
    %sign3A_25 = arith.constant 0 : i32
    %sign3A_26 = arith.cmpi sgt, %mul3A_22, %sign3A_25 : i32
    %sign3A_27 = arith.extui %sign3A_26 : i1 to i32
    %sign3A_28 = arith.constant 0 : i32
    %sign3A_29 = arith.cmpi slt, %mul3A_22, %sign3A_28 : i32
    %sign3A_30 = arith.extui %sign3A_29 : i1 to i32
    %sign3A_31 = arith.subi %sign3A_27, %sign3A_30 : i32
    %sign3A_32 = arith.constant 0 : i32
    %sign3A_33 = arith.cmpi sgt, %jit3A_23, %sign3A_32 : i32
    %sign3A_34 = arith.extui %sign3A_33 : i1 to i32
    %sign3A_35 = arith.constant 0 : i32
    %sign3A_36 = arith.cmpi slt, %jit3A_23, %sign3A_35 : i32
    %sign3A_37 = arith.extui %sign3A_36 : i1 to i32
    %sign3A_38 = arith.subi %sign3A_34, %sign3A_37 : i32
    %ne3A_39 = arith.cmpi ne, %sign3A_31, %sign3A_38 : i32
    %rem3A_40 = arith.remsi %mul3A_22, %jit3A_23 : i32
    %ne3A_41 = arith.constant 0 : i32
    %ne3A_42 = arith.cmpi ne, %rem3A_40, %ne3A_41 : i32
    %and3A_43 = arith.andi %ne3A_39, %ne3A_42 : i1
    %sub3A_44 = arith.constant 1 : i32
    %sub3A_45 = arith.subi %div3A_24, %sub3A_44 : i32
    %select_n3A_46 = arith.select %and3A_43, %sub3A_45, %div3A_24 : i32
    %sub3A_47 = arith.subi %select_n3A_46, %select_n3A : i32
    %jit3A_48 = arith.constant 18 : i32
    %div3A_49 = arith.divsi %select_n3A, %jit3A_48 : i32
    %sign3A_50 = arith.constant 0 : i32
    %sign3A_51 = arith.cmpi sgt, %select_n3A, %sign3A_50 : i32
    %sign3A_52 = arith.extui %sign3A_51 : i1 to i32
    %sign3A_53 = arith.constant 0 : i32
    %sign3A_54 = arith.cmpi slt, %select_n3A, %sign3A_53 : i32
    %sign3A_55 = arith.extui %sign3A_54 : i1 to i32
    %sign3A_56 = arith.subi %sign3A_52, %sign3A_55 : i32
    %sign3A_57 = arith.constant 0 : i32
    %sign3A_58 = arith.cmpi sgt, %jit3A_48, %sign3A_57 : i32
    %sign3A_59 = arith.extui %sign3A_58 : i1 to i32
    %sign3A_60 = arith.constant 0 : i32
    %sign3A_61 = arith.cmpi slt, %jit3A_48, %sign3A_60 : i32
    %sign3A_62 = arith.extui %sign3A_61 : i1 to i32
    %sign3A_63 = arith.subi %sign3A_59, %sign3A_62 : i32
    %ne3A_64 = arith.cmpi ne, %sign3A_56, %sign3A_63 : i32
    %rem3A_65 = arith.remsi %select_n3A, %jit3A_48 : i32
    %ne3A_66 = arith.constant 0 : i32
    %ne3A_67 = arith.cmpi ne, %rem3A_65, %ne3A_66 : i32
    %and3A_68 = arith.andi %ne3A_64, %ne3A_67 : i1
    %sub3A_69 = arith.constant 1 : i32
    %sub3A_70 = arith.subi %div3A_49, %sub3A_69 : i32
    %select_n3A_71 = arith.select %and3A_68, %sub3A_70, %div3A_49 : i32
    %min3A = arith.constant 47 : i32
    %min3A_72 = arith.minsi %select_n3A_71, %min3A : i32
    %add3A_73 = arith.constant 0 : i32
    %add3A_74 = arith.addi %min3A_72, %add3A_73 : i32
    %dma_start3A = arith.constant 0 : i32
    %dma_start3A_75 = tpu.memref_slice %arg4[%dma_start3A] : memref<3072xi32, #tpu.memory_space<vmem>> -> memref<1024xi32, #tpu.memory_space<vmem>>
    %dma_start3A_76 = arith.constant 0 : i32
    %dma_start3A_77 = tpu.memref_slice %arg2[%add3A_74, %dma_start3A_76] : memref<50x1024xi32, #tpu.memory_space<hbm>> -> memref<1x1024xi32, #tpu.memory_space<hbm>>
    %dma_start3A_78 = tpu.memref_squeeze %dma_start3A_77 : memref<1x1024xi32, #tpu.memory_space<hbm>> -> memref<1024xi32, #tpu.memory_space<hbm>>
    %dma_start3A_79 = arith.constant 0 : i32
    %dma_start3A_80 = tpu.memref_slice %arg4[%dma_start3A_79] : memref<3072xi32, #tpu.memory_space<vmem>> -> memref<1024xi32, #tpu.memory_space<vmem>>
    %dma_start3A_81 = arith.constant 0 : i32
    %dma_start3A_82 = tpu.memref_slice %arg2[%add3A_74, %dma_start3A_81] : memref<50x1024xi32, #tpu.memory_space<hbm>> -> memref<1x1024xi32, #tpu.memory_space<hbm>>
    %dma_start3A_83 = tpu.memref_squeeze %dma_start3A_82 : memref<1x1024xi32, #tpu.memory_space<hbm>> -> memref<1024xi32, #tpu.memory_space<hbm>>
    tpu.enqueue_dma source(%dma_start3A_83 : memref<1024xi32, #tpu.memory_space<hbm>>) target(%dma_start3A_80 : memref<1024xi32, #tpu.memory_space<vmem>>) target_semaphore(%arg7 : memref<!tpu.dma_semaphore, #tpu.memory_space<semaphore_mem>>)
    %add3A_84 = arith.constant 1 : i32
    %add3A_85 = arith.addi %min3A_72, %add3A_84 : i32
    %dma_start3A_86 = arith.constant 1024 : i32
    %dma_start3A_87 = tpu.memref_slice %arg4[%dma_start3A_86] : memref<3072xi32, #tpu.memory_space<vmem>> -> memref<1024xi32, #tpu.memory_space<vmem>>
    %dma_start3A_88 = arith.constant 0 : i32
    %dma_start3A_89 = tpu.memref_slice %arg2[%add3A_85, %dma_start3A_88] : memref<50x1024xi32, #tpu.memory_space<hbm>> -> memref<1x1024xi32, #tpu.memory_space<hbm>>
    %dma_start3A_90 = tpu.memref_squeeze %dma_start3A_89 : memref<1x1024xi32, #tpu.memory_space<hbm>> -> memref<1024xi32, #tpu.memory_space<hbm>>
    %dma_start3A_91 = arith.constant 1024 : i32
    %dma_start3A_92 = tpu.memref_slice %arg4[%dma_start3A_91] : memref<3072xi32, #tpu.memory_space<vmem>> -> memref<1024xi32, #tpu.memory_space<vmem>>
    %dma_start3A_93 = arith.constant 0 : i32
    %dma_start3A_94 = tpu.memref_slice %arg2[%add3A_85, %dma_start3A_93] : memref<50x1024xi32, #tpu.memory_space<hbm>> -> memref<1x1024xi32, #tpu.memory_space<hbm>>
    %dma_start3A_95 = tpu.memref_squeeze %dma_start3A_94 : memref<1x1024xi32, #tpu.memory_space<hbm>> -> memref<1024xi32, #tpu.memory_space<hbm>>
    tpu.enqueue_dma source(%dma_start3A_95 : memref<1024xi32, #tpu.memory_space<hbm>>) target(%dma_start3A_92 : memref<1024xi32, #tpu.memory_space<vmem>>) target_semaphore(%arg7 : memref<!tpu.dma_semaphore, #tpu.memory_space<semaphore_mem>>)
    %add3A_96 = arith.constant 2 : i32
    %add3A_97 = arith.addi %min3A_72, %add3A_96 : i32
    %dma_start3A_98 = arith.constant 2048 : i32
    %dma_start3A_99 = tpu.memref_slice %arg4[%dma_start3A_98] : memref<3072xi32, #tpu.memory_space<vmem>> -> memref<1024xi32, #tpu.memory_space<vmem>>
    %dma_start3A_100 = arith.constant 0 : i32
    %dma_start3A_101 = tpu.memref_slice %arg2[%add3A_97, %dma_start3A_100] : memref<50x1024xi32, #tpu.memory_space<hbm>> -> memref<1x1024xi32, #tpu.memory_space<hbm>>
    %dma_start3A_102 = tpu.memref_squeeze %dma_start3A_101 : memref<1x1024xi32, #tpu.memory_space<hbm>> -> memref<1024xi32, #tpu.memory_space<hbm>>
    %dma_start3A_103 = arith.constant 2048 : i32
    %dma_start3A_104 = tpu.memref_slice %arg4[%dma_start3A_103] : memref<3072xi32, #tpu.memory_space<vmem>> -> memref<1024xi32, #tpu.memory_space<vmem>>
    %dma_start3A_105 = arith.constant 0 : i32
    %dma_start3A_106 = tpu.memref_slice %arg2[%add3A_97, %dma_start3A_105] : memref<50x1024xi32, #tpu.memory_space<hbm>> -> memref<1x1024xi32, #tpu.memory_space<hbm>>
    %dma_start3A_107 = tpu.memref_squeeze %dma_start3A_106 : memref<1x1024xi32, #tpu.memory_space<hbm>> -> memref<1024xi32, #tpu.memory_space<hbm>>
    tpu.enqueue_dma source(%dma_start3A_107 : memref<1024xi32, #tpu.memory_space<hbm>>) target(%dma_start3A_104 : memref<1024xi32, #tpu.memory_space<vmem>>) target_semaphore(%arg7 : memref<!tpu.dma_semaphore, #tpu.memory_space<semaphore_mem>>)
    %broadcast_in_dim3A = arith.constant 0.000000e+00 : f32
    %broadcast_in_dim3A_108 = vector.broadcast %broadcast_in_dim3A : f32 to vector<16xf32>
    %broadcast_in_dim3A_109 = arith.constant 1.000000e+00 : f32
    %broadcast_in_dim3A_110 = vector.broadcast %broadcast_in_dim3A_109 : f32 to vector<16xf32>
    %iota3A = tpu.iota {dimensions = array<i32: 0>} : vector<16xi32>
    %scan3A = arith.constant 0 : i32
    %scan3A_111 = arith.constant 0 : i32
    %scan3A_112 = arith.constant 56 : i32
    %scan3A_113 = arith.addi %scan3A_111, %scan3A_112 : i32
    %scan3A_114 = arith.constant 1 : i32
    scf.for %scan3A_344 = %scan3A_111 to %scan3A_113 step %scan3A_114  : i32 {
      %add3A_345 = arith.constant 0 : i32
      %add3A_346 = arith.addi %scan3A_344, %add3A_345 : i32
      %swap3A = arith.index_cast %add3A_346 : i32 to index
      %swap3A_347 = arith.constant 0 : index
      %swap3A_348 = tpu.vector_load %arg5[%swap3A, %swap3A_347] {strides = array<i32>} : memref<112x1024xf32, #tpu.memory_space<vmem>>, vector<16xf32>,
      tpu.vector_store %arg5[%swap3A, %swap3A_347], %broadcast_in_dim3A_108 {strides = array<i32>} : memref<112x1024xf32, #tpu.memory_space<vmem>>, vector<16xf32>,
      %add3A_349 = arith.constant 0 : i32
      %add3A_350 = arith.addi %scan3A_344, %add3A_349 : i32
      %swap3A_351 = arith.index_cast %add3A_350 : i32 to index
      %swap3A_352 = arith.constant 16 : index
      %swap3A_353 = tpu.vector_load %arg5[%swap3A_351, %swap3A_352] {strides = array<i32>} : memref<112x1024xf32, #tpu.memory_space<vmem>>, vector<16xf32>,
      tpu.vector_store %arg5[%swap3A_351, %swap3A_352], %broadcast_in_dim3A_108 {strides = array<i32>} : memref<112x1024xf32, #tpu.memory_space<vmem>>, vector<16xf32>,
      %add3A_354 = arith.constant 0 : i32
      %add3A_355 = arith.addi %scan3A_344, %add3A_354 : i32
      %swap3A_356 = arith.index_cast %add3A_355 : i32 to index
      %swap3A_357 = arith.constant 32 : index
      %swap3A_358 = tpu.vector_load %arg5[%swap3A_356, %swap3A_357] {strides = array<i32>} : memref<112x1024xf32, #tpu.memory_space<vmem>>, vector<16xf32>,
      tpu.vector_store %arg5[%swap3A_356, %swap3A_357], %broadcast_in_dim3A_108 {strides = array<i32>} : memref<112x1024xf32, #tpu.memory_space<vmem>>, vector<16xf32>,
      %add3A_359 = arith.constant 0 : i32
      %add3A_360 = arith.addi %scan3A_344, %add3A_359 : i32
      %swap3A_361 = arith.index_cast %add3A_360 : i32 to index
      %swap3A_362 = arith.constant 48 : index
      %swap3A_363 = tpu.vector_load %arg5[%swap3A_361, %swap3A_362] {strides = array<i32>} : memref<112x1024xf32, #tpu.memory_space<vmem>>, vector<16xf32>,
      tpu.vector_store %arg5[%swap3A_361, %swap3A_362], %broadcast_in_dim3A_108 {strides = array<i32>} : memref<112x1024xf32, #tpu.memory_space<vmem>>, vector<16xf32>,
      %add3A_364 = arith.constant 0 : i32
      %add3A_365 = arith.addi %scan3A_344, %add3A_364 : i32
      %swap3A_366 = arith.index_cast %add3A_365 : i32 to index
      %swap3A_367 = arith.constant 64 : index
      %swap3A_368 = tpu.vector_load %arg5[%swap3A_366, %swap3A_367] {strides = array<i32>} : memref<112x1024xf32, #tpu.memory_space<vmem>>, vector<16xf32>,
      tpu.vector_store %arg5[%swap3A_366, %swap3A_367], %broadcast_in_dim3A_108 {strides = array<i32>} : memref<112x1024xf32, #tpu.memory_space<vmem>>, vector<16xf32>,
      %add3A_369 = arith.constant 0 : i32
      %add3A_370 = arith.addi %scan3A_344, %add3A_369 : i32
      %swap3A_371 = arith.index_cast %add3A_370 : i32 to index
      %swap3A_372 = arith.constant 80 : index
      %swap3A_373 = tpu.vector_load %arg5[%swap3A_371, %swap3A_372] {strides = array<i32>} : memref<112x1024xf32, #tpu.memory_space<vmem>>, vector<16xf32>,
      tpu.vector_store %arg5[%swap3A_371, %swap3A_372], %broadcast_in_dim3A_108 {strides = array<i32>} : memref<112x1024xf32, #tpu.memory_space<vmem>>, vector<16xf32>,
      %add3A_374 = arith.constant 0 : i32
      %add3A_375 = arith.addi %scan3A_344, %add3A_374 : i32
      %swap3A_376 = arith.index_cast %add3A_375 : i32 to index
      %swap3A_377 = arith.constant 96 : index
      %swap3A_378 = tpu.vector_load %arg5[%swap3A_376, %swap3A_377] {strides = array<i32>} : memref<112x1024xf32, #tpu.memory_space<vmem>>, vector<16xf32>,
      tpu.vector_store %arg5[%swap3A_376, %swap3A_377], %broadcast_in_dim3A_108 {strides = array<i32>} : memref<112x1024xf32, #tpu.memory_space<vmem>>, vector<16xf32>,
      %add3A_379 = arith.constant 0 : i32
      %add3A_380 = arith.addi %scan3A_344, %add3A_379 : i32
      %swap3A_381 = arith.index_cast %add3A_380 : i32 to index
      %swap3A_382 = arith.constant 112 : index
      %swap3A_383 = tpu.vector_load %arg5[%swap3A_381, %swap3A_382] {strides = array<i32>} : memref<112x1024xf32, #tpu.memory_space<vmem>>, vector<16xf32>,
      tpu.vector_store %arg5[%swap3A_381, %swap3A_382], %broadcast_in_dim3A_108 {strides = array<i32>} : memref<112x1024xf32, #tpu.memory_space<vmem>>, vector<16xf32>,
      %add3A_384 = arith.constant 0 : i32
      %add3A_385 = arith.addi %scan3A_344, %add3A_384 : i32
      %swap3A_386 = arith.index_cast %add3A_385 : i32 to index
      %swap3A_387 = arith.constant 128 : index
      %swap3A_388 = tpu.vector_load %arg5[%swap3A_386, %swap3A_387] {strides = array<i32>} : memref<112x1024xf32, #tpu.memory_space<vmem>>, vector<16xf32>,
      tpu.vector_store %arg5[%swap3A_386, %swap3A_387], %broadcast_in_dim3A_108 {strides = array<i32>} : memref<112x1024xf32, #tpu.memory_space<vmem>>, vector<16xf32>,
      %add3A_389 = arith.constant 0 : i32
      %add3A_390 = arith.addi %scan3A_344, %add3A_389 : i32
      %swap3A_391 = arith.index_cast %add3A_390 : i32 to index
      %swap3A_392 = arith.constant 144 : index
      %swap3A_393 = tpu.vector_load %arg5[%swap3A_391, %swap3A_392] {strides = array<i32>} : memref<112x1024xf32, #tpu.memory_space<vmem>>, vector<16xf32>,
      tpu.vector_store %arg5[%swap3A_391, %swap3A_392], %broadcast_in_dim3A_108 {strides = array<i32>} : memref<112x1024xf32, #tpu.memory_space<vmem>>, vector<16xf32>,
      %add3A_394 = arith.constant 0 : i32
      %add3A_395 = arith.addi %scan3A_344, %add3A_394 : i32
      %swap3A_396 = arith.index_cast %add3A_395 : i32 to index
      %swap3A_397 = arith.constant 160 : index
      %swap3A_398 = tpu.vector_load %arg5[%swap3A_396, %swap3A_397] {strides = array<i32>} : memref<112x1024xf32, #tpu.memory_space<vmem>>, vector<16xf32>,
      tpu.vector_store %arg5[%swap3A_396, %swap3A_397], %broadcast_in_dim3A_108 {strides = array<i32>} : memref<112x1024xf32, #tpu.memory_space<vmem>>, vector<16xf32>,
      %add3A_399 = arith.constant 0 : i32
      %add3A_400 = arith.addi %scan3A_344, %add3A_399 : i32
      %swap3A_401 = arith.index_cast %add3A_400 : i32 to index
      %swap3A_402 = arith.constant 176 : index
      %swap3A_403 = tpu.vector_load %arg5[%swap3A_401, %swap3A_402] {strides = array<i32>} : memref<112x1024xf32, #tpu.memory_space<vmem>>, vector<16xf32>,
      tpu.vector_store %arg5[%swap3A_401, %swap3A_402], %broadcast_in_dim3A_108 {strides = array<i32>} : memref<112x1024xf32, #tpu.memory_space<vmem>>, vector<16xf32>,
      %add3A_404 = arith.constant 0 : i32
      %add3A_405 = arith.addi %scan3A_344, %add3A_404 : i32
      %swap3A_406 = arith.index_cast %add3A_405 : i32 to index
      %swap3A_407 = arith.constant 192 : index
      %swap3A_408 = tpu.vector_load %arg5[%swap3A_406, %swap3A_407] {strides = array<i32>} : memref<112x1024xf32, #tpu.memory_space<vmem>>, vector<16xf32>,
      tpu.vector_store %arg5[%swap3A_406, %swap3A_407], %broadcast_in_dim3A_108 {strides = array<i32>} : memref<112x1024xf32, #tpu.memory_space<vmem>>, vector<16xf32>,
      %add3A_409 = arith.constant 0 : i32
      %add3A_410 = arith.addi %scan3A_344, %add3A_409 : i32
      %swap3A_411 = arith.index_cast %add3A_410 : i32 to index
      %swap3A_412 = arith.constant 208 : index
      %swap3A_413 = tpu.vector_load %arg5[%swap3A_411, %swap3A_412] {strides = array<i32>} : memref<112x1024xf32, #tpu.memory_space<vmem>>, vector<16xf32>,
      tpu.vector_store %arg5[%swap3A_411, %swap3A_412], %broadcast_in_dim3A_108 {strides = array<i32>} : memref<112x1024xf32, #tpu.memory_space<vmem>>, vector<16xf32>,
      %add3A_414 = arith.constant 0 : i32
      %add3A_415 = arith.addi %scan3A_344, %add3A_414 : i32
      %swap3A_416 = arith.index_cast %add3A_415 : i32 to index
      %swap3A_417 = arith.constant 224 : index
      %swap3A_418 = tpu.vector_load %arg5[%swap3A_416, %swap3A_417] {strides = array<i32>} : memref<112x1024xf32, #tpu.memory_space<vmem>>, vector<16xf32>,
      tpu.vector_store %arg5[%swap3A_416, %swap3A_417], %broadcast_in_dim3A_108 {strides = array<i32>} : memref<112x1024xf32, #tpu.memory_space<vmem>>, vector<16xf32>,
      %add3A_419 = arith.constant 0 : i32
      %add3A_420 = arith.addi %scan3A_344, %add3A_419 : i32
      %swap3A_421 = arith.index_cast %add3A_420 : i32 to index
      %swap3A_422 = arith.constant 240 : index
      %swap3A_423 = tpu.vector_load %arg5[%swap3A_421, %swap3A_422] {strides = array<i32>} : memref<112x1024xf32, #tpu.memory_space<vmem>>, vector<16xf32>,
      tpu.vector_store %arg5[%swap3A_421, %swap3A_422], %broadcast_in_dim3A_108 {strides = array<i32>} : memref<112x1024xf32, #tpu.memory_space<vmem>>, vector<16xf32>,
      %add3A_424 = arith.constant 0 : i32
      %add3A_425 = arith.addi %scan3A_344, %add3A_424 : i32
      %swap3A_426 = arith.index_cast %add3A_425 : i32 to index
      %swap3A_427 = arith.constant 256 : index
      %swap3A_428 = tpu.vector_load %arg5[%swap3A_426, %swap3A_427] {strides = array<i32>} : memref<112x1024xf32, #tpu.memory_space<vmem>>, vector<16xf32>,
      tpu.vector_store %arg5[%swap3A_426, %swap3A_427], %broadcast_in_dim3A_108 {strides = array<i32>} : memref<112x1024xf32, #tpu.memory_space<vmem>>, vector<16xf32>,
      %add3A_429 = arith.constant 0 : i32
      %add3A_430 = arith.addi %scan3A_344, %add3A_429 : i32
      %swap3A_431 = arith.index_cast %add3A_430 : i32 to index
      %swap3A_432 = arith.constant 272 : index
      %swap3A_433 = tpu.vector_load %arg5[%swap3A_431, %swap3A_432] {strides = array<i32>} : memref<112x1024xf32, #tpu.memory_space<vmem>>, vector<16xf32>,
      tpu.vector_store %arg5[%swap3A_431, %swap3A_432], %broadcast_in_dim3A_108 {strides = array<i32>} : memref<112x1024xf32, #tpu.memory_space<vmem>>, vector<16xf32>,
      %add3A_434 = arith.constant 0 : i32
      %add3A_435 = arith.addi %scan3A_344, %add3A_434 : i32
      %swap3A_436 = arith.index_cast %add3A_435 : i32 to index
      %swap3A_437 = arith.constant 288 : index
      %swap3A_438 = tpu.vector_load %arg5[%swap3A_436, %swap3A_437] {strides = array<i32>} : memref<112x1024xf32, #tpu.memory_space<vmem>>, vector<16xf32>,
      tpu.vector_store %arg5[%swap3A_436, %swap3A_437], %broadcast_in_dim3A_108 {strides = array<i32>} : memref<112x1024xf32, #tpu.memory_space<vmem>>, vector<16xf32>,
      %add3A_439 = arith.constant 0 : i32
      %add3A_440 = arith.addi %scan3A_344, %add3A_439 : i32
      %swap3A_441 = arith.index_cast %add3A_440 : i32 to index
      %swap3A_442 = arith.constant 304 : index
      %swap3A_443 = tpu.vector_load %arg5[%swap3A_441, %swap3A_442] {strides = array<i32>} : memref<112x1024xf32, #tpu.memory_space<vmem>>, vector<16xf32>,
      tpu.vector_store %arg5[%swap3A_441, %swap3A_442], %broadcast_in_dim3A_108 {strides = array<i32>} : memref<112x1024xf32, #tpu.memory_space<vmem>>, vector<16xf32>,
      %add3A_444 = arith.constant 0 : i32
      %add3A_445 = arith.addi %scan3A_344, %add3A_444 : i32
      %swap3A_446 = arith.index_cast %add3A_445 : i32 to index
      %swap3A_447 = arith.constant 320 : index
      %swap3A_448 = tpu.vector_load %arg5[%swap3A_446, %swap3A_447] {strides = array<i32>} : memref<112x1024xf32, #tpu.memory_space<vmem>>, vector<16xf32>,
      tpu.vector_store %arg5[%swap3A_446, %swap3A_447], %broadcast_in_dim3A_108 {strides = array<i32>} : memref<112x1024xf32, #tpu.memory_space<vmem>>, vector<16xf32>,
      %add3A_449 = arith.constant 0 : i32
      %add3A_450 = arith.addi %scan3A_344, %add3A_449 : i32
      %swap3A_451 = arith.index_cast %add3A_450 : i32 to index
      %swap3A_452 = arith.constant 336 : index
      %swap3A_453 = tpu.vector_load %arg5[%swap3A_451, %swap3A_452] {strides = array<i32>} : memref<112x1024xf32, #tpu.memory_space<vmem>>, vector<16xf32>,
      tpu.vector_store %arg5[%swap3A_451, %swap3A_452], %broadcast_in_dim3A_108 {strides = array<i32>} : memref<112x1024xf32, #tpu.memory_space<vmem>>, vector<16xf32>,
      %add3A_454 = arith.constant 0 : i32
      %add3A_455 = arith.addi %scan3A_344, %add3A_454 : i32
      %swap3A_456 = arith.index_cast %add3A_455 : i32 to index
      %swap3A_457 = arith.constant 352 : index
      %swap3A_458 = tpu.vector_load %arg5[%swap3A_456, %swap3A_457] {strides = array<i32>} : memref<112x1024xf32, #tpu.memory_space<vmem>>, vector<16xf32>,
      tpu.vector_store %arg5[%swap3A_456, %swap3A_457], %broadcast_in_dim3A_108 {strides = array<i32>} : memref<112x1024xf32, #tpu.memory_space<vmem>>, vector<16xf32>,
      %add3A_459 = arith.constant 0 : i32
      %add3A_460 = arith.addi %scan3A_344, %add3A_459 : i32
      %swap3A_461 = arith.index_cast %add3A_460 : i32 to index
      %swap3A_462 = arith.constant 368 : index
      %swap3A_463 = tpu.vector_load %arg5[%swap3A_461, %swap3A_462] {strides = array<i32>} : memref<112x1024xf32, #tpu.memory_space<vmem>>, vector<16xf32>,
      tpu.vector_store %arg5[%swap3A_461, %swap3A_462], %broadcast_in_dim3A_108 {strides = array<i32>} : memref<112x1024xf32, #tpu.memory_space<vmem>>, vector<16xf32>,
      %add3A_464 = arith.constant 0 : i32
      %add3A_465 = arith.addi %scan3A_344, %add3A_464 : i32
      %swap3A_466 = arith.index_cast %add3A_465 : i32 to index
      %swap3A_467 = arith.constant 384 : index
      %swap3A_468 = tpu.vector_load %arg5[%swap3A_466, %swap3A_467] {strides = array<i32>} : memref<112x1024xf32, #tpu.memory_space<vmem>>, vector<16xf32>,
      tpu.vector_store %arg5[%swap3A_466, %swap3A_467], %broadcast_in_dim3A_108 {strides = array<i32>} : memref<112x1024xf32, #tpu.memory_space<vmem>>, vector<16xf32>,
      %add3A_469 = arith.constant 0 : i32
      %add3A_470 = arith.addi %scan3A_344, %add3A_469 : i32
      %swap3A_471 = arith.index_cast %add3A_470 : i32 to index
      %swap3A_472 = arith.constant 400 : index
      %swap3A_473 = tpu.vector_load %arg5[%swap3A_471, %swap3A_472] {strides = array<i32>} : memref<112x1024xf32, #tpu.memory_space<vmem>>, vector<16xf32>,
      tpu.vector_store %arg5[%swap3A_471, %swap3A_472], %broadcast_in_dim3A_108 {strides = array<i32>} : memref<112x1024xf32, #tpu.memory_space<vmem>>, vector<16xf32>,
      %add3A_474 = arith.constant 0 : i32
      %add3A_475 = arith.addi %scan3A_344, %add3A_474 : i32
      %swap3A_476 = arith.index_cast %add3A_475 : i32 to index
      %swap3A_477 = arith.constant 416 : index
      %swap3A_478 = tpu.vector_load %arg5[%swap3A_476, %swap3A_477] {strides = array<i32>} : memref<112x1024xf32, #tpu.memory_space<vmem>>, vector<16xf32>,
      tpu.vector_store %arg5[%swap3A_476, %swap3A_477], %broadcast_in_dim3A_108 {strides = array<i32>} : memref<112x1024xf32, #tpu.memory_space<vmem>>, vector<16xf32>,
      %add3A_479 = arith.constant 0 : i32
      %add3A_480 = arith.addi %scan3A_344, %add3A_479 : i32
      %swap3A_481 = arith.index_cast %add3A_480 : i32 to index
      %swap3A_482 = arith.constant 432 : index
      %swap3A_483 = tpu.vector_load %arg5[%swap3A_481, %swap3A_482] {strides = array<i32>} : memref<112x1024xf32, #tpu.memory_space<vmem>>, vector<16xf32>,
      tpu.vector_store %arg5[%swap3A_481, %swap3A_482], %broadcast_in_dim3A_108 {strides = array<i32>} : memref<112x1024xf32, #tpu.memory_space<vmem>>, vector<16xf32>,
      %add3A_484 = arith.constant 0 : i32
      %add3A_485 = arith.addi %scan3A_344, %add3A_484 : i32
      %swap3A_486 = arith.index_cast %add3A_485 : i32 to index
      %swap3A_487 = arith.constant 448 : index
      %swap3A_488 = tpu.vector_load %arg5[%swap3A_486, %swap3A_487] {strides = array<i32>} : memref<112x1024xf32, #tpu.memory_space<vmem>>, vector<16xf32>,
      tpu.vector_store %arg5[%swap3A_486, %swap3A_487], %broadcast_in_dim3A_108 {strides = array<i32>} : memref<112x1024xf32, #tpu.memory_space<vmem>>, vector<16xf32>,
      %add3A_489 = arith.constant 0 : i32
      %add3A_490 = arith.addi %scan3A_344, %add3A_489 : i32
      %swap3A_491 = arith.index_cast %add3A_490 : i32 to index
      %swap3A_492 = arith.constant 464 : index
      %swap3A_493 = tpu.vector_load %arg5[%swap3A_491, %swap3A_492] {strides = array<i32>} : memref<112x1024xf32, #tpu.memory_space<vmem>>, vector<16xf32>,
      tpu.vector_store %arg5[%swap3A_491, %swap3A_492], %broadcast_in_dim3A_108 {strides = array<i32>} : memref<112x1024xf32, #tpu.memory_space<vmem>>, vector<16xf32>,
      %add3A_494 = arith.constant 0 : i32
      %add3A_495 = arith.addi %scan3A_344, %add3A_494 : i32
      %swap3A_496 = arith.index_cast %add3A_495 : i32 to index
      %swap3A_497 = arith.constant 480 : index
      %swap3A_498 = tpu.vector_load %arg5[%swap3A_496, %swap3A_497] {strides = array<i32>} : memref<112x1024xf32, #tpu.memory_space<vmem>>, vector<16xf32>,
      tpu.vector_store %arg5[%swap3A_496, %swap3A_497], %broadcast_in_dim3A_108 {strides = array<i32>} : memref<112x1024xf32, #tpu.memory_space<vmem>>, vector<16xf32>,
      %add3A_499 = arith.constant 0 : i32
      %add3A_500 = arith.addi %scan3A_344, %add3A_499 : i32
      %swap3A_501 = arith.index_cast %add3A_500 : i32 to index
      %swap3A_502 = arith.constant 496 : index
      %swap3A_503 = tpu.vector_load %arg5[%swap3A_501, %swap3A_502] {strides = array<i32>} : memref<112x1024xf32, #tpu.memory_space<vmem>>, vector<16xf32>,
      tpu.vector_store %arg5[%swap3A_501, %swap3A_502], %broadcast_in_dim3A_108 {strides = array<i32>} : memref<112x1024xf32, #tpu.memory_space<vmem>>, vector<16xf32>,
      %add3A_504 = arith.constant 0 : i32
      %add3A_505 = arith.addi %scan3A_344, %add3A_504 : i32
      %swap3A_506 = arith.index_cast %add3A_505 : i32 to index
      %swap3A_507 = arith.constant 512 : index
      %swap3A_508 = tpu.vector_load %arg5[%swap3A_506, %swap3A_507] {strides = array<i32>} : memref<112x1024xf32, #tpu.memory_space<vmem>>, vector<16xf32>,
      tpu.vector_store %arg5[%swap3A_506, %swap3A_507], %broadcast_in_dim3A_108 {strides = array<i32>} : memref<112x1024xf32, #tpu.memory_space<vmem>>, vector<16xf32>,
      %add3A_509 = arith.constant 0 : i32
      %add3A_510 = arith.addi %scan3A_344, %add3A_509 : i32
      %swap3A_511 = arith.index_cast %add3A_510 : i32 to index
      %swap3A_512 = arith.constant 528 : index
      %swap3A_513 = tpu.vector_load %arg5[%swap3A_511, %swap3A_512] {strides = array<i32>} : memref<112x1024xf32, #tpu.memory_space<vmem>>, vector<16xf32>,
      tpu.vector_store %arg5[%swap3A_511, %swap3A_512], %broadcast_in_dim3A_108 {strides = array<i32>} : memref<112x1024xf32, #tpu.memory_space<vmem>>, vector<16xf32>,
      %add3A_514 = arith.constant 0 : i32
      %add3A_515 = arith.addi %scan3A_344, %add3A_514 : i32
      %swap3A_516 = arith.index_cast %add3A_515 : i32 to index
      %swap3A_517 = arith.constant 544 : index
      %swap3A_518 = tpu.vector_load %arg5[%swap3A_516, %swap3A_517] {strides = array<i32>} : memref<112x1024xf32, #tpu.memory_space<vmem>>, vector<16xf32>,
      tpu.vector_store %arg5[%swap3A_516, %swap3A_517], %broadcast_in_dim3A_108 {strides = array<i32>} : memref<112x1024xf32, #tpu.memory_space<vmem>>, vector<16xf32>,
      %add3A_519 = arith.constant 0 : i32
      %add3A_520 = arith.addi %scan3A_344, %add3A_519 : i32
      %swap3A_521 = arith.index_cast %add3A_520 : i32 to index
      %swap3A_522 = arith.constant 560 : index
      %swap3A_523 = tpu.vector_load %arg5[%swap3A_521, %swap3A_522] {strides = array<i32>} : memref<112x1024xf32, #tpu.memory_space<vmem>>, vector<16xf32>,
      tpu.vector_store %arg5[%swap3A_521, %swap3A_522], %broadcast_in_dim3A_108 {strides = array<i32>} : memref<112x1024xf32, #tpu.memory_space<vmem>>, vector<16xf32>,
      %add3A_524 = arith.constant 0 : i32
      %add3A_525 = arith.addi %scan3A_344, %add3A_524 : i32
      %swap3A_526 = arith.index_cast %add3A_525 : i32 to index
      %swap3A_527 = arith.constant 576 : index
      %swap3A_528 = tpu.vector_load %arg5[%swap3A_526, %swap3A_527] {strides = array<i32>} : memref<112x1024xf32, #tpu.memory_space<vmem>>, vector<16xf32>,
      tpu.vector_store %arg5[%swap3A_526, %swap3A_527], %broadcast_in_dim3A_108 {strides = array<i32>} : memref<112x1024xf32, #tpu.memory_space<vmem>>, vector<16xf32>,
      %add3A_529 = arith.constant 0 : i32
      %add3A_530 = arith.addi %scan3A_344, %add3A_529 : i32
      %swap3A_531 = arith.index_cast %add3A_530 : i32 to index
      %swap3A_532 = arith.constant 592 : index
      %swap3A_533 = tpu.vector_load %arg5[%swap3A_531, %swap3A_532] {strides = array<i32>} : memref<112x1024xf32, #tpu.memory_space<vmem>>, vector<16xf32>,
      tpu.vector_store %arg5[%swap3A_531, %swap3A_532], %broadcast_in_dim3A_108 {strides = array<i32>} : memref<112x1024xf32, #tpu.memory_space<vmem>>, vector<16xf32>,
      %add3A_534 = arith.constant 0 : i32
      %add3A_535 = arith.addi %scan3A_344, %add3A_534 : i32
      %swap3A_536 = arith.index_cast %add3A_535 : i32 to index
      %swap3A_537 = arith.constant 608 : index
      %swap3A_538 = tpu.vector_load %arg5[%swap3A_536, %swap3A_537] {strides = array<i32>} : memref<112x1024xf32, #tpu.memory_space<vmem>>, vector<16xf32>,
      tpu.vector_store %arg5[%swap3A_536, %swap3A_537], %broadcast_in_dim3A_108 {strides = array<i32>} : memref<112x1024xf32, #tpu.memory_space<vmem>>, vector<16xf32>,
      %add3A_539 = arith.constant 0 : i32
      %add3A_540 = arith.addi %scan3A_344, %add3A_539 : i32
      %swap3A_541 = arith.index_cast %add3A_540 : i32 to index
      %swap3A_542 = arith.constant 624 : index
      %swap3A_543 = tpu.vector_load %arg5[%swap3A_541, %swap3A_542] {strides = array<i32>} : memref<112x1024xf32, #tpu.memory_space<vmem>>, vector<16xf32>,
      tpu.vector_store %arg5[%swap3A_541, %swap3A_542], %broadcast_in_dim3A_108 {strides = array<i32>} : memref<112x1024xf32, #tpu.memory_space<vmem>>, vector<16xf32>,
      %add3A_544 = arith.constant 0 : i32
      %add3A_545 = arith.addi %scan3A_344, %add3A_544 : i32
      %swap3A_546 = arith.index_cast %add3A_545 : i32 to index
      %swap3A_547 = arith.constant 640 : index
      %swap3A_548 = tpu.vector_load %arg5[%swap3A_546, %swap3A_547] {strides = array<i32>} : memref<112x1024xf32, #tpu.memory_space<vmem>>, vector<16xf32>,
      tpu.vector_store %arg5[%swap3A_546, %swap3A_547], %broadcast_in_dim3A_108 {strides = array<i32>} : memref<112x1024xf32, #tpu.memory_space<vmem>>, vector<16xf32>,
      %add3A_549 = arith.constant 0 : i32
      %add3A_550 = arith.addi %scan3A_344, %add3A_549 : i32
      %swap3A_551 = arith.index_cast %add3A_550 : i32 to index
      %swap3A_552 = arith.constant 656 : index
      %swap3A_553 = tpu.vector_load %arg5[%swap3A_551, %swap3A_552] {strides = array<i32>} : memref<112x1024xf32, #tpu.memory_space<vmem>>, vector<16xf32>,
      tpu.vector_store %arg5[%swap3A_551, %swap3A_552], %broadcast_in_dim3A_108 {strides = array<i32>} : memref<112x1024xf32, #tpu.memory_space<vmem>>, vector<16xf32>,
      %add3A_554 = arith.constant 0 : i32
      %add3A_555 = arith.addi %scan3A_344, %add3A_554 : i32
      %swap3A_556 = arith.index_cast %add3A_555 : i32 to index
      %swap3A_557 = arith.constant 672 : index
      %swap3A_558 = tpu.vector_load %arg5[%swap3A_556, %swap3A_557] {strides = array<i32>} : memref<112x1024xf32, #tpu.memory_space<vmem>>, vector<16xf32>,
      tpu.vector_store %arg5[%swap3A_556, %swap3A_557], %broadcast_in_dim3A_108 {strides = array<i32>} : memref<112x1024xf32, #tpu.memory_space<vmem>>, vector<16xf32>,
      %add3A_559 = arith.constant 0 : i32
      %add3A_560 = arith.addi %scan3A_344, %add3A_559 : i32
      %swap3A_561 = arith.index_cast %add3A_560 : i32 to index
      %swap3A_562 = arith.constant 688 : index
      %swap3A_563 = tpu.vector_load %arg5[%swap3A_561, %swap3A_562] {strides = array<i32>} : memref<112x1024xf32, #tpu.memory_space<vmem>>, vector<16xf32>,
      tpu.vector_store %arg5[%swap3A_561, %swap3A_562], %broadcast_in_dim3A_108 {strides = array<i32>} : memref<112x1024xf32, #tpu.memory_space<vmem>>, vector<16xf32>,
      %add3A_564 = arith.constant 0 : i32
      %add3A_565 = arith.addi %scan3A_344, %add3A_564 : i32
      %swap3A_566 = arith.index_cast %add3A_565 : i32 to index
      %swap3A_567 = arith.constant 704 : index
      %swap3A_568 = tpu.vector_load %arg5[%swap3A_566, %swap3A_567] {strides = array<i32>} : memref<112x1024xf32, #tpu.memory_space<vmem>>, vector<16xf32>,
      tpu.vector_store %arg5[%swap3A_566, %swap3A_567], %broadcast_in_dim3A_108 {strides = array<i32>} : memref<112x1024xf32, #tpu.memory_space<vmem>>, vector<16xf32>,
      %add3A_569 = arith.constant 0 : i32
      %add3A_570 = arith.addi %scan3A_344, %add3A_569 : i32
      %swap3A_571 = arith.index_cast %add3A_570 : i32 to index
      %swap3A_572 = arith.constant 720 : index
      %swap3A_573 = tpu.vector_load %arg5[%swap3A_571, %swap3A_572] {strides = array<i32>} : memref<112x1024xf32, #tpu.memory_space<vmem>>, vector<16xf32>,
      tpu.vector_store %arg5[%swap3A_571, %swap3A_572], %broadcast_in_dim3A_108 {strides = array<i32>} : memref<112x1024xf32, #tpu.memory_space<vmem>>, vector<16xf32>,
      %add3A_574 = arith.constant 0 : i32
      %add3A_575 = arith.addi %scan3A_344, %add3A_574 : i32
      %swap3A_576 = arith.index_cast %add3A_575 : i32 to index
      %swap3A_577 = arith.constant 736 : index
      %swap3A_578 = tpu.vector_load %arg5[%swap3A_576, %swap3A_577] {strides = array<i32>} : memref<112x1024xf32, #tpu.memory_space<vmem>>, vector<16xf32>,
      tpu.vector_store %arg5[%swap3A_576, %swap3A_577], %broadcast_in_dim3A_108 {strides = array<i32>} : memref<112x1024xf32, #tpu.memory_space<vmem>>, vector<16xf32>,
      %add3A_579 = arith.constant 0 : i32
      %add3A_580 = arith.addi %scan3A_344, %add3A_579 : i32
      %swap3A_581 = arith.index_cast %add3A_580 : i32 to index
      %swap3A_582 = arith.constant 752 : index
      %swap3A_583 = tpu.vector_load %arg5[%swap3A_581, %swap3A_582] {strides = array<i32>} : memref<112x1024xf32, #tpu.memory_space<vmem>>, vector<16xf32>,
      tpu.vector_store %arg5[%swap3A_581, %swap3A_582], %broadcast_in_dim3A_108 {strides = array<i32>} : memref<112x1024xf32, #tpu.memory_space<vmem>>, vector<16xf32>,
      %add3A_584 = arith.constant 0 : i32
      %add3A_585 = arith.addi %scan3A_344, %add3A_584 : i32
      %swap3A_586 = arith.index_cast %add3A_585 : i32 to index
      %swap3A_587 = arith.constant 768 : index
      %swap3A_588 = tpu.vector_load %arg5[%swap3A_586, %swap3A_587] {strides = array<i32>} : memref<112x1024xf32, #tpu.memory_space<vmem>>, vector<16xf32>,
      tpu.vector_store %arg5[%swap3A_586, %swap3A_587], %broadcast_in_dim3A_108 {strides = array<i32>} : memref<112x1024xf32, #tpu.memory_space<vmem>>, vector<16xf32>,
      %add3A_589 = arith.constant 0 : i32
      %add3A_590 = arith.addi %scan3A_344, %add3A_589 : i32
      %swap3A_591 = arith.index_cast %add3A_590 : i32 to index
      %swap3A_592 = arith.constant 784 : index
      %swap3A_593 = tpu.vector_load %arg5[%swap3A_591, %swap3A_592] {strides = array<i32>} : memref<112x1024xf32, #tpu.memory_space<vmem>>, vector<16xf32>,
      tpu.vector_store %arg5[%swap3A_591, %swap3A_592], %broadcast_in_dim3A_108 {strides = array<i32>} : memref<112x1024xf32, #tpu.memory_space<vmem>>, vector<16xf32>,
      %add3A_594 = arith.constant 0 : i32
      %add3A_595 = arith.addi %scan3A_344, %add3A_594 : i32
      %swap3A_596 = arith.index_cast %add3A_595 : i32 to index
      %swap3A_597 = arith.constant 800 : index
      %swap3A_598 = tpu.vector_load %arg5[%swap3A_596, %swap3A_597] {strides = array<i32>} : memref<112x1024xf32, #tpu.memory_space<vmem>>, vector<16xf32>,
      tpu.vector_store %arg5[%swap3A_596, %swap3A_597], %broadcast_in_dim3A_108 {strides = array<i32>} : memref<112x1024xf32, #tpu.memory_space<vmem>>, vector<16xf32>,
      %add3A_599 = arith.constant 0 : i32
      %add3A_600 = arith.addi %scan3A_344, %add3A_599 : i32
      %swap3A_601 = arith.index_cast %add3A_600 : i32 to index
      %swap3A_602 = arith.constant 816 : index
      %swap3A_603 = tpu.vector_load %arg5[%swap3A_601, %swap3A_602] {strides = array<i32>} : memref<112x1024xf32, #tpu.memory_space<vmem>>, vector<16xf32>,
      tpu.vector_store %arg5[%swap3A_601, %swap3A_602], %broadcast_in_dim3A_108 {strides = array<i32>} : memref<112x1024xf32, #tpu.memory_space<vmem>>, vector<16xf32>,
      %add3A_604 = arith.constant 0 : i32
      %add3A_605 = arith.addi %scan3A_344, %add3A_604 : i32
      %swap3A_606 = arith.index_cast %add3A_605 : i32 to index
      %swap3A_607 = arith.constant 832 : index
      %swap3A_608 = tpu.vector_load %arg5[%swap3A_606, %swap3A_607] {strides = array<i32>} : memref<112x1024xf32, #tpu.memory_space<vmem>>, vector<16xf32>,
      tpu.vector_store %arg5[%swap3A_606, %swap3A_607], %broadcast_in_dim3A_108 {strides = array<i32>} : memref<112x1024xf32, #tpu.memory_space<vmem>>, vector<16xf32>,
      %add3A_609 = arith.constant 0 : i32
      %add3A_610 = arith.addi %scan3A_344, %add3A_609 : i32
      %swap3A_611 = arith.index_cast %add3A_610 : i32 to index
      %swap3A_612 = arith.constant 848 : index
      %swap3A_613 = tpu.vector_load %arg5[%swap3A_611, %swap3A_612] {strides = array<i32>} : memref<112x1024xf32, #tpu.memory_space<vmem>>, vector<16xf32>,
      tpu.vector_store %arg5[%swap3A_611, %swap3A_612], %broadcast_in_dim3A_108 {strides = array<i32>} : memref<112x1024xf32, #tpu.memory_space<vmem>>, vector<16xf32>,
      %add3A_614 = arith.constant 0 : i32
      %add3A_615 = arith.addi %scan3A_344, %add3A_614 : i32
      %swap3A_616 = arith.index_cast %add3A_615 : i32 to index
      %swap3A_617 = arith.constant 864 : index
      %swap3A_618 = tpu.vector_load %arg5[%swap3A_616, %swap3A_617] {strides = array<i32>} : memref<112x1024xf32, #tpu.memory_space<vmem>>, vector<16xf32>,
      tpu.vector_store %arg5[%swap3A_616, %swap3A_617], %broadcast_in_dim3A_108 {strides = array<i32>} : memref<112x1024xf32, #tpu.memory_space<vmem>>, vector<16xf32>,
      %add3A_619 = arith.constant 0 : i32
      %add3A_620 = arith.addi %scan3A_344, %add3A_619 : i32
      %swap3A_621 = arith.index_cast %add3A_620 : i32 to index
      %swap3A_622 = arith.constant 880 : index
      %swap3A_623 = tpu.vector_load %arg5[%swap3A_621, %swap3A_622] {strides = array<i32>} : memref<112x1024xf32, #tpu.memory_space<vmem>>, vector<16xf32>,
      tpu.vector_store %arg5[%swap3A_621, %swap3A_622], %broadcast_in_dim3A_108 {strides = array<i32>} : memref<112x1024xf32, #tpu.memory_space<vmem>>, vector<16xf32>,
      %add3A_624 = arith.constant 0 : i32
      %add3A_625 = arith.addi %scan3A_344, %add3A_624 : i32
      %swap3A_626 = arith.index_cast %add3A_625 : i32 to index
      %swap3A_627 = arith.constant 896 : index
      %swap3A_628 = tpu.vector_load %arg5[%swap3A_626, %swap3A_627] {strides = array<i32>} : memref<112x1024xf32, #tpu.memory_space<vmem>>, vector<16xf32>,
      tpu.vector_store %arg5[%swap3A_626, %swap3A_627], %broadcast_in_dim3A_108 {strides = array<i32>} : memref<112x1024xf32, #tpu.memory_space<vmem>>, vector<16xf32>,
      %add3A_629 = arith.constant 0 : i32
      %add3A_630 = arith.addi %scan3A_344, %add3A_629 : i32
      %swap3A_631 = arith.index_cast %add3A_630 : i32 to index
      %swap3A_632 = arith.constant 912 : index
      %swap3A_633 = tpu.vector_load %arg5[%swap3A_631, %swap3A_632] {strides = array<i32>} : memref<112x1024xf32, #tpu.memory_space<vmem>>, vector<16xf32>,
      tpu.vector_store %arg5[%swap3A_631, %swap3A_632], %broadcast_in_dim3A_108 {strides = array<i32>} : memref<112x1024xf32, #tpu.memory_space<vmem>>, vector<16xf32>,
      %add3A_634 = arith.constant 0 : i32
      %add3A_635 = arith.addi %scan3A_344, %add3A_634 : i32
      %swap3A_636 = arith.index_cast %add3A_635 : i32 to index
      %swap3A_637 = arith.constant 928 : index
      %swap3A_638 = tpu.vector_load %arg5[%swap3A_636, %swap3A_637] {strides = array<i32>} : memref<112x1024xf32, #tpu.memory_space<vmem>>, vector<16xf32>,
      tpu.vector_store %arg5[%swap3A_636, %swap3A_637], %broadcast_in_dim3A_108 {strides = array<i32>} : memref<112x1024xf32, #tpu.memory_space<vmem>>, vector<16xf32>,
      %add3A_639 = arith.constant 0 : i32
      %add3A_640 = arith.addi %scan3A_344, %add3A_639 : i32
      %swap3A_641 = arith.index_cast %add3A_640 : i32 to index
      %swap3A_642 = arith.constant 944 : index
      %swap3A_643 = tpu.vector_load %arg5[%swap3A_641, %swap3A_642] {strides = array<i32>} : memref<112x1024xf32, #tpu.memory_space<vmem>>, vector<16xf32>,
      tpu.vector_store %arg5[%swap3A_641, %swap3A_642], %broadcast_in_dim3A_108 {strides = array<i32>} : memref<112x1024xf32, #tpu.memory_space<vmem>>, vector<16xf32>,
      %add3A_644 = arith.constant 0 : i32
      %add3A_645 = arith.addi %scan3A_344, %add3A_644 : i32
      %swap3A_646 = arith.index_cast %add3A_645 : i32 to index
      %swap3A_647 = arith.constant 960 : index
      %swap3A_648 = tpu.vector_load %arg5[%swap3A_646, %swap3A_647] {strides = array<i32>} : memref<112x1024xf32, #tpu.memory_space<vmem>>, vector<16xf32>,
      tpu.vector_store %arg5[%swap3A_646, %swap3A_647], %broadcast_in_dim3A_108 {strides = array<i32>} : memref<112x1024xf32, #tpu.memory_space<vmem>>, vector<16xf32>,
      %add3A_649 = arith.constant 0 : i32
      %add3A_650 = arith.addi %scan3A_344, %add3A_649 : i32
      %swap3A_651 = arith.index_cast %add3A_650 : i32 to index
      %swap3A_652 = arith.constant 976 : index
      %swap3A_653 = tpu.vector_load %arg5[%swap3A_651, %swap3A_652] {strides = array<i32>} : memref<112x1024xf32, #tpu.memory_space<vmem>>, vector<16xf32>,
      tpu.vector_store %arg5[%swap3A_651, %swap3A_652], %broadcast_in_dim3A_108 {strides = array<i32>} : memref<112x1024xf32, #tpu.memory_space<vmem>>, vector<16xf32>,
      %add3A_654 = arith.constant 0 : i32
      %add3A_655 = arith.addi %scan3A_344, %add3A_654 : i32
      %swap3A_656 = arith.index_cast %add3A_655 : i32 to index
      %swap3A_657 = arith.constant 992 : index
      %swap3A_658 = tpu.vector_load %arg5[%swap3A_656, %swap3A_657] {strides = array<i32>} : memref<112x1024xf32, #tpu.memory_space<vmem>>, vector<16xf32>,
      tpu.vector_store %arg5[%swap3A_656, %swap3A_657], %broadcast_in_dim3A_108 {strides = array<i32>} : memref<112x1024xf32, #tpu.memory_space<vmem>>, vector<16xf32>,
      %add3A_659 = arith.constant 0 : i32
      %add3A_660 = arith.addi %scan3A_344, %add3A_659 : i32
      %swap3A_661 = arith.index_cast %add3A_660 : i32 to index
      %swap3A_662 = arith.constant 1008 : index
      %swap3A_663 = tpu.vector_load %arg5[%swap3A_661, %swap3A_662] {strides = array<i32>} : memref<112x1024xf32, #tpu.memory_space<vmem>>, vector<16xf32>,
      tpu.vector_store %arg5[%swap3A_661, %swap3A_662], %broadcast_in_dim3A_108 {strides = array<i32>} : memref<112x1024xf32, #tpu.memory_space<vmem>>, vector<16xf32>,
    }
    %scan3A_115 = arith.constant 56 : i32
    %add3A_116 = arith.constant 0 : i32
    %add3A_117 = arith.addi %min3A_72, %add3A_116 : i32
    %dma_wait3A = arith.constant 0 : i32
    %dma_wait3A_118 = tpu.memref_slice %arg4[%dma_wait3A] : memref<3072xi32, #tpu.memory_space<vmem>> -> memref<1024xi32, #tpu.memory_space<vmem>>
    %dma_wait3A_119 = arith.constant 0 : i32
    %dma_wait3A_120 = tpu.memref_slice %arg2[%add3A_117, %dma_wait3A_119] : memref<50x1024xi32, #tpu.memory_space<hbm>> -> memref<1x1024xi32, #tpu.memory_space<hbm>>
    %dma_wait3A_121 = tpu.memref_squeeze %dma_wait3A_120 : memref<1x1024xi32, #tpu.memory_space<hbm>> -> memref<1024xi32, #tpu.memory_space<hbm>>
    %dma_wait3A_122 = arith.constant 0 : i32
    %dma_wait3A_123 = tpu.memref_slice %arg4[%dma_wait3A_122] : memref<3072xi32, #tpu.memory_space<vmem>> -> memref<1024xi32, #tpu.memory_space<vmem>>
    %dma_wait3A_124 = arith.constant 0 : i32
    %dma_wait3A_125 = tpu.memref_slice %arg2[%add3A_117, %dma_wait3A_124] : memref<50x1024xi32, #tpu.memory_space<hbm>> -> memref<1x1024xi32, #tpu.memory_space<hbm>>
    %dma_wait3A_126 = tpu.memref_squeeze %dma_wait3A_125 : memref<1x1024xi32, #tpu.memory_space<hbm>> -> memref<1024xi32, #tpu.memory_space<hbm>>
    tpu.wait_dma2 semaphore(%arg7 : memref<!tpu.dma_semaphore, #tpu.memory_space<semaphore_mem>>) src(%dma_wait3A_126 : memref<1024xi32, #tpu.memory_space<hbm>>) dst(%dma_wait3A_123 : memref<1024xi32, #tpu.memory_space<vmem>>)
    %add3A_127 = arith.constant 1 : i32
    %add3A_128 = arith.addi %min3A_72, %add3A_127 : i32
    %dma_wait3A_129 = arith.constant 1024 : i32
    %dma_wait3A_130 = tpu.memref_slice %arg4[%dma_wait3A_129] : memref<3072xi32, #tpu.memory_space<vmem>> -> memref<1024xi32, #tpu.memory_space<vmem>>
    %dma_wait3A_131 = arith.constant 0 : i32
    %dma_wait3A_132 = tpu.memref_slice %arg2[%add3A_128, %dma_wait3A_131] : memref<50x1024xi32, #tpu.memory_space<hbm>> -> memref<1x1024xi32, #tpu.memory_space<hbm>>
    %dma_wait3A_133 = tpu.memref_squeeze %dma_wait3A_132 : memref<1x1024xi32, #tpu.memory_space<hbm>> -> memref<1024xi32, #tpu.memory_space<hbm>>
    %dma_wait3A_134 = arith.constant 1024 : i32
    %dma_wait3A_135 = tpu.memref_slice %arg4[%dma_wait3A_134] : memref<3072xi32, #tpu.memory_space<vmem>> -> memref<1024xi32, #tpu.memory_space<vmem>>
    %dma_wait3A_136 = arith.constant 0 : i32
    %dma_wait3A_137 = tpu.memref_slice %arg2[%add3A_128, %dma_wait3A_136] : memref<50x1024xi32, #tpu.memory_space<hbm>> -> memref<1x1024xi32, #tpu.memory_space<hbm>>
    %dma_wait3A_138 = tpu.memref_squeeze %dma_wait3A_137 : memref<1x1024xi32, #tpu.memory_space<hbm>> -> memref<1024xi32, #tpu.memory_space<hbm>>
    tpu.wait_dma2 semaphore(%arg7 : memref<!tpu.dma_semaphore, #tpu.memory_space<semaphore_mem>>) src(%dma_wait3A_138 : memref<1024xi32, #tpu.memory_space<hbm>>) dst(%dma_wait3A_135 : memref<1024xi32, #tpu.memory_space<vmem>>)
    %add3A_139 = arith.constant 2 : i32
    %add3A_140 = arith.addi %min3A_72, %add3A_139 : i32
    %dma_wait3A_141 = arith.constant 2048 : i32
    %dma_wait3A_142 = tpu.memref_slice %arg4[%dma_wait3A_141] : memref<3072xi32, #tpu.memory_space<vmem>> -> memref<1024xi32, #tpu.memory_space<vmem>>
    %dma_wait3A_143 = arith.constant 0 : i32
    %dma_wait3A_144 = tpu.memref_slice %arg2[%add3A_140, %dma_wait3A_143] : memref<50x1024xi32, #tpu.memory_space<hbm>> -> memref<1x1024xi32, #tpu.memory_space<hbm>>
    %dma_wait3A_145 = tpu.memref_squeeze %dma_wait3A_144 : memref<1x1024xi32, #tpu.memory_space<hbm>> -> memref<1024xi32, #tpu.memory_space<hbm>>
    %dma_wait3A_146 = arith.constant 2048 : i32
    %dma_wait3A_147 = tpu.memref_slice %arg4[%dma_wait3A_146] : memref<3072xi32, #tpu.memory_space<vmem>> -> memref<1024xi32, #tpu.memory_space<vmem>>
    %dma_wait3A_148 = arith.constant 0 : i32
    %dma_wait3A_149 = tpu.memref_slice %arg2[%add3A_140, %dma_wait3A_148] : memref<50x1024xi32, #tpu.memory_space<hbm>> -> memref<1x1024xi32, #tpu.memory_space<hbm>>
    %dma_wait3A_150 = tpu.memref_squeeze %dma_wait3A_149 : memref<1x1024xi32, #tpu.memory_space<hbm>> -> memref<1024xi32, #tpu.memory_space<hbm>>
    tpu.wait_dma2 semaphore(%arg7 : memref<!tpu.dma_semaphore, #tpu.memory_space<semaphore_mem>>) src(%dma_wait3A_150 : memref<1024xi32, #tpu.memory_space<hbm>>) dst(%dma_wait3A_147 : memref<1024xi32, #tpu.memory_space<vmem>>)
    %add3A_151 = arith.constant 0 : i32
    %add3A_152 = arith.addi %select_n3A, %add3A_151 : i32
    %jit3A_153 = arith.constant 18 : i32
    %div3A_154 = arith.divsi %add3A_152, %jit3A_153 : i32
    %sign3A_155 = arith.constant 0 : i32
    %sign3A_156 = arith.cmpi sgt, %add3A_152, %sign3A_155 : i32
    %sign3A_157 = arith.extui %sign3A_156 : i1 to i32
    %sign3A_158 = arith.constant 0 : i32
    %sign3A_159 = arith.cmpi slt, %add3A_152, %sign3A_158 : i32
    %sign3A_160 = arith.extui %sign3A_159 : i1 to i32
    %sign3A_161 = arith.subi %sign3A_157, %sign3A_160 : i32
    %sign3A_162 = arith.constant 0 : i32
    %sign3A_163 = arith.cmpi sgt, %jit3A_153, %sign3A_162 : i32
    %sign3A_164 = arith.extui %sign3A_163 : i1 to i32
    %sign3A_165 = arith.constant 0 : i32
    %sign3A_166 = arith.cmpi slt, %jit3A_153, %sign3A_165 : i32
    %sign3A_167 = arith.extui %sign3A_166 : i1 to i32
    %sign3A_168 = arith.subi %sign3A_164, %sign3A_167 : i32
    %ne3A_169 = arith.cmpi ne, %sign3A_161, %sign3A_168 : i32
    %rem3A_170 = arith.remsi %add3A_152, %jit3A_153 : i32
    %ne3A_171 = arith.constant 0 : i32
    %ne3A_172 = arith.cmpi ne, %rem3A_170, %ne3A_171 : i32
    %and3A_173 = arith.andi %ne3A_169, %ne3A_172 : i1
    %sub3A_174 = arith.constant 1 : i32
    %sub3A_175 = arith.subi %div3A_154, %sub3A_174 : i32
    %select_n3A_176 = arith.select %and3A_173, %sub3A_175, %div3A_154 : i32
    %mul3A_177 = arith.constant 18 : i32
    %mul3A_178 = arith.muli %select_n3A_176, %mul3A_177 : i32
    %sub3A_179 = arith.subi %add3A_152, %mul3A_178 : i32
    %mul3A_180 = arith.constant 56 : i32
    %mul3A_181 = arith.muli %sub3A_179, %mul3A_180 : i32
    %min3A_182 = arith.constant 944 : i32
    %min3A_183 = arith.minsi %mul3A_181, %min3A_182 : i32
    %multiple_of3A = tpu.assume_multiple %min3A_183, 8 : i32
    %sub3A_184 = arith.subi %select_n3A_176, %min3A_72 : i32
    %scan3A_185 = arith.constant 0 : i32
    %scan3A_186 = arith.constant 0 : i32
    %scan3A_187 = arith.constant 8 : i32
    %scan3A_188 = arith.addi %scan3A_186, %scan3A_187 : i32
    %scan3A_189 = arith.constant 1 : i32
    scf.for %scan3A_344 = %scan3A_186 to %scan3A_188 step %scan3A_189  : i32 {
      %mul3A_345 = arith.constant 8 : i32
      %mul3A_346 = arith.muli %scan3A_344, %mul3A_345 : i32
      %add3A_347 = arith.constant 0 : i32
      %add3A_348 = arith.addi %mul3A_346, %add3A_347 : i32
      %mul3A_349 = arith.constant 1024 : i32
      %mul3A_350 = arith.muli %sub3A_184, %mul3A_349 : i32
      %mul3A_351 = arith.constant 16 : i32
      %mul3A_352 = arith.muli %add3A_348, %mul3A_351 : i32
      %add3A_353 = arith.addi %mul3A_350, %mul3A_352 : i32
      %get3A = arith.index_cast %add3A_353 : i32 to index
      %get3A_354 = tpu.vector_load %arg4[%get3A] {strides = array<i32>} : memref<3072xi32, #tpu.memory_space<vmem>>, vector<16xi32>,
      %sub3A_355 = vector.broadcast %multiple_of3A : i32 to vector<16xi32>
      %sub3A_356 = arith.subi %get3A_354, %sub3A_355 : vector<16xi32>
      %ge3A = arith.constant 0 : i32
      %ge3A_357 = vector.broadcast %ge3A : i32 to vector<16xi32>
      %ge3A_358 = arith.cmpi sge, %sub3A_356, %ge3A_357 : vector<16xi32>
      %lt3A_359 = arith.constant 56 : i32
      %lt3A_360 = vector.broadcast %lt3A_359 : i32 to vector<16xi32>
      %lt3A_361 = arith.cmpi slt, %sub3A_356, %lt3A_360 : vector<16xi32>
      %and3A_362 = arith.andi %ge3A_358, %lt3A_361 : vector<16xi1>
      %add3A_363 = arith.constant 0 : i32
      %add3A_364 = vector.broadcast %add3A_363 : i32 to vector<16xi32>
      %add3A_365 = arith.addi %sub3A_356, %add3A_364 : vector<16xi32>
      %mul3A_366 = arith.constant 16 : i32
      %mul3A_367 = arith.muli %add3A_348, %mul3A_366 : i32
      %add3A_368 = vector.broadcast %mul3A_367 : i32 to vector<16xi32>
      %add3A_369 = arith.addi %iota3A, %add3A_368 : vector<16xi32>
      tpu.vector_store_idx %arg5[%add3A_365, %add3A_369], %broadcast_in_dim3A_110 masked %and3A_362 : memref<112x1024xf32, #tpu.memory_space<vmem>>[vector<16xi32>, vector<16xi32>], vector<16xf32>, vector<16xi1>
      %mul3A_370 = arith.constant 8 : i32
      %mul3A_371 = arith.muli %scan3A_344, %mul3A_370 : i32
      %add3A_372 = arith.constant 1 : i32
      %add3A_373 = arith.addi %mul3A_371, %add3A_372 : i32
      %mul3A_374 = arith.constant 1024 : i32
      %mul3A_375 = arith.muli %sub3A_184, %mul3A_374 : i32
      %mul3A_376 = arith.constant 16 : i32
      %mul3A_377 = arith.muli %add3A_373, %mul3A_376 : i32
      %add3A_378 = arith.addi %mul3A_375, %mul3A_377 : i32
      %get3A_379 = arith.index_cast %add3A_378 : i32 to index
      %get3A_380 = tpu.vector_load %arg4[%get3A_379] {strides = array<i32>} : memref<3072xi32, #tpu.memory_space<vmem>>, vector<16xi32>,
      %sub3A_381 = vector.broadcast %multiple_of3A : i32 to vector<16xi32>
      %sub3A_382 = arith.subi %get3A_380, %sub3A_381 : vector<16xi32>
      %ge3A_383 = arith.constant 0 : i32
      %ge3A_384 = vector.broadcast %ge3A_383 : i32 to vector<16xi32>
      %ge3A_385 = arith.cmpi sge, %sub3A_382, %ge3A_384 : vector<16xi32>
      %lt3A_386 = arith.constant 56 : i32
      %lt3A_387 = vector.broadcast %lt3A_386 : i32 to vector<16xi32>
      %lt3A_388 = arith.cmpi slt, %sub3A_382, %lt3A_387 : vector<16xi32>
      %and3A_389 = arith.andi %ge3A_385, %lt3A_388 : vector<16xi1>
      %add3A_390 = arith.constant 0 : i32
      %add3A_391 = vector.broadcast %add3A_390 : i32 to vector<16xi32>
      %add3A_392 = arith.addi %sub3A_382, %add3A_391 : vector<16xi32>
      %mul3A_393 = arith.constant 16 : i32
      %mul3A_394 = arith.muli %add3A_373, %mul3A_393 : i32
      %add3A_395 = vector.broadcast %mul3A_394 : i32 to vector<16xi32>
      %add3A_396 = arith.addi %iota3A, %add3A_395 : vector<16xi32>
      tpu.vector_store_idx %arg5[%add3A_392, %add3A_396], %broadcast_in_dim3A_110 masked %and3A_389 : memref<112x1024xf32, #tpu.memory_space<vmem>>[vector<16xi32>, vector<16xi32>], vector<16xf32>, vector<16xi1>
      %mul3A_397 = arith.constant 8 : i32
      %mul3A_398 = arith.muli %scan3A_344, %mul3A_397 : i32
      %add3A_399 = arith.constant 2 : i32
      %add3A_400 = arith.addi %mul3A_398, %add3A_399 : i32
      %mul3A_401 = arith.constant 1024 : i32
      %mul3A_402 = arith.muli %sub3A_184, %mul3A_401 : i32
      %mul3A_403 = arith.constant 16 : i32
      %mul3A_404 = arith.muli %add3A_400, %mul3A_403 : i32
      %add3A_405 = arith.addi %mul3A_402, %mul3A_404 : i32
      %get3A_406 = arith.index_cast %add3A_405 : i32 to index
      %get3A_407 = tpu.vector_load %arg4[%get3A_406] {strides = array<i32>} : memref<3072xi32, #tpu.memory_space<vmem>>, vector<16xi32>,
      %sub3A_408 = vector.broadcast %multiple_of3A : i32 to vector<16xi32>
      %sub3A_409 = arith.subi %get3A_407, %sub3A_408 : vector<16xi32>
      %ge3A_410 = arith.constant 0 : i32
      %ge3A_411 = vector.broadcast %ge3A_410 : i32 to vector<16xi32>
      %ge3A_412 = arith.cmpi sge, %sub3A_409, %ge3A_411 : vector<16xi32>
      %lt3A_413 = arith.constant 56 : i32
      %lt3A_414 = vector.broadcast %lt3A_413 : i32 to vector<16xi32>
      %lt3A_415 = arith.cmpi slt, %sub3A_409, %lt3A_414 : vector<16xi32>
      %and3A_416 = arith.andi %ge3A_412, %lt3A_415 : vector<16xi1>
      %add3A_417 = arith.constant 0 : i32
      %add3A_418 = vector.broadcast %add3A_417 : i32 to vector<16xi32>
      %add3A_419 = arith.addi %sub3A_409, %add3A_418 : vector<16xi32>
      %mul3A_420 = arith.constant 16 : i32
      %mul3A_421 = arith.muli %add3A_400, %mul3A_420 : i32
      %add3A_422 = vector.broadcast %mul3A_421 : i32 to vector<16xi32>
      %add3A_423 = arith.addi %iota3A, %add3A_422 : vector<16xi32>
      tpu.vector_store_idx %arg5[%add3A_419, %add3A_423], %broadcast_in_dim3A_110 masked %and3A_416 : memref<112x1024xf32, #tpu.memory_space<vmem>>[vector<16xi32>, vector<16xi32>], vector<16xf32>, vector<16xi1>
      %mul3A_424 = arith.constant 8 : i32
      %mul3A_425 = arith.muli %scan3A_344, %mul3A_424 : i32
      %add3A_426 = arith.constant 3 : i32
      %add3A_427 = arith.addi %mul3A_425, %add3A_426 : i32
      %mul3A_428 = arith.constant 1024 : i32
      %mul3A_429 = arith.muli %sub3A_184, %mul3A_428 : i32
      %mul3A_430 = arith.constant 16 : i32
      %mul3A_431 = arith.muli %add3A_427, %mul3A_430 : i32
      %add3A_432 = arith.addi %mul3A_429, %mul3A_431 : i32
      %get3A_433 = arith.index_cast %add3A_432 : i32 to index
      %get3A_434 = tpu.vector_load %arg4[%get3A_433] {strides = array<i32>} : memref<3072xi32, #tpu.memory_space<vmem>>, vector<16xi32>,
      %sub3A_435 = vector.broadcast %multiple_of3A : i32 to vector<16xi32>
      %sub3A_436 = arith.subi %get3A_434, %sub3A_435 : vector<16xi32>
      %ge3A_437 = arith.constant 0 : i32
      %ge3A_438 = vector.broadcast %ge3A_437 : i32 to vector<16xi32>
      %ge3A_439 = arith.cmpi sge, %sub3A_436, %ge3A_438 : vector<16xi32>
      %lt3A_440 = arith.constant 56 : i32
      %lt3A_441 = vector.broadcast %lt3A_440 : i32 to vector<16xi32>
      %lt3A_442 = arith.cmpi slt, %sub3A_436, %lt3A_441 : vector<16xi32>
      %and3A_443 = arith.andi %ge3A_439, %lt3A_442 : vector<16xi1>
      %add3A_444 = arith.constant 0 : i32
      %add3A_445 = vector.broadcast %add3A_444 : i32 to vector<16xi32>
      %add3A_446 = arith.addi %sub3A_436, %add3A_445 : vector<16xi32>
      %mul3A_447 = arith.constant 16 : i32
      %mul3A_448 = arith.muli %add3A_427, %mul3A_447 : i32
      %add3A_449 = vector.broadcast %mul3A_448 : i32 to vector<16xi32>
      %add3A_450 = arith.addi %iota3A, %add3A_449 : vector<16xi32>
      tpu.vector_store_idx %arg5[%add3A_446, %add3A_450], %broadcast_in_dim3A_110 masked %and3A_443 : memref<112x1024xf32, #tpu.memory_space<vmem>>[vector<16xi32>, vector<16xi32>], vector<16xf32>, vector<16xi1>
      %mul3A_451 = arith.constant 8 : i32
      %mul3A_452 = arith.muli %scan3A_344, %mul3A_451 : i32
      %add3A_453 = arith.constant 4 : i32
      %add3A_454 = arith.addi %mul3A_452, %add3A_453 : i32
      %mul3A_455 = arith.constant 1024 : i32
      %mul3A_456 = arith.muli %sub3A_184, %mul3A_455 : i32
      %mul3A_457 = arith.constant 16 : i32
      %mul3A_458 = arith.muli %add3A_454, %mul3A_457 : i32
      %add3A_459 = arith.addi %mul3A_456, %mul3A_458 : i32
      %get3A_460 = arith.index_cast %add3A_459 : i32 to index
      %get3A_461 = tpu.vector_load %arg4[%get3A_460] {strides = array<i32>} : memref<3072xi32, #tpu.memory_space<vmem>>, vector<16xi32>,
      %sub3A_462 = vector.broadcast %multiple_of3A : i32 to vector<16xi32>
      %sub3A_463 = arith.subi %get3A_461, %sub3A_462 : vector<16xi32>
      %ge3A_464 = arith.constant 0 : i32
      %ge3A_465 = vector.broadcast %ge3A_464 : i32 to vector<16xi32>
      %ge3A_466 = arith.cmpi sge, %sub3A_463, %ge3A_465 : vector<16xi32>
      %lt3A_467 = arith.constant 56 : i32
      %lt3A_468 = vector.broadcast %lt3A_467 : i32 to vector<16xi32>
      %lt3A_469 = arith.cmpi slt, %sub3A_463, %lt3A_468 : vector<16xi32>
      %and3A_470 = arith.andi %ge3A_466, %lt3A_469 : vector<16xi1>
      %add3A_471 = arith.constant 0 : i32
      %add3A_472 = vector.broadcast %add3A_471 : i32 to vector<16xi32>
      %add3A_473 = arith.addi %sub3A_463, %add3A_472 : vector<16xi32>
      %mul3A_474 = arith.constant 16 : i32
      %mul3A_475 = arith.muli %add3A_454, %mul3A_474 : i32
      %add3A_476 = vector.broadcast %mul3A_475 : i32 to vector<16xi32>
      %add3A_477 = arith.addi %iota3A, %add3A_476 : vector<16xi32>
      tpu.vector_store_idx %arg5[%add3A_473, %add3A_477], %broadcast_in_dim3A_110 masked %and3A_470 : memref<112x1024xf32, #tpu.memory_space<vmem>>[vector<16xi32>, vector<16xi32>], vector<16xf32>, vector<16xi1>
      %mul3A_478 = arith.constant 8 : i32
      %mul3A_479 = arith.muli %scan3A_344, %mul3A_478 : i32
      %add3A_480 = arith.constant 5 : i32
      %add3A_481 = arith.addi %mul3A_479, %add3A_480 : i32
      %mul3A_482 = arith.constant 1024 : i32
      %mul3A_483 = arith.muli %sub3A_184, %mul3A_482 : i32
      %mul3A_484 = arith.constant 16 : i32
      %mul3A_485 = arith.muli %add3A_481, %mul3A_484 : i32
      %add3A_486 = arith.addi %mul3A_483, %mul3A_485 : i32
      %get3A_487 = arith.index_cast %add3A_486 : i32 to index
      %get3A_488 = tpu.vector_load %arg4[%get3A_487] {strides = array<i32>} : memref<3072xi32, #tpu.memory_space<vmem>>, vector<16xi32>,
      %sub3A_489 = vector.broadcast %multiple_of3A : i32 to vector<16xi32>
      %sub3A_490 = arith.subi %get3A_488, %sub3A_489 : vector<16xi32>
      %ge3A_491 = arith.constant 0 : i32
      %ge3A_492 = vector.broadcast %ge3A_491 : i32 to vector<16xi32>
      %ge3A_493 = arith.cmpi sge, %sub3A_490, %ge3A_492 : vector<16xi32>
      %lt3A_494 = arith.constant 56 : i32
      %lt3A_495 = vector.broadcast %lt3A_494 : i32 to vector<16xi32>
      %lt3A_496 = arith.cmpi slt, %sub3A_490, %lt3A_495 : vector<16xi32>
      %and3A_497 = arith.andi %ge3A_493, %lt3A_496 : vector<16xi1>
      %add3A_498 = arith.constant 0 : i32
      %add3A_499 = vector.broadcast %add3A_498 : i32 to vector<16xi32>
      %add3A_500 = arith.addi %sub3A_490, %add3A_499 : vector<16xi32>
      %mul3A_501 = arith.constant 16 : i32
      %mul3A_502 = arith.muli %add3A_481, %mul3A_501 : i32
      %add3A_503 = vector.broadcast %mul3A_502 : i32 to vector<16xi32>
      %add3A_504 = arith.addi %iota3A, %add3A_503 : vector<16xi32>
      tpu.vector_store_idx %arg5[%add3A_500, %add3A_504], %broadcast_in_dim3A_110 masked %and3A_497 : memref<112x1024xf32, #tpu.memory_space<vmem>>[vector<16xi32>, vector<16xi32>], vector<16xf32>, vector<16xi1>
      %mul3A_505 = arith.constant 8 : i32
      %mul3A_506 = arith.muli %scan3A_344, %mul3A_505 : i32
      %add3A_507 = arith.constant 6 : i32
      %add3A_508 = arith.addi %mul3A_506, %add3A_507 : i32
      %mul3A_509 = arith.constant 1024 : i32
      %mul3A_510 = arith.muli %sub3A_184, %mul3A_509 : i32
      %mul3A_511 = arith.constant 16 : i32
      %mul3A_512 = arith.muli %add3A_508, %mul3A_511 : i32
      %add3A_513 = arith.addi %mul3A_510, %mul3A_512 : i32
      %get3A_514 = arith.index_cast %add3A_513 : i32 to index
      %get3A_515 = tpu.vector_load %arg4[%get3A_514] {strides = array<i32>} : memref<3072xi32, #tpu.memory_space<vmem>>, vector<16xi32>,
      %sub3A_516 = vector.broadcast %multiple_of3A : i32 to vector<16xi32>
      %sub3A_517 = arith.subi %get3A_515, %sub3A_516 : vector<16xi32>
      %ge3A_518 = arith.constant 0 : i32
      %ge3A_519 = vector.broadcast %ge3A_518 : i32 to vector<16xi32>
      %ge3A_520 = arith.cmpi sge, %sub3A_517, %ge3A_519 : vector<16xi32>
      %lt3A_521 = arith.constant 56 : i32
      %lt3A_522 = vector.broadcast %lt3A_521 : i32 to vector<16xi32>
      %lt3A_523 = arith.cmpi slt, %sub3A_517, %lt3A_522 : vector<16xi32>
      %and3A_524 = arith.andi %ge3A_520, %lt3A_523 : vector<16xi1>
      %add3A_525 = arith.constant 0 : i32
      %add3A_526 = vector.broadcast %add3A_525 : i32 to vector<16xi32>
      %add3A_527 = arith.addi %sub3A_517, %add3A_526 : vector<16xi32>
      %mul3A_528 = arith.constant 16 : i32
      %mul3A_529 = arith.muli %add3A_508, %mul3A_528 : i32
      %add3A_530 = vector.broadcast %mul3A_529 : i32 to vector<16xi32>
      %add3A_531 = arith.addi %iota3A, %add3A_530 : vector<16xi32>
      tpu.vector_store_idx %arg5[%add3A_527, %add3A_531], %broadcast_in_dim3A_110 masked %and3A_524 : memref<112x1024xf32, #tpu.memory_space<vmem>>[vector<16xi32>, vector<16xi32>], vector<16xf32>, vector<16xi1>
      %mul3A_532 = arith.constant 8 : i32
      %mul3A_533 = arith.muli %scan3A_344, %mul3A_532 : i32
      %add3A_534 = arith.constant 7 : i32
      %add3A_535 = arith.addi %mul3A_533, %add3A_534 : i32
      %mul3A_536 = arith.constant 1024 : i32
      %mul3A_537 = arith.muli %sub3A_184, %mul3A_536 : i32
      %mul3A_538 = arith.constant 16 : i32
      %mul3A_539 = arith.muli %add3A_535, %mul3A_538 : i32
      %add3A_540 = arith.addi %mul3A_537, %mul3A_539 : i32
      %get3A_541 = arith.index_cast %add3A_540 : i32 to index
      %get3A_542 = tpu.vector_load %arg4[%get3A_541] {strides = array<i32>} : memref<3072xi32, #tpu.memory_space<vmem>>, vector<16xi32>,
      %sub3A_543 = vector.broadcast %multiple_of3A : i32 to vector<16xi32>
      %sub3A_544 = arith.subi %get3A_542, %sub3A_543 : vector<16xi32>
      %ge3A_545 = arith.constant 0 : i32
      %ge3A_546 = vector.broadcast %ge3A_545 : i32 to vector<16xi32>
      %ge3A_547 = arith.cmpi sge, %sub3A_544, %ge3A_546 : vector<16xi32>
      %lt3A_548 = arith.constant 56 : i32
      %lt3A_549 = vector.broadcast %lt3A_548 : i32 to vector<16xi32>
      %lt3A_550 = arith.cmpi slt, %sub3A_544, %lt3A_549 : vector<16xi32>
      %and3A_551 = arith.andi %ge3A_547, %lt3A_550 : vector<16xi1>
      %add3A_552 = arith.constant 0 : i32
      %add3A_553 = vector.broadcast %add3A_552 : i32 to vector<16xi32>
      %add3A_554 = arith.addi %sub3A_544, %add3A_553 : vector<16xi32>
      %mul3A_555 = arith.constant 16 : i32
      %mul3A_556 = arith.muli %add3A_535, %mul3A_555 : i32
      %add3A_557 = vector.broadcast %mul3A_556 : i32 to vector<16xi32>
      %add3A_558 = arith.addi %iota3A, %add3A_557 : vector<16xi32>
      tpu.vector_store_idx %arg5[%add3A_554, %add3A_558], %broadcast_in_dim3A_110 masked %and3A_551 : memref<112x1024xf32, #tpu.memory_space<vmem>>[vector<16xi32>, vector<16xi32>], vector<16xf32>, vector<16xi1>
    }
    %scan3A_190 = arith.constant 8 : i32
    %dma_start3A_191 = arith.constant 0 : i32
    %dma_start3A_192 = arith.constant 0 : i32
    %dma_start3A_193 = tpu.memref_slice %arg5[%dma_start3A_191, %dma_start3A_192] : memref<112x1024xf32, #tpu.memory_space<vmem>> -> memref<56x1024xf32, #tpu.memory_space<vmem>>
    %dma_start3A_194 = arith.constant 0 : i32
    %dma_start3A_195 = tpu.memref_slice %arg3[%select_n3A_176, %multiple_of3A, %dma_start3A_194] : memref<50x1000x1024xf32, #tpu.memory_space<hbm>> -> memref<1x56x1024xf32, #tpu.memory_space<hbm>>
    %dma_start3A_196 = tpu.memref_squeeze %dma_start3A_195 : memref<1x56x1024xf32, #tpu.memory_space<hbm>> -> memref<56x1024xf32, #tpu.memory_space<hbm>>
    %dma_start3A_197 = arith.constant 0 : i32
    %dma_start3A_198 = tpu.memref_slice %arg3[%select_n3A_176, %multiple_of3A, %dma_start3A_197] : memref<50x1000x1024xf32, #tpu.memory_space<hbm>> -> memref<1x56x1024xf32, #tpu.memory_space<hbm>>
    %dma_start3A_199 = tpu.memref_squeeze %dma_start3A_198 : memref<1x56x1024xf32, #tpu.memory_space<hbm>> -> memref<56x1024xf32, #tpu.memory_space<hbm>>
    %dma_start3A_200 = arith.constant 0 : i32
    %dma_start3A_201 = arith.constant 0 : i32
    %dma_start3A_202 = tpu.memref_slice %arg5[%dma_start3A_200, %dma_start3A_201] : memref<112x1024xf32, #tpu.memory_space<vmem>> -> memref<56x1024xf32, #tpu.memory_space<vmem>>
    tpu.enqueue_dma source(%dma_start3A_202 : memref<56x1024xf32, #tpu.memory_space<vmem>>) target(%dma_start3A_199 : memref<56x1024xf32, #tpu.memory_space<hbm>>) target_semaphore(%arg6 : memref<!tpu.dma_semaphore, #tpu.memory_space<semaphore_mem>>)
    %scan3A_203 = arith.constant 0 : i32
    %scan3A_204 = arith.constant 0 : i32
    %scan3A_205 = arith.constant 56 : i32
    %scan3A_206 = arith.addi %scan3A_204, %scan3A_205 : i32
    %scan3A_207 = arith.constant 1 : i32
    scf.for %scan3A_344 = %scan3A_204 to %scan3A_206 step %scan3A_207  : i32 {
      %add3A_345 = arith.constant 56 : i32
      %add3A_346 = arith.addi %scan3A_344, %add3A_345 : i32
      %swap3A = arith.index_cast %add3A_346 : i32 to index
      %swap3A_347 = arith.constant 0 : index
      %swap3A_348 = tpu.vector_load %arg5[%swap3A, %swap3A_347] {strides = array<i32>} : memref<112x1024xf32, #tpu.memory_space<vmem>>, vector<16xf32>,
      tpu.vector_store %arg5[%swap3A, %swap3A_347], %broadcast_in_dim3A_108 {strides = array<i32>} : memref<112x1024xf32, #tpu.memory_space<vmem>>, vector<16xf32>,
      %add3A_349 = arith.constant 56 : i32
      %add3A_350 = arith.addi %scan3A_344, %add3A_349 : i32
      %swap3A_351 = arith.index_cast %add3A_350 : i32 to index
      %swap3A_352 = arith.constant 16 : index
      %swap3A_353 = tpu.vector_load %arg5[%swap3A_351, %swap3A_352] {strides = array<i32>} : memref<112x1024xf32, #tpu.memory_space<vmem>>, vector<16xf32>,
      tpu.vector_store %arg5[%swap3A_351, %swap3A_352], %broadcast_in_dim3A_108 {strides = array<i32>} : memref<112x1024xf32, #tpu.memory_space<vmem>>, vector<16xf32>,
      %add3A_354 = arith.constant 56 : i32
      %add3A_355 = arith.addi %scan3A_344, %add3A_354 : i32
      %swap3A_356 = arith.index_cast %add3A_355 : i32 to index
      %swap3A_357 = arith.constant 32 : index
      %swap3A_358 = tpu.vector_load %arg5[%swap3A_356, %swap3A_357] {strides = array<i32>} : memref<112x1024xf32, #tpu.memory_space<vmem>>, vector<16xf32>,
      tpu.vector_store %arg5[%swap3A_356, %swap3A_357], %broadcast_in_dim3A_108 {strides = array<i32>} : memref<112x1024xf32, #tpu.memory_space<vmem>>, vector<16xf32>,
      %add3A_359 = arith.constant 56 : i32
      %add3A_360 = arith.addi %scan3A_344, %add3A_359 : i32
      %swap3A_361 = arith.index_cast %add3A_360 : i32 to index
      %swap3A_362 = arith.constant 48 : index
      %swap3A_363 = tpu.vector_load %arg5[%swap3A_361, %swap3A_362] {strides = array<i32>} : memref<112x1024xf32, #tpu.memory_space<vmem>>, vector<16xf32>,
      tpu.vector_store %arg5[%swap3A_361, %swap3A_362], %broadcast_in_dim3A_108 {strides = array<i32>} : memref<112x1024xf32, #tpu.memory_space<vmem>>, vector<16xf32>,
      %add3A_364 = arith.constant 56 : i32
      %add3A_365 = arith.addi %scan3A_344, %add3A_364 : i32
      %swap3A_366 = arith.index_cast %add3A_365 : i32 to index
      %swap3A_367 = arith.constant 64 : index
      %swap3A_368 = tpu.vector_load %arg5[%swap3A_366, %swap3A_367] {strides = array<i32>} : memref<112x1024xf32, #tpu.memory_space<vmem>>, vector<16xf32>,
      tpu.vector_store %arg5[%swap3A_366, %swap3A_367], %broadcast_in_dim3A_108 {strides = array<i32>} : memref<112x1024xf32, #tpu.memory_space<vmem>>, vector<16xf32>,
      %add3A_369 = arith.constant 56 : i32
      %add3A_370 = arith.addi %scan3A_344, %add3A_369 : i32
      %swap3A_371 = arith.index_cast %add3A_370 : i32 to index
      %swap3A_372 = arith.constant 80 : index
      %swap3A_373 = tpu.vector_load %arg5[%swap3A_371, %swap3A_372] {strides = array<i32>} : memref<112x1024xf32, #tpu.memory_space<vmem>>, vector<16xf32>,
      tpu.vector_store %arg5[%swap3A_371, %swap3A_372], %broadcast_in_dim3A_108 {strides = array<i32>} : memref<112x1024xf32, #tpu.memory_space<vmem>>, vector<16xf32>,
      %add3A_374 = arith.constant 56 : i32
      %add3A_375 = arith.addi %scan3A_344, %add3A_374 : i32
      %swap3A_376 = arith.index_cast %add3A_375 : i32 to index
      %swap3A_377 = arith.constant 96 : index
      %swap3A_378 = tpu.vector_load %arg5[%swap3A_376, %swap3A_377] {strides = array<i32>} : memref<112x1024xf32, #tpu.memory_space<vmem>>, vector<16xf32>,
      tpu.vector_store %arg5[%swap3A_376, %swap3A_377], %broadcast_in_dim3A_108 {strides = array<i32>} : memref<112x1024xf32, #tpu.memory_space<vmem>>, vector<16xf32>,
      %add3A_379 = arith.constant 56 : i32
      %add3A_380 = arith.addi %scan3A_344, %add3A_379 : i32
      %swap3A_381 = arith.index_cast %add3A_380 : i32 to index
      %swap3A_382 = arith.constant 112 : index
      %swap3A_383 = tpu.vector_load %arg5[%swap3A_381, %swap3A_382] {strides = array<i32>} : memref<112x1024xf32, #tpu.memory_space<vmem>>, vector<16xf32>,
      tpu.vector_store %arg5[%swap3A_381, %swap3A_382], %broadcast_in_dim3A_108 {strides = array<i32>} : memref<112x1024xf32, #tpu.memory_space<vmem>>, vector<16xf32>,
      %add3A_384 = arith.constant 56 : i32
      %add3A_385 = arith.addi %scan3A_344, %add3A_384 : i32
      %swap3A_386 = arith.index_cast %add3A_385 : i32 to index
      %swap3A_387 = arith.constant 128 : index
      %swap3A_388 = tpu.vector_load %arg5[%swap3A_386, %swap3A_387] {strides = array<i32>} : memref<112x1024xf32, #tpu.memory_space<vmem>>, vector<16xf32>,
      tpu.vector_store %arg5[%swap3A_386, %swap3A_387], %broadcast_in_dim3A_108 {strides = array<i32>} : memref<112x1024xf32, #tpu.memory_space<vmem>>, vector<16xf32>,
      %add3A_389 = arith.constant 56 : i32
      %add3A_390 = arith.addi %scan3A_344, %add3A_389 : i32
      %swap3A_391 = arith.index_cast %add3A_390 : i32 to index
      %swap3A_392 = arith.constant 144 : index
      %swap3A_393 = tpu.vector_load %arg5[%swap3A_391, %swap3A_392] {strides = array<i32>} : memref<112x1024xf32, #tpu.memory_space<vmem>>, vector<16xf32>,
      tpu.vector_store %arg5[%swap3A_391, %swap3A_392], %broadcast_in_dim3A_108 {strides = array<i32>} : memref<112x1024xf32, #tpu.memory_space<vmem>>, vector<16xf32>,
      %add3A_394 = arith.constant 56 : i32
      %add3A_395 = arith.addi %scan3A_344, %add3A_394 : i32
      %swap3A_396 = arith.index_cast %add3A_395 : i32 to index
      %swap3A_397 = arith.constant 160 : index
      %swap3A_398 = tpu.vector_load %arg5[%swap3A_396, %swap3A_397] {strides = array<i32>} : memref<112x1024xf32, #tpu.memory_space<vmem>>, vector<16xf32>,
      tpu.vector_store %arg5[%swap3A_396, %swap3A_397], %broadcast_in_dim3A_108 {strides = array<i32>} : memref<112x1024xf32, #tpu.memory_space<vmem>>, vector<16xf32>,
      %add3A_399 = arith.constant 56 : i32
      %add3A_400 = arith.addi %scan3A_344, %add3A_399 : i32
      %swap3A_401 = arith.index_cast %add3A_400 : i32 to index
      %swap3A_402 = arith.constant 176 : index
      %swap3A_403 = tpu.vector_load %arg5[%swap3A_401, %swap3A_402] {strides = array<i32>} : memref<112x1024xf32, #tpu.memory_space<vmem>>, vector<16xf32>,
      tpu.vector_store %arg5[%swap3A_401, %swap3A_402], %broadcast_in_dim3A_108 {strides = array<i32>} : memref<112x1024xf32, #tpu.memory_space<vmem>>, vector<16xf32>,
      %add3A_404 = arith.constant 56 : i32
      %add3A_405 = arith.addi %scan3A_344, %add3A_404 : i32
      %swap3A_406 = arith.index_cast %add3A_405 : i32 to index
      %swap3A_407 = arith.constant 192 : index
      %swap3A_408 = tpu.vector_load %arg5[%swap3A_406, %swap3A_407] {strides = array<i32>} : memref<112x1024xf32, #tpu.memory_space<vmem>>, vector<16xf32>,
      tpu.vector_store %arg5[%swap3A_406, %swap3A_407], %broadcast_in_dim3A_108 {strides = array<i32>} : memref<112x1024xf32, #tpu.memory_space<vmem>>, vector<16xf32>,
      %add3A_409 = arith.constant 56 : i32
      %add3A_410 = arith.addi %scan3A_344, %add3A_409 : i32
      %swap3A_411 = arith.index_cast %add3A_410 : i32 to index
      %swap3A_412 = arith.constant 208 : index
      %swap3A_413 = tpu.vector_load %arg5[%swap3A_411, %swap3A_412] {strides = array<i32>} : memref<112x1024xf32, #tpu.memory_space<vmem>>, vector<16xf32>,
      tpu.vector_store %arg5[%swap3A_411, %swap3A_412], %broadcast_in_dim3A_108 {strides = array<i32>} : memref<112x1024xf32, #tpu.memory_space<vmem>>, vector<16xf32>,
      %add3A_414 = arith.constant 56 : i32
      %add3A_415 = arith.addi %scan3A_344, %add3A_414 : i32
      %swap3A_416 = arith.index_cast %add3A_415 : i32 to index
      %swap3A_417 = arith.constant 224 : index
      %swap3A_418 = tpu.vector_load %arg5[%swap3A_416, %swap3A_417] {strides = array<i32>} : memref<112x1024xf32, #tpu.memory_space<vmem>>, vector<16xf32>,
      tpu.vector_store %arg5[%swap3A_416, %swap3A_417], %broadcast_in_dim3A_108 {strides = array<i32>} : memref<112x1024xf32, #tpu.memory_space<vmem>>, vector<16xf32>,
      %add3A_419 = arith.constant 56 : i32
      %add3A_420 = arith.addi %scan3A_344, %add3A_419 : i32
      %swap3A_421 = arith.index_cast %add3A_420 : i32 to index
      %swap3A_422 = arith.constant 240 : index
      %swap3A_423 = tpu.vector_load %arg5[%swap3A_421, %swap3A_422] {strides = array<i32>} : memref<112x1024xf32, #tpu.memory_space<vmem>>, vector<16xf32>,
      tpu.vector_store %arg5[%swap3A_421, %swap3A_422], %broadcast_in_dim3A_108 {strides = array<i32>} : memref<112x1024xf32, #tpu.memory_space<vmem>>, vector<16xf32>,
      %add3A_424 = arith.constant 56 : i32
      %add3A_425 = arith.addi %scan3A_344, %add3A_424 : i32
      %swap3A_426 = arith.index_cast %add3A_425 : i32 to index
      %swap3A_427 = arith.constant 256 : index
      %swap3A_428 = tpu.vector_load %arg5[%swap3A_426, %swap3A_427] {strides = array<i32>} : memref<112x1024xf32, #tpu.memory_space<vmem>>, vector<16xf32>,
      tpu.vector_store %arg5[%swap3A_426, %swap3A_427], %broadcast_in_dim3A_108 {strides = array<i32>} : memref<112x1024xf32, #tpu.memory_space<vmem>>, vector<16xf32>,
      %add3A_429 = arith.constant 56 : i32
      %add3A_430 = arith.addi %scan3A_344, %add3A_429 : i32
      %swap3A_431 = arith.index_cast %add3A_430 : i32 to index
      %swap3A_432 = arith.constant 272 : index
      %swap3A_433 = tpu.vector_load %arg5[%swap3A_431, %swap3A_432] {strides = array<i32>} : memref<112x1024xf32, #tpu.memory_space<vmem>>, vector<16xf32>,
      tpu.vector_store %arg5[%swap3A_431, %swap3A_432], %broadcast_in_dim3A_108 {strides = array<i32>} : memref<112x1024xf32, #tpu.memory_space<vmem>>, vector<16xf32>,
      %add3A_434 = arith.constant 56 : i32
      %add3A_435 = arith.addi %scan3A_344, %add3A_434 : i32
      %swap3A_436 = arith.index_cast %add3A_435 : i32 to index
      %swap3A_437 = arith.constant 288 : index
      %swap3A_438 = tpu.vector_load %arg5[%swap3A_436, %swap3A_437] {strides = array<i32>} : memref<112x1024xf32, #tpu.memory_space<vmem>>, vector<16xf32>,
      tpu.vector_store %arg5[%swap3A_436, %swap3A_437], %broadcast_in_dim3A_108 {strides = array<i32>} : memref<112x1024xf32, #tpu.memory_space<vmem>>, vector<16xf32>,
      %add3A_439 = arith.constant 56 : i32
      %add3A_440 = arith.addi %scan3A_344, %add3A_439 : i32
      %swap3A_441 = arith.index_cast %add3A_440 : i32 to index
      %swap3A_442 = arith.constant 304 : index
      %swap3A_443 = tpu.vector_load %arg5[%swap3A_441, %swap3A_442] {strides = array<i32>} : memref<112x1024xf32, #tpu.memory_space<vmem>>, vector<16xf32>,
      tpu.vector_store %arg5[%swap3A_441, %swap3A_442], %broadcast_in_dim3A_108 {strides = array<i32>} : memref<112x1024xf32, #tpu.memory_space<vmem>>, vector<16xf32>,
      %add3A_444 = arith.constant 56 : i32
      %add3A_445 = arith.addi %scan3A_344, %add3A_444 : i32
      %swap3A_446 = arith.index_cast %add3A_445 : i32 to index
      %swap3A_447 = arith.constant 320 : index
      %swap3A_448 = tpu.vector_load %arg5[%swap3A_446, %swap3A_447] {strides = array<i32>} : memref<112x1024xf32, #tpu.memory_space<vmem>>, vector<16xf32>,
      tpu.vector_store %arg5[%swap3A_446, %swap3A_447], %broadcast_in_dim3A_108 {strides = array<i32>} : memref<112x1024xf32, #tpu.memory_space<vmem>>, vector<16xf32>,
      %add3A_449 = arith.constant 56 : i32
      %add3A_450 = arith.addi %scan3A_344, %add3A_449 : i32
      %swap3A_451 = arith.index_cast %add3A_450 : i32 to index
      %swap3A_452 = arith.constant 336 : index
      %swap3A_453 = tpu.vector_load %arg5[%swap3A_451, %swap3A_452] {strides = array<i32>} : memref<112x1024xf32, #tpu.memory_space<vmem>>, vector<16xf32>,
      tpu.vector_store %arg5[%swap3A_451, %swap3A_452], %broadcast_in_dim3A_108 {strides = array<i32>} : memref<112x1024xf32, #tpu.memory_space<vmem>>, vector<16xf32>,
      %add3A_454 = arith.constant 56 : i32
      %add3A_455 = arith.addi %scan3A_344, %add3A_454 : i32
      %swap3A_456 = arith.index_cast %add3A_455 : i32 to index
      %swap3A_457 = arith.constant 352 : index
      %swap3A_458 = tpu.vector_load %arg5[%swap3A_456, %swap3A_457] {strides = array<i32>} : memref<112x1024xf32, #tpu.memory_space<vmem>>, vector<16xf32>,
      tpu.vector_store %arg5[%swap3A_456, %swap3A_457], %broadcast_in_dim3A_108 {strides = array<i32>} : memref<112x1024xf32, #tpu.memory_space<vmem>>, vector<16xf32>,
      %add3A_459 = arith.constant 56 : i32
      %add3A_460 = arith.addi %scan3A_344, %add3A_459 : i32
      %swap3A_461 = arith.index_cast %add3A_460 : i32 to index
      %swap3A_462 = arith.constant 368 : index
      %swap3A_463 = tpu.vector_load %arg5[%swap3A_461, %swap3A_462] {strides = array<i32>} : memref<112x1024xf32, #tpu.memory_space<vmem>>, vector<16xf32>,
      tpu.vector_store %arg5[%swap3A_461, %swap3A_462], %broadcast_in_dim3A_108 {strides = array<i32>} : memref<112x1024xf32, #tpu.memory_space<vmem>>, vector<16xf32>,
      %add3A_464 = arith.constant 56 : i32
      %add3A_465 = arith.addi %scan3A_344, %add3A_464 : i32
      %swap3A_466 = arith.index_cast %add3A_465 : i32 to index
      %swap3A_467 = arith.constant 384 : index
      %swap3A_468 = tpu.vector_load %arg5[%swap3A_466, %swap3A_467] {strides = array<i32>} : memref<112x1024xf32, #tpu.memory_space<vmem>>, vector<16xf32>,
      tpu.vector_store %arg5[%swap3A_466, %swap3A_467], %broadcast_in_dim3A_108 {strides = array<i32>} : memref<112x1024xf32, #tpu.memory_space<vmem>>, vector<16xf32>,
      %add3A_469 = arith.constant 56 : i32
      %add3A_470 = arith.addi %scan3A_344, %add3A_469 : i32
      %swap3A_471 = arith.index_cast %add3A_470 : i32 to index
      %swap3A_472 = arith.constant 400 : index
      %swap3A_473 = tpu.vector_load %arg5[%swap3A_471, %swap3A_472] {strides = array<i32>} : memref<112x1024xf32, #tpu.memory_space<vmem>>, vector<16xf32>,
      tpu.vector_store %arg5[%swap3A_471, %swap3A_472], %broadcast_in_dim3A_108 {strides = array<i32>} : memref<112x1024xf32, #tpu.memory_space<vmem>>, vector<16xf32>,
      %add3A_474 = arith.constant 56 : i32
      %add3A_475 = arith.addi %scan3A_344, %add3A_474 : i32
      %swap3A_476 = arith.index_cast %add3A_475 : i32 to index
      %swap3A_477 = arith.constant 416 : index
      %swap3A_478 = tpu.vector_load %arg5[%swap3A_476, %swap3A_477] {strides = array<i32>} : memref<112x1024xf32, #tpu.memory_space<vmem>>, vector<16xf32>,
      tpu.vector_store %arg5[%swap3A_476, %swap3A_477], %broadcast_in_dim3A_108 {strides = array<i32>} : memref<112x1024xf32, #tpu.memory_space<vmem>>, vector<16xf32>,
      %add3A_479 = arith.constant 56 : i32
      %add3A_480 = arith.addi %scan3A_344, %add3A_479 : i32
      %swap3A_481 = arith.index_cast %add3A_480 : i32 to index
      %swap3A_482 = arith.constant 432 : index
      %swap3A_483 = tpu.vector_load %arg5[%swap3A_481, %swap3A_482] {strides = array<i32>} : memref<112x1024xf32, #tpu.memory_space<vmem>>, vector<16xf32>,
      tpu.vector_store %arg5[%swap3A_481, %swap3A_482], %broadcast_in_dim3A_108 {strides = array<i32>} : memref<112x1024xf32, #tpu.memory_space<vmem>>, vector<16xf32>,
      %add3A_484 = arith.constant 56 : i32
      %add3A_485 = arith.addi %scan3A_344, %add3A_484 : i32
      %swap3A_486 = arith.index_cast %add3A_485 : i32 to index
      %swap3A_487 = arith.constant 448 : index
      %swap3A_488 = tpu.vector_load %arg5[%swap3A_486, %swap3A_487] {strides = array<i32>} : memref<112x1024xf32, #tpu.memory_space<vmem>>, vector<16xf32>,
      tpu.vector_store %arg5[%swap3A_486, %swap3A_487], %broadcast_in_dim3A_108 {strides = array<i32>} : memref<112x1024xf32, #tpu.memory_space<vmem>>, vector<16xf32>,
      %add3A_489 = arith.constant 56 : i32
      %add3A_490 = arith.addi %scan3A_344, %add3A_489 : i32
      %swap3A_491 = arith.index_cast %add3A_490 : i32 to index
      %swap3A_492 = arith.constant 464 : index
      %swap3A_493 = tpu.vector_load %arg5[%swap3A_491, %swap3A_492] {strides = array<i32>} : memref<112x1024xf32, #tpu.memory_space<vmem>>, vector<16xf32>,
      tpu.vector_store %arg5[%swap3A_491, %swap3A_492], %broadcast_in_dim3A_108 {strides = array<i32>} : memref<112x1024xf32, #tpu.memory_space<vmem>>, vector<16xf32>,
      %add3A_494 = arith.constant 56 : i32
      %add3A_495 = arith.addi %scan3A_344, %add3A_494 : i32
      %swap3A_496 = arith.index_cast %add3A_495 : i32 to index
      %swap3A_497 = arith.constant 480 : index
      %swap3A_498 = tpu.vector_load %arg5[%swap3A_496, %swap3A_497] {strides = array<i32>} : memref<112x1024xf32, #tpu.memory_space<vmem>>, vector<16xf32>,
      tpu.vector_store %arg5[%swap3A_496, %swap3A_497], %broadcast_in_dim3A_108 {strides = array<i32>} : memref<112x1024xf32, #tpu.memory_space<vmem>>, vector<16xf32>,
      %add3A_499 = arith.constant 56 : i32
      %add3A_500 = arith.addi %scan3A_344, %add3A_499 : i32
      %swap3A_501 = arith.index_cast %add3A_500 : i32 to index
      %swap3A_502 = arith.constant 496 : index
      %swap3A_503 = tpu.vector_load %arg5[%swap3A_501, %swap3A_502] {strides = array<i32>} : memref<112x1024xf32, #tpu.memory_space<vmem>>, vector<16xf32>,
      tpu.vector_store %arg5[%swap3A_501, %swap3A_502], %broadcast_in_dim3A_108 {strides = array<i32>} : memref<112x1024xf32, #tpu.memory_space<vmem>>, vector<16xf32>,
      %add3A_504 = arith.constant 56 : i32
      %add3A_505 = arith.addi %scan3A_344, %add3A_504 : i32
      %swap3A_506 = arith.index_cast %add3A_505 : i32 to index
      %swap3A_507 = arith.constant 512 : index
      %swap3A_508 = tpu.vector_load %arg5[%swap3A_506, %swap3A_507] {strides = array<i32>} : memref<112x1024xf32, #tpu.memory_space<vmem>>, vector<16xf32>,
      tpu.vector_store %arg5[%swap3A_506, %swap3A_507], %broadcast_in_dim3A_108 {strides = array<i32>} : memref<112x1024xf32, #tpu.memory_space<vmem>>, vector<16xf32>,
      %add3A_509 = arith.constant 56 : i32
      %add3A_510 = arith.addi %scan3A_344, %add3A_509 : i32
      %swap3A_511 = arith.index_cast %add3A_510 : i32 to index
      %swap3A_512 = arith.constant 528 : index
      %swap3A_513 = tpu.vector_load %arg5[%swap3A_511, %swap3A_512] {strides = array<i32>} : memref<112x1024xf32, #tpu.memory_space<vmem>>, vector<16xf32>,
      tpu.vector_store %arg5[%swap3A_511, %swap3A_512], %broadcast_in_dim3A_108 {strides = array<i32>} : memref<112x1024xf32, #tpu.memory_space<vmem>>, vector<16xf32>,
      %add3A_514 = arith.constant 56 : i32
      %add3A_515 = arith.addi %scan3A_344, %add3A_514 : i32
      %swap3A_516 = arith.index_cast %add3A_515 : i32 to index
      %swap3A_517 = arith.constant 544 : index
      %swap3A_518 = tpu.vector_load %arg5[%swap3A_516, %swap3A_517] {strides = array<i32>} : memref<112x1024xf32, #tpu.memory_space<vmem>>, vector<16xf32>,
      tpu.vector_store %arg5[%swap3A_516, %swap3A_517], %broadcast_in_dim3A_108 {strides = array<i32>} : memref<112x1024xf32, #tpu.memory_space<vmem>>, vector<16xf32>,
      %add3A_519 = arith.constant 56 : i32
      %add3A_520 = arith.addi %scan3A_344, %add3A_519 : i32
      %swap3A_521 = arith.index_cast %add3A_520 : i32 to index
      %swap3A_522 = arith.constant 560 : index
      %swap3A_523 = tpu.vector_load %arg5[%swap3A_521, %swap3A_522] {strides = array<i32>} : memref<112x1024xf32, #tpu.memory_space<vmem>>, vector<16xf32>,
      tpu.vector_store %arg5[%swap3A_521, %swap3A_522], %broadcast_in_dim3A_108 {strides = array<i32>} : memref<112x1024xf32, #tpu.memory_space<vmem>>, vector<16xf32>,
      %add3A_524 = arith.constant 56 : i32
      %add3A_525 = arith.addi %scan3A_344, %add3A_524 : i32
      %swap3A_526 = arith.index_cast %add3A_525 : i32 to index
      %swap3A_527 = arith.constant 576 : index
      %swap3A_528 = tpu.vector_load %arg5[%swap3A_526, %swap3A_527] {strides = array<i32>} : memref<112x1024xf32, #tpu.memory_space<vmem>>, vector<16xf32>,
      tpu.vector_store %arg5[%swap3A_526, %swap3A_527], %broadcast_in_dim3A_108 {strides = array<i32>} : memref<112x1024xf32, #tpu.memory_space<vmem>>, vector<16xf32>,
      %add3A_529 = arith.constant 56 : i32
      %add3A_530 = arith.addi %scan3A_344, %add3A_529 : i32
      %swap3A_531 = arith.index_cast %add3A_530 : i32 to index
      %swap3A_532 = arith.constant 592 : index
      %swap3A_533 = tpu.vector_load %arg5[%swap3A_531, %swap3A_532] {strides = array<i32>} : memref<112x1024xf32, #tpu.memory_space<vmem>>, vector<16xf32>,
      tpu.vector_store %arg5[%swap3A_531, %swap3A_532], %broadcast_in_dim3A_108 {strides = array<i32>} : memref<112x1024xf32, #tpu.memory_space<vmem>>, vector<16xf32>,
      %add3A_534 = arith.constant 56 : i32
      %add3A_535 = arith.addi %scan3A_344, %add3A_534 : i32
      %swap3A_536 = arith.index_cast %add3A_535 : i32 to index
      %swap3A_537 = arith.constant 608 : index
      %swap3A_538 = tpu.vector_load %arg5[%swap3A_536, %swap3A_537] {strides = array<i32>} : memref<112x1024xf32, #tpu.memory_space<vmem>>, vector<16xf32>,
      tpu.vector_store %arg5[%swap3A_536, %swap3A_537], %broadcast_in_dim3A_108 {strides = array<i32>} : memref<112x1024xf32, #tpu.memory_space<vmem>>, vector<16xf32>,
      %add3A_539 = arith.constant 56 : i32
      %add3A_540 = arith.addi %scan3A_344, %add3A_539 : i32
      %swap3A_541 = arith.index_cast %add3A_540 : i32 to index
      %swap3A_542 = arith.constant 624 : index
      %swap3A_543 = tpu.vector_load %arg5[%swap3A_541, %swap3A_542] {strides = array<i32>} : memref<112x1024xf32, #tpu.memory_space<vmem>>, vector<16xf32>,
      tpu.vector_store %arg5[%swap3A_541, %swap3A_542], %broadcast_in_dim3A_108 {strides = array<i32>} : memref<112x1024xf32, #tpu.memory_space<vmem>>, vector<16xf32>,
      %add3A_544 = arith.constant 56 : i32
      %add3A_545 = arith.addi %scan3A_344, %add3A_544 : i32
      %swap3A_546 = arith.index_cast %add3A_545 : i32 to index
      %swap3A_547 = arith.constant 640 : index
      %swap3A_548 = tpu.vector_load %arg5[%swap3A_546, %swap3A_547] {strides = array<i32>} : memref<112x1024xf32, #tpu.memory_space<vmem>>, vector<16xf32>,
      tpu.vector_store %arg5[%swap3A_546, %swap3A_547], %broadcast_in_dim3A_108 {strides = array<i32>} : memref<112x1024xf32, #tpu.memory_space<vmem>>, vector<16xf32>,
      %add3A_549 = arith.constant 56 : i32
      %add3A_550 = arith.addi %scan3A_344, %add3A_549 : i32
      %swap3A_551 = arith.index_cast %add3A_550 : i32 to index
      %swap3A_552 = arith.constant 656 : index
      %swap3A_553 = tpu.vector_load %arg5[%swap3A_551, %swap3A_552] {strides = array<i32>} : memref<112x1024xf32, #tpu.memory_space<vmem>>, vector<16xf32>,
      tpu.vector_store %arg5[%swap3A_551, %swap3A_552], %broadcast_in_dim3A_108 {strides = array<i32>} : memref<112x1024xf32, #tpu.memory_space<vmem>>, vector<16xf32>,
      %add3A_554 = arith.constant 56 : i32
      %add3A_555 = arith.addi %scan3A_344, %add3A_554 : i32
      %swap3A_556 = arith.index_cast %add3A_555 : i32 to index
      %swap3A_557 = arith.constant 672 : index
      %swap3A_558 = tpu.vector_load %arg5[%swap3A_556, %swap3A_557] {strides = array<i32>} : memref<112x1024xf32, #tpu.memory_space<vmem>>, vector<16xf32>,
      tpu.vector_store %arg5[%swap3A_556, %swap3A_557], %broadcast_in_dim3A_108 {strides = array<i32>} : memref<112x1024xf32, #tpu.memory_space<vmem>>, vector<16xf32>,
      %add3A_559 = arith.constant 56 : i32
      %add3A_560 = arith.addi %scan3A_344, %add3A_559 : i32
      %swap3A_561 = arith.index_cast %add3A_560 : i32 to index
      %swap3A_562 = arith.constant 688 : index
      %swap3A_563 = tpu.vector_load %arg5[%swap3A_561, %swap3A_562] {strides = array<i32>} : memref<112x1024xf32, #tpu.memory_space<vmem>>, vector<16xf32>,
      tpu.vector_store %arg5[%swap3A_561, %swap3A_562], %broadcast_in_dim3A_108 {strides = array<i32>} : memref<112x1024xf32, #tpu.memory_space<vmem>>, vector<16xf32>,
      %add3A_564 = arith.constant 56 : i32
      %add3A_565 = arith.addi %scan3A_344, %add3A_564 : i32
      %swap3A_566 = arith.index_cast %add3A_565 : i32 to index
      %swap3A_567 = arith.constant 704 : index
      %swap3A_568 = tpu.vector_load %arg5[%swap3A_566, %swap3A_567] {strides = array<i32>} : memref<112x1024xf32, #tpu.memory_space<vmem>>, vector<16xf32>,
      tpu.vector_store %arg5[%swap3A_566, %swap3A_567], %broadcast_in_dim3A_108 {strides = array<i32>} : memref<112x1024xf32, #tpu.memory_space<vmem>>, vector<16xf32>,
      %add3A_569 = arith.constant 56 : i32
      %add3A_570 = arith.addi %scan3A_344, %add3A_569 : i32
      %swap3A_571 = arith.index_cast %add3A_570 : i32 to index
      %swap3A_572 = arith.constant 720 : index
      %swap3A_573 = tpu.vector_load %arg5[%swap3A_571, %swap3A_572] {strides = array<i32>} : memref<112x1024xf32, #tpu.memory_space<vmem>>, vector<16xf32>,
      tpu.vector_store %arg5[%swap3A_571, %swap3A_572], %broadcast_in_dim3A_108 {strides = array<i32>} : memref<112x1024xf32, #tpu.memory_space<vmem>>, vector<16xf32>,
      %add3A_574 = arith.constant 56 : i32
      %add3A_575 = arith.addi %scan3A_344, %add3A_574 : i32
      %swap3A_576 = arith.index_cast %add3A_575 : i32 to index
      %swap3A_577 = arith.constant 736 : index
      %swap3A_578 = tpu.vector_load %arg5[%swap3A_576, %swap3A_577] {strides = array<i32>} : memref<112x1024xf32, #tpu.memory_space<vmem>>, vector<16xf32>,
      tpu.vector_store %arg5[%swap3A_576, %swap3A_577], %broadcast_in_dim3A_108 {strides = array<i32>} : memref<112x1024xf32, #tpu.memory_space<vmem>>, vector<16xf32>,
      %add3A_579 = arith.constant 56 : i32
      %add3A_580 = arith.addi %scan3A_344, %add3A_579 : i32
      %swap3A_581 = arith.index_cast %add3A_580 : i32 to index
      %swap3A_582 = arith.constant 752 : index
      %swap3A_583 = tpu.vector_load %arg5[%swap3A_581, %swap3A_582] {strides = array<i32>} : memref<112x1024xf32, #tpu.memory_space<vmem>>, vector<16xf32>,
      tpu.vector_store %arg5[%swap3A_581, %swap3A_582], %broadcast_in_dim3A_108 {strides = array<i32>} : memref<112x1024xf32, #tpu.memory_space<vmem>>, vector<16xf32>,
      %add3A_584 = arith.constant 56 : i32
      %add3A_585 = arith.addi %scan3A_344, %add3A_584 : i32
      %swap3A_586 = arith.index_cast %add3A_585 : i32 to index
      %swap3A_587 = arith.constant 768 : index
      %swap3A_588 = tpu.vector_load %arg5[%swap3A_586, %swap3A_587] {strides = array<i32>} : memref<112x1024xf32, #tpu.memory_space<vmem>>, vector<16xf32>,
      tpu.vector_store %arg5[%swap3A_586, %swap3A_587], %broadcast_in_dim3A_108 {strides = array<i32>} : memref<112x1024xf32, #tpu.memory_space<vmem>>, vector<16xf32>,
      %add3A_589 = arith.constant 56 : i32
      %add3A_590 = arith.addi %scan3A_344, %add3A_589 : i32
      %swap3A_591 = arith.index_cast %add3A_590 : i32 to index
      %swap3A_592 = arith.constant 784 : index
      %swap3A_593 = tpu.vector_load %arg5[%swap3A_591, %swap3A_592] {strides = array<i32>} : memref<112x1024xf32, #tpu.memory_space<vmem>>, vector<16xf32>,
      tpu.vector_store %arg5[%swap3A_591, %swap3A_592], %broadcast_in_dim3A_108 {strides = array<i32>} : memref<112x1024xf32, #tpu.memory_space<vmem>>, vector<16xf32>,
      %add3A_594 = arith.constant 56 : i32
      %add3A_595 = arith.addi %scan3A_344, %add3A_594 : i32
      %swap3A_596 = arith.index_cast %add3A_595 : i32 to index
      %swap3A_597 = arith.constant 800 : index
      %swap3A_598 = tpu.vector_load %arg5[%swap3A_596, %swap3A_597] {strides = array<i32>} : memref<112x1024xf32, #tpu.memory_space<vmem>>, vector<16xf32>,
      tpu.vector_store %arg5[%swap3A_596, %swap3A_597], %broadcast_in_dim3A_108 {strides = array<i32>} : memref<112x1024xf32, #tpu.memory_space<vmem>>, vector<16xf32>,
      %add3A_599 = arith.constant 56 : i32
      %add3A_600 = arith.addi %scan3A_344, %add3A_599 : i32
      %swap3A_601 = arith.index_cast %add3A_600 : i32 to index
      %swap3A_602 = arith.constant 816 : index
      %swap3A_603 = tpu.vector_load %arg5[%swap3A_601, %swap3A_602] {strides = array<i32>} : memref<112x1024xf32, #tpu.memory_space<vmem>>, vector<16xf32>,
      tpu.vector_store %arg5[%swap3A_601, %swap3A_602], %broadcast_in_dim3A_108 {strides = array<i32>} : memref<112x1024xf32, #tpu.memory_space<vmem>>, vector<16xf32>,
      %add3A_604 = arith.constant 56 : i32
      %add3A_605 = arith.addi %scan3A_344, %add3A_604 : i32
      %swap3A_606 = arith.index_cast %add3A_605 : i32 to index
      %swap3A_607 = arith.constant 832 : index
      %swap3A_608 = tpu.vector_load %arg5[%swap3A_606, %swap3A_607] {strides = array<i32>} : memref<112x1024xf32, #tpu.memory_space<vmem>>, vector<16xf32>,
      tpu.vector_store %arg5[%swap3A_606, %swap3A_607], %broadcast_in_dim3A_108 {strides = array<i32>} : memref<112x1024xf32, #tpu.memory_space<vmem>>, vector<16xf32>,
      %add3A_609 = arith.constant 56 : i32
      %add3A_610 = arith.addi %scan3A_344, %add3A_609 : i32
      %swap3A_611 = arith.index_cast %add3A_610 : i32 to index
      %swap3A_612 = arith.constant 848 : index
      %swap3A_613 = tpu.vector_load %arg5[%swap3A_611, %swap3A_612] {strides = array<i32>} : memref<112x1024xf32, #tpu.memory_space<vmem>>, vector<16xf32>,
      tpu.vector_store %arg5[%swap3A_611, %swap3A_612], %broadcast_in_dim3A_108 {strides = array<i32>} : memref<112x1024xf32, #tpu.memory_space<vmem>>, vector<16xf32>,
      %add3A_614 = arith.constant 56 : i32
      %add3A_615 = arith.addi %scan3A_344, %add3A_614 : i32
      %swap3A_616 = arith.index_cast %add3A_615 : i32 to index
      %swap3A_617 = arith.constant 864 : index
      %swap3A_618 = tpu.vector_load %arg5[%swap3A_616, %swap3A_617] {strides = array<i32>} : memref<112x1024xf32, #tpu.memory_space<vmem>>, vector<16xf32>,
      tpu.vector_store %arg5[%swap3A_616, %swap3A_617], %broadcast_in_dim3A_108 {strides = array<i32>} : memref<112x1024xf32, #tpu.memory_space<vmem>>, vector<16xf32>,
      %add3A_619 = arith.constant 56 : i32
      %add3A_620 = arith.addi %scan3A_344, %add3A_619 : i32
      %swap3A_621 = arith.index_cast %add3A_620 : i32 to index
      %swap3A_622 = arith.constant 880 : index
      %swap3A_623 = tpu.vector_load %arg5[%swap3A_621, %swap3A_622] {strides = array<i32>} : memref<112x1024xf32, #tpu.memory_space<vmem>>, vector<16xf32>,
      tpu.vector_store %arg5[%swap3A_621, %swap3A_622], %broadcast_in_dim3A_108 {strides = array<i32>} : memref<112x1024xf32, #tpu.memory_space<vmem>>, vector<16xf32>,
      %add3A_624 = arith.constant 56 : i32
      %add3A_625 = arith.addi %scan3A_344, %add3A_624 : i32
      %swap3A_626 = arith.index_cast %add3A_625 : i32 to index
      %swap3A_627 = arith.constant 896 : index
      %swap3A_628 = tpu.vector_load %arg5[%swap3A_626, %swap3A_627] {strides = array<i32>} : memref<112x1024xf32, #tpu.memory_space<vmem>>, vector<16xf32>,
      tpu.vector_store %arg5[%swap3A_626, %swap3A_627], %broadcast_in_dim3A_108 {strides = array<i32>} : memref<112x1024xf32, #tpu.memory_space<vmem>>, vector<16xf32>,
      %add3A_629 = arith.constant 56 : i32
      %add3A_630 = arith.addi %scan3A_344, %add3A_629 : i32
      %swap3A_631 = arith.index_cast %add3A_630 : i32 to index
      %swap3A_632 = arith.constant 912 : index
      %swap3A_633 = tpu.vector_load %arg5[%swap3A_631, %swap3A_632] {strides = array<i32>} : memref<112x1024xf32, #tpu.memory_space<vmem>>, vector<16xf32>,
      tpu.vector_store %arg5[%swap3A_631, %swap3A_632], %broadcast_in_dim3A_108 {strides = array<i32>} : memref<112x1024xf32, #tpu.memory_space<vmem>>, vector<16xf32>,
      %add3A_634 = arith.constant 56 : i32
      %add3A_635 = arith.addi %scan3A_344, %add3A_634 : i32
      %swap3A_636 = arith.index_cast %add3A_635 : i32 to index
      %swap3A_637 = arith.constant 928 : index
      %swap3A_638 = tpu.vector_load %arg5[%swap3A_636, %swap3A_637] {strides = array<i32>} : memref<112x1024xf32, #tpu.memory_space<vmem>>, vector<16xf32>,
      tpu.vector_store %arg5[%swap3A_636, %swap3A_637], %broadcast_in_dim3A_108 {strides = array<i32>} : memref<112x1024xf32, #tpu.memory_space<vmem>>, vector<16xf32>,
      %add3A_639 = arith.constant 56 : i32
      %add3A_640 = arith.addi %scan3A_344, %add3A_639 : i32
      %swap3A_641 = arith.index_cast %add3A_640 : i32 to index
      %swap3A_642 = arith.constant 944 : index
      %swap3A_643 = tpu.vector_load %arg5[%swap3A_641, %swap3A_642] {strides = array<i32>} : memref<112x1024xf32, #tpu.memory_space<vmem>>, vector<16xf32>,
      tpu.vector_store %arg5[%swap3A_641, %swap3A_642], %broadcast_in_dim3A_108 {strides = array<i32>} : memref<112x1024xf32, #tpu.memory_space<vmem>>, vector<16xf32>,
      %add3A_644 = arith.constant 56 : i32
      %add3A_645 = arith.addi %scan3A_344, %add3A_644 : i32
      %swap3A_646 = arith.index_cast %add3A_645 : i32 to index
      %swap3A_647 = arith.constant 960 : index
      %swap3A_648 = tpu.vector_load %arg5[%swap3A_646, %swap3A_647] {strides = array<i32>} : memref<112x1024xf32, #tpu.memory_space<vmem>>, vector<16xf32>,
      tpu.vector_store %arg5[%swap3A_646, %swap3A_647], %broadcast_in_dim3A_108 {strides = array<i32>} : memref<112x1024xf32, #tpu.memory_space<vmem>>, vector<16xf32>,
      %add3A_649 = arith.constant 56 : i32
      %add3A_650 = arith.addi %scan3A_344, %add3A_649 : i32
      %swap3A_651 = arith.index_cast %add3A_650 : i32 to index
      %swap3A_652 = arith.constant 976 : index
      %swap3A_653 = tpu.vector_load %arg5[%swap3A_651, %swap3A_652] {strides = array<i32>} : memref<112x1024xf32, #tpu.memory_space<vmem>>, vector<16xf32>,
      tpu.vector_store %arg5[%swap3A_651, %swap3A_652], %broadcast_in_dim3A_108 {strides = array<i32>} : memref<112x1024xf32, #tpu.memory_space<vmem>>, vector<16xf32>,
      %add3A_654 = arith.constant 56 : i32
      %add3A_655 = arith.addi %scan3A_344, %add3A_654 : i32
      %swap3A_656 = arith.index_cast %add3A_655 : i32 to index
      %swap3A_657 = arith.constant 992 : index
      %swap3A_658 = tpu.vector_load %arg5[%swap3A_656, %swap3A_657] {strides = array<i32>} : memref<112x1024xf32, #tpu.memory_space<vmem>>, vector<16xf32>,
      tpu.vector_store %arg5[%swap3A_656, %swap3A_657], %broadcast_in_dim3A_108 {strides = array<i32>} : memref<112x1024xf32, #tpu.memory_space<vmem>>, vector<16xf32>,
      %add3A_659 = arith.constant 56 : i32
      %add3A_660 = arith.addi %scan3A_344, %add3A_659 : i32
      %swap3A_661 = arith.index_cast %add3A_660 : i32 to index
      %swap3A_662 = arith.constant 1008 : index
      %swap3A_663 = tpu.vector_load %arg5[%swap3A_661, %swap3A_662] {strides = array<i32>} : memref<112x1024xf32, #tpu.memory_space<vmem>>, vector<16xf32>,
      tpu.vector_store %arg5[%swap3A_661, %swap3A_662], %broadcast_in_dim3A_108 {strides = array<i32>} : memref<112x1024xf32, #tpu.memory_space<vmem>>, vector<16xf32>,
    }
    %scan3A_208 = arith.constant 56 : i32
    %add3A_209 = arith.constant 1 : i32
    %add3A_210 = arith.addi %select_n3A, %add3A_209 : i32
    %jit3A_211 = arith.constant 18 : i32
    %div3A_212 = arith.divsi %add3A_210, %jit3A_211 : i32
    %sign3A_213 = arith.constant 0 : i32
    %sign3A_214 = arith.cmpi sgt, %add3A_210, %sign3A_213 : i32
    %sign3A_215 = arith.extui %sign3A_214 : i1 to i32
    %sign3A_216 = arith.constant 0 : i32
    %sign3A_217 = arith.cmpi slt, %add3A_210, %sign3A_216 : i32
    %sign3A_218 = arith.extui %sign3A_217 : i1 to i32
    %sign3A_219 = arith.subi %sign3A_215, %sign3A_218 : i32
    %sign3A_220 = arith.constant 0 : i32
    %sign3A_221 = arith.cmpi sgt, %jit3A_211, %sign3A_220 : i32
    %sign3A_222 = arith.extui %sign3A_221 : i1 to i32
    %sign3A_223 = arith.constant 0 : i32
    %sign3A_224 = arith.cmpi slt, %jit3A_211, %sign3A_223 : i32
    %sign3A_225 = arith.extui %sign3A_224 : i1 to i32
    %sign3A_226 = arith.subi %sign3A_222, %sign3A_225 : i32
    %ne3A_227 = arith.cmpi ne, %sign3A_219, %sign3A_226 : i32
    %rem3A_228 = arith.remsi %add3A_210, %jit3A_211 : i32
    %ne3A_229 = arith.constant 0 : i32
    %ne3A_230 = arith.cmpi ne, %rem3A_228, %ne3A_229 : i32
    %and3A_231 = arith.andi %ne3A_227, %ne3A_230 : i1
    %sub3A_232 = arith.constant 1 : i32
    %sub3A_233 = arith.subi %div3A_212, %sub3A_232 : i32
    %select_n3A_234 = arith.select %and3A_231, %sub3A_233, %div3A_212 : i32
    %mul3A_235 = arith.constant 18 : i32
    %mul3A_236 = arith.muli %select_n3A_234, %mul3A_235 : i32
    %sub3A_237 = arith.subi %add3A_210, %mul3A_236 : i32
    %mul3A_238 = arith.constant 56 : i32
    %mul3A_239 = arith.muli %sub3A_237, %mul3A_238 : i32
    %min3A_240 = arith.constant 944 : i32
    %min3A_241 = arith.minsi %mul3A_239, %min3A_240 : i32
    %multiple_of3A_242 = tpu.assume_multiple %min3A_241, 8 : i32
    %sub3A_243 = arith.subi %select_n3A_234, %min3A_72 : i32
    %scan3A_244 = arith.constant 0 : i32
    %scan3A_245 = arith.constant 0 : i32
    %scan3A_246 = arith.constant 8 : i32
    %scan3A_247 = arith.addi %scan3A_245, %scan3A_246 : i32
    %scan3A_248 = arith.constant 1 : i32
    scf.for %scan3A_344 = %scan3A_245 to %scan3A_247 step %scan3A_248  : i32 {
      %mul3A_345 = arith.constant 8 : i32
      %mul3A_346 = arith.muli %scan3A_344, %mul3A_345 : i32
      %add3A_347 = arith.constant 0 : i32
      %add3A_348 = arith.addi %mul3A_346, %add3A_347 : i32
      %mul3A_349 = arith.constant 1024 : i32
      %mul3A_350 = arith.muli %sub3A_243, %mul3A_349 : i32
      %mul3A_351 = arith.constant 16 : i32
      %mul3A_352 = arith.muli %add3A_348, %mul3A_351 : i32
      %add3A_353 = arith.addi %mul3A_350, %mul3A_352 : i32
      %get3A = arith.index_cast %add3A_353 : i32 to index
      %get3A_354 = tpu.vector_load %arg4[%get3A] {strides = array<i32>} : memref<3072xi32, #tpu.memory_space<vmem>>, vector<16xi32>,
      %sub3A_355 = vector.broadcast %multiple_of3A_242 : i32 to vector<16xi32>
      %sub3A_356 = arith.subi %get3A_354, %sub3A_355 : vector<16xi32>
      %ge3A = arith.constant 0 : i32
      %ge3A_357 = vector.broadcast %ge3A : i32 to vector<16xi32>
      %ge3A_358 = arith.cmpi sge, %sub3A_356, %ge3A_357 : vector<16xi32>
      %lt3A_359 = arith.constant 56 : i32
      %lt3A_360 = vector.broadcast %lt3A_359 : i32 to vector<16xi32>
      %lt3A_361 = arith.cmpi slt, %sub3A_356, %lt3A_360 : vector<16xi32>
      %and3A_362 = arith.andi %ge3A_358, %lt3A_361 : vector<16xi1>
      %add3A_363 = arith.constant 56 : i32
      %add3A_364 = vector.broadcast %add3A_363 : i32 to vector<16xi32>
      %add3A_365 = arith.addi %sub3A_356, %add3A_364 : vector<16xi32>
      %mul3A_366 = arith.constant 16 : i32
      %mul3A_367 = arith.muli %add3A_348, %mul3A_366 : i32
      %add3A_368 = vector.broadcast %mul3A_367 : i32 to vector<16xi32>
      %add3A_369 = arith.addi %iota3A, %add3A_368 : vector<16xi32>
      tpu.vector_store_idx %arg5[%add3A_365, %add3A_369], %broadcast_in_dim3A_110 masked %and3A_362 : memref<112x1024xf32, #tpu.memory_space<vmem>>[vector<16xi32>, vector<16xi32>], vector<16xf32>, vector<16xi1>
      %mul3A_370 = arith.constant 8 : i32
      %mul3A_371 = arith.muli %scan3A_344, %mul3A_370 : i32
      %add3A_372 = arith.constant 1 : i32
      %add3A_373 = arith.addi %mul3A_371, %add3A_372 : i32
      %mul3A_374 = arith.constant 1024 : i32
      %mul3A_375 = arith.muli %sub3A_243, %mul3A_374 : i32
      %mul3A_376 = arith.constant 16 : i32
      %mul3A_377 = arith.muli %add3A_373, %mul3A_376 : i32
      %add3A_378 = arith.addi %mul3A_375, %mul3A_377 : i32
      %get3A_379 = arith.index_cast %add3A_378 : i32 to index
      %get3A_380 = tpu.vector_load %arg4[%get3A_379] {strides = array<i32>} : memref<3072xi32, #tpu.memory_space<vmem>>, vector<16xi32>,
      %sub3A_381 = vector.broadcast %multiple_of3A_242 : i32 to vector<16xi32>
      %sub3A_382 = arith.subi %get3A_380, %sub3A_381 : vector<16xi32>
      %ge3A_383 = arith.constant 0 : i32
      %ge3A_384 = vector.broadcast %ge3A_383 : i32 to vector<16xi32>
      %ge3A_385 = arith.cmpi sge, %sub3A_382, %ge3A_384 : vector<16xi32>
      %lt3A_386 = arith.constant 56 : i32
      %lt3A_387 = vector.broadcast %lt3A_386 : i32 to vector<16xi32>
      %lt3A_388 = arith.cmpi slt, %sub3A_382, %lt3A_387 : vector<16xi32>
      %and3A_389 = arith.andi %ge3A_385, %lt3A_388 : vector<16xi1>
      %add3A_390 = arith.constant 56 : i32
      %add3A_391 = vector.broadcast %add3A_390 : i32 to vector<16xi32>
      %add3A_392 = arith.addi %sub3A_382, %add3A_391 : vector<16xi32>
      %mul3A_393 = arith.constant 16 : i32
      %mul3A_394 = arith.muli %add3A_373, %mul3A_393 : i32
      %add3A_395 = vector.broadcast %mul3A_394 : i32 to vector<16xi32>
      %add3A_396 = arith.addi %iota3A, %add3A_395 : vector<16xi32>
      tpu.vector_store_idx %arg5[%add3A_392, %add3A_396], %broadcast_in_dim3A_110 masked %and3A_389 : memref<112x1024xf32, #tpu.memory_space<vmem>>[vector<16xi32>, vector<16xi32>], vector<16xf32>, vector<16xi1>
      %mul3A_397 = arith.constant 8 : i32
      %mul3A_398 = arith.muli %scan3A_344, %mul3A_397 : i32
      %add3A_399 = arith.constant 2 : i32
      %add3A_400 = arith.addi %mul3A_398, %add3A_399 : i32
      %mul3A_401 = arith.constant 1024 : i32
      %mul3A_402 = arith.muli %sub3A_243, %mul3A_401 : i32
      %mul3A_403 = arith.constant 16 : i32
      %mul3A_404 = arith.muli %add3A_400, %mul3A_403 : i32
      %add3A_405 = arith.addi %mul3A_402, %mul3A_404 : i32
      %get3A_406 = arith.index_cast %add3A_405 : i32 to index
      %get3A_407 = tpu.vector_load %arg4[%get3A_406] {strides = array<i32>} : memref<3072xi32, #tpu.memory_space<vmem>>, vector<16xi32>,
      %sub3A_408 = vector.broadcast %multiple_of3A_242 : i32 to vector<16xi32>
      %sub3A_409 = arith.subi %get3A_407, %sub3A_408 : vector<16xi32>
      %ge3A_410 = arith.constant 0 : i32
      %ge3A_411 = vector.broadcast %ge3A_410 : i32 to vector<16xi32>
      %ge3A_412 = arith.cmpi sge, %sub3A_409, %ge3A_411 : vector<16xi32>
      %lt3A_413 = arith.constant 56 : i32
      %lt3A_414 = vector.broadcast %lt3A_413 : i32 to vector<16xi32>
      %lt3A_415 = arith.cmpi slt, %sub3A_409, %lt3A_414 : vector<16xi32>
      %and3A_416 = arith.andi %ge3A_412, %lt3A_415 : vector<16xi1>
      %add3A_417 = arith.constant 56 : i32
      %add3A_418 = vector.broadcast %add3A_417 : i32 to vector<16xi32>
      %add3A_419 = arith.addi %sub3A_409, %add3A_418 : vector<16xi32>
      %mul3A_420 = arith.constant 16 : i32
      %mul3A_421 = arith.muli %add3A_400, %mul3A_420 : i32
      %add3A_422 = vector.broadcast %mul3A_421 : i32 to vector<16xi32>
      %add3A_423 = arith.addi %iota3A, %add3A_422 : vector<16xi32>
      tpu.vector_store_idx %arg5[%add3A_419, %add3A_423], %broadcast_in_dim3A_110 masked %and3A_416 : memref<112x1024xf32, #tpu.memory_space<vmem>>[vector<16xi32>, vector<16xi32>], vector<16xf32>, vector<16xi1>
      %mul3A_424 = arith.constant 8 : i32
      %mul3A_425 = arith.muli %scan3A_344, %mul3A_424 : i32
      %add3A_426 = arith.constant 3 : i32
      %add3A_427 = arith.addi %mul3A_425, %add3A_426 : i32
      %mul3A_428 = arith.constant 1024 : i32
      %mul3A_429 = arith.muli %sub3A_243, %mul3A_428 : i32
      %mul3A_430 = arith.constant 16 : i32
      %mul3A_431 = arith.muli %add3A_427, %mul3A_430 : i32
      %add3A_432 = arith.addi %mul3A_429, %mul3A_431 : i32
      %get3A_433 = arith.index_cast %add3A_432 : i32 to index
      %get3A_434 = tpu.vector_load %arg4[%get3A_433] {strides = array<i32>} : memref<3072xi32, #tpu.memory_space<vmem>>, vector<16xi32>,
      %sub3A_435 = vector.broadcast %multiple_of3A_242 : i32 to vector<16xi32>
      %sub3A_436 = arith.subi %get3A_434, %sub3A_435 : vector<16xi32>
      %ge3A_437 = arith.constant 0 : i32
      %ge3A_438 = vector.broadcast %ge3A_437 : i32 to vector<16xi32>
      %ge3A_439 = arith.cmpi sge, %sub3A_436, %ge3A_438 : vector<16xi32>
      %lt3A_440 = arith.constant 56 : i32
      %lt3A_441 = vector.broadcast %lt3A_440 : i32 to vector<16xi32>
      %lt3A_442 = arith.cmpi slt, %sub3A_436, %lt3A_441 : vector<16xi32>
      %and3A_443 = arith.andi %ge3A_439, %lt3A_442 : vector<16xi1>
      %add3A_444 = arith.constant 56 : i32
      %add3A_445 = vector.broadcast %add3A_444 : i32 to vector<16xi32>
      %add3A_446 = arith.addi %sub3A_436, %add3A_445 : vector<16xi32>
      %mul3A_447 = arith.constant 16 : i32
      %mul3A_448 = arith.muli %add3A_427, %mul3A_447 : i32
      %add3A_449 = vector.broadcast %mul3A_448 : i32 to vector<16xi32>
      %add3A_450 = arith.addi %iota3A, %add3A_449 : vector<16xi32>
      tpu.vector_store_idx %arg5[%add3A_446, %add3A_450], %broadcast_in_dim3A_110 masked %and3A_443 : memref<112x1024xf32, #tpu.memory_space<vmem>>[vector<16xi32>, vector<16xi32>], vector<16xf32>, vector<16xi1>
      %mul3A_451 = arith.constant 8 : i32
      %mul3A_452 = arith.muli %scan3A_344, %mul3A_451 : i32
      %add3A_453 = arith.constant 4 : i32
      %add3A_454 = arith.addi %mul3A_452, %add3A_453 : i32
      %mul3A_455 = arith.constant 1024 : i32
      %mul3A_456 = arith.muli %sub3A_243, %mul3A_455 : i32
      %mul3A_457 = arith.constant 16 : i32
      %mul3A_458 = arith.muli %add3A_454, %mul3A_457 : i32
      %add3A_459 = arith.addi %mul3A_456, %mul3A_458 : i32
      %get3A_460 = arith.index_cast %add3A_459 : i32 to index
      %get3A_461 = tpu.vector_load %arg4[%get3A_460] {strides = array<i32>} : memref<3072xi32, #tpu.memory_space<vmem>>, vector<16xi32>,
      %sub3A_462 = vector.broadcast %multiple_of3A_242 : i32 to vector<16xi32>
      %sub3A_463 = arith.subi %get3A_461, %sub3A_462 : vector<16xi32>
      %ge3A_464 = arith.constant 0 : i32
      %ge3A_465 = vector.broadcast %ge3A_464 : i32 to vector<16xi32>
      %ge3A_466 = arith.cmpi sge, %sub3A_463, %ge3A_465 : vector<16xi32>
      %lt3A_467 = arith.constant 56 : i32
      %lt3A_468 = vector.broadcast %lt3A_467 : i32 to vector<16xi32>
      %lt3A_469 = arith.cmpi slt, %sub3A_463, %lt3A_468 : vector<16xi32>
      %and3A_470 = arith.andi %ge3A_466, %lt3A_469 : vector<16xi1>
      %add3A_471 = arith.constant 56 : i32
      %add3A_472 = vector.broadcast %add3A_471 : i32 to vector<16xi32>
      %add3A_473 = arith.addi %sub3A_463, %add3A_472 : vector<16xi32>
      %mul3A_474 = arith.constant 16 : i32
      %mul3A_475 = arith.muli %add3A_454, %mul3A_474 : i32
      %add3A_476 = vector.broadcast %mul3A_475 : i32 to vector<16xi32>
      %add3A_477 = arith.addi %iota3A, %add3A_476 : vector<16xi32>
      tpu.vector_store_idx %arg5[%add3A_473, %add3A_477], %broadcast_in_dim3A_110 masked %and3A_470 : memref<112x1024xf32, #tpu.memory_space<vmem>>[vector<16xi32>, vector<16xi32>], vector<16xf32>, vector<16xi1>
      %mul3A_478 = arith.constant 8 : i32
      %mul3A_479 = arith.muli %scan3A_344, %mul3A_478 : i32
      %add3A_480 = arith.constant 5 : i32
      %add3A_481 = arith.addi %mul3A_479, %add3A_480 : i32
      %mul3A_482 = arith.constant 1024 : i32
      %mul3A_483 = arith.muli %sub3A_243, %mul3A_482 : i32
      %mul3A_484 = arith.constant 16 : i32
      %mul3A_485 = arith.muli %add3A_481, %mul3A_484 : i32
      %add3A_486 = arith.addi %mul3A_483, %mul3A_485 : i32
      %get3A_487 = arith.index_cast %add3A_486 : i32 to index
      %get3A_488 = tpu.vector_load %arg4[%get3A_487] {strides = array<i32>} : memref<3072xi32, #tpu.memory_space<vmem>>, vector<16xi32>,
      %sub3A_489 = vector.broadcast %multiple_of3A_242 : i32 to vector<16xi32>
      %sub3A_490 = arith.subi %get3A_488, %sub3A_489 : vector<16xi32>
      %ge3A_491 = arith.constant 0 : i32
      %ge3A_492 = vector.broadcast %ge3A_491 : i32 to vector<16xi32>
      %ge3A_493 = arith.cmpi sge, %sub3A_490, %ge3A_492 : vector<16xi32>
      %lt3A_494 = arith.constant 56 : i32
      %lt3A_495 = vector.broadcast %lt3A_494 : i32 to vector<16xi32>
      %lt3A_496 = arith.cmpi slt, %sub3A_490, %lt3A_495 : vector<16xi32>
      %and3A_497 = arith.andi %ge3A_493, %lt3A_496 : vector<16xi1>
      %add3A_498 = arith.constant 56 : i32
      %add3A_499 = vector.broadcast %add3A_498 : i32 to vector<16xi32>
      %add3A_500 = arith.addi %sub3A_490, %add3A_499 : vector<16xi32>
      %mul3A_501 = arith.constant 16 : i32
      %mul3A_502 = arith.muli %add3A_481, %mul3A_501 : i32
      %add3A_503 = vector.broadcast %mul3A_502 : i32 to vector<16xi32>
      %add3A_504 = arith.addi %iota3A, %add3A_503 : vector<16xi32>
      tpu.vector_store_idx %arg5[%add3A_500, %add3A_504], %broadcast_in_dim3A_110 masked %and3A_497 : memref<112x1024xf32, #tpu.memory_space<vmem>>[vector<16xi32>, vector<16xi32>], vector<16xf32>, vector<16xi1>
      %mul3A_505 = arith.constant 8 : i32
      %mul3A_506 = arith.muli %scan3A_344, %mul3A_505 : i32
      %add3A_507 = arith.constant 6 : i32
      %add3A_508 = arith.addi %mul3A_506, %add3A_507 : i32
      %mul3A_509 = arith.constant 1024 : i32
      %mul3A_510 = arith.muli %sub3A_243, %mul3A_509 : i32
      %mul3A_511 = arith.constant 16 : i32
      %mul3A_512 = arith.muli %add3A_508, %mul3A_511 : i32
      %add3A_513 = arith.addi %mul3A_510, %mul3A_512 : i32
      %get3A_514 = arith.index_cast %add3A_513 : i32 to index
      %get3A_515 = tpu.vector_load %arg4[%get3A_514] {strides = array<i32>} : memref<3072xi32, #tpu.memory_space<vmem>>, vector<16xi32>,
      %sub3A_516 = vector.broadcast %multiple_of3A_242 : i32 to vector<16xi32>
      %sub3A_517 = arith.subi %get3A_515, %sub3A_516 : vector<16xi32>
      %ge3A_518 = arith.constant 0 : i32
      %ge3A_519 = vector.broadcast %ge3A_518 : i32 to vector<16xi32>
      %ge3A_520 = arith.cmpi sge, %sub3A_517, %ge3A_519 : vector<16xi32>
      %lt3A_521 = arith.constant 56 : i32
      %lt3A_522 = vector.broadcast %lt3A_521 : i32 to vector<16xi32>
      %lt3A_523 = arith.cmpi slt, %sub3A_517, %lt3A_522 : vector<16xi32>
      %and3A_524 = arith.andi %ge3A_520, %lt3A_523 : vector<16xi1>
      %add3A_525 = arith.constant 56 : i32
      %add3A_526 = vector.broadcast %add3A_525 : i32 to vector<16xi32>
      %add3A_527 = arith.addi %sub3A_517, %add3A_526 : vector<16xi32>
      %mul3A_528 = arith.constant 16 : i32
      %mul3A_529 = arith.muli %add3A_508, %mul3A_528 : i32
      %add3A_530 = vector.broadcast %mul3A_529 : i32 to vector<16xi32>
      %add3A_531 = arith.addi %iota3A, %add3A_530 : vector<16xi32>
      tpu.vector_store_idx %arg5[%add3A_527, %add3A_531], %broadcast_in_dim3A_110 masked %and3A_524 : memref<112x1024xf32, #tpu.memory_space<vmem>>[vector<16xi32>, vector<16xi32>], vector<16xf32>, vector<16xi1>
      %mul3A_532 = arith.constant 8 : i32
      %mul3A_533 = arith.muli %scan3A_344, %mul3A_532 : i32
      %add3A_534 = arith.constant 7 : i32
      %add3A_535 = arith.addi %mul3A_533, %add3A_534 : i32
      %mul3A_536 = arith.constant 1024 : i32
      %mul3A_537 = arith.muli %sub3A_243, %mul3A_536 : i32
      %mul3A_538 = arith.constant 16 : i32
      %mul3A_539 = arith.muli %add3A_535, %mul3A_538 : i32
      %add3A_540 = arith.addi %mul3A_537, %mul3A_539 : i32
      %get3A_541 = arith.index_cast %add3A_540 : i32 to index
      %get3A_542 = tpu.vector_load %arg4[%get3A_541] {strides = array<i32>} : memref<3072xi32, #tpu.memory_space<vmem>>, vector<16xi32>,
      %sub3A_543 = vector.broadcast %multiple_of3A_242 : i32 to vector<16xi32>
      %sub3A_544 = arith.subi %get3A_542, %sub3A_543 : vector<16xi32>
      %ge3A_545 = arith.constant 0 : i32
      %ge3A_546 = vector.broadcast %ge3A_545 : i32 to vector<16xi32>
      %ge3A_547 = arith.cmpi sge, %sub3A_544, %ge3A_546 : vector<16xi32>
      %lt3A_548 = arith.constant 56 : i32
      %lt3A_549 = vector.broadcast %lt3A_548 : i32 to vector<16xi32>
      %lt3A_550 = arith.cmpi slt, %sub3A_544, %lt3A_549 : vector<16xi32>
      %and3A_551 = arith.andi %ge3A_547, %lt3A_550 : vector<16xi1>
      %add3A_552 = arith.constant 56 : i32
      %add3A_553 = vector.broadcast %add3A_552 : i32 to vector<16xi32>
      %add3A_554 = arith.addi %sub3A_544, %add3A_553 : vector<16xi32>
      %mul3A_555 = arith.constant 16 : i32
      %mul3A_556 = arith.muli %add3A_535, %mul3A_555 : i32
      %add3A_557 = vector.broadcast %mul3A_556 : i32 to vector<16xi32>
      %add3A_558 = arith.addi %iota3A, %add3A_557 : vector<16xi32>
      tpu.vector_store_idx %arg5[%add3A_554, %add3A_558], %broadcast_in_dim3A_110 masked %and3A_551 : memref<112x1024xf32, #tpu.memory_space<vmem>>[vector<16xi32>, vector<16xi32>], vector<16xf32>, vector<16xi1>
    }
    %scan3A_249 = arith.constant 8 : i32
    %dma_start3A_250 = arith.constant 56 : i32
    %dma_start3A_251 = arith.constant 0 : i32
    %dma_start3A_252 = tpu.memref_slice %arg5[%dma_start3A_250, %dma_start3A_251] : memref<112x1024xf32, #tpu.memory_space<vmem>> -> memref<56x1024xf32, #tpu.memory_space<vmem>>
    %dma_start3A_253 = arith.constant 0 : i32
    %dma_start3A_254 = tpu.memref_slice %arg3[%select_n3A_234, %multiple_of3A_242, %dma_start3A_253] : memref<50x1000x1024xf32, #tpu.memory_space<hbm>> -> memref<1x56x1024xf32, #tpu.memory_space<hbm>>
    %dma_start3A_255 = tpu.memref_squeeze %dma_start3A_254 : memref<1x56x1024xf32, #tpu.memory_space<hbm>> -> memref<56x1024xf32, #tpu.memory_space<hbm>>
    %dma_start3A_256 = arith.constant 0 : i32
    %dma_start3A_257 = tpu.memref_slice %arg3[%select_n3A_234, %multiple_of3A_242, %dma_start3A_256] : memref<50x1000x1024xf32, #tpu.memory_space<hbm>> -> memref<1x56x1024xf32, #tpu.memory_space<hbm>>
    %dma_start3A_258 = tpu.memref_squeeze %dma_start3A_257 : memref<1x56x1024xf32, #tpu.memory_space<hbm>> -> memref<56x1024xf32, #tpu.memory_space<hbm>>
    %dma_start3A_259 = arith.constant 56 : i32
    %dma_start3A_260 = arith.constant 0 : i32
    %dma_start3A_261 = tpu.memref_slice %arg5[%dma_start3A_259, %dma_start3A_260] : memref<112x1024xf32, #tpu.memory_space<vmem>> -> memref<56x1024xf32, #tpu.memory_space<vmem>>
    tpu.enqueue_dma source(%dma_start3A_261 : memref<56x1024xf32, #tpu.memory_space<vmem>>) target(%dma_start3A_258 : memref<56x1024xf32, #tpu.memory_space<hbm>>) target_semaphore(%arg7 : memref<!tpu.dma_semaphore, #tpu.memory_space<semaphore_mem>>)
    %sub3A_262 = arith.constant 2 : i32
    %sub3A_263 = arith.subi %sub3A_47, %sub3A_262 : i32
    %jit3A_264 = arith.constant 2 : i32
    %div3A_265 = arith.divsi %sub3A_263, %jit3A_264 : i32
    %sign3A_266 = arith.constant 0 : i32
    %sign3A_267 = arith.cmpi sgt, %sub3A_263, %sign3A_266 : i32
    %sign3A_268 = arith.extui %sign3A_267 : i1 to i32
    %sign3A_269 = arith.constant 0 : i32
    %sign3A_270 = arith.cmpi slt, %sub3A_263, %sign3A_269 : i32
    %sign3A_271 = arith.extui %sign3A_270 : i1 to i32
    %sign3A_272 = arith.subi %sign3A_268, %sign3A_271 : i32
    %sign3A_273 = arith.constant 0 : i32
    %sign3A_274 = arith.cmpi sgt, %jit3A_264, %sign3A_273 : i32
    %sign3A_275 = arith.extui %sign3A_274 : i1 to i32
    %sign3A_276 = arith.constant 0 : i32
    %sign3A_277 = arith.cmpi slt, %jit3A_264, %sign3A_276 : i32
    %sign3A_278 = arith.extui %sign3A_277 : i1 to i32
    %sign3A_279 = arith.subi %sign3A_275, %sign3A_278 : i32
    %ne3A_280 = arith.cmpi ne, %sign3A_272, %sign3A_279 : i32
    %rem3A_281 = arith.remsi %sub3A_263, %jit3A_264 : i32
    %ne3A_282 = arith.constant 0 : i32
    %ne3A_283 = arith.cmpi ne, %rem3A_281, %ne3A_282 : i32
    %and3A_284 = arith.andi %ne3A_280, %ne3A_283 : i1
    %sub3A_285 = arith.constant 1 : i32
    %sub3A_286 = arith.subi %div3A_265, %sub3A_285 : i32
    %select_n3A_287 = arith.select %and3A_284, %sub3A_286, %div3A_265 : i32
    %while3A = arith.constant 0 : i32
    %while3A_288 = arith.constant 0 : i32
    %while3A_289 = arith.subi %select_n3A_287, %while3A_288 : i32
    %while3A_290 = arith.addi %while3A_288, %while3A_289 : i32
    %while3A_291 = arith.constant 1 : i32
    %while3A_292 = arith.divsi %while3A_289, %while3A_291 : i32
    %while3A_293 = arith.muli %while3A_292, %while3A_291 : i32
    %while3A_294 = arith.addi %while3A_288, %while3A_293 : i32
    %while3A_295 = arith.constant 1 : i32
    scf.for %while3A_344 = %while3A_288 to %while3A_294 step %while3A_295  : i32 {
      %mul3A_345 = arith.constant 2 : i32
      %mul3A_346 = arith.muli %while3A_344, %mul3A_345 : i32
      %add3A_347 = arith.constant 2 : i32
      %add3A_348 = arith.addi %add3A_347, %mul3A_346 : i32
      %add3A_349 = arith.addi %select_n3A, %add3A_348 : i32
      %jit3A_350 = arith.constant 18 : i32
      %div3A_351 = arith.divsi %add3A_349, %jit3A_350 : i32
      %sign3A_352 = arith.constant 0 : i32
      %sign3A_353 = arith.cmpi sgt, %add3A_349, %sign3A_352 : i32
      %sign3A_354 = arith.extui %sign3A_353 : i1 to i32
      %sign3A_355 = arith.constant 0 : i32
      %sign3A_356 = arith.cmpi slt, %add3A_349, %sign3A_355 : i32
      %sign3A_357 = arith.extui %sign3A_356 : i1 to i32
      %sign3A_358 = arith.subi %sign3A_354, %sign3A_357 : i32
      %sign3A_359 = arith.constant 0 : i32
      %sign3A_360 = arith.cmpi sgt, %jit3A_350, %sign3A_359 : i32
      %sign3A_361 = arith.extui %sign3A_360 : i1 to i32
      %sign3A_362 = arith.constant 0 : i32
      %sign3A_363 = arith.cmpi slt, %jit3A_350, %sign3A_362 : i32
      %sign3A_364 = arith.extui %sign3A_363 : i1 to i32
      %sign3A_365 = arith.subi %sign3A_361, %sign3A_364 : i32
      %ne3A_366 = arith.cmpi ne, %sign3A_358, %sign3A_365 : i32
      %rem3A_367 = arith.remsi %add3A_349, %jit3A_350 : i32
      %ne3A_368 = arith.constant 0 : i32
      %ne3A_369 = arith.cmpi ne, %rem3A_367, %ne3A_368 : i32
      %and3A_370 = arith.andi %ne3A_366, %ne3A_369 : i1
      %sub3A_371 = arith.constant 1 : i32
      %sub3A_372 = arith.subi %div3A_351, %sub3A_371 : i32
      %select_n3A_373 = arith.select %and3A_370, %sub3A_372, %div3A_351 : i32
      %mul3A_374 = arith.constant 18 : i32
      %mul3A_375 = arith.muli %select_n3A_373, %mul3A_374 : i32
      %sub3A_376 = arith.subi %add3A_349, %mul3A_375 : i32
      %mul3A_377 = arith.constant 56 : i32
      %mul3A_378 = arith.muli %sub3A_376, %mul3A_377 : i32
      %min3A_379 = arith.constant 944 : i32
      %min3A_380 = arith.minsi %mul3A_378, %min3A_379 : i32
      %multiple_of3A_381 = tpu.assume_multiple %min3A_380, 8 : i32
      %dma_wait3A_382 = arith.constant 0 : i32
      %dma_wait3A_383 = arith.constant 0 : i32
      %dma_wait3A_384 = arith.constant 0 : i32
      %dma_wait3A_385 = tpu.memref_slice %arg5[%dma_wait3A_383, %dma_wait3A_384] : memref<112x1024xf32, #tpu.memory_space<vmem>> -> memref<56x1024xf32, #tpu.memory_space<vmem>>
      %dma_wait3A_386 = arith.constant 0 : i32
      %dma_wait3A_387 = arith.constant 0 : i32
      %dma_wait3A_388 = tpu.memref_slice %arg3[%dma_wait3A_382, %dma_wait3A_386, %dma_wait3A_387] : memref<50x1000x1024xf32, #tpu.memory_space<hbm>> -> memref<1x56x1024xf32, #tpu.memory_space<hbm>>
      %dma_wait3A_389 = tpu.memref_squeeze %dma_wait3A_388 : memref<1x56x1024xf32, #tpu.memory_space<hbm>> -> memref<56x1024xf32, #tpu.memory_space<hbm>>
      %dma_wait3A_390 = arith.constant 0 : i32
      %dma_wait3A_391 = arith.constant 0 : i32
      %dma_wait3A_392 = tpu.memref_slice %arg3[%dma_wait3A_382, %dma_wait3A_390, %dma_wait3A_391] : memref<50x1000x1024xf32, #tpu.memory_space<hbm>> -> memref<1x56x1024xf32, #tpu.memory_space<hbm>>
      %dma_wait3A_393 = tpu.memref_squeeze %dma_wait3A_392 : memref<1x56x1024xf32, #tpu.memory_space<hbm>> -> memref<56x1024xf32, #tpu.memory_space<hbm>>
      %dma_wait3A_394 = arith.constant 0 : i32
      %dma_wait3A_395 = arith.constant 0 : i32
      %dma_wait3A_396 = tpu.memref_slice %arg5[%dma_wait3A_394, %dma_wait3A_395] : memref<112x1024xf32, #tpu.memory_space<vmem>> -> memref<56x1024xf32, #tpu.memory_space<vmem>>
      tpu.wait_dma2 semaphore(%arg6 : memref<!tpu.dma_semaphore, #tpu.memory_space<semaphore_mem>>) src(%dma_wait3A_396 : memref<56x1024xf32, #tpu.memory_space<vmem>>) dst(%dma_wait3A_393 : memref<56x1024xf32, #tpu.memory_space<hbm>>)
      %sub3A_397 = arith.constant 2 : i32
      %sub3A_398 = arith.subi %add3A_349, %sub3A_397 : i32
      %jit3A_399 = arith.constant 18 : i32
      %div3A_400 = arith.divsi %sub3A_398, %jit3A_399 : i32
      %sign3A_401 = arith.constant 0 : i32
      %sign3A_402 = arith.cmpi sgt, %sub3A_398, %sign3A_401 : i32
      %sign3A_403 = arith.extui %sign3A_402 : i1 to i32
      %sign3A_404 = arith.constant 0 : i32
      %sign3A_405 = arith.cmpi slt, %sub3A_398, %sign3A_404 : i32
      %sign3A_406 = arith.extui %sign3A_405 : i1 to i32
      %sign3A_407 = arith.subi %sign3A_403, %sign3A_406 : i32
      %sign3A_408 = arith.constant 0 : i32
      %sign3A_409 = arith.cmpi sgt, %jit3A_399, %sign3A_408 : i32
      %sign3A_410 = arith.extui %sign3A_409 : i1 to i32
      %sign3A_411 = arith.constant 0 : i32
      %sign3A_412 = arith.cmpi slt, %jit3A_399, %sign3A_411 : i32
      %sign3A_413 = arith.extui %sign3A_412 : i1 to i32
      %sign3A_414 = arith.subi %sign3A_410, %sign3A_413 : i32
      %ne3A_415 = arith.cmpi ne, %sign3A_407, %sign3A_414 : i32
      %rem3A_416 = arith.remsi %sub3A_398, %jit3A_399 : i32
      %ne3A_417 = arith.constant 0 : i32
      %ne3A_418 = arith.cmpi ne, %rem3A_416, %ne3A_417 : i32
      %and3A_419 = arith.andi %ne3A_415, %ne3A_418 : i1
      %sub3A_420 = arith.constant 1 : i32
      %sub3A_421 = arith.subi %div3A_400, %sub3A_420 : i32
      %select_n3A_422 = arith.select %and3A_419, %sub3A_421, %div3A_400 : i32
      %mul3A_423 = arith.constant 18 : i32
      %mul3A_424 = arith.muli %select_n3A_422, %mul3A_423 : i32
      %sub3A_425 = arith.subi %sub3A_398, %mul3A_424 : i32
      %mul3A_426 = arith.constant 56 : i32
      %mul3A_427 = arith.muli %sub3A_425, %mul3A_426 : i32
      %min3A_428 = arith.constant 944 : i32
      %min3A_429 = arith.minsi %mul3A_427, %min3A_428 : i32
      %multiple_of3A_430 = tpu.assume_multiple %min3A_429, 8 : i32
      %sub3A_431 = arith.subi %select_n3A_422, %min3A_72 : i32
      %scan3A_432 = arith.constant 0 : i32
      %scan3A_433 = arith.constant 0 : i32
      %scan3A_434 = arith.constant 8 : i32
      %scan3A_435 = arith.addi %scan3A_433, %scan3A_434 : i32
      %scan3A_436 = arith.constant 1 : i32
      scf.for %scan3A_569 = %scan3A_433 to %scan3A_435 step %scan3A_436  : i32 {
        %mul3A_570 = arith.constant 8 : i32
        %mul3A_571 = arith.muli %scan3A_569, %mul3A_570 : i32
        %add3A_572 = arith.constant 0 : i32
        %add3A_573 = arith.addi %mul3A_571, %add3A_572 : i32
        %mul3A_574 = arith.constant 1024 : i32
        %mul3A_575 = arith.muli %sub3A_431, %mul3A_574 : i32
        %mul3A_576 = arith.constant 16 : i32
        %mul3A_577 = arith.muli %add3A_573, %mul3A_576 : i32
        %add3A_578 = arith.addi %mul3A_575, %mul3A_577 : i32
        %get3A = arith.index_cast %add3A_578 : i32 to index
        %get3A_579 = tpu.vector_load %arg4[%get3A] {strides = array<i32>} : memref<3072xi32, #tpu.memory_space<vmem>>, vector<16xi32>,
        %sub3A_580 = vector.broadcast %multiple_of3A_430 : i32 to vector<16xi32>
        %sub3A_581 = arith.subi %get3A_579, %sub3A_580 : vector<16xi32>
        %ge3A = arith.constant 0 : i32
        %ge3A_582 = vector.broadcast %ge3A : i32 to vector<16xi32>
        %ge3A_583 = arith.cmpi sge, %sub3A_581, %ge3A_582 : vector<16xi32>
        %lt3A_584 = arith.constant 56 : i32
        %lt3A_585 = vector.broadcast %lt3A_584 : i32 to vector<16xi32>
        %lt3A_586 = arith.cmpi slt, %sub3A_581, %lt3A_585 : vector<16xi32>
        %and3A_587 = arith.andi %ge3A_583, %lt3A_586 : vector<16xi1>
        %add3A_588 = arith.constant 0 : i32
        %add3A_589 = vector.broadcast %add3A_588 : i32 to vector<16xi32>
        %add3A_590 = arith.addi %sub3A_581, %add3A_589 : vector<16xi32>
        %mul3A_591 = arith.constant 16 : i32
        %mul3A_592 = arith.muli %add3A_573, %mul3A_591 : i32
        %add3A_593 = vector.broadcast %mul3A_592 : i32 to vector<16xi32>
        %add3A_594 = arith.addi %iota3A, %add3A_593 : vector<16xi32>
        tpu.vector_store_idx %arg5[%add3A_590, %add3A_594], %broadcast_in_dim3A_108 masked %and3A_587 : memref<112x1024xf32, #tpu.memory_space<vmem>>[vector<16xi32>, vector<16xi32>], vector<16xf32>, vector<16xi1>
        %mul3A_595 = arith.constant 8 : i32
        %mul3A_596 = arith.muli %scan3A_569, %mul3A_595 : i32
        %add3A_597 = arith.constant 1 : i32
        %add3A_598 = arith.addi %mul3A_596, %add3A_597 : i32
        %mul3A_599 = arith.constant 1024 : i32
        %mul3A_600 = arith.muli %sub3A_431, %mul3A_599 : i32
        %mul3A_601 = arith.constant 16 : i32
        %mul3A_602 = arith.muli %add3A_598, %mul3A_601 : i32
        %add3A_603 = arith.addi %mul3A_600, %mul3A_602 : i32
        %get3A_604 = arith.index_cast %add3A_603 : i32 to index
        %get3A_605 = tpu.vector_load %arg4[%get3A_604] {strides = array<i32>} : memref<3072xi32, #tpu.memory_space<vmem>>, vector<16xi32>,
        %sub3A_606 = vector.broadcast %multiple_of3A_430 : i32 to vector<16xi32>
        %sub3A_607 = arith.subi %get3A_605, %sub3A_606 : vector<16xi32>
        %ge3A_608 = arith.constant 0 : i32
        %ge3A_609 = vector.broadcast %ge3A_608 : i32 to vector<16xi32>
        %ge3A_610 = arith.cmpi sge, %sub3A_607, %ge3A_609 : vector<16xi32>
        %lt3A_611 = arith.constant 56 : i32
        %lt3A_612 = vector.broadcast %lt3A_611 : i32 to vector<16xi32>
        %lt3A_613 = arith.cmpi slt, %sub3A_607, %lt3A_612 : vector<16xi32>
        %and3A_614 = arith.andi %ge3A_610, %lt3A_613 : vector<16xi1>
        %add3A_615 = arith.constant 0 : i32
        %add3A_616 = vector.broadcast %add3A_615 : i32 to vector<16xi32>
        %add3A_617 = arith.addi %sub3A_607, %add3A_616 : vector<16xi32>
        %mul3A_618 = arith.constant 16 : i32
        %mul3A_619 = arith.muli %add3A_598, %mul3A_618 : i32
        %add3A_620 = vector.broadcast %mul3A_619 : i32 to vector<16xi32>
        %add3A_621 = arith.addi %iota3A, %add3A_620 : vector<16xi32>
        tpu.vector_store_idx %arg5[%add3A_617, %add3A_621], %broadcast_in_dim3A_108 masked %and3A_614 : memref<112x1024xf32, #tpu.memory_space<vmem>>[vector<16xi32>, vector<16xi32>], vector<16xf32>, vector<16xi1>
        %mul3A_622 = arith.constant 8 : i32
        %mul3A_623 = arith.muli %scan3A_569, %mul3A_622 : i32
        %add3A_624 = arith.constant 2 : i32
        %add3A_625 = arith.addi %mul3A_623, %add3A_624 : i32
        %mul3A_626 = arith.constant 1024 : i32
        %mul3A_627 = arith.muli %sub3A_431, %mul3A_626 : i32
        %mul3A_628 = arith.constant 16 : i32
        %mul3A_629 = arith.muli %add3A_625, %mul3A_628 : i32
        %add3A_630 = arith.addi %mul3A_627, %mul3A_629 : i32
        %get3A_631 = arith.index_cast %add3A_630 : i32 to index
        %get3A_632 = tpu.vector_load %arg4[%get3A_631] {strides = array<i32>} : memref<3072xi32, #tpu.memory_space<vmem>>, vector<16xi32>,
        %sub3A_633 = vector.broadcast %multiple_of3A_430 : i32 to vector<16xi32>
        %sub3A_634 = arith.subi %get3A_632, %sub3A_633 : vector<16xi32>
        %ge3A_635 = arith.constant 0 : i32
        %ge3A_636 = vector.broadcast %ge3A_635 : i32 to vector<16xi32>
        %ge3A_637 = arith.cmpi sge, %sub3A_634, %ge3A_636 : vector<16xi32>
        %lt3A_638 = arith.constant 56 : i32
        %lt3A_639 = vector.broadcast %lt3A_638 : i32 to vector<16xi32>
        %lt3A_640 = arith.cmpi slt, %sub3A_634, %lt3A_639 : vector<16xi32>
        %and3A_641 = arith.andi %ge3A_637, %lt3A_640 : vector<16xi1>
        %add3A_642 = arith.constant 0 : i32
        %add3A_643 = vector.broadcast %add3A_642 : i32 to vector<16xi32>
        %add3A_644 = arith.addi %sub3A_634, %add3A_643 : vector<16xi32>
        %mul3A_645 = arith.constant 16 : i32
        %mul3A_646 = arith.muli %add3A_625, %mul3A_645 : i32
        %add3A_647 = vector.broadcast %mul3A_646 : i32 to vector<16xi32>
        %add3A_648 = arith.addi %iota3A, %add3A_647 : vector<16xi32>
        tpu.vector_store_idx %arg5[%add3A_644, %add3A_648], %broadcast_in_dim3A_108 masked %and3A_641 : memref<112x1024xf32, #tpu.memory_space<vmem>>[vector<16xi32>, vector<16xi32>], vector<16xf32>, vector<16xi1>
        %mul3A_649 = arith.constant 8 : i32
        %mul3A_650 = arith.muli %scan3A_569, %mul3A_649 : i32
        %add3A_651 = arith.constant 3 : i32
        %add3A_652 = arith.addi %mul3A_650, %add3A_651 : i32
        %mul3A_653 = arith.constant 1024 : i32
        %mul3A_654 = arith.muli %sub3A_431, %mul3A_653 : i32
        %mul3A_655 = arith.constant 16 : i32
        %mul3A_656 = arith.muli %add3A_652, %mul3A_655 : i32
        %add3A_657 = arith.addi %mul3A_654, %mul3A_656 : i32
        %get3A_658 = arith.index_cast %add3A_657 : i32 to index
        %get3A_659 = tpu.vector_load %arg4[%get3A_658] {strides = array<i32>} : memref<3072xi32, #tpu.memory_space<vmem>>, vector<16xi32>,
        %sub3A_660 = vector.broadcast %multiple_of3A_430 : i32 to vector<16xi32>
        %sub3A_661 = arith.subi %get3A_659, %sub3A_660 : vector<16xi32>
        %ge3A_662 = arith.constant 0 : i32
        %ge3A_663 = vector.broadcast %ge3A_662 : i32 to vector<16xi32>
        %ge3A_664 = arith.cmpi sge, %sub3A_661, %ge3A_663 : vector<16xi32>
        %lt3A_665 = arith.constant 56 : i32
        %lt3A_666 = vector.broadcast %lt3A_665 : i32 to vector<16xi32>
        %lt3A_667 = arith.cmpi slt, %sub3A_661, %lt3A_666 : vector<16xi32>
        %and3A_668 = arith.andi %ge3A_664, %lt3A_667 : vector<16xi1>
        %add3A_669 = arith.constant 0 : i32
        %add3A_670 = vector.broadcast %add3A_669 : i32 to vector<16xi32>
        %add3A_671 = arith.addi %sub3A_661, %add3A_670 : vector<16xi32>
        %mul3A_672 = arith.constant 16 : i32
        %mul3A_673 = arith.muli %add3A_652, %mul3A_672 : i32
        %add3A_674 = vector.broadcast %mul3A_673 : i32 to vector<16xi32>
        %add3A_675 = arith.addi %iota3A, %add3A_674 : vector<16xi32>
        tpu.vector_store_idx %arg5[%add3A_671, %add3A_675], %broadcast_in_dim3A_108 masked %and3A_668 : memref<112x1024xf32, #tpu.memory_space<vmem>>[vector<16xi32>, vector<16xi32>], vector<16xf32>, vector<16xi1>
        %mul3A_676 = arith.constant 8 : i32
        %mul3A_677 = arith.muli %scan3A_569, %mul3A_676 : i32
        %add3A_678 = arith.constant 4 : i32
        %add3A_679 = arith.addi %mul3A_677, %add3A_678 : i32
        %mul3A_680 = arith.constant 1024 : i32
        %mul3A_681 = arith.muli %sub3A_431, %mul3A_680 : i32
        %mul3A_682 = arith.constant 16 : i32
        %mul3A_683 = arith.muli %add3A_679, %mul3A_682 : i32
        %add3A_684 = arith.addi %mul3A_681, %mul3A_683 : i32
        %get3A_685 = arith.index_cast %add3A_684 : i32 to index
        %get3A_686 = tpu.vector_load %arg4[%get3A_685] {strides = array<i32>} : memref<3072xi32, #tpu.memory_space<vmem>>, vector<16xi32>,
        %sub3A_687 = vector.broadcast %multiple_of3A_430 : i32 to vector<16xi32>
        %sub3A_688 = arith.subi %get3A_686, %sub3A_687 : vector<16xi32>
        %ge3A_689 = arith.constant 0 : i32
        %ge3A_690 = vector.broadcast %ge3A_689 : i32 to vector<16xi32>
        %ge3A_691 = arith.cmpi sge, %sub3A_688, %ge3A_690 : vector<16xi32>
        %lt3A_692 = arith.constant 56 : i32
        %lt3A_693 = vector.broadcast %lt3A_692 : i32 to vector<16xi32>
        %lt3A_694 = arith.cmpi slt, %sub3A_688, %lt3A_693 : vector<16xi32>
        %and3A_695 = arith.andi %ge3A_691, %lt3A_694 : vector<16xi1>
        %add3A_696 = arith.constant 0 : i32
        %add3A_697 = vector.broadcast %add3A_696 : i32 to vector<16xi32>
        %add3A_698 = arith.addi %sub3A_688, %add3A_697 : vector<16xi32>
        %mul3A_699 = arith.constant 16 : i32
        %mul3A_700 = arith.muli %add3A_679, %mul3A_699 : i32
        %add3A_701 = vector.broadcast %mul3A_700 : i32 to vector<16xi32>
        %add3A_702 = arith.addi %iota3A, %add3A_701 : vector<16xi32>
        tpu.vector_store_idx %arg5[%add3A_698, %add3A_702], %broadcast_in_dim3A_108 masked %and3A_695 : memref<112x1024xf32, #tpu.memory_space<vmem>>[vector<16xi32>, vector<16xi32>], vector<16xf32>, vector<16xi1>
        %mul3A_703 = arith.constant 8 : i32
        %mul3A_704 = arith.muli %scan3A_569, %mul3A_703 : i32
        %add3A_705 = arith.constant 5 : i32
        %add3A_706 = arith.addi %mul3A_704, %add3A_705 : i32
        %mul3A_707 = arith.constant 1024 : i32
        %mul3A_708 = arith.muli %sub3A_431, %mul3A_707 : i32
        %mul3A_709 = arith.constant 16 : i32
        %mul3A_710 = arith.muli %add3A_706, %mul3A_709 : i32
        %add3A_711 = arith.addi %mul3A_708, %mul3A_710 : i32
        %get3A_712 = arith.index_cast %add3A_711 : i32 to index
        %get3A_713 = tpu.vector_load %arg4[%get3A_712] {strides = array<i32>} : memref<3072xi32, #tpu.memory_space<vmem>>, vector<16xi32>,
        %sub3A_714 = vector.broadcast %multiple_of3A_430 : i32 to vector<16xi32>
        %sub3A_715 = arith.subi %get3A_713, %sub3A_714 : vector<16xi32>
        %ge3A_716 = arith.constant 0 : i32
        %ge3A_717 = vector.broadcast %ge3A_716 : i32 to vector<16xi32>
        %ge3A_718 = arith.cmpi sge, %sub3A_715, %ge3A_717 : vector<16xi32>
        %lt3A_719 = arith.constant 56 : i32
        %lt3A_720 = vector.broadcast %lt3A_719 : i32 to vector<16xi32>
        %lt3A_721 = arith.cmpi slt, %sub3A_715, %lt3A_720 : vector<16xi32>
        %and3A_722 = arith.andi %ge3A_718, %lt3A_721 : vector<16xi1>
        %add3A_723 = arith.constant 0 : i32
        %add3A_724 = vector.broadcast %add3A_723 : i32 to vector<16xi32>
        %add3A_725 = arith.addi %sub3A_715, %add3A_724 : vector<16xi32>
        %mul3A_726 = arith.constant 16 : i32
        %mul3A_727 = arith.muli %add3A_706, %mul3A_726 : i32
        %add3A_728 = vector.broadcast %mul3A_727 : i32 to vector<16xi32>
        %add3A_729 = arith.addi %iota3A, %add3A_728 : vector<16xi32>
        tpu.vector_store_idx %arg5[%add3A_725, %add3A_729], %broadcast_in_dim3A_108 masked %and3A_722 : memref<112x1024xf32, #tpu.memory_space<vmem>>[vector<16xi32>, vector<16xi32>], vector<16xf32>, vector<16xi1>
        %mul3A_730 = arith.constant 8 : i32
        %mul3A_731 = arith.muli %scan3A_569, %mul3A_730 : i32
        %add3A_732 = arith.constant 6 : i32
        %add3A_733 = arith.addi %mul3A_731, %add3A_732 : i32
        %mul3A_734 = arith.constant 1024 : i32
        %mul3A_735 = arith.muli %sub3A_431, %mul3A_734 : i32
        %mul3A_736 = arith.constant 16 : i32
        %mul3A_737 = arith.muli %add3A_733, %mul3A_736 : i32
        %add3A_738 = arith.addi %mul3A_735, %mul3A_737 : i32
        %get3A_739 = arith.index_cast %add3A_738 : i32 to index
        %get3A_740 = tpu.vector_load %arg4[%get3A_739] {strides = array<i32>} : memref<3072xi32, #tpu.memory_space<vmem>>, vector<16xi32>,
        %sub3A_741 = vector.broadcast %multiple_of3A_430 : i32 to vector<16xi32>
        %sub3A_742 = arith.subi %get3A_740, %sub3A_741 : vector<16xi32>
        %ge3A_743 = arith.constant 0 : i32
        %ge3A_744 = vector.broadcast %ge3A_743 : i32 to vector<16xi32>
        %ge3A_745 = arith.cmpi sge, %sub3A_742, %ge3A_744 : vector<16xi32>
        %lt3A_746 = arith.constant 56 : i32
        %lt3A_747 = vector.broadcast %lt3A_746 : i32 to vector<16xi32>
        %lt3A_748 = arith.cmpi slt, %sub3A_742, %lt3A_747 : vector<16xi32>
        %and3A_749 = arith.andi %ge3A_745, %lt3A_748 : vector<16xi1>
        %add3A_750 = arith.constant 0 : i32
        %add3A_751 = vector.broadcast %add3A_750 : i32 to vector<16xi32>
        %add3A_752 = arith.addi %sub3A_742, %add3A_751 : vector<16xi32>
        %mul3A_753 = arith.constant 16 : i32
        %mul3A_754 = arith.muli %add3A_733, %mul3A_753 : i32
        %add3A_755 = vector.broadcast %mul3A_754 : i32 to vector<16xi32>
        %add3A_756 = arith.addi %iota3A, %add3A_755 : vector<16xi32>
        tpu.vector_store_idx %arg5[%add3A_752, %add3A_756], %broadcast_in_dim3A_108 masked %and3A_749 : memref<112x1024xf32, #tpu.memory_space<vmem>>[vector<16xi32>, vector<16xi32>], vector<16xf32>, vector<16xi1>
        %mul3A_757 = arith.constant 8 : i32
        %mul3A_758 = arith.muli %scan3A_569, %mul3A_757 : i32
        %add3A_759 = arith.constant 7 : i32
        %add3A_760 = arith.addi %mul3A_758, %add3A_759 : i32
        %mul3A_761 = arith.constant 1024 : i32
        %mul3A_762 = arith.muli %sub3A_431, %mul3A_761 : i32
        %mul3A_763 = arith.constant 16 : i32
        %mul3A_764 = arith.muli %add3A_760, %mul3A_763 : i32
        %add3A_765 = arith.addi %mul3A_762, %mul3A_764 : i32
        %get3A_766 = arith.index_cast %add3A_765 : i32 to index
        %get3A_767 = tpu.vector_load %arg4[%get3A_766] {strides = array<i32>} : memref<3072xi32, #tpu.memory_space<vmem>>, vector<16xi32>,
        %sub3A_768 = vector.broadcast %multiple_of3A_430 : i32 to vector<16xi32>
        %sub3A_769 = arith.subi %get3A_767, %sub3A_768 : vector<16xi32>
        %ge3A_770 = arith.constant 0 : i32
        %ge3A_771 = vector.broadcast %ge3A_770 : i32 to vector<16xi32>
        %ge3A_772 = arith.cmpi sge, %sub3A_769, %ge3A_771 : vector<16xi32>
        %lt3A_773 = arith.constant 56 : i32
        %lt3A_774 = vector.broadcast %lt3A_773 : i32 to vector<16xi32>
        %lt3A_775 = arith.cmpi slt, %sub3A_769, %lt3A_774 : vector<16xi32>
        %and3A_776 = arith.andi %ge3A_772, %lt3A_775 : vector<16xi1>
        %add3A_777 = arith.constant 0 : i32
        %add3A_778 = vector.broadcast %add3A_777 : i32 to vector<16xi32>
        %add3A_779 = arith.addi %sub3A_769, %add3A_778 : vector<16xi32>
        %mul3A_780 = arith.constant 16 : i32
        %mul3A_781 = arith.muli %add3A_760, %mul3A_780 : i32
        %add3A_782 = vector.broadcast %mul3A_781 : i32 to vector<16xi32>
        %add3A_783 = arith.addi %iota3A, %add3A_782 : vector<16xi32>
        tpu.vector_store_idx %arg5[%add3A_779, %add3A_783], %broadcast_in_dim3A_108 masked %and3A_776 : memref<112x1024xf32, #tpu.memory_space<vmem>>[vector<16xi32>, vector<16xi32>], vector<16xf32>, vector<16xi1>
      }
      %scan3A_437 = arith.constant 8 : i32
      %sub3A_438 = arith.subi %select_n3A_373, %min3A_72 : i32
      %scan3A_439 = arith.constant 0 : i32
      %scan3A_440 = arith.constant 0 : i32
      %scan3A_441 = arith.constant 8 : i32
      %scan3A_442 = arith.addi %scan3A_440, %scan3A_441 : i32
      %scan3A_443 = arith.constant 1 : i32
      scf.for %scan3A_569 = %scan3A_440 to %scan3A_442 step %scan3A_443  : i32 {
        %mul3A_570 = arith.constant 8 : i32
        %mul3A_571 = arith.muli %scan3A_569, %mul3A_570 : i32
        %add3A_572 = arith.constant 0 : i32
        %add3A_573 = arith.addi %mul3A_571, %add3A_572 : i32
        %mul3A_574 = arith.constant 1024 : i32
        %mul3A_575 = arith.muli %sub3A_438, %mul3A_574 : i32
        %mul3A_576 = arith.constant 16 : i32
        %mul3A_577 = arith.muli %add3A_573, %mul3A_576 : i32
        %add3A_578 = arith.addi %mul3A_575, %mul3A_577 : i32
        %get3A = arith.index_cast %add3A_578 : i32 to index
        %get3A_579 = tpu.vector_load %arg4[%get3A] {strides = array<i32>} : memref<3072xi32, #tpu.memory_space<vmem>>, vector<16xi32>,
        %sub3A_580 = vector.broadcast %multiple_of3A_381 : i32 to vector<16xi32>
        %sub3A_581 = arith.subi %get3A_579, %sub3A_580 : vector<16xi32>
        %ge3A = arith.constant 0 : i32
        %ge3A_582 = vector.broadcast %ge3A : i32 to vector<16xi32>
        %ge3A_583 = arith.cmpi sge, %sub3A_581, %ge3A_582 : vector<16xi32>
        %lt3A_584 = arith.constant 56 : i32
        %lt3A_585 = vector.broadcast %lt3A_584 : i32 to vector<16xi32>
        %lt3A_586 = arith.cmpi slt, %sub3A_581, %lt3A_585 : vector<16xi32>
        %and3A_587 = arith.andi %ge3A_583, %lt3A_586 : vector<16xi1>
        %add3A_588 = arith.constant 0 : i32
        %add3A_589 = vector.broadcast %add3A_588 : i32 to vector<16xi32>
        %add3A_590 = arith.addi %sub3A_581, %add3A_589 : vector<16xi32>
        %mul3A_591 = arith.constant 16 : i32
        %mul3A_592 = arith.muli %add3A_573, %mul3A_591 : i32
        %add3A_593 = vector.broadcast %mul3A_592 : i32 to vector<16xi32>
        %add3A_594 = arith.addi %iota3A, %add3A_593 : vector<16xi32>
        tpu.vector_store_idx %arg5[%add3A_590, %add3A_594], %broadcast_in_dim3A_110 masked %and3A_587 : memref<112x1024xf32, #tpu.memory_space<vmem>>[vector<16xi32>, vector<16xi32>], vector<16xf32>, vector<16xi1>
        %mul3A_595 = arith.constant 8 : i32
        %mul3A_596 = arith.muli %scan3A_569, %mul3A_595 : i32
        %add3A_597 = arith.constant 1 : i32
        %add3A_598 = arith.addi %mul3A_596, %add3A_597 : i32
        %mul3A_599 = arith.constant 1024 : i32
        %mul3A_600 = arith.muli %sub3A_438, %mul3A_599 : i32
        %mul3A_601 = arith.constant 16 : i32
        %mul3A_602 = arith.muli %add3A_598, %mul3A_601 : i32
        %add3A_603 = arith.addi %mul3A_600, %mul3A_602 : i32
        %get3A_604 = arith.index_cast %add3A_603 : i32 to index
        %get3A_605 = tpu.vector_load %arg4[%get3A_604] {strides = array<i32>} : memref<3072xi32, #tpu.memory_space<vmem>>, vector<16xi32>,
        %sub3A_606 = vector.broadcast %multiple_of3A_381 : i32 to vector<16xi32>
        %sub3A_607 = arith.subi %get3A_605, %sub3A_606 : vector<16xi32>
        %ge3A_608 = arith.constant 0 : i32
        %ge3A_609 = vector.broadcast %ge3A_608 : i32 to vector<16xi32>
        %ge3A_610 = arith.cmpi sge, %sub3A_607, %ge3A_609 : vector<16xi32>
        %lt3A_611 = arith.constant 56 : i32
        %lt3A_612 = vector.broadcast %lt3A_611 : i32 to vector<16xi32>
        %lt3A_613 = arith.cmpi slt, %sub3A_607, %lt3A_612 : vector<16xi32>
        %and3A_614 = arith.andi %ge3A_610, %lt3A_613 : vector<16xi1>
        %add3A_615 = arith.constant 0 : i32
        %add3A_616 = vector.broadcast %add3A_615 : i32 to vector<16xi32>
        %add3A_617 = arith.addi %sub3A_607, %add3A_616 : vector<16xi32>
        %mul3A_618 = arith.constant 16 : i32
        %mul3A_619 = arith.muli %add3A_598, %mul3A_618 : i32
        %add3A_620 = vector.broadcast %mul3A_619 : i32 to vector<16xi32>
        %add3A_621 = arith.addi %iota3A, %add3A_620 : vector<16xi32>
        tpu.vector_store_idx %arg5[%add3A_617, %add3A_621], %broadcast_in_dim3A_110 masked %and3A_614 : memref<112x1024xf32, #tpu.memory_space<vmem>>[vector<16xi32>, vector<16xi32>], vector<16xf32>, vector<16xi1>
        %mul3A_622 = arith.constant 8 : i32
        %mul3A_623 = arith.muli %scan3A_569, %mul3A_622 : i32
        %add3A_624 = arith.constant 2 : i32
        %add3A_625 = arith.addi %mul3A_623, %add3A_624 : i32
        %mul3A_626 = arith.constant 1024 : i32
        %mul3A_627 = arith.muli %sub3A_438, %mul3A_626 : i32
        %mul3A_628 = arith.constant 16 : i32
        %mul3A_629 = arith.muli %add3A_625, %mul3A_628 : i32
        %add3A_630 = arith.addi %mul3A_627, %mul3A_629 : i32
        %get3A_631 = arith.index_cast %add3A_630 : i32 to index
        %get3A_632 = tpu.vector_load %arg4[%get3A_631] {strides = array<i32>} : memref<3072xi32, #tpu.memory_space<vmem>>, vector<16xi32>,
        %sub3A_633 = vector.broadcast %multiple_of3A_381 : i32 to vector<16xi32>
        %sub3A_634 = arith.subi %get3A_632, %sub3A_633 : vector<16xi32>
        %ge3A_635 = arith.constant 0 : i32
        %ge3A_636 = vector.broadcast %ge3A_635 : i32 to vector<16xi32>
        %ge3A_637 = arith.cmpi sge, %sub3A_634, %ge3A_636 : vector<16xi32>
        %lt3A_638 = arith.constant 56 : i32
        %lt3A_639 = vector.broadcast %lt3A_638 : i32 to vector<16xi32>
        %lt3A_640 = arith.cmpi slt, %sub3A_634, %lt3A_639 : vector<16xi32>
        %and3A_641 = arith.andi %ge3A_637, %lt3A_640 : vector<16xi1>
        %add3A_642 = arith.constant 0 : i32
        %add3A_643 = vector.broadcast %add3A_642 : i32 to vector<16xi32>
        %add3A_644 = arith.addi %sub3A_634, %add3A_643 : vector<16xi32>
        %mul3A_645 = arith.constant 16 : i32
        %mul3A_646 = arith.muli %add3A_625, %mul3A_645 : i32
        %add3A_647 = vector.broadcast %mul3A_646 : i32 to vector<16xi32>
        %add3A_648 = arith.addi %iota3A, %add3A_647 : vector<16xi32>
        tpu.vector_store_idx %arg5[%add3A_644, %add3A_648], %broadcast_in_dim3A_110 masked %and3A_641 : memref<112x1024xf32, #tpu.memory_space<vmem>>[vector<16xi32>, vector<16xi32>], vector<16xf32>, vector<16xi1>
        %mul3A_649 = arith.constant 8 : i32
        %mul3A_650 = arith.muli %scan3A_569, %mul3A_649 : i32
        %add3A_651 = arith.constant 3 : i32
        %add3A_652 = arith.addi %mul3A_650, %add3A_651 : i32
        %mul3A_653 = arith.constant 1024 : i32
        %mul3A_654 = arith.muli %sub3A_438, %mul3A_653 : i32
        %mul3A_655 = arith.constant 16 : i32
        %mul3A_656 = arith.muli %add3A_652, %mul3A_655 : i32
        %add3A_657 = arith.addi %mul3A_654, %mul3A_656 : i32
        %get3A_658 = arith.index_cast %add3A_657 : i32 to index
        %get3A_659 = tpu.vector_load %arg4[%get3A_658] {strides = array<i32>} : memref<3072xi32, #tpu.memory_space<vmem>>, vector<16xi32>,
        %sub3A_660 = vector.broadcast %multiple_of3A_381 : i32 to vector<16xi32>
        %sub3A_661 = arith.subi %get3A_659, %sub3A_660 : vector<16xi32>
        %ge3A_662 = arith.constant 0 : i32
        %ge3A_663 = vector.broadcast %ge3A_662 : i32 to vector<16xi32>
        %ge3A_664 = arith.cmpi sge, %sub3A_661, %ge3A_663 : vector<16xi32>
        %lt3A_665 = arith.constant 56 : i32
        %lt3A_666 = vector.broadcast %lt3A_665 : i32 to vector<16xi32>
        %lt3A_667 = arith.cmpi slt, %sub3A_661, %lt3A_666 : vector<16xi32>
        %and3A_668 = arith.andi %ge3A_664, %lt3A_667 : vector<16xi1>
        %add3A_669 = arith.constant 0 : i32
        %add3A_670 = vector.broadcast %add3A_669 : i32 to vector<16xi32>
        %add3A_671 = arith.addi %sub3A_661, %add3A_670 : vector<16xi32>
        %mul3A_672 = arith.constant 16 : i32
        %mul3A_673 = arith.muli %add3A_652, %mul3A_672 : i32
        %add3A_674 = vector.broadcast %mul3A_673 : i32 to vector<16xi32>
        %add3A_675 = arith.addi %iota3A, %add3A_674 : vector<16xi32>
        tpu.vector_store_idx %arg5[%add3A_671, %add3A_675], %broadcast_in_dim3A_110 masked %and3A_668 : memref<112x1024xf32, #tpu.memory_space<vmem>>[vector<16xi32>, vector<16xi32>], vector<16xf32>, vector<16xi1>
        %mul3A_676 = arith.constant 8 : i32
        %mul3A_677 = arith.muli %scan3A_569, %mul3A_676 : i32
        %add3A_678 = arith.constant 4 : i32
        %add3A_679 = arith.addi %mul3A_677, %add3A_678 : i32
        %mul3A_680 = arith.constant 1024 : i32
        %mul3A_681 = arith.muli %sub3A_438, %mul3A_680 : i32
        %mul3A_682 = arith.constant 16 : i32
        %mul3A_683 = arith.muli %add3A_679, %mul3A_682 : i32
        %add3A_684 = arith.addi %mul3A_681, %mul3A_683 : i32
        %get3A_685 = arith.index_cast %add3A_684 : i32 to index
        %get3A_686 = tpu.vector_load %arg4[%get3A_685] {strides = array<i32>} : memref<3072xi32, #tpu.memory_space<vmem>>, vector<16xi32>,
        %sub3A_687 = vector.broadcast %multiple_of3A_381 : i32 to vector<16xi32>
        %sub3A_688 = arith.subi %get3A_686, %sub3A_687 : vector<16xi32>
        %ge3A_689 = arith.constant 0 : i32
        %ge3A_690 = vector.broadcast %ge3A_689 : i32 to vector<16xi32>
        %ge3A_691 = arith.cmpi sge, %sub3A_688, %ge3A_690 : vector<16xi32>
        %lt3A_692 = arith.constant 56 : i32
        %lt3A_693 = vector.broadcast %lt3A_692 : i32 to vector<16xi32>
        %lt3A_694 = arith.cmpi slt, %sub3A_688, %lt3A_693 : vector<16xi32>
        %and3A_695 = arith.andi %ge3A_691, %lt3A_694 : vector<16xi1>
        %add3A_696 = arith.constant 0 : i32
        %add3A_697 = vector.broadcast %add3A_696 : i32 to vector<16xi32>
        %add3A_698 = arith.addi %sub3A_688, %add3A_697 : vector<16xi32>
        %mul3A_699 = arith.constant 16 : i32
        %mul3A_700 = arith.muli %add3A_679, %mul3A_699 : i32
        %add3A_701 = vector.broadcast %mul3A_700 : i32 to vector<16xi32>
        %add3A_702 = arith.addi %iota3A, %add3A_701 : vector<16xi32>
        tpu.vector_store_idx %arg5[%add3A_698, %add3A_702], %broadcast_in_dim3A_110 masked %and3A_695 : memref<112x1024xf32, #tpu.memory_space<vmem>>[vector<16xi32>, vector<16xi32>], vector<16xf32>, vector<16xi1>
        %mul3A_703 = arith.constant 8 : i32
        %mul3A_704 = arith.muli %scan3A_569, %mul3A_703 : i32
        %add3A_705 = arith.constant 5 : i32
        %add3A_706 = arith.addi %mul3A_704, %add3A_705 : i32
        %mul3A_707 = arith.constant 1024 : i32
        %mul3A_708 = arith.muli %sub3A_438, %mul3A_707 : i32
        %mul3A_709 = arith.constant 16 : i32
        %mul3A_710 = arith.muli %add3A_706, %mul3A_709 : i32
        %add3A_711 = arith.addi %mul3A_708, %mul3A_710 : i32
        %get3A_712 = arith.index_cast %add3A_711 : i32 to index
        %get3A_713 = tpu.vector_load %arg4[%get3A_712] {strides = array<i32>} : memref<3072xi32, #tpu.memory_space<vmem>>, vector<16xi32>,
        %sub3A_714 = vector.broadcast %multiple_of3A_381 : i32 to vector<16xi32>
        %sub3A_715 = arith.subi %get3A_713, %sub3A_714 : vector<16xi32>
        %ge3A_716 = arith.constant 0 : i32
        %ge3A_717 = vector.broadcast %ge3A_716 : i32 to vector<16xi32>
        %ge3A_718 = arith.cmpi sge, %sub3A_715, %ge3A_717 : vector<16xi32>
        %lt3A_719 = arith.constant 56 : i32
        %lt3A_720 = vector.broadcast %lt3A_719 : i32 to vector<16xi32>
        %lt3A_721 = arith.cmpi slt, %sub3A_715, %lt3A_720 : vector<16xi32>
        %and3A_722 = arith.andi %ge3A_718, %lt3A_721 : vector<16xi1>
        %add3A_723 = arith.constant 0 : i32
        %add3A_724 = vector.broadcast %add3A_723 : i32 to vector<16xi32>
        %add3A_725 = arith.addi %sub3A_715, %add3A_724 : vector<16xi32>
        %mul3A_726 = arith.constant 16 : i32
        %mul3A_727 = arith.muli %add3A_706, %mul3A_726 : i32
        %add3A_728 = vector.broadcast %mul3A_727 : i32 to vector<16xi32>
        %add3A_729 = arith.addi %iota3A, %add3A_728 : vector<16xi32>
        tpu.vector_store_idx %arg5[%add3A_725, %add3A_729], %broadcast_in_dim3A_110 masked %and3A_722 : memref<112x1024xf32, #tpu.memory_space<vmem>>[vector<16xi32>, vector<16xi32>], vector<16xf32>, vector<16xi1>
        %mul3A_730 = arith.constant 8 : i32
        %mul3A_731 = arith.muli %scan3A_569, %mul3A_730 : i32
        %add3A_732 = arith.constant 6 : i32
        %add3A_733 = arith.addi %mul3A_731, %add3A_732 : i32
        %mul3A_734 = arith.constant 1024 : i32
        %mul3A_735 = arith.muli %sub3A_438, %mul3A_734 : i32
        %mul3A_736 = arith.constant 16 : i32
        %mul3A_737 = arith.muli %add3A_733, %mul3A_736 : i32
        %add3A_738 = arith.addi %mul3A_735, %mul3A_737 : i32
        %get3A_739 = arith.index_cast %add3A_738 : i32 to index
        %get3A_740 = tpu.vector_load %arg4[%get3A_739] {strides = array<i32>} : memref<3072xi32, #tpu.memory_space<vmem>>, vector<16xi32>,
        %sub3A_741 = vector.broadcast %multiple_of3A_381 : i32 to vector<16xi32>
        %sub3A_742 = arith.subi %get3A_740, %sub3A_741 : vector<16xi32>
        %ge3A_743 = arith.constant 0 : i32
        %ge3A_744 = vector.broadcast %ge3A_743 : i32 to vector<16xi32>
        %ge3A_745 = arith.cmpi sge, %sub3A_742, %ge3A_744 : vector<16xi32>
        %lt3A_746 = arith.constant 56 : i32
        %lt3A_747 = vector.broadcast %lt3A_746 : i32 to vector<16xi32>
        %lt3A_748 = arith.cmpi slt, %sub3A_742, %lt3A_747 : vector<16xi32>
        %and3A_749 = arith.andi %ge3A_745, %lt3A_748 : vector<16xi1>
        %add3A_750 = arith.constant 0 : i32
        %add3A_751 = vector.broadcast %add3A_750 : i32 to vector<16xi32>
        %add3A_752 = arith.addi %sub3A_742, %add3A_751 : vector<16xi32>
        %mul3A_753 = arith.constant 16 : i32
        %mul3A_754 = arith.muli %add3A_733, %mul3A_753 : i32
        %add3A_755 = vector.broadcast %mul3A_754 : i32 to vector<16xi32>
        %add3A_756 = arith.addi %iota3A, %add3A_755 : vector<16xi32>
        tpu.vector_store_idx %arg5[%add3A_752, %add3A_756], %broadcast_in_dim3A_110 masked %and3A_749 : memref<112x1024xf32, #tpu.memory_space<vmem>>[vector<16xi32>, vector<16xi32>], vector<16xf32>, vector<16xi1>
        %mul3A_757 = arith.constant 8 : i32
        %mul3A_758 = arith.muli %scan3A_569, %mul3A_757 : i32
        %add3A_759 = arith.constant 7 : i32
        %add3A_760 = arith.addi %mul3A_758, %add3A_759 : i32
        %mul3A_761 = arith.constant 1024 : i32
        %mul3A_762 = arith.muli %sub3A_438, %mul3A_761 : i32
        %mul3A_763 = arith.constant 16 : i32
        %mul3A_764 = arith.muli %add3A_760, %mul3A_763 : i32
        %add3A_765 = arith.addi %mul3A_762, %mul3A_764 : i32
        %get3A_766 = arith.index_cast %add3A_765 : i32 to index
        %get3A_767 = tpu.vector_load %arg4[%get3A_766] {strides = array<i32>} : memref<3072xi32, #tpu.memory_space<vmem>>, vector<16xi32>,
        %sub3A_768 = vector.broadcast %multiple_of3A_381 : i32 to vector<16xi32>
        %sub3A_769 = arith.subi %get3A_767, %sub3A_768 : vector<16xi32>
        %ge3A_770 = arith.constant 0 : i32
        %ge3A_771 = vector.broadcast %ge3A_770 : i32 to vector<16xi32>
        %ge3A_772 = arith.cmpi sge, %sub3A_769, %ge3A_771 : vector<16xi32>
        %lt3A_773 = arith.constant 56 : i32
        %lt3A_774 = vector.broadcast %lt3A_773 : i32 to vector<16xi32>
        %lt3A_775 = arith.cmpi slt, %sub3A_769, %lt3A_774 : vector<16xi32>
        %and3A_776 = arith.andi %ge3A_772, %lt3A_775 : vector<16xi1>
        %add3A_777 = arith.constant 0 : i32
        %add3A_778 = vector.broadcast %add3A_777 : i32 to vector<16xi32>
        %add3A_779 = arith.addi %sub3A_769, %add3A_778 : vector<16xi32>
        %mul3A_780 = arith.constant 16 : i32
        %mul3A_781 = arith.muli %add3A_760, %mul3A_780 : i32
        %add3A_782 = vector.broadcast %mul3A_781 : i32 to vector<16xi32>
        %add3A_783 = arith.addi %iota3A, %add3A_782 : vector<16xi32>
        tpu.vector_store_idx %arg5[%add3A_779, %add3A_783], %broadcast_in_dim3A_110 masked %and3A_776 : memref<112x1024xf32, #tpu.memory_space<vmem>>[vector<16xi32>, vector<16xi32>], vector<16xf32>, vector<16xi1>
      }
      %scan3A_444 = arith.constant 8 : i32
      %dma_start3A_445 = arith.constant 0 : i32
      %dma_start3A_446 = arith.constant 0 : i32
      %dma_start3A_447 = tpu.memref_slice %arg5[%dma_start3A_445, %dma_start3A_446] : memref<112x1024xf32, #tpu.memory_space<vmem>> -> memref<56x1024xf32, #tpu.memory_space<vmem>>
      %dma_start3A_448 = arith.constant 0 : i32
      %dma_start3A_449 = tpu.memref_slice %arg3[%select_n3A_373, %multiple_of3A_381, %dma_start3A_448] : memref<50x1000x1024xf32, #tpu.memory_space<hbm>> -> memref<1x56x1024xf32, #tpu.memory_space<hbm>>
      %dma_start3A_450 = tpu.memref_squeeze %dma_start3A_449 : memref<1x56x1024xf32, #tpu.memory_space<hbm>> -> memref<56x1024xf32, #tpu.memory_space<hbm>>
      %dma_start3A_451 = arith.constant 0 : i32
      %dma_start3A_452 = tpu.memref_slice %arg3[%select_n3A_373, %multiple_of3A_381, %dma_start3A_451] : memref<50x1000x1024xf32, #tpu.memory_space<hbm>> -> memref<1x56x1024xf32, #tpu.memory_space<hbm>>
      %dma_start3A_453 = tpu.memref_squeeze %dma_start3A_452 : memref<1x56x1024xf32, #tpu.memory_space<hbm>> -> memref<56x1024xf32, #tpu.memory_space<hbm>>
      %dma_start3A_454 = arith.constant 0 : i32
      %dma_start3A_455 = arith.constant 0 : i32
      %dma_start3A_456 = tpu.memref_slice %arg5[%dma_start3A_454, %dma_start3A_455] : memref<112x1024xf32, #tpu.memory_space<vmem>> -> memref<56x1024xf32, #tpu.memory_space<vmem>>
      tpu.enqueue_dma source(%dma_start3A_456 : memref<56x1024xf32, #tpu.memory_space<vmem>>) target(%dma_start3A_453 : memref<56x1024xf32, #tpu.memory_space<hbm>>) target_semaphore(%arg6 : memref<!tpu.dma_semaphore, #tpu.memory_space<semaphore_mem>>)
      %mul3A_457 = arith.constant 2 : i32
      %mul3A_458 = arith.muli %while3A_344, %mul3A_457 : i32
      %add3A_459 = arith.constant 3 : i32
      %add3A_460 = arith.addi %add3A_459, %mul3A_458 : i32
      %add3A_461 = arith.addi %select_n3A, %add3A_460 : i32
      %jit3A_462 = arith.constant 18 : i32
      %div3A_463 = arith.divsi %add3A_461, %jit3A_462 : i32
      %sign3A_464 = arith.constant 0 : i32
      %sign3A_465 = arith.cmpi sgt, %add3A_461, %sign3A_464 : i32
      %sign3A_466 = arith.extui %sign3A_465 : i1 to i32
      %sign3A_467 = arith.constant 0 : i32
      %sign3A_468 = arith.cmpi slt, %add3A_461, %sign3A_467 : i32
      %sign3A_469 = arith.extui %sign3A_468 : i1 to i32
      %sign3A_470 = arith.subi %sign3A_466, %sign3A_469 : i32
      %sign3A_471 = arith.constant 0 : i32
      %sign3A_472 = arith.cmpi sgt, %jit3A_462, %sign3A_471 : i32
      %sign3A_473 = arith.extui %sign3A_472 : i1 to i32
      %sign3A_474 = arith.constant 0 : i32
      %sign3A_475 = arith.cmpi slt, %jit3A_462, %sign3A_474 : i32
      %sign3A_476 = arith.extui %sign3A_475 : i1 to i32
      %sign3A_477 = arith.subi %sign3A_473, %sign3A_476 : i32
      %ne3A_478 = arith.cmpi ne, %sign3A_470, %sign3A_477 : i32
      %rem3A_479 = arith.remsi %add3A_461, %jit3A_462 : i32
      %ne3A_480 = arith.constant 0 : i32
      %ne3A_481 = arith.cmpi ne, %rem3A_479, %ne3A_480 : i32
      %and3A_482 = arith.andi %ne3A_478, %ne3A_481 : i1
      %sub3A_483 = arith.constant 1 : i32
      %sub3A_484 = arith.subi %div3A_463, %sub3A_483 : i32
      %select_n3A_485 = arith.select %and3A_482, %sub3A_484, %div3A_463 : i32
      %mul3A_486 = arith.constant 18 : i32
      %mul3A_487 = arith.muli %select_n3A_485, %mul3A_486 : i32
      %sub3A_488 = arith.subi %add3A_461, %mul3A_487 : i32
      %mul3A_489 = arith.constant 56 : i32
      %mul3A_490 = arith.muli %sub3A_488, %mul3A_489 : i32
      %min3A_491 = arith.constant 944 : i32
      %min3A_492 = arith.minsi %mul3A_490, %min3A_491 : i32
      %multiple_of3A_493 = tpu.assume_multiple %min3A_492, 8 : i32
      %dma_wait3A_494 = arith.constant 0 : i32
      %dma_wait3A_495 = arith.constant 56 : i32
      %dma_wait3A_496 = arith.constant 0 : i32
      %dma_wait3A_497 = tpu.memref_slice %arg5[%dma_wait3A_495, %dma_wait3A_496] : memref<112x1024xf32, #tpu.memory_space<vmem>> -> memref<56x1024xf32, #tpu.memory_space<vmem>>
      %dma_wait3A_498 = arith.constant 0 : i32
      %dma_wait3A_499 = arith.constant 0 : i32
      %dma_wait3A_500 = tpu.memref_slice %arg3[%dma_wait3A_494, %dma_wait3A_498, %dma_wait3A_499] : memref<50x1000x1024xf32, #tpu.memory_space<hbm>> -> memref<1x56x1024xf32, #tpu.memory_space<hbm>>
      %dma_wait3A_501 = tpu.memref_squeeze %dma_wait3A_500 : memref<1x56x1024xf32, #tpu.memory_space<hbm>> -> memref<56x1024xf32, #tpu.memory_space<hbm>>
      %dma_wait3A_502 = arith.constant 0 : i32
      %dma_wait3A_503 = arith.constant 0 : i32
      %dma_wait3A_504 = tpu.memref_slice %arg3[%dma_wait3A_494, %dma_wait3A_502, %dma_wait3A_503] : memref<50x1000x1024xf32, #tpu.memory_space<hbm>> -> memref<1x56x1024xf32, #tpu.memory_space<hbm>>
      %dma_wait3A_505 = tpu.memref_squeeze %dma_wait3A_504 : memref<1x56x1024xf32, #tpu.memory_space<hbm>> -> memref<56x1024xf32, #tpu.memory_space<hbm>>
      %dma_wait3A_506 = arith.constant 56 : i32
      %dma_wait3A_507 = arith.constant 0 : i32
      %dma_wait3A_508 = tpu.memref_slice %arg5[%dma_wait3A_506, %dma_wait3A_507] : memref<112x1024xf32, #tpu.memory_space<vmem>> -> memref<56x1024xf32, #tpu.memory_space<vmem>>
      tpu.wait_dma2 semaphore(%arg7 : memref<!tpu.dma_semaphore, #tpu.memory_space<semaphore_mem>>) src(%dma_wait3A_508 : memref<56x1024xf32, #tpu.memory_space<vmem>>) dst(%dma_wait3A_505 : memref<56x1024xf32, #tpu.memory_space<hbm>>)
      %sub3A_509 = arith.constant 2 : i32
      %sub3A_510 = arith.subi %add3A_461, %sub3A_509 : i32
      %jit3A_511 = arith.constant 18 : i32
      %div3A_512 = arith.divsi %sub3A_510, %jit3A_511 : i32
      %sign3A_513 = arith.constant 0 : i32
      %sign3A_514 = arith.cmpi sgt, %sub3A_510, %sign3A_513 : i32
      %sign3A_515 = arith.extui %sign3A_514 : i1 to i32
      %sign3A_516 = arith.constant 0 : i32
      %sign3A_517 = arith.cmpi slt, %sub3A_510, %sign3A_516 : i32
      %sign3A_518 = arith.extui %sign3A_517 : i1 to i32
      %sign3A_519 = arith.subi %sign3A_515, %sign3A_518 : i32
      %sign3A_520 = arith.constant 0 : i32
      %sign3A_521 = arith.cmpi sgt, %jit3A_511, %sign3A_520 : i32
      %sign3A_522 = arith.extui %sign3A_521 : i1 to i32
      %sign3A_523 = arith.constant 0 : i32
      %sign3A_524 = arith.cmpi slt, %jit3A_511, %sign3A_523 : i32
      %sign3A_525 = arith.extui %sign3A_524 : i1 to i32
      %sign3A_526 = arith.subi %sign3A_522, %sign3A_525 : i32
      %ne3A_527 = arith.cmpi ne, %sign3A_519, %sign3A_526 : i32
      %rem3A_528 = arith.remsi %sub3A_510, %jit3A_511 : i32
      %ne3A_529 = arith.constant 0 : i32
      %ne3A_530 = arith.cmpi ne, %rem3A_528, %ne3A_529 : i32
      %and3A_531 = arith.andi %ne3A_527, %ne3A_530 : i1
      %sub3A_532 = arith.constant 1 : i32
      %sub3A_533 = arith.subi %div3A_512, %sub3A_532 : i32
      %select_n3A_534 = arith.select %and3A_531, %sub3A_533, %div3A_512 : i32
      %mul3A_535 = arith.constant 18 : i32
      %mul3A_536 = arith.muli %select_n3A_534, %mul3A_535 : i32
      %sub3A_537 = arith.subi %sub3A_510, %mul3A_536 : i32
      %mul3A_538 = arith.constant 56 : i32
      %mul3A_539 = arith.muli %sub3A_537, %mul3A_538 : i32
      %min3A_540 = arith.constant 944 : i32
      %min3A_541 = arith.minsi %mul3A_539, %min3A_540 : i32
      %multiple_of3A_542 = tpu.assume_multiple %min3A_541, 8 : i32
      %sub3A_543 = arith.subi %select_n3A_534, %min3A_72 : i32
      %scan3A_544 = arith.constant 0 : i32
      %scan3A_545 = arith.constant 0 : i32
      %scan3A_546 = arith.constant 8 : i32
      %scan3A_547 = arith.addi %scan3A_545, %scan3A_546 : i32
      %scan3A_548 = arith.constant 1 : i32
      scf.for %scan3A_569 = %scan3A_545 to %scan3A_547 step %scan3A_548  : i32 {
        %mul3A_570 = arith.constant 8 : i32
        %mul3A_571 = arith.muli %scan3A_569, %mul3A_570 : i32
        %add3A_572 = arith.constant 0 : i32
        %add3A_573 = arith.addi %mul3A_571, %add3A_572 : i32
        %mul3A_574 = arith.constant 1024 : i32
        %mul3A_575 = arith.muli %sub3A_543, %mul3A_574 : i32
        %mul3A_576 = arith.constant 16 : i32
        %mul3A_577 = arith.muli %add3A_573, %mul3A_576 : i32
        %add3A_578 = arith.addi %mul3A_575, %mul3A_577 : i32
        %get3A = arith.index_cast %add3A_578 : i32 to index
        %get3A_579 = tpu.vector_load %arg4[%get3A] {strides = array<i32>} : memref<3072xi32, #tpu.memory_space<vmem>>, vector<16xi32>,
        %sub3A_580 = vector.broadcast %multiple_of3A_542 : i32 to vector<16xi32>
        %sub3A_581 = arith.subi %get3A_579, %sub3A_580 : vector<16xi32>
        %ge3A = arith.constant 0 : i32
        %ge3A_582 = vector.broadcast %ge3A : i32 to vector<16xi32>
        %ge3A_583 = arith.cmpi sge, %sub3A_581, %ge3A_582 : vector<16xi32>
        %lt3A_584 = arith.constant 56 : i32
        %lt3A_585 = vector.broadcast %lt3A_584 : i32 to vector<16xi32>
        %lt3A_586 = arith.cmpi slt, %sub3A_581, %lt3A_585 : vector<16xi32>
        %and3A_587 = arith.andi %ge3A_583, %lt3A_586 : vector<16xi1>
        %add3A_588 = arith.constant 56 : i32
        %add3A_589 = vector.broadcast %add3A_588 : i32 to vector<16xi32>
        %add3A_590 = arith.addi %sub3A_581, %add3A_589 : vector<16xi32>
        %mul3A_591 = arith.constant 16 : i32
        %mul3A_592 = arith.muli %add3A_573, %mul3A_591 : i32
        %add3A_593 = vector.broadcast %mul3A_592 : i32 to vector<16xi32>
        %add3A_594 = arith.addi %iota3A, %add3A_593 : vector<16xi32>
        tpu.vector_store_idx %arg5[%add3A_590, %add3A_594], %broadcast_in_dim3A_108 masked %and3A_587 : memref<112x1024xf32, #tpu.memory_space<vmem>>[vector<16xi32>, vector<16xi32>], vector<16xf32>, vector<16xi1>
        %mul3A_595 = arith.constant 8 : i32
        %mul3A_596 = arith.muli %scan3A_569, %mul3A_595 : i32
        %add3A_597 = arith.constant 1 : i32
        %add3A_598 = arith.addi %mul3A_596, %add3A_597 : i32
        %mul3A_599 = arith.constant 1024 : i32
        %mul3A_600 = arith.muli %sub3A_543, %mul3A_599 : i32
        %mul3A_601 = arith.constant 16 : i32
        %mul3A_602 = arith.muli %add3A_598, %mul3A_601 : i32
        %add3A_603 = arith.addi %mul3A_600, %mul3A_602 : i32
        %get3A_604 = arith.index_cast %add3A_603 : i32 to index
        %get3A_605 = tpu.vector_load %arg4[%get3A_604] {strides = array<i32>} : memref<3072xi32, #tpu.memory_space<vmem>>, vector<16xi32>,
        %sub3A_606 = vector.broadcast %multiple_of3A_542 : i32 to vector<16xi32>
        %sub3A_607 = arith.subi %get3A_605, %sub3A_606 : vector<16xi32>
        %ge3A_608 = arith.constant 0 : i32
        %ge3A_609 = vector.broadcast %ge3A_608 : i32 to vector<16xi32>
        %ge3A_610 = arith.cmpi sge, %sub3A_607, %ge3A_609 : vector<16xi32>
        %lt3A_611 = arith.constant 56 : i32
        %lt3A_612 = vector.broadcast %lt3A_611 : i32 to vector<16xi32>
        %lt3A_613 = arith.cmpi slt, %sub3A_607, %lt3A_612 : vector<16xi32>
        %and3A_614 = arith.andi %ge3A_610, %lt3A_613 : vector<16xi1>
        %add3A_615 = arith.constant 56 : i32
        %add3A_616 = vector.broadcast %add3A_615 : i32 to vector<16xi32>
        %add3A_617 = arith.addi %sub3A_607, %add3A_616 : vector<16xi32>
        %mul3A_618 = arith.constant 16 : i32
        %mul3A_619 = arith.muli %add3A_598, %mul3A_618 : i32
        %add3A_620 = vector.broadcast %mul3A_619 : i32 to vector<16xi32>
        %add3A_621 = arith.addi %iota3A, %add3A_620 : vector<16xi32>
        tpu.vector_store_idx %arg5[%add3A_617, %add3A_621], %broadcast_in_dim3A_108 masked %and3A_614 : memref<112x1024xf32, #tpu.memory_space<vmem>>[vector<16xi32>, vector<16xi32>], vector<16xf32>, vector<16xi1>
        %mul3A_622 = arith.constant 8 : i32
        %mul3A_623 = arith.muli %scan3A_569, %mul3A_622 : i32
        %add3A_624 = arith.constant 2 : i32
        %add3A_625 = arith.addi %mul3A_623, %add3A_624 : i32
        %mul3A_626 = arith.constant 1024 : i32
        %mul3A_627 = arith.muli %sub3A_543, %mul3A_626 : i32
        %mul3A_628 = arith.constant 16 : i32
        %mul3A_629 = arith.muli %add3A_625, %mul3A_628 : i32
        %add3A_630 = arith.addi %mul3A_627, %mul3A_629 : i32
        %get3A_631 = arith.index_cast %add3A_630 : i32 to index
        %get3A_632 = tpu.vector_load %arg4[%get3A_631] {strides = array<i32>} : memref<3072xi32, #tpu.memory_space<vmem>>, vector<16xi32>,
        %sub3A_633 = vector.broadcast %multiple_of3A_542 : i32 to vector<16xi32>
        %sub3A_634 = arith.subi %get3A_632, %sub3A_633 : vector<16xi32>
        %ge3A_635 = arith.constant 0 : i32
        %ge3A_636 = vector.broadcast %ge3A_635 : i32 to vector<16xi32>
        %ge3A_637 = arith.cmpi sge, %sub3A_634, %ge3A_636 : vector<16xi32>
        %lt3A_638 = arith.constant 56 : i32
        %lt3A_639 = vector.broadcast %lt3A_638 : i32 to vector<16xi32>
        %lt3A_640 = arith.cmpi slt, %sub3A_634, %lt3A_639 : vector<16xi32>
        %and3A_641 = arith.andi %ge3A_637, %lt3A_640 : vector<16xi1>
        %add3A_642 = arith.constant 56 : i32
        %add3A_643 = vector.broadcast %add3A_642 : i32 to vector<16xi32>
        %add3A_644 = arith.addi %sub3A_634, %add3A_643 : vector<16xi32>
        %mul3A_645 = arith.constant 16 : i32
        %mul3A_646 = arith.muli %add3A_625, %mul3A_645 : i32
        %add3A_647 = vector.broadcast %mul3A_646 : i32 to vector<16xi32>
        %add3A_648 = arith.addi %iota3A, %add3A_647 : vector<16xi32>
        tpu.vector_store_idx %arg5[%add3A_644, %add3A_648], %broadcast_in_dim3A_108 masked %and3A_641 : memref<112x1024xf32, #tpu.memory_space<vmem>>[vector<16xi32>, vector<16xi32>], vector<16xf32>, vector<16xi1>
        %mul3A_649 = arith.constant 8 : i32
        %mul3A_650 = arith.muli %scan3A_569, %mul3A_649 : i32
        %add3A_651 = arith.constant 3 : i32
        %add3A_652 = arith.addi %mul3A_650, %add3A_651 : i32
        %mul3A_653 = arith.constant 1024 : i32
        %mul3A_654 = arith.muli %sub3A_543, %mul3A_653 : i32
        %mul3A_655 = arith.constant 16 : i32
        %mul3A_656 = arith.muli %add3A_652, %mul3A_655 : i32
        %add3A_657 = arith.addi %mul3A_654, %mul3A_656 : i32
        %get3A_658 = arith.index_cast %add3A_657 : i32 to index
        %get3A_659 = tpu.vector_load %arg4[%get3A_658] {strides = array<i32>} : memref<3072xi32, #tpu.memory_space<vmem>>, vector<16xi32>,
        %sub3A_660 = vector.broadcast %multiple_of3A_542 : i32 to vector<16xi32>
        %sub3A_661 = arith.subi %get3A_659, %sub3A_660 : vector<16xi32>
        %ge3A_662 = arith.constant 0 : i32
        %ge3A_663 = vector.broadcast %ge3A_662 : i32 to vector<16xi32>
        %ge3A_664 = arith.cmpi sge, %sub3A_661, %ge3A_663 : vector<16xi32>
        %lt3A_665 = arith.constant 56 : i32
        %lt3A_666 = vector.broadcast %lt3A_665 : i32 to vector<16xi32>
        %lt3A_667 = arith.cmpi slt, %sub3A_661, %lt3A_666 : vector<16xi32>
        %and3A_668 = arith.andi %ge3A_664, %lt3A_667 : vector<16xi1>
        %add3A_669 = arith.constant 56 : i32
        %add3A_670 = vector.broadcast %add3A_669 : i32 to vector<16xi32>
        %add3A_671 = arith.addi %sub3A_661, %add3A_670 : vector<16xi32>
        %mul3A_672 = arith.constant 16 : i32
        %mul3A_673 = arith.muli %add3A_652, %mul3A_672 : i32
        %add3A_674 = vector.broadcast %mul3A_673 : i32 to vector<16xi32>
        %add3A_675 = arith.addi %iota3A, %add3A_674 : vector<16xi32>
        tpu.vector_store_idx %arg5[%add3A_671, %add3A_675], %broadcast_in_dim3A_108 masked %and3A_668 : memref<112x1024xf32, #tpu.memory_space<vmem>>[vector<16xi32>, vector<16xi32>], vector<16xf32>, vector<16xi1>
        %mul3A_676 = arith.constant 8 : i32
        %mul3A_677 = arith.muli %scan3A_569, %mul3A_676 : i32
        %add3A_678 = arith.constant 4 : i32
        %add3A_679 = arith.addi %mul3A_677, %add3A_678 : i32
        %mul3A_680 = arith.constant 1024 : i32
        %mul3A_681 = arith.muli %sub3A_543, %mul3A_680 : i32
        %mul3A_682 = arith.constant 16 : i32
        %mul3A_683 = arith.muli %add3A_679, %mul3A_682 : i32
        %add3A_684 = arith.addi %mul3A_681, %mul3A_683 : i32
        %get3A_685 = arith.index_cast %add3A_684 : i32 to index
        %get3A_686 = tpu.vector_load %arg4[%get3A_685] {strides = array<i32>} : memref<3072xi32, #tpu.memory_space<vmem>>, vector<16xi32>,
        %sub3A_687 = vector.broadcast %multiple_of3A_542 : i32 to vector<16xi32>
        %sub3A_688 = arith.subi %get3A_686, %sub3A_687 : vector<16xi32>
        %ge3A_689 = arith.constant 0 : i32
        %ge3A_690 = vector.broadcast %ge3A_689 : i32 to vector<16xi32>
        %ge3A_691 = arith.cmpi sge, %sub3A_688, %ge3A_690 : vector<16xi32>
        %lt3A_692 = arith.constant 56 : i32
        %lt3A_693 = vector.broadcast %lt3A_692 : i32 to vector<16xi32>
        %lt3A_694 = arith.cmpi slt, %sub3A_688, %lt3A_693 : vector<16xi32>
        %and3A_695 = arith.andi %ge3A_691, %lt3A_694 : vector<16xi1>
        %add3A_696 = arith.constant 56 : i32
        %add3A_697 = vector.broadcast %add3A_696 : i32 to vector<16xi32>
        %add3A_698 = arith.addi %sub3A_688, %add3A_697 : vector<16xi32>
        %mul3A_699 = arith.constant 16 : i32
        %mul3A_700 = arith.muli %add3A_679, %mul3A_699 : i32
        %add3A_701 = vector.broadcast %mul3A_700 : i32 to vector<16xi32>
        %add3A_702 = arith.addi %iota3A, %add3A_701 : vector<16xi32>
        tpu.vector_store_idx %arg5[%add3A_698, %add3A_702], %broadcast_in_dim3A_108 masked %and3A_695 : memref<112x1024xf32, #tpu.memory_space<vmem>>[vector<16xi32>, vector<16xi32>], vector<16xf32>, vector<16xi1>
        %mul3A_703 = arith.constant 8 : i32
        %mul3A_704 = arith.muli %scan3A_569, %mul3A_703 : i32
        %add3A_705 = arith.constant 5 : i32
        %add3A_706 = arith.addi %mul3A_704, %add3A_705 : i32
        %mul3A_707 = arith.constant 1024 : i32
        %mul3A_708 = arith.muli %sub3A_543, %mul3A_707 : i32
        %mul3A_709 = arith.constant 16 : i32
        %mul3A_710 = arith.muli %add3A_706, %mul3A_709 : i32
        %add3A_711 = arith.addi %mul3A_708, %mul3A_710 : i32
        %get3A_712 = arith.index_cast %add3A_711 : i32 to index
        %get3A_713 = tpu.vector_load %arg4[%get3A_712] {strides = array<i32>} : memref<3072xi32, #tpu.memory_space<vmem>>, vector<16xi32>,
        %sub3A_714 = vector.broadcast %multiple_of3A_542 : i32 to vector<16xi32>
        %sub3A_715 = arith.subi %get3A_713, %sub3A_714 : vector<16xi32>
        %ge3A_716 = arith.constant 0 : i32
        %ge3A_717 = vector.broadcast %ge3A_716 : i32 to vector<16xi32>
        %ge3A_718 = arith.cmpi sge, %sub3A_715, %ge3A_717 : vector<16xi32>
        %lt3A_719 = arith.constant 56 : i32
        %lt3A_720 = vector.broadcast %lt3A_719 : i32 to vector<16xi32>
        %lt3A_721 = arith.cmpi slt, %sub3A_715, %lt3A_720 : vector<16xi32>
        %and3A_722 = arith.andi %ge3A_718, %lt3A_721 : vector<16xi1>
        %add3A_723 = arith.constant 56 : i32
        %add3A_724 = vector.broadcast %add3A_723 : i32 to vector<16xi32>
        %add3A_725 = arith.addi %sub3A_715, %add3A_724 : vector<16xi32>
        %mul3A_726 = arith.constant 16 : i32
        %mul3A_727 = arith.muli %add3A_706, %mul3A_726 : i32
        %add3A_728 = vector.broadcast %mul3A_727 : i32 to vector<16xi32>
        %add3A_729 = arith.addi %iota3A, %add3A_728 : vector<16xi32>
        tpu.vector_store_idx %arg5[%add3A_725, %add3A_729], %broadcast_in_dim3A_108 masked %and3A_722 : memref<112x1024xf32, #tpu.memory_space<vmem>>[vector<16xi32>, vector<16xi32>], vector<16xf32>, vector<16xi1>
        %mul3A_730 = arith.constant 8 : i32
        %mul3A_731 = arith.muli %scan3A_569, %mul3A_730 : i32
        %add3A_732 = arith.constant 6 : i32
        %add3A_733 = arith.addi %mul3A_731, %add3A_732 : i32
        %mul3A_734 = arith.constant 1024 : i32
        %mul3A_735 = arith.muli %sub3A_543, %mul3A_734 : i32
        %mul3A_736 = arith.constant 16 : i32
        %mul3A_737 = arith.muli %add3A_733, %mul3A_736 : i32
        %add3A_738 = arith.addi %mul3A_735, %mul3A_737 : i32
        %get3A_739 = arith.index_cast %add3A_738 : i32 to index
        %get3A_740 = tpu.vector_load %arg4[%get3A_739] {strides = array<i32>} : memref<3072xi32, #tpu.memory_space<vmem>>, vector<16xi32>,
        %sub3A_741 = vector.broadcast %multiple_of3A_542 : i32 to vector<16xi32>
        %sub3A_742 = arith.subi %get3A_740, %sub3A_741 : vector<16xi32>
        %ge3A_743 = arith.constant 0 : i32
        %ge3A_744 = vector.broadcast %ge3A_743 : i32 to vector<16xi32>
        %ge3A_745 = arith.cmpi sge, %sub3A_742, %ge3A_744 : vector<16xi32>
        %lt3A_746 = arith.constant 56 : i32
        %lt3A_747 = vector.broadcast %lt3A_746 : i32 to vector<16xi32>
        %lt3A_748 = arith.cmpi slt, %sub3A_742, %lt3A_747 : vector<16xi32>
        %and3A_749 = arith.andi %ge3A_745, %lt3A_748 : vector<16xi1>
        %add3A_750 = arith.constant 56 : i32
        %add3A_751 = vector.broadcast %add3A_750 : i32 to vector<16xi32>
        %add3A_752 = arith.addi %sub3A_742, %add3A_751 : vector<16xi32>
        %mul3A_753 = arith.constant 16 : i32
        %mul3A_754 = arith.muli %add3A_733, %mul3A_753 : i32
        %add3A_755 = vector.broadcast %mul3A_754 : i32 to vector<16xi32>
        %add3A_756 = arith.addi %iota3A, %add3A_755 : vector<16xi32>
        tpu.vector_store_idx %arg5[%add3A_752, %add3A_756], %broadcast_in_dim3A_108 masked %and3A_749 : memref<112x1024xf32, #tpu.memory_space<vmem>>[vector<16xi32>, vector<16xi32>], vector<16xf32>, vector<16xi1>
        %mul3A_757 = arith.constant 8 : i32
        %mul3A_758 = arith.muli %scan3A_569, %mul3A_757 : i32
        %add3A_759 = arith.constant 7 : i32
        %add3A_760 = arith.addi %mul3A_758, %add3A_759 : i32
        %mul3A_761 = arith.constant 1024 : i32
        %mul3A_762 = arith.muli %sub3A_543, %mul3A_761 : i32
        %mul3A_763 = arith.constant 16 : i32
        %mul3A_764 = arith.muli %add3A_760, %mul3A_763 : i32
        %add3A_765 = arith.addi %mul3A_762, %mul3A_764 : i32
        %get3A_766 = arith.index_cast %add3A_765 : i32 to index
        %get3A_767 = tpu.vector_load %arg4[%get3A_766] {strides = array<i32>} : memref<3072xi32, #tpu.memory_space<vmem>>, vector<16xi32>,
        %sub3A_768 = vector.broadcast %multiple_of3A_542 : i32 to vector<16xi32>
        %sub3A_769 = arith.subi %get3A_767, %sub3A_768 : vector<16xi32>
        %ge3A_770 = arith.constant 0 : i32
        %ge3A_771 = vector.broadcast %ge3A_770 : i32 to vector<16xi32>
        %ge3A_772 = arith.cmpi sge, %sub3A_769, %ge3A_771 : vector<16xi32>
        %lt3A_773 = arith.constant 56 : i32
        %lt3A_774 = vector.broadcast %lt3A_773 : i32 to vector<16xi32>
        %lt3A_775 = arith.cmpi slt, %sub3A_769, %lt3A_774 : vector<16xi32>
        %and3A_776 = arith.andi %ge3A_772, %lt3A_775 : vector<16xi1>
        %add3A_777 = arith.constant 56 : i32
        %add3A_778 = vector.broadcast %add3A_777 : i32 to vector<16xi32>
        %add3A_779 = arith.addi %sub3A_769, %add3A_778 : vector<16xi32>
        %mul3A_780 = arith.constant 16 : i32
        %mul3A_781 = arith.muli %add3A_760, %mul3A_780 : i32
        %add3A_782 = vector.broadcast %mul3A_781 : i32 to vector<16xi32>
        %add3A_783 = arith.addi %iota3A, %add3A_782 : vector<16xi32>
        tpu.vector_store_idx %arg5[%add3A_779, %add3A_783], %broadcast_in_dim3A_108 masked %and3A_776 : memref<112x1024xf32, #tpu.memory_space<vmem>>[vector<16xi32>, vector<16xi32>], vector<16xf32>, vector<16xi1>
      }
      %scan3A_549 = arith.constant 8 : i32
      %sub3A_550 = arith.subi %select_n3A_485, %min3A_72 : i32
      %scan3A_551 = arith.constant 0 : i32
      %scan3A_552 = arith.constant 0 : i32
      %scan3A_553 = arith.constant 8 : i32
      %scan3A_554 = arith.addi %scan3A_552, %scan3A_553 : i32
      %scan3A_555 = arith.constant 1 : i32
      scf.for %scan3A_569 = %scan3A_552 to %scan3A_554 step %scan3A_555  : i32 {
        %mul3A_570 = arith.constant 8 : i32
        %mul3A_571 = arith.muli %scan3A_569, %mul3A_570 : i32
        %add3A_572 = arith.constant 0 : i32
        %add3A_573 = arith.addi %mul3A_571, %add3A_572 : i32
        %mul3A_574 = arith.constant 1024 : i32
        %mul3A_575 = arith.muli %sub3A_550, %mul3A_574 : i32
        %mul3A_576 = arith.constant 16 : i32
        %mul3A_577 = arith.muli %add3A_573, %mul3A_576 : i32
        %add3A_578 = arith.addi %mul3A_575, %mul3A_577 : i32
        %get3A = arith.index_cast %add3A_578 : i32 to index
        %get3A_579 = tpu.vector_load %arg4[%get3A] {strides = array<i32>} : memref<3072xi32, #tpu.memory_space<vmem>>, vector<16xi32>,
        %sub3A_580 = vector.broadcast %multiple_of3A_493 : i32 to vector<16xi32>
        %sub3A_581 = arith.subi %get3A_579, %sub3A_580 : vector<16xi32>
        %ge3A = arith.constant 0 : i32
        %ge3A_582 = vector.broadcast %ge3A : i32 to vector<16xi32>
        %ge3A_583 = arith.cmpi sge, %sub3A_581, %ge3A_582 : vector<16xi32>
        %lt3A_584 = arith.constant 56 : i32
        %lt3A_585 = vector.broadcast %lt3A_584 : i32 to vector<16xi32>
        %lt3A_586 = arith.cmpi slt, %sub3A_581, %lt3A_585 : vector<16xi32>
        %and3A_587 = arith.andi %ge3A_583, %lt3A_586 : vector<16xi1>
        %add3A_588 = arith.constant 56 : i32
        %add3A_589 = vector.broadcast %add3A_588 : i32 to vector<16xi32>
        %add3A_590 = arith.addi %sub3A_581, %add3A_589 : vector<16xi32>
        %mul3A_591 = arith.constant 16 : i32
        %mul3A_592 = arith.muli %add3A_573, %mul3A_591 : i32
        %add3A_593 = vector.broadcast %mul3A_592 : i32 to vector<16xi32>
        %add3A_594 = arith.addi %iota3A, %add3A_593 : vector<16xi32>
        tpu.vector_store_idx %arg5[%add3A_590, %add3A_594], %broadcast_in_dim3A_110 masked %and3A_587 : memref<112x1024xf32, #tpu.memory_space<vmem>>[vector<16xi32>, vector<16xi32>], vector<16xf32>, vector<16xi1>
        %mul3A_595 = arith.constant 8 : i32
        %mul3A_596 = arith.muli %scan3A_569, %mul3A_595 : i32
        %add3A_597 = arith.constant 1 : i32
        %add3A_598 = arith.addi %mul3A_596, %add3A_597 : i32
        %mul3A_599 = arith.constant 1024 : i32
        %mul3A_600 = arith.muli %sub3A_550, %mul3A_599 : i32
        %mul3A_601 = arith.constant 16 : i32
        %mul3A_602 = arith.muli %add3A_598, %mul3A_601 : i32
        %add3A_603 = arith.addi %mul3A_600, %mul3A_602 : i32
        %get3A_604 = arith.index_cast %add3A_603 : i32 to index
        %get3A_605 = tpu.vector_load %arg4[%get3A_604] {strides = array<i32>} : memref<3072xi32, #tpu.memory_space<vmem>>, vector<16xi32>,
        %sub3A_606 = vector.broadcast %multiple_of3A_493 : i32 to vector<16xi32>
        %sub3A_607 = arith.subi %get3A_605, %sub3A_606 : vector<16xi32>
        %ge3A_608 = arith.constant 0 : i32
        %ge3A_609 = vector.broadcast %ge3A_608 : i32 to vector<16xi32>
        %ge3A_610 = arith.cmpi sge, %sub3A_607, %ge3A_609 : vector<16xi32>
        %lt3A_611 = arith.constant 56 : i32
        %lt3A_612 = vector.broadcast %lt3A_611 : i32 to vector<16xi32>
        %lt3A_613 = arith.cmpi slt, %sub3A_607, %lt3A_612 : vector<16xi32>
        %and3A_614 = arith.andi %ge3A_610, %lt3A_613 : vector<16xi1>
        %add3A_615 = arith.constant 56 : i32
        %add3A_616 = vector.broadcast %add3A_615 : i32 to vector<16xi32>
        %add3A_617 = arith.addi %sub3A_607, %add3A_616 : vector<16xi32>
        %mul3A_618 = arith.constant 16 : i32
        %mul3A_619 = arith.muli %add3A_598, %mul3A_618 : i32
        %add3A_620 = vector.broadcast %mul3A_619 : i32 to vector<16xi32>
        %add3A_621 = arith.addi %iota3A, %add3A_620 : vector<16xi32>
        tpu.vector_store_idx %arg5[%add3A_617, %add3A_621], %broadcast_in_dim3A_110 masked %and3A_614 : memref<112x1024xf32, #tpu.memory_space<vmem>>[vector<16xi32>, vector<16xi32>], vector<16xf32>, vector<16xi1>
        %mul3A_622 = arith.constant 8 : i32
        %mul3A_623 = arith.muli %scan3A_569, %mul3A_622 : i32
        %add3A_624 = arith.constant 2 : i32
        %add3A_625 = arith.addi %mul3A_623, %add3A_624 : i32
        %mul3A_626 = arith.constant 1024 : i32
        %mul3A_627 = arith.muli %sub3A_550, %mul3A_626 : i32
        %mul3A_628 = arith.constant 16 : i32
        %mul3A_629 = arith.muli %add3A_625, %mul3A_628 : i32
        %add3A_630 = arith.addi %mul3A_627, %mul3A_629 : i32
        %get3A_631 = arith.index_cast %add3A_630 : i32 to index
        %get3A_632 = tpu.vector_load %arg4[%get3A_631] {strides = array<i32>} : memref<3072xi32, #tpu.memory_space<vmem>>, vector<16xi32>,
        %sub3A_633 = vector.broadcast %multiple_of3A_493 : i32 to vector<16xi32>
        %sub3A_634 = arith.subi %get3A_632, %sub3A_633 : vector<16xi32>
        %ge3A_635 = arith.constant 0 : i32
        %ge3A_636 = vector.broadcast %ge3A_635 : i32 to vector<16xi32>
        %ge3A_637 = arith.cmpi sge, %sub3A_634, %ge3A_636 : vector<16xi32>
        %lt3A_638 = arith.constant 56 : i32
        %lt3A_639 = vector.broadcast %lt3A_638 : i32 to vector<16xi32>
        %lt3A_640 = arith.cmpi slt, %sub3A_634, %lt3A_639 : vector<16xi32>
        %and3A_641 = arith.andi %ge3A_637, %lt3A_640 : vector<16xi1>
        %add3A_642 = arith.constant 56 : i32
        %add3A_643 = vector.broadcast %add3A_642 : i32 to vector<16xi32>
        %add3A_644 = arith.addi %sub3A_634, %add3A_643 : vector<16xi32>
        %mul3A_645 = arith.constant 16 : i32
        %mul3A_646 = arith.muli %add3A_625, %mul3A_645 : i32
        %add3A_647 = vector.broadcast %mul3A_646 : i32 to vector<16xi32>
        %add3A_648 = arith.addi %iota3A, %add3A_647 : vector<16xi32>
        tpu.vector_store_idx %arg5[%add3A_644, %add3A_648], %broadcast_in_dim3A_110 masked %and3A_641 : memref<112x1024xf32, #tpu.memory_space<vmem>>[vector<16xi32>, vector<16xi32>], vector<16xf32>, vector<16xi1>
        %mul3A_649 = arith.constant 8 : i32
        %mul3A_650 = arith.muli %scan3A_569, %mul3A_649 : i32
        %add3A_651 = arith.constant 3 : i32
        %add3A_652 = arith.addi %mul3A_650, %add3A_651 : i32
        %mul3A_653 = arith.constant 1024 : i32
        %mul3A_654 = arith.muli %sub3A_550, %mul3A_653 : i32
        %mul3A_655 = arith.constant 16 : i32
        %mul3A_656 = arith.muli %add3A_652, %mul3A_655 : i32
        %add3A_657 = arith.addi %mul3A_654, %mul3A_656 : i32
        %get3A_658 = arith.index_cast %add3A_657 : i32 to index
        %get3A_659 = tpu.vector_load %arg4[%get3A_658] {strides = array<i32>} : memref<3072xi32, #tpu.memory_space<vmem>>, vector<16xi32>,
        %sub3A_660 = vector.broadcast %multiple_of3A_493 : i32 to vector<16xi32>
        %sub3A_661 = arith.subi %get3A_659, %sub3A_660 : vector<16xi32>
        %ge3A_662 = arith.constant 0 : i32
        %ge3A_663 = vector.broadcast %ge3A_662 : i32 to vector<16xi32>
        %ge3A_664 = arith.cmpi sge, %sub3A_661, %ge3A_663 : vector<16xi32>
        %lt3A_665 = arith.constant 56 : i32
        %lt3A_666 = vector.broadcast %lt3A_665 : i32 to vector<16xi32>
        %lt3A_667 = arith.cmpi slt, %sub3A_661, %lt3A_666 : vector<16xi32>
        %and3A_668 = arith.andi %ge3A_664, %lt3A_667 : vector<16xi1>
        %add3A_669 = arith.constant 56 : i32
        %add3A_670 = vector.broadcast %add3A_669 : i32 to vector<16xi32>
        %add3A_671 = arith.addi %sub3A_661, %add3A_670 : vector<16xi32>
        %mul3A_672 = arith.constant 16 : i32
        %mul3A_673 = arith.muli %add3A_652, %mul3A_672 : i32
        %add3A_674 = vector.broadcast %mul3A_673 : i32 to vector<16xi32>
        %add3A_675 = arith.addi %iota3A, %add3A_674 : vector<16xi32>
        tpu.vector_store_idx %arg5[%add3A_671, %add3A_675], %broadcast_in_dim3A_110 masked %and3A_668 : memref<112x1024xf32, #tpu.memory_space<vmem>>[vector<16xi32>, vector<16xi32>], vector<16xf32>, vector<16xi1>
        %mul3A_676 = arith.constant 8 : i32
        %mul3A_677 = arith.muli %scan3A_569, %mul3A_676 : i32
        %add3A_678 = arith.constant 4 : i32
        %add3A_679 = arith.addi %mul3A_677, %add3A_678 : i32
        %mul3A_680 = arith.constant 1024 : i32
        %mul3A_681 = arith.muli %sub3A_550, %mul3A_680 : i32
        %mul3A_682 = arith.constant 16 : i32
        %mul3A_683 = arith.muli %add3A_679, %mul3A_682 : i32
        %add3A_684 = arith.addi %mul3A_681, %mul3A_683 : i32
        %get3A_685 = arith.index_cast %add3A_684 : i32 to index
        %get3A_686 = tpu.vector_load %arg4[%get3A_685] {strides = array<i32>} : memref<3072xi32, #tpu.memory_space<vmem>>, vector<16xi32>,
        %sub3A_687 = vector.broadcast %multiple_of3A_493 : i32 to vector<16xi32>
        %sub3A_688 = arith.subi %get3A_686, %sub3A_687 : vector<16xi32>
        %ge3A_689 = arith.constant 0 : i32
        %ge3A_690 = vector.broadcast %ge3A_689 : i32 to vector<16xi32>
        %ge3A_691 = arith.cmpi sge, %sub3A_688, %ge3A_690 : vector<16xi32>
        %lt3A_692 = arith.constant 56 : i32
        %lt3A_693 = vector.broadcast %lt3A_692 : i32 to vector<16xi32>
        %lt3A_694 = arith.cmpi slt, %sub3A_688, %lt3A_693 : vector<16xi32>
        %and3A_695 = arith.andi %ge3A_691, %lt3A_694 : vector<16xi1>
        %add3A_696 = arith.constant 56 : i32
        %add3A_697 = vector.broadcast %add3A_696 : i32 to vector<16xi32>
        %add3A_698 = arith.addi %sub3A_688, %add3A_697 : vector<16xi32>
        %mul3A_699 = arith.constant 16 : i32
        %mul3A_700 = arith.muli %add3A_679, %mul3A_699 : i32
        %add3A_701 = vector.broadcast %mul3A_700 : i32 to vector<16xi32>
        %add3A_702 = arith.addi %iota3A, %add3A_701 : vector<16xi32>
        tpu.vector_store_idx %arg5[%add3A_698, %add3A_702], %broadcast_in_dim3A_110 masked %and3A_695 : memref<112x1024xf32, #tpu.memory_space<vmem>>[vector<16xi32>, vector<16xi32>], vector<16xf32>, vector<16xi1>
        %mul3A_703 = arith.constant 8 : i32
        %mul3A_704 = arith.muli %scan3A_569, %mul3A_703 : i32
        %add3A_705 = arith.constant 5 : i32
        %add3A_706 = arith.addi %mul3A_704, %add3A_705 : i32
        %mul3A_707 = arith.constant 1024 : i32
        %mul3A_708 = arith.muli %sub3A_550, %mul3A_707 : i32
        %mul3A_709 = arith.constant 16 : i32
        %mul3A_710 = arith.muli %add3A_706, %mul3A_709 : i32
        %add3A_711 = arith.addi %mul3A_708, %mul3A_710 : i32
        %get3A_712 = arith.index_cast %add3A_711 : i32 to index
        %get3A_713 = tpu.vector_load %arg4[%get3A_712] {strides = array<i32>} : memref<3072xi32, #tpu.memory_space<vmem>>, vector<16xi32>,
        %sub3A_714 = vector.broadcast %multiple_of3A_493 : i32 to vector<16xi32>
        %sub3A_715 = arith.subi %get3A_713, %sub3A_714 : vector<16xi32>
        %ge3A_716 = arith.constant 0 : i32
        %ge3A_717 = vector.broadcast %ge3A_716 : i32 to vector<16xi32>
        %ge3A_718 = arith.cmpi sge, %sub3A_715, %ge3A_717 : vector<16xi32>
        %lt3A_719 = arith.constant 56 : i32
        %lt3A_720 = vector.broadcast %lt3A_719 : i32 to vector<16xi32>
        %lt3A_721 = arith.cmpi slt, %sub3A_715, %lt3A_720 : vector<16xi32>
        %and3A_722 = arith.andi %ge3A_718, %lt3A_721 : vector<16xi1>
        %add3A_723 = arith.constant 56 : i32
        %add3A_724 = vector.broadcast %add3A_723 : i32 to vector<16xi32>
        %add3A_725 = arith.addi %sub3A_715, %add3A_724 : vector<16xi32>
        %mul3A_726 = arith.constant 16 : i32
        %mul3A_727 = arith.muli %add3A_706, %mul3A_726 : i32
        %add3A_728 = vector.broadcast %mul3A_727 : i32 to vector<16xi32>
        %add3A_729 = arith.addi %iota3A, %add3A_728 : vector<16xi32>
        tpu.vector_store_idx %arg5[%add3A_725, %add3A_729], %broadcast_in_dim3A_110 masked %and3A_722 : memref<112x1024xf32, #tpu.memory_space<vmem>>[vector<16xi32>, vector<16xi32>], vector<16xf32>, vector<16xi1>
        %mul3A_730 = arith.constant 8 : i32
        %mul3A_731 = arith.muli %scan3A_569, %mul3A_730 : i32
        %add3A_732 = arith.constant 6 : i32
        %add3A_733 = arith.addi %mul3A_731, %add3A_732 : i32
        %mul3A_734 = arith.constant 1024 : i32
        %mul3A_735 = arith.muli %sub3A_550, %mul3A_734 : i32
        %mul3A_736 = arith.constant 16 : i32
        %mul3A_737 = arith.muli %add3A_733, %mul3A_736 : i32
        %add3A_738 = arith.addi %mul3A_735, %mul3A_737 : i32
        %get3A_739 = arith.index_cast %add3A_738 : i32 to index
        %get3A_740 = tpu.vector_load %arg4[%get3A_739] {strides = array<i32>} : memref<3072xi32, #tpu.memory_space<vmem>>, vector<16xi32>,
        %sub3A_741 = vector.broadcast %multiple_of3A_493 : i32 to vector<16xi32>
        %sub3A_742 = arith.subi %get3A_740, %sub3A_741 : vector<16xi32>
        %ge3A_743 = arith.constant 0 : i32
        %ge3A_744 = vector.broadcast %ge3A_743 : i32 to vector<16xi32>
        %ge3A_745 = arith.cmpi sge, %sub3A_742, %ge3A_744 : vector<16xi32>
        %lt3A_746 = arith.constant 56 : i32
        %lt3A_747 = vector.broadcast %lt3A_746 : i32 to vector<16xi32>
        %lt3A_748 = arith.cmpi slt, %sub3A_742, %lt3A_747 : vector<16xi32>
        %and3A_749 = arith.andi %ge3A_745, %lt3A_748 : vector<16xi1>
        %add3A_750 = arith.constant 56 : i32
        %add3A_751 = vector.broadcast %add3A_750 : i32 to vector<16xi32>
        %add3A_752 = arith.addi %sub3A_742, %add3A_751 : vector<16xi32>
        %mul3A_753 = arith.constant 16 : i32
        %mul3A_754 = arith.muli %add3A_733, %mul3A_753 : i32
        %add3A_755 = vector.broadcast %mul3A_754 : i32 to vector<16xi32>
        %add3A_756 = arith.addi %iota3A, %add3A_755 : vector<16xi32>
        tpu.vector_store_idx %arg5[%add3A_752, %add3A_756], %broadcast_in_dim3A_110 masked %and3A_749 : memref<112x1024xf32, #tpu.memory_space<vmem>>[vector<16xi32>, vector<16xi32>], vector<16xf32>, vector<16xi1>
        %mul3A_757 = arith.constant 8 : i32
        %mul3A_758 = arith.muli %scan3A_569, %mul3A_757 : i32
        %add3A_759 = arith.constant 7 : i32
        %add3A_760 = arith.addi %mul3A_758, %add3A_759 : i32
        %mul3A_761 = arith.constant 1024 : i32
        %mul3A_762 = arith.muli %sub3A_550, %mul3A_761 : i32
        %mul3A_763 = arith.constant 16 : i32
        %mul3A_764 = arith.muli %add3A_760, %mul3A_763 : i32
        %add3A_765 = arith.addi %mul3A_762, %mul3A_764 : i32
        %get3A_766 = arith.index_cast %add3A_765 : i32 to index
        %get3A_767 = tpu.vector_load %arg4[%get3A_766] {strides = array<i32>} : memref<3072xi32, #tpu.memory_space<vmem>>, vector<16xi32>,
        %sub3A_768 = vector.broadcast %multiple_of3A_493 : i32 to vector<16xi32>
        %sub3A_769 = arith.subi %get3A_767, %sub3A_768 : vector<16xi32>
        %ge3A_770 = arith.constant 0 : i32
        %ge3A_771 = vector.broadcast %ge3A_770 : i32 to vector<16xi32>
        %ge3A_772 = arith.cmpi sge, %sub3A_769, %ge3A_771 : vector<16xi32>
        %lt3A_773 = arith.constant 56 : i32
        %lt3A_774 = vector.broadcast %lt3A_773 : i32 to vector<16xi32>
        %lt3A_775 = arith.cmpi slt, %sub3A_769, %lt3A_774 : vector<16xi32>
        %and3A_776 = arith.andi %ge3A_772, %lt3A_775 : vector<16xi1>
        %add3A_777 = arith.constant 56 : i32
        %add3A_778 = vector.broadcast %add3A_777 : i32 to vector<16xi32>
        %add3A_779 = arith.addi %sub3A_769, %add3A_778 : vector<16xi32>
        %mul3A_780 = arith.constant 16 : i32
        %mul3A_781 = arith.muli %add3A_760, %mul3A_780 : i32
        %add3A_782 = vector.broadcast %mul3A_781 : i32 to vector<16xi32>
        %add3A_783 = arith.addi %iota3A, %add3A_782 : vector<16xi32>
        tpu.vector_store_idx %arg5[%add3A_779, %add3A_783], %broadcast_in_dim3A_110 masked %and3A_776 : memref<112x1024xf32, #tpu.memory_space<vmem>>[vector<16xi32>, vector<16xi32>], vector<16xf32>, vector<16xi1>
      }
      %scan3A_556 = arith.constant 8 : i32
      %dma_start3A_557 = arith.constant 56 : i32
      %dma_start3A_558 = arith.constant 0 : i32
      %dma_start3A_559 = tpu.memref_slice %arg5[%dma_start3A_557, %dma_start3A_558] : memref<112x1024xf32, #tpu.memory_space<vmem>> -> memref<56x1024xf32, #tpu.memory_space<vmem>>
      %dma_start3A_560 = arith.constant 0 : i32
      %dma_start3A_561 = tpu.memref_slice %arg3[%select_n3A_485, %multiple_of3A_493, %dma_start3A_560] : memref<50x1000x1024xf32, #tpu.memory_space<hbm>> -> memref<1x56x1024xf32, #tpu.memory_space<hbm>>
      %dma_start3A_562 = tpu.memref_squeeze %dma_start3A_561 : memref<1x56x1024xf32, #tpu.memory_space<hbm>> -> memref<56x1024xf32, #tpu.memory_space<hbm>>
      %dma_start3A_563 = arith.constant 0 : i32
      %dma_start3A_564 = tpu.memref_slice %arg3[%select_n3A_485, %multiple_of3A_493, %dma_start3A_563] : memref<50x1000x1024xf32, #tpu.memory_space<hbm>> -> memref<1x56x1024xf32, #tpu.memory_space<hbm>>
      %dma_start3A_565 = tpu.memref_squeeze %dma_start3A_564 : memref<1x56x1024xf32, #tpu.memory_space<hbm>> -> memref<56x1024xf32, #tpu.memory_space<hbm>>
      %dma_start3A_566 = arith.constant 56 : i32
      %dma_start3A_567 = arith.constant 0 : i32
      %dma_start3A_568 = tpu.memref_slice %arg5[%dma_start3A_566, %dma_start3A_567] : memref<112x1024xf32, #tpu.memory_space<vmem>> -> memref<56x1024xf32, #tpu.memory_space<vmem>>
      tpu.enqueue_dma source(%dma_start3A_568 : memref<56x1024xf32, #tpu.memory_space<vmem>>) target(%dma_start3A_565 : memref<56x1024xf32, #tpu.memory_space<hbm>>) target_semaphore(%arg7 : memref<!tpu.dma_semaphore, #tpu.memory_space<semaphore_mem>>)
    }
    %while3A_296 = arith.constant 1 : i32
    scf.for %while3A_344 = %while3A_294 to %while3A_290 step %while3A_296  : i32 {
      %mul3A_345 = arith.constant 2 : i32
      %mul3A_346 = arith.muli %while3A_344, %mul3A_345 : i32
      %add3A_347 = arith.constant 2 : i32
      %add3A_348 = arith.addi %add3A_347, %mul3A_346 : i32
      %add3A_349 = arith.addi %select_n3A, %add3A_348 : i32
      %jit3A_350 = arith.constant 18 : i32
      %div3A_351 = arith.divsi %add3A_349, %jit3A_350 : i32
      %sign3A_352 = arith.constant 0 : i32
      %sign3A_353 = arith.cmpi sgt, %add3A_349, %sign3A_352 : i32
      %sign3A_354 = arith.extui %sign3A_353 : i1 to i32
      %sign3A_355 = arith.constant 0 : i32
      %sign3A_356 = arith.cmpi slt, %add3A_349, %sign3A_355 : i32
      %sign3A_357 = arith.extui %sign3A_356 : i1 to i32
      %sign3A_358 = arith.subi %sign3A_354, %sign3A_357 : i32
      %sign3A_359 = arith.constant 0 : i32
      %sign3A_360 = arith.cmpi sgt, %jit3A_350, %sign3A_359 : i32
      %sign3A_361 = arith.extui %sign3A_360 : i1 to i32
      %sign3A_362 = arith.constant 0 : i32
      %sign3A_363 = arith.cmpi slt, %jit3A_350, %sign3A_362 : i32
      %sign3A_364 = arith.extui %sign3A_363 : i1 to i32
      %sign3A_365 = arith.subi %sign3A_361, %sign3A_364 : i32
      %ne3A_366 = arith.cmpi ne, %sign3A_358, %sign3A_365 : i32
      %rem3A_367 = arith.remsi %add3A_349, %jit3A_350 : i32
      %ne3A_368 = arith.constant 0 : i32
      %ne3A_369 = arith.cmpi ne, %rem3A_367, %ne3A_368 : i32
      %and3A_370 = arith.andi %ne3A_366, %ne3A_369 : i1
      %sub3A_371 = arith.constant 1 : i32
      %sub3A_372 = arith.subi %div3A_351, %sub3A_371 : i32
      %select_n3A_373 = arith.select %and3A_370, %sub3A_372, %div3A_351 : i32
      %mul3A_374 = arith.constant 18 : i32
      %mul3A_375 = arith.muli %select_n3A_373, %mul3A_374 : i32
      %sub3A_376 = arith.subi %add3A_349, %mul3A_375 : i32
      %mul3A_377 = arith.constant 56 : i32
      %mul3A_378 = arith.muli %sub3A_376, %mul3A_377 : i32
      %min3A_379 = arith.constant 944 : i32
      %min3A_380 = arith.minsi %mul3A_378, %min3A_379 : i32
      %multiple_of3A_381 = tpu.assume_multiple %min3A_380, 8 : i32
      %dma_wait3A_382 = arith.constant 0 : i32
      %dma_wait3A_383 = arith.constant 0 : i32
      %dma_wait3A_384 = arith.constant 0 : i32
      %dma_wait3A_385 = tpu.memref_slice %arg5[%dma_wait3A_383, %dma_wait3A_384] : memref<112x1024xf32, #tpu.memory_space<vmem>> -> memref<56x1024xf32, #tpu.memory_space<vmem>>
      %dma_wait3A_386 = arith.constant 0 : i32
      %dma_wait3A_387 = arith.constant 0 : i32
      %dma_wait3A_388 = tpu.memref_slice %arg3[%dma_wait3A_382, %dma_wait3A_386, %dma_wait3A_387] : memref<50x1000x1024xf32, #tpu.memory_space<hbm>> -> memref<1x56x1024xf32, #tpu.memory_space<hbm>>
      %dma_wait3A_389 = tpu.memref_squeeze %dma_wait3A_388 : memref<1x56x1024xf32, #tpu.memory_space<hbm>> -> memref<56x1024xf32, #tpu.memory_space<hbm>>
      %dma_wait3A_390 = arith.constant 0 : i32
      %dma_wait3A_391 = arith.constant 0 : i32
      %dma_wait3A_392 = tpu.memref_slice %arg3[%dma_wait3A_382, %dma_wait3A_390, %dma_wait3A_391] : memref<50x1000x1024xf32, #tpu.memory_space<hbm>> -> memref<1x56x1024xf32, #tpu.memory_space<hbm>>
      %dma_wait3A_393 = tpu.memref_squeeze %dma_wait3A_392 : memref<1x56x1024xf32, #tpu.memory_space<hbm>> -> memref<56x1024xf32, #tpu.memory_space<hbm>>
      %dma_wait3A_394 = arith.constant 0 : i32
      %dma_wait3A_395 = arith.constant 0 : i32
      %dma_wait3A_396 = tpu.memref_slice %arg5[%dma_wait3A_394, %dma_wait3A_395] : memref<112x1024xf32, #tpu.memory_space<vmem>> -> memref<56x1024xf32, #tpu.memory_space<vmem>>
      tpu.wait_dma2 semaphore(%arg6 : memref<!tpu.dma_semaphore, #tpu.memory_space<semaphore_mem>>) src(%dma_wait3A_396 : memref<56x1024xf32, #tpu.memory_space<vmem>>) dst(%dma_wait3A_393 : memref<56x1024xf32, #tpu.memory_space<hbm>>)
      %sub3A_397 = arith.constant 2 : i32
      %sub3A_398 = arith.subi %add3A_349, %sub3A_397 : i32
      %jit3A_399 = arith.constant 18 : i32
      %div3A_400 = arith.divsi %sub3A_398, %jit3A_399 : i32
      %sign3A_401 = arith.constant 0 : i32
      %sign3A_402 = arith.cmpi sgt, %sub3A_398, %sign3A_401 : i32
      %sign3A_403 = arith.extui %sign3A_402 : i1 to i32
      %sign3A_404 = arith.constant 0 : i32
      %sign3A_405 = arith.cmpi slt, %sub3A_398, %sign3A_404 : i32
      %sign3A_406 = arith.extui %sign3A_405 : i1 to i32
      %sign3A_407 = arith.subi %sign3A_403, %sign3A_406 : i32
      %sign3A_408 = arith.constant 0 : i32
      %sign3A_409 = arith.cmpi sgt, %jit3A_399, %sign3A_408 : i32
      %sign3A_410 = arith.extui %sign3A_409 : i1 to i32
      %sign3A_411 = arith.constant 0 : i32
      %sign3A_412 = arith.cmpi slt, %jit3A_399, %sign3A_411 : i32
      %sign3A_413 = arith.extui %sign3A_412 : i1 to i32
      %sign3A_414 = arith.subi %sign3A_410, %sign3A_413 : i32
      %ne3A_415 = arith.cmpi ne, %sign3A_407, %sign3A_414 : i32
      %rem3A_416 = arith.remsi %sub3A_398, %jit3A_399 : i32
      %ne3A_417 = arith.constant 0 : i32
      %ne3A_418 = arith.cmpi ne, %rem3A_416, %ne3A_417 : i32
      %and3A_419 = arith.andi %ne3A_415, %ne3A_418 : i1
      %sub3A_420 = arith.constant 1 : i32
      %sub3A_421 = arith.subi %div3A_400, %sub3A_420 : i32
      %select_n3A_422 = arith.select %and3A_419, %sub3A_421, %div3A_400 : i32
      %mul3A_423 = arith.constant 18 : i32
      %mul3A_424 = arith.muli %select_n3A_422, %mul3A_423 : i32
      %sub3A_425 = arith.subi %sub3A_398, %mul3A_424 : i32
      %mul3A_426 = arith.constant 56 : i32
      %mul3A_427 = arith.muli %sub3A_425, %mul3A_426 : i32
      %min3A_428 = arith.constant 944 : i32
      %min3A_429 = arith.minsi %mul3A_427, %min3A_428 : i32
      %multiple_of3A_430 = tpu.assume_multiple %min3A_429, 8 : i32
      %sub3A_431 = arith.subi %select_n3A_422, %min3A_72 : i32
      %scan3A_432 = arith.constant 0 : i32
      %scan3A_433 = arith.constant 0 : i32
      %scan3A_434 = arith.constant 8 : i32
      %scan3A_435 = arith.addi %scan3A_433, %scan3A_434 : i32
      %scan3A_436 = arith.constant 1 : i32
      scf.for %scan3A_569 = %scan3A_433 to %scan3A_435 step %scan3A_436  : i32 {
        %mul3A_570 = arith.constant 8 : i32
        %mul3A_571 = arith.muli %scan3A_569, %mul3A_570 : i32
        %add3A_572 = arith.constant 0 : i32
        %add3A_573 = arith.addi %mul3A_571, %add3A_572 : i32
        %mul3A_574 = arith.constant 1024 : i32
        %mul3A_575 = arith.muli %sub3A_431, %mul3A_574 : i32
        %mul3A_576 = arith.constant 16 : i32
        %mul3A_577 = arith.muli %add3A_573, %mul3A_576 : i32
        %add3A_578 = arith.addi %mul3A_575, %mul3A_577 : i32
        %get3A = arith.index_cast %add3A_578 : i32 to index
        %get3A_579 = tpu.vector_load %arg4[%get3A] {strides = array<i32>} : memref<3072xi32, #tpu.memory_space<vmem>>, vector<16xi32>,
        %sub3A_580 = vector.broadcast %multiple_of3A_430 : i32 to vector<16xi32>
        %sub3A_581 = arith.subi %get3A_579, %sub3A_580 : vector<16xi32>
        %ge3A = arith.constant 0 : i32
        %ge3A_582 = vector.broadcast %ge3A : i32 to vector<16xi32>
        %ge3A_583 = arith.cmpi sge, %sub3A_581, %ge3A_582 : vector<16xi32>
        %lt3A_584 = arith.constant 56 : i32
        %lt3A_585 = vector.broadcast %lt3A_584 : i32 to vector<16xi32>
        %lt3A_586 = arith.cmpi slt, %sub3A_581, %lt3A_585 : vector<16xi32>
        %and3A_587 = arith.andi %ge3A_583, %lt3A_586 : vector<16xi1>
        %add3A_588 = arith.constant 0 : i32
        %add3A_589 = vector.broadcast %add3A_588 : i32 to vector<16xi32>
        %add3A_590 = arith.addi %sub3A_581, %add3A_589 : vector<16xi32>
        %mul3A_591 = arith.constant 16 : i32
        %mul3A_592 = arith.muli %add3A_573, %mul3A_591 : i32
        %add3A_593 = vector.broadcast %mul3A_592 : i32 to vector<16xi32>
        %add3A_594 = arith.addi %iota3A, %add3A_593 : vector<16xi32>
        tpu.vector_store_idx %arg5[%add3A_590, %add3A_594], %broadcast_in_dim3A_108 masked %and3A_587 : memref<112x1024xf32, #tpu.memory_space<vmem>>[vector<16xi32>, vector<16xi32>], vector<16xf32>, vector<16xi1>
        %mul3A_595 = arith.constant 8 : i32
        %mul3A_596 = arith.muli %scan3A_569, %mul3A_595 : i32
        %add3A_597 = arith.constant 1 : i32
        %add3A_598 = arith.addi %mul3A_596, %add3A_597 : i32
        %mul3A_599 = arith.constant 1024 : i32
        %mul3A_600 = arith.muli %sub3A_431, %mul3A_599 : i32
        %mul3A_601 = arith.constant 16 : i32
        %mul3A_602 = arith.muli %add3A_598, %mul3A_601 : i32
        %add3A_603 = arith.addi %mul3A_600, %mul3A_602 : i32
        %get3A_604 = arith.index_cast %add3A_603 : i32 to index
        %get3A_605 = tpu.vector_load %arg4[%get3A_604] {strides = array<i32>} : memref<3072xi32, #tpu.memory_space<vmem>>, vector<16xi32>,
        %sub3A_606 = vector.broadcast %multiple_of3A_430 : i32 to vector<16xi32>
        %sub3A_607 = arith.subi %get3A_605, %sub3A_606 : vector<16xi32>
        %ge3A_608 = arith.constant 0 : i32
        %ge3A_609 = vector.broadcast %ge3A_608 : i32 to vector<16xi32>
        %ge3A_610 = arith.cmpi sge, %sub3A_607, %ge3A_609 : vector<16xi32>
        %lt3A_611 = arith.constant 56 : i32
        %lt3A_612 = vector.broadcast %lt3A_611 : i32 to vector<16xi32>
        %lt3A_613 = arith.cmpi slt, %sub3A_607, %lt3A_612 : vector<16xi32>
        %and3A_614 = arith.andi %ge3A_610, %lt3A_613 : vector<16xi1>
        %add3A_615 = arith.constant 0 : i32
        %add3A_616 = vector.broadcast %add3A_615 : i32 to vector<16xi32>
        %add3A_617 = arith.addi %sub3A_607, %add3A_616 : vector<16xi32>
        %mul3A_618 = arith.constant 16 : i32
        %mul3A_619 = arith.muli %add3A_598, %mul3A_618 : i32
        %add3A_620 = vector.broadcast %mul3A_619 : i32 to vector<16xi32>
        %add3A_621 = arith.addi %iota3A, %add3A_620 : vector<16xi32>
        tpu.vector_store_idx %arg5[%add3A_617, %add3A_621], %broadcast_in_dim3A_108 masked %and3A_614 : memref<112x1024xf32, #tpu.memory_space<vmem>>[vector<16xi32>, vector<16xi32>], vector<16xf32>, vector<16xi1>
        %mul3A_622 = arith.constant 8 : i32
        %mul3A_623 = arith.muli %scan3A_569, %mul3A_622 : i32
        %add3A_624 = arith.constant 2 : i32
        %add3A_625 = arith.addi %mul3A_623, %add3A_624 : i32
        %mul3A_626 = arith.constant 1024 : i32
        %mul3A_627 = arith.muli %sub3A_431, %mul3A_626 : i32
        %mul3A_628 = arith.constant 16 : i32
        %mul3A_629 = arith.muli %add3A_625, %mul3A_628 : i32
        %add3A_630 = arith.addi %mul3A_627, %mul3A_629 : i32
        %get3A_631 = arith.index_cast %add3A_630 : i32 to index
        %get3A_632 = tpu.vector_load %arg4[%get3A_631] {strides = array<i32>} : memref<3072xi32, #tpu.memory_space<vmem>>, vector<16xi32>,
        %sub3A_633 = vector.broadcast %multiple_of3A_430 : i32 to vector<16xi32>
        %sub3A_634 = arith.subi %get3A_632, %sub3A_633 : vector<16xi32>
        %ge3A_635 = arith.constant 0 : i32
        %ge3A_636 = vector.broadcast %ge3A_635 : i32 to vector<16xi32>
        %ge3A_637 = arith.cmpi sge, %sub3A_634, %ge3A_636 : vector<16xi32>
        %lt3A_638 = arith.constant 56 : i32
        %lt3A_639 = vector.broadcast %lt3A_638 : i32 to vector<16xi32>
        %lt3A_640 = arith.cmpi slt, %sub3A_634, %lt3A_639 : vector<16xi32>
        %and3A_641 = arith.andi %ge3A_637, %lt3A_640 : vector<16xi1>
        %add3A_642 = arith.constant 0 : i32
        %add3A_643 = vector.broadcast %add3A_642 : i32 to vector<16xi32>
        %add3A_644 = arith.addi %sub3A_634, %add3A_643 : vector<16xi32>
        %mul3A_645 = arith.constant 16 : i32
        %mul3A_646 = arith.muli %add3A_625, %mul3A_645 : i32
        %add3A_647 = vector.broadcast %mul3A_646 : i32 to vector<16xi32>
        %add3A_648 = arith.addi %iota3A, %add3A_647 : vector<16xi32>
        tpu.vector_store_idx %arg5[%add3A_644, %add3A_648], %broadcast_in_dim3A_108 masked %and3A_641 : memref<112x1024xf32, #tpu.memory_space<vmem>>[vector<16xi32>, vector<16xi32>], vector<16xf32>, vector<16xi1>
        %mul3A_649 = arith.constant 8 : i32
        %mul3A_650 = arith.muli %scan3A_569, %mul3A_649 : i32
        %add3A_651 = arith.constant 3 : i32
        %add3A_652 = arith.addi %mul3A_650, %add3A_651 : i32
        %mul3A_653 = arith.constant 1024 : i32
        %mul3A_654 = arith.muli %sub3A_431, %mul3A_653 : i32
        %mul3A_655 = arith.constant 16 : i32
        %mul3A_656 = arith.muli %add3A_652, %mul3A_655 : i32
        %add3A_657 = arith.addi %mul3A_654, %mul3A_656 : i32
        %get3A_658 = arith.index_cast %add3A_657 : i32 to index
        %get3A_659 = tpu.vector_load %arg4[%get3A_658] {strides = array<i32>} : memref<3072xi32, #tpu.memory_space<vmem>>, vector<16xi32>,
        %sub3A_660 = vector.broadcast %multiple_of3A_430 : i32 to vector<16xi32>
        %sub3A_661 = arith.subi %get3A_659, %sub3A_660 : vector<16xi32>
        %ge3A_662 = arith.constant 0 : i32
        %ge3A_663 = vector.broadcast %ge3A_662 : i32 to vector<16xi32>
        %ge3A_664 = arith.cmpi sge, %sub3A_661, %ge3A_663 : vector<16xi32>
        %lt3A_665 = arith.constant 56 : i32
        %lt3A_666 = vector.broadcast %lt3A_665 : i32 to vector<16xi32>
        %lt3A_667 = arith.cmpi slt, %sub3A_661, %lt3A_666 : vector<16xi32>
        %and3A_668 = arith.andi %ge3A_664, %lt3A_667 : vector<16xi1>
        %add3A_669 = arith.constant 0 : i32
        %add3A_670 = vector.broadcast %add3A_669 : i32 to vector<16xi32>
        %add3A_671 = arith.addi %sub3A_661, %add3A_670 : vector<16xi32>
        %mul3A_672 = arith.constant 16 : i32
        %mul3A_673 = arith.muli %add3A_652, %mul3A_672 : i32
        %add3A_674 = vector.broadcast %mul3A_673 : i32 to vector<16xi32>
        %add3A_675 = arith.addi %iota3A, %add3A_674 : vector<16xi32>
        tpu.vector_store_idx %arg5[%add3A_671, %add3A_675], %broadcast_in_dim3A_108 masked %and3A_668 : memref<112x1024xf32, #tpu.memory_space<vmem>>[vector<16xi32>, vector<16xi32>], vector<16xf32>, vector<16xi1>
        %mul3A_676 = arith.constant 8 : i32
        %mul3A_677 = arith.muli %scan3A_569, %mul3A_676 : i32
        %add3A_678 = arith.constant 4 : i32
        %add3A_679 = arith.addi %mul3A_677, %add3A_678 : i32
        %mul3A_680 = arith.constant 1024 : i32
        %mul3A_681 = arith.muli %sub3A_431, %mul3A_680 : i32
        %mul3A_682 = arith.constant 16 : i32
        %mul3A_683 = arith.muli %add3A_679, %mul3A_682 : i32
        %add3A_684 = arith.addi %mul3A_681, %mul3A_683 : i32
        %get3A_685 = arith.index_cast %add3A_684 : i32 to index
        %get3A_686 = tpu.vector_load %arg4[%get3A_685] {strides = array<i32>} : memref<3072xi32, #tpu.memory_space<vmem>>, vector<16xi32>,
        %sub3A_687 = vector.broadcast %multiple_of3A_430 : i32 to vector<16xi32>
        %sub3A_688 = arith.subi %get3A_686, %sub3A_687 : vector<16xi32>
        %ge3A_689 = arith.constant 0 : i32
        %ge3A_690 = vector.broadcast %ge3A_689 : i32 to vector<16xi32>
        %ge3A_691 = arith.cmpi sge, %sub3A_688, %ge3A_690 : vector<16xi32>
        %lt3A_692 = arith.constant 56 : i32
        %lt3A_693 = vector.broadcast %lt3A_692 : i32 to vector<16xi32>
        %lt3A_694 = arith.cmpi slt, %sub3A_688, %lt3A_693 : vector<16xi32>
        %and3A_695 = arith.andi %ge3A_691, %lt3A_694 : vector<16xi1>
        %add3A_696 = arith.constant 0 : i32
        %add3A_697 = vector.broadcast %add3A_696 : i32 to vector<16xi32>
        %add3A_698 = arith.addi %sub3A_688, %add3A_697 : vector<16xi32>
        %mul3A_699 = arith.constant 16 : i32
        %mul3A_700 = arith.muli %add3A_679, %mul3A_699 : i32
        %add3A_701 = vector.broadcast %mul3A_700 : i32 to vector<16xi32>
        %add3A_702 = arith.addi %iota3A, %add3A_701 : vector<16xi32>
        tpu.vector_store_idx %arg5[%add3A_698, %add3A_702], %broadcast_in_dim3A_108 masked %and3A_695 : memref<112x1024xf32, #tpu.memory_space<vmem>>[vector<16xi32>, vector<16xi32>], vector<16xf32>, vector<16xi1>
        %mul3A_703 = arith.constant 8 : i32
        %mul3A_704 = arith.muli %scan3A_569, %mul3A_703 : i32
        %add3A_705 = arith.constant 5 : i32
        %add3A_706 = arith.addi %mul3A_704, %add3A_705 : i32
        %mul3A_707 = arith.constant 1024 : i32
        %mul3A_708 = arith.muli %sub3A_431, %mul3A_707 : i32
        %mul3A_709 = arith.constant 16 : i32
        %mul3A_710 = arith.muli %add3A_706, %mul3A_709 : i32
        %add3A_711 = arith.addi %mul3A_708, %mul3A_710 : i32
        %get3A_712 = arith.index_cast %add3A_711 : i32 to index
        %get3A_713 = tpu.vector_load %arg4[%get3A_712] {strides = array<i32>} : memref<3072xi32, #tpu.memory_space<vmem>>, vector<16xi32>,
        %sub3A_714 = vector.broadcast %multiple_of3A_430 : i32 to vector<16xi32>
        %sub3A_715 = arith.subi %get3A_713, %sub3A_714 : vector<16xi32>
        %ge3A_716 = arith.constant 0 : i32
        %ge3A_717 = vector.broadcast %ge3A_716 : i32 to vector<16xi32>
        %ge3A_718 = arith.cmpi sge, %sub3A_715, %ge3A_717 : vector<16xi32>
        %lt3A_719 = arith.constant 56 : i32
        %lt3A_720 = vector.broadcast %lt3A_719 : i32 to vector<16xi32>
        %lt3A_721 = arith.cmpi slt, %sub3A_715, %lt3A_720 : vector<16xi32>
        %and3A_722 = arith.andi %ge3A_718, %lt3A_721 : vector<16xi1>
        %add3A_723 = arith.constant 0 : i32
        %add3A_724 = vector.broadcast %add3A_723 : i32 to vector<16xi32>
        %add3A_725 = arith.addi %sub3A_715, %add3A_724 : vector<16xi32>
        %mul3A_726 = arith.constant 16 : i32
        %mul3A_727 = arith.muli %add3A_706, %mul3A_726 : i32
        %add3A_728 = vector.broadcast %mul3A_727 : i32 to vector<16xi32>
        %add3A_729 = arith.addi %iota3A, %add3A_728 : vector<16xi32>
        tpu.vector_store_idx %arg5[%add3A_725, %add3A_729], %broadcast_in_dim3A_108 masked %and3A_722 : memref<112x1024xf32, #tpu.memory_space<vmem>>[vector<16xi32>, vector<16xi32>], vector<16xf32>, vector<16xi1>
        %mul3A_730 = arith.constant 8 : i32
        %mul3A_731 = arith.muli %scan3A_569, %mul3A_730 : i32
        %add3A_732 = arith.constant 6 : i32
        %add3A_733 = arith.addi %mul3A_731, %add3A_732 : i32
        %mul3A_734 = arith.constant 1024 : i32
        %mul3A_735 = arith.muli %sub3A_431, %mul3A_734 : i32
        %mul3A_736 = arith.constant 16 : i32
        %mul3A_737 = arith.muli %add3A_733, %mul3A_736 : i32
        %add3A_738 = arith.addi %mul3A_735, %mul3A_737 : i32
        %get3A_739 = arith.index_cast %add3A_738 : i32 to index
        %get3A_740 = tpu.vector_load %arg4[%get3A_739] {strides = array<i32>} : memref<3072xi32, #tpu.memory_space<vmem>>, vector<16xi32>,
        %sub3A_741 = vector.broadcast %multiple_of3A_430 : i32 to vector<16xi32>
        %sub3A_742 = arith.subi %get3A_740, %sub3A_741 : vector<16xi32>
        %ge3A_743 = arith.constant 0 : i32
        %ge3A_744 = vector.broadcast %ge3A_743 : i32 to vector<16xi32>
        %ge3A_745 = arith.cmpi sge, %sub3A_742, %ge3A_744 : vector<16xi32>
        %lt3A_746 = arith.constant 56 : i32
        %lt3A_747 = vector.broadcast %lt3A_746 : i32 to vector<16xi32>
        %lt3A_748 = arith.cmpi slt, %sub3A_742, %lt3A_747 : vector<16xi32>
        %and3A_749 = arith.andi %ge3A_745, %lt3A_748 : vector<16xi1>
        %add3A_750 = arith.constant 0 : i32
        %add3A_751 = vector.broadcast %add3A_750 : i32 to vector<16xi32>
        %add3A_752 = arith.addi %sub3A_742, %add3A_751 : vector<16xi32>
        %mul3A_753 = arith.constant 16 : i32
        %mul3A_754 = arith.muli %add3A_733, %mul3A_753 : i32
        %add3A_755 = vector.broadcast %mul3A_754 : i32 to vector<16xi32>
        %add3A_756 = arith.addi %iota3A, %add3A_755 : vector<16xi32>
        tpu.vector_store_idx %arg5[%add3A_752, %add3A_756], %broadcast_in_dim3A_108 masked %and3A_749 : memref<112x1024xf32, #tpu.memory_space<vmem>>[vector<16xi32>, vector<16xi32>], vector<16xf32>, vector<16xi1>
        %mul3A_757 = arith.constant 8 : i32
        %mul3A_758 = arith.muli %scan3A_569, %mul3A_757 : i32
        %add3A_759 = arith.constant 7 : i32
        %add3A_760 = arith.addi %mul3A_758, %add3A_759 : i32
        %mul3A_761 = arith.constant 1024 : i32
        %mul3A_762 = arith.muli %sub3A_431, %mul3A_761 : i32
        %mul3A_763 = arith.constant 16 : i32
        %mul3A_764 = arith.muli %add3A_760, %mul3A_763 : i32
        %add3A_765 = arith.addi %mul3A_762, %mul3A_764 : i32
        %get3A_766 = arith.index_cast %add3A_765 : i32 to index
        %get3A_767 = tpu.vector_load %arg4[%get3A_766] {strides = array<i32>} : memref<3072xi32, #tpu.memory_space<vmem>>, vector<16xi32>,
        %sub3A_768 = vector.broadcast %multiple_of3A_430 : i32 to vector<16xi32>
        %sub3A_769 = arith.subi %get3A_767, %sub3A_768 : vector<16xi32>
        %ge3A_770 = arith.constant 0 : i32
        %ge3A_771 = vector.broadcast %ge3A_770 : i32 to vector<16xi32>
        %ge3A_772 = arith.cmpi sge, %sub3A_769, %ge3A_771 : vector<16xi32>
        %lt3A_773 = arith.constant 56 : i32
        %lt3A_774 = vector.broadcast %lt3A_773 : i32 to vector<16xi32>
        %lt3A_775 = arith.cmpi slt, %sub3A_769, %lt3A_774 : vector<16xi32>
        %and3A_776 = arith.andi %ge3A_772, %lt3A_775 : vector<16xi1>
        %add3A_777 = arith.constant 0 : i32
        %add3A_778 = vector.broadcast %add3A_777 : i32 to vector<16xi32>
        %add3A_779 = arith.addi %sub3A_769, %add3A_778 : vector<16xi32>
        %mul3A_780 = arith.constant 16 : i32
        %mul3A_781 = arith.muli %add3A_760, %mul3A_780 : i32
        %add3A_782 = vector.broadcast %mul3A_781 : i32 to vector<16xi32>
        %add3A_783 = arith.addi %iota3A, %add3A_782 : vector<16xi32>
        tpu.vector_store_idx %arg5[%add3A_779, %add3A_783], %broadcast_in_dim3A_108 masked %and3A_776 : memref<112x1024xf32, #tpu.memory_space<vmem>>[vector<16xi32>, vector<16xi32>], vector<16xf32>, vector<16xi1>
      }
      %scan3A_437 = arith.constant 8 : i32
      %sub3A_438 = arith.subi %select_n3A_373, %min3A_72 : i32
      %scan3A_439 = arith.constant 0 : i32
      %scan3A_440 = arith.constant 0 : i32
      %scan3A_441 = arith.constant 8 : i32
      %scan3A_442 = arith.addi %scan3A_440, %scan3A_441 : i32
      %scan3A_443 = arith.constant 1 : i32
      scf.for %scan3A_569 = %scan3A_440 to %scan3A_442 step %scan3A_443  : i32 {
        %mul3A_570 = arith.constant 8 : i32
        %mul3A_571 = arith.muli %scan3A_569, %mul3A_570 : i32
        %add3A_572 = arith.constant 0 : i32
        %add3A_573 = arith.addi %mul3A_571, %add3A_572 : i32
        %mul3A_574 = arith.constant 1024 : i32
        %mul3A_575 = arith.muli %sub3A_438, %mul3A_574 : i32
        %mul3A_576 = arith.constant 16 : i32
        %mul3A_577 = arith.muli %add3A_573, %mul3A_576 : i32
        %add3A_578 = arith.addi %mul3A_575, %mul3A_577 : i32
        %get3A = arith.index_cast %add3A_578 : i32 to index
        %get3A_579 = tpu.vector_load %arg4[%get3A] {strides = array<i32>} : memref<3072xi32, #tpu.memory_space<vmem>>, vector<16xi32>,
        %sub3A_580 = vector.broadcast %multiple_of3A_381 : i32 to vector<16xi32>
        %sub3A_581 = arith.subi %get3A_579, %sub3A_580 : vector<16xi32>
        %ge3A = arith.constant 0 : i32
        %ge3A_582 = vector.broadcast %ge3A : i32 to vector<16xi32>
        %ge3A_583 = arith.cmpi sge, %sub3A_581, %ge3A_582 : vector<16xi32>
        %lt3A_584 = arith.constant 56 : i32
        %lt3A_585 = vector.broadcast %lt3A_584 : i32 to vector<16xi32>
        %lt3A_586 = arith.cmpi slt, %sub3A_581, %lt3A_585 : vector<16xi32>
        %and3A_587 = arith.andi %ge3A_583, %lt3A_586 : vector<16xi1>
        %add3A_588 = arith.constant 0 : i32
        %add3A_589 = vector.broadcast %add3A_588 : i32 to vector<16xi32>
        %add3A_590 = arith.addi %sub3A_581, %add3A_589 : vector<16xi32>
        %mul3A_591 = arith.constant 16 : i32
        %mul3A_592 = arith.muli %add3A_573, %mul3A_591 : i32
        %add3A_593 = vector.broadcast %mul3A_592 : i32 to vector<16xi32>
        %add3A_594 = arith.addi %iota3A, %add3A_593 : vector<16xi32>
        tpu.vector_store_idx %arg5[%add3A_590, %add3A_594], %broadcast_in_dim3A_110 masked %and3A_587 : memref<112x1024xf32, #tpu.memory_space<vmem>>[vector<16xi32>, vector<16xi32>], vector<16xf32>, vector<16xi1>
        %mul3A_595 = arith.constant 8 : i32
        %mul3A_596 = arith.muli %scan3A_569, %mul3A_595 : i32
        %add3A_597 = arith.constant 1 : i32
        %add3A_598 = arith.addi %mul3A_596, %add3A_597 : i32
        %mul3A_599 = arith.constant 1024 : i32
        %mul3A_600 = arith.muli %sub3A_438, %mul3A_599 : i32
        %mul3A_601 = arith.constant 16 : i32
        %mul3A_602 = arith.muli %add3A_598, %mul3A_601 : i32
        %add3A_603 = arith.addi %mul3A_600, %mul3A_602 : i32
        %get3A_604 = arith.index_cast %add3A_603 : i32 to index
        %get3A_605 = tpu.vector_load %arg4[%get3A_604] {strides = array<i32>} : memref<3072xi32, #tpu.memory_space<vmem>>, vector<16xi32>,
        %sub3A_606 = vector.broadcast %multiple_of3A_381 : i32 to vector<16xi32>
        %sub3A_607 = arith.subi %get3A_605, %sub3A_606 : vector<16xi32>
        %ge3A_608 = arith.constant 0 : i32
        %ge3A_609 = vector.broadcast %ge3A_608 : i32 to vector<16xi32>
        %ge3A_610 = arith.cmpi sge, %sub3A_607, %ge3A_609 : vector<16xi32>
        %lt3A_611 = arith.constant 56 : i32
        %lt3A_612 = vector.broadcast %lt3A_611 : i32 to vector<16xi32>
        %lt3A_613 = arith.cmpi slt, %sub3A_607, %lt3A_612 : vector<16xi32>
        %and3A_614 = arith.andi %ge3A_610, %lt3A_613 : vector<16xi1>
        %add3A_615 = arith.constant 0 : i32
        %add3A_616 = vector.broadcast %add3A_615 : i32 to vector<16xi32>
        %add3A_617 = arith.addi %sub3A_607, %add3A_616 : vector<16xi32>
        %mul3A_618 = arith.constant 16 : i32
        %mul3A_619 = arith.muli %add3A_598, %mul3A_618 : i32
        %add3A_620 = vector.broadcast %mul3A_619 : i32 to vector<16xi32>
        %add3A_621 = arith.addi %iota3A, %add3A_620 : vector<16xi32>
        tpu.vector_store_idx %arg5[%add3A_617, %add3A_621], %broadcast_in_dim3A_110 masked %and3A_614 : memref<112x1024xf32, #tpu.memory_space<vmem>>[vector<16xi32>, vector<16xi32>], vector<16xf32>, vector<16xi1>
        %mul3A_622 = arith.constant 8 : i32
        %mul3A_623 = arith.muli %scan3A_569, %mul3A_622 : i32
        %add3A_624 = arith.constant 2 : i32
        %add3A_625 = arith.addi %mul3A_623, %add3A_624 : i32
        %mul3A_626 = arith.constant 1024 : i32
        %mul3A_627 = arith.muli %sub3A_438, %mul3A_626 : i32
        %mul3A_628 = arith.constant 16 : i32
        %mul3A_629 = arith.muli %add3A_625, %mul3A_628 : i32
        %add3A_630 = arith.addi %mul3A_627, %mul3A_629 : i32
        %get3A_631 = arith.index_cast %add3A_630 : i32 to index
        %get3A_632 = tpu.vector_load %arg4[%get3A_631] {strides = array<i32>} : memref<3072xi32, #tpu.memory_space<vmem>>, vector<16xi32>,
        %sub3A_633 = vector.broadcast %multiple_of3A_381 : i32 to vector<16xi32>
        %sub3A_634 = arith.subi %get3A_632, %sub3A_633 : vector<16xi32>
        %ge3A_635 = arith.constant 0 : i32
        %ge3A_636 = vector.broadcast %ge3A_635 : i32 to vector<16xi32>
        %ge3A_637 = arith.cmpi sge, %sub3A_634, %ge3A_636 : vector<16xi32>
        %lt3A_638 = arith.constant 56 : i32
        %lt3A_639 = vector.broadcast %lt3A_638 : i32 to vector<16xi32>
        %lt3A_640 = arith.cmpi slt, %sub3A_634, %lt3A_639 : vector<16xi32>
        %and3A_641 = arith.andi %ge3A_637, %lt3A_640 : vector<16xi1>
        %add3A_642 = arith.constant 0 : i32
        %add3A_643 = vector.broadcast %add3A_642 : i32 to vector<16xi32>
        %add3A_644 = arith.addi %sub3A_634, %add3A_643 : vector<16xi32>
        %mul3A_645 = arith.constant 16 : i32
        %mul3A_646 = arith.muli %add3A_625, %mul3A_645 : i32
        %add3A_647 = vector.broadcast %mul3A_646 : i32 to vector<16xi32>
        %add3A_648 = arith.addi %iota3A, %add3A_647 : vector<16xi32>
        tpu.vector_store_idx %arg5[%add3A_644, %add3A_648], %broadcast_in_dim3A_110 masked %and3A_641 : memref<112x1024xf32, #tpu.memory_space<vmem>>[vector<16xi32>, vector<16xi32>], vector<16xf32>, vector<16xi1>
        %mul3A_649 = arith.constant 8 : i32
        %mul3A_650 = arith.muli %scan3A_569, %mul3A_649 : i32
        %add3A_651 = arith.constant 3 : i32
        %add3A_652 = arith.addi %mul3A_650, %add3A_651 : i32
        %mul3A_653 = arith.constant 1024 : i32
        %mul3A_654 = arith.muli %sub3A_438, %mul3A_653 : i32
        %mul3A_655 = arith.constant 16 : i32
        %mul3A_656 = arith.muli %add3A_652, %mul3A_655 : i32
        %add3A_657 = arith.addi %mul3A_654, %mul3A_656 : i32
        %get3A_658 = arith.index_cast %add3A_657 : i32 to index
        %get3A_659 = tpu.vector_load %arg4[%get3A_658] {strides = array<i32>} : memref<3072xi32, #tpu.memory_space<vmem>>, vector<16xi32>,
        %sub3A_660 = vector.broadcast %multiple_of3A_381 : i32 to vector<16xi32>
        %sub3A_661 = arith.subi %get3A_659, %sub3A_660 : vector<16xi32>
        %ge3A_662 = arith.constant 0 : i32
        %ge3A_663 = vector.broadcast %ge3A_662 : i32 to vector<16xi32>
        %ge3A_664 = arith.cmpi sge, %sub3A_661, %ge3A_663 : vector<16xi32>
        %lt3A_665 = arith.constant 56 : i32
        %lt3A_666 = vector.broadcast %lt3A_665 : i32 to vector<16xi32>
        %lt3A_667 = arith.cmpi slt, %sub3A_661, %lt3A_666 : vector<16xi32>
        %and3A_668 = arith.andi %ge3A_664, %lt3A_667 : vector<16xi1>
        %add3A_669 = arith.constant 0 : i32
        %add3A_670 = vector.broadcast %add3A_669 : i32 to vector<16xi32>
        %add3A_671 = arith.addi %sub3A_661, %add3A_670 : vector<16xi32>
        %mul3A_672 = arith.constant 16 : i32
        %mul3A_673 = arith.muli %add3A_652, %mul3A_672 : i32
        %add3A_674 = vector.broadcast %mul3A_673 : i32 to vector<16xi32>
        %add3A_675 = arith.addi %iota3A, %add3A_674 : vector<16xi32>
        tpu.vector_store_idx %arg5[%add3A_671, %add3A_675], %broadcast_in_dim3A_110 masked %and3A_668 : memref<112x1024xf32, #tpu.memory_space<vmem>>[vector<16xi32>, vector<16xi32>], vector<16xf32>, vector<16xi1>
        %mul3A_676 = arith.constant 8 : i32
        %mul3A_677 = arith.muli %scan3A_569, %mul3A_676 : i32
        %add3A_678 = arith.constant 4 : i32
        %add3A_679 = arith.addi %mul3A_677, %add3A_678 : i32
        %mul3A_680 = arith.constant 1024 : i32
        %mul3A_681 = arith.muli %sub3A_438, %mul3A_680 : i32
        %mul3A_682 = arith.constant 16 : i32
        %mul3A_683 = arith.muli %add3A_679, %mul3A_682 : i32
        %add3A_684 = arith.addi %mul3A_681, %mul3A_683 : i32
        %get3A_685 = arith.index_cast %add3A_684 : i32 to index
        %get3A_686 = tpu.vector_load %arg4[%get3A_685] {strides = array<i32>} : memref<3072xi32, #tpu.memory_space<vmem>>, vector<16xi32>,
        %sub3A_687 = vector.broadcast %multiple_of3A_381 : i32 to vector<16xi32>
        %sub3A_688 = arith.subi %get3A_686, %sub3A_687 : vector<16xi32>
        %ge3A_689 = arith.constant 0 : i32
        %ge3A_690 = vector.broadcast %ge3A_689 : i32 to vector<16xi32>
        %ge3A_691 = arith.cmpi sge, %sub3A_688, %ge3A_690 : vector<16xi32>
        %lt3A_692 = arith.constant 56 : i32
        %lt3A_693 = vector.broadcast %lt3A_692 : i32 to vector<16xi32>
        %lt3A_694 = arith.cmpi slt, %sub3A_688, %lt3A_693 : vector<16xi32>
        %and3A_695 = arith.andi %ge3A_691, %lt3A_694 : vector<16xi1>
        %add3A_696 = arith.constant 0 : i32
        %add3A_697 = vector.broadcast %add3A_696 : i32 to vector<16xi32>
        %add3A_698 = arith.addi %sub3A_688, %add3A_697 : vector<16xi32>
        %mul3A_699 = arith.constant 16 : i32
        %mul3A_700 = arith.muli %add3A_679, %mul3A_699 : i32
        %add3A_701 = vector.broadcast %mul3A_700 : i32 to vector<16xi32>
        %add3A_702 = arith.addi %iota3A, %add3A_701 : vector<16xi32>
        tpu.vector_store_idx %arg5[%add3A_698, %add3A_702], %broadcast_in_dim3A_110 masked %and3A_695 : memref<112x1024xf32, #tpu.memory_space<vmem>>[vector<16xi32>, vector<16xi32>], vector<16xf32>, vector<16xi1>
        %mul3A_703 = arith.constant 8 : i32
        %mul3A_704 = arith.muli %scan3A_569, %mul3A_703 : i32
        %add3A_705 = arith.constant 5 : i32
        %add3A_706 = arith.addi %mul3A_704, %add3A_705 : i32
        %mul3A_707 = arith.constant 1024 : i32
        %mul3A_708 = arith.muli %sub3A_438, %mul3A_707 : i32
        %mul3A_709 = arith.constant 16 : i32
        %mul3A_710 = arith.muli %add3A_706, %mul3A_709 : i32
        %add3A_711 = arith.addi %mul3A_708, %mul3A_710 : i32
        %get3A_712 = arith.index_cast %add3A_711 : i32 to index
        %get3A_713 = tpu.vector_load %arg4[%get3A_712] {strides = array<i32>} : memref<3072xi32, #tpu.memory_space<vmem>>, vector<16xi32>,
        %sub3A_714 = vector.broadcast %multiple_of3A_381 : i32 to vector<16xi32>
        %sub3A_715 = arith.subi %get3A_713, %sub3A_714 : vector<16xi32>
        %ge3A_716 = arith.constant 0 : i32
        %ge3A_717 = vector.broadcast %ge3A_716 : i32 to vector<16xi32>
        %ge3A_718 = arith.cmpi sge, %sub3A_715, %ge3A_717 : vector<16xi32>
        %lt3A_719 = arith.constant 56 : i32
        %lt3A_720 = vector.broadcast %lt3A_719 : i32 to vector<16xi32>
        %lt3A_721 = arith.cmpi slt, %sub3A_715, %lt3A_720 : vector<16xi32>
        %and3A_722 = arith.andi %ge3A_718, %lt3A_721 : vector<16xi1>
        %add3A_723 = arith.constant 0 : i32
        %add3A_724 = vector.broadcast %add3A_723 : i32 to vector<16xi32>
        %add3A_725 = arith.addi %sub3A_715, %add3A_724 : vector<16xi32>
        %mul3A_726 = arith.constant 16 : i32
        %mul3A_727 = arith.muli %add3A_706, %mul3A_726 : i32
        %add3A_728 = vector.broadcast %mul3A_727 : i32 to vector<16xi32>
        %add3A_729 = arith.addi %iota3A, %add3A_728 : vector<16xi32>
        tpu.vector_store_idx %arg5[%add3A_725, %add3A_729], %broadcast_in_dim3A_110 masked %and3A_722 : memref<112x1024xf32, #tpu.memory_space<vmem>>[vector<16xi32>, vector<16xi32>], vector<16xf32>, vector<16xi1>
        %mul3A_730 = arith.constant 8 : i32
        %mul3A_731 = arith.muli %scan3A_569, %mul3A_730 : i32
        %add3A_732 = arith.constant 6 : i32
        %add3A_733 = arith.addi %mul3A_731, %add3A_732 : i32
        %mul3A_734 = arith.constant 1024 : i32
        %mul3A_735 = arith.muli %sub3A_438, %mul3A_734 : i32
        %mul3A_736 = arith.constant 16 : i32
        %mul3A_737 = arith.muli %add3A_733, %mul3A_736 : i32
        %add3A_738 = arith.addi %mul3A_735, %mul3A_737 : i32
        %get3A_739 = arith.index_cast %add3A_738 : i32 to index
        %get3A_740 = tpu.vector_load %arg4[%get3A_739] {strides = array<i32>} : memref<3072xi32, #tpu.memory_space<vmem>>, vector<16xi32>,
        %sub3A_741 = vector.broadcast %multiple_of3A_381 : i32 to vector<16xi32>
        %sub3A_742 = arith.subi %get3A_740, %sub3A_741 : vector<16xi32>
        %ge3A_743 = arith.constant 0 : i32
        %ge3A_744 = vector.broadcast %ge3A_743 : i32 to vector<16xi32>
        %ge3A_745 = arith.cmpi sge, %sub3A_742, %ge3A_744 : vector<16xi32>
        %lt3A_746 = arith.constant 56 : i32
        %lt3A_747 = vector.broadcast %lt3A_746 : i32 to vector<16xi32>
        %lt3A_748 = arith.cmpi slt, %sub3A_742, %lt3A_747 : vector<16xi32>
        %and3A_749 = arith.andi %ge3A_745, %lt3A_748 : vector<16xi1>
        %add3A_750 = arith.constant 0 : i32
        %add3A_751 = vector.broadcast %add3A_750 : i32 to vector<16xi32>
        %add3A_752 = arith.addi %sub3A_742, %add3A_751 : vector<16xi32>
        %mul3A_753 = arith.constant 16 : i32
        %mul3A_754 = arith.muli %add3A_733, %mul3A_753 : i32
        %add3A_755 = vector.broadcast %mul3A_754 : i32 to vector<16xi32>
        %add3A_756 = arith.addi %iota3A, %add3A_755 : vector<16xi32>
        tpu.vector_store_idx %arg5[%add3A_752, %add3A_756], %broadcast_in_dim3A_110 masked %and3A_749 : memref<112x1024xf32, #tpu.memory_space<vmem>>[vector<16xi32>, vector<16xi32>], vector<16xf32>, vector<16xi1>
        %mul3A_757 = arith.constant 8 : i32
        %mul3A_758 = arith.muli %scan3A_569, %mul3A_757 : i32
        %add3A_759 = arith.constant 7 : i32
        %add3A_760 = arith.addi %mul3A_758, %add3A_759 : i32
        %mul3A_761 = arith.constant 1024 : i32
        %mul3A_762 = arith.muli %sub3A_438, %mul3A_761 : i32
        %mul3A_763 = arith.constant 16 : i32
        %mul3A_764 = arith.muli %add3A_760, %mul3A_763 : i32
        %add3A_765 = arith.addi %mul3A_762, %mul3A_764 : i32
        %get3A_766 = arith.index_cast %add3A_765 : i32 to index
        %get3A_767 = tpu.vector_load %arg4[%get3A_766] {strides = array<i32>} : memref<3072xi32, #tpu.memory_space<vmem>>, vector<16xi32>,
        %sub3A_768 = vector.broadcast %multiple_of3A_381 : i32 to vector<16xi32>
        %sub3A_769 = arith.subi %get3A_767, %sub3A_768 : vector<16xi32>
        %ge3A_770 = arith.constant 0 : i32
        %ge3A_771 = vector.broadcast %ge3A_770 : i32 to vector<16xi32>
        %ge3A_772 = arith.cmpi sge, %sub3A_769, %ge3A_771 : vector<16xi32>
        %lt3A_773 = arith.constant 56 : i32
        %lt3A_774 = vector.broadcast %lt3A_773 : i32 to vector<16xi32>
        %lt3A_775 = arith.cmpi slt, %sub3A_769, %lt3A_774 : vector<16xi32>
        %and3A_776 = arith.andi %ge3A_772, %lt3A_775 : vector<16xi1>
        %add3A_777 = arith.constant 0 : i32
        %add3A_778 = vector.broadcast %add3A_777 : i32 to vector<16xi32>
        %add3A_779 = arith.addi %sub3A_769, %add3A_778 : vector<16xi32>
        %mul3A_780 = arith.constant 16 : i32
        %mul3A_781 = arith.muli %add3A_760, %mul3A_780 : i32
        %add3A_782 = vector.broadcast %mul3A_781 : i32 to vector<16xi32>
        %add3A_783 = arith.addi %iota3A, %add3A_782 : vector<16xi32>
        tpu.vector_store_idx %arg5[%add3A_779, %add3A_783], %broadcast_in_dim3A_110 masked %and3A_776 : memref<112x1024xf32, #tpu.memory_space<vmem>>[vector<16xi32>, vector<16xi32>], vector<16xf32>, vector<16xi1>
      }
      %scan3A_444 = arith.constant 8 : i32
      %dma_start3A_445 = arith.constant 0 : i32
      %dma_start3A_446 = arith.constant 0 : i32
      %dma_start3A_447 = tpu.memref_slice %arg5[%dma_start3A_445, %dma_start3A_446] : memref<112x1024xf32, #tpu.memory_space<vmem>> -> memref<56x1024xf32, #tpu.memory_space<vmem>>
      %dma_start3A_448 = arith.constant 0 : i32
      %dma_start3A_449 = tpu.memref_slice %arg3[%select_n3A_373, %multiple_of3A_381, %dma_start3A_448] : memref<50x1000x1024xf32, #tpu.memory_space<hbm>> -> memref<1x56x1024xf32, #tpu.memory_space<hbm>>
      %dma_start3A_450 = tpu.memref_squeeze %dma_start3A_449 : memref<1x56x1024xf32, #tpu.memory_space<hbm>> -> memref<56x1024xf32, #tpu.memory_space<hbm>>
      %dma_start3A_451 = arith.constant 0 : i32
      %dma_start3A_452 = tpu.memref_slice %arg3[%select_n3A_373, %multiple_of3A_381, %dma_start3A_451] : memref<50x1000x1024xf32, #tpu.memory_space<hbm>> -> memref<1x56x1024xf32, #tpu.memory_space<hbm>>
      %dma_start3A_453 = tpu.memref_squeeze %dma_start3A_452 : memref<1x56x1024xf32, #tpu.memory_space<hbm>> -> memref<56x1024xf32, #tpu.memory_space<hbm>>
      %dma_start3A_454 = arith.constant 0 : i32
      %dma_start3A_455 = arith.constant 0 : i32
      %dma_start3A_456 = tpu.memref_slice %arg5[%dma_start3A_454, %dma_start3A_455] : memref<112x1024xf32, #tpu.memory_space<vmem>> -> memref<56x1024xf32, #tpu.memory_space<vmem>>
      tpu.enqueue_dma source(%dma_start3A_456 : memref<56x1024xf32, #tpu.memory_space<vmem>>) target(%dma_start3A_453 : memref<56x1024xf32, #tpu.memory_space<hbm>>) target_semaphore(%arg6 : memref<!tpu.dma_semaphore, #tpu.memory_space<semaphore_mem>>)
      %mul3A_457 = arith.constant 2 : i32
      %mul3A_458 = arith.muli %while3A_344, %mul3A_457 : i32
      %add3A_459 = arith.constant 3 : i32
      %add3A_460 = arith.addi %add3A_459, %mul3A_458 : i32
      %add3A_461 = arith.addi %select_n3A, %add3A_460 : i32
      %jit3A_462 = arith.constant 18 : i32
      %div3A_463 = arith.divsi %add3A_461, %jit3A_462 : i32
      %sign3A_464 = arith.constant 0 : i32
      %sign3A_465 = arith.cmpi sgt, %add3A_461, %sign3A_464 : i32
      %sign3A_466 = arith.extui %sign3A_465 : i1 to i32
      %sign3A_467 = arith.constant 0 : i32
      %sign3A_468 = arith.cmpi slt, %add3A_461, %sign3A_467 : i32
      %sign3A_469 = arith.extui %sign3A_468 : i1 to i32
      %sign3A_470 = arith.subi %sign3A_466, %sign3A_469 : i32
      %sign3A_471 = arith.constant 0 : i32
      %sign3A_472 = arith.cmpi sgt, %jit3A_462, %sign3A_471 : i32
      %sign3A_473 = arith.extui %sign3A_472 : i1 to i32
      %sign3A_474 = arith.constant 0 : i32
      %sign3A_475 = arith.cmpi slt, %jit3A_462, %sign3A_474 : i32
      %sign3A_476 = arith.extui %sign3A_475 : i1 to i32
      %sign3A_477 = arith.subi %sign3A_473, %sign3A_476 : i32
      %ne3A_478 = arith.cmpi ne, %sign3A_470, %sign3A_477 : i32
      %rem3A_479 = arith.remsi %add3A_461, %jit3A_462 : i32
      %ne3A_480 = arith.constant 0 : i32
      %ne3A_481 = arith.cmpi ne, %rem3A_479, %ne3A_480 : i32
      %and3A_482 = arith.andi %ne3A_478, %ne3A_481 : i1
      %sub3A_483 = arith.constant 1 : i32
      %sub3A_484 = arith.subi %div3A_463, %sub3A_483 : i32
      %select_n3A_485 = arith.select %and3A_482, %sub3A_484, %div3A_463 : i32
      %mul3A_486 = arith.constant 18 : i32
      %mul3A_487 = arith.muli %select_n3A_485, %mul3A_486 : i32
      %sub3A_488 = arith.subi %add3A_461, %mul3A_487 : i32
      %mul3A_489 = arith.constant 56 : i32
      %mul3A_490 = arith.muli %sub3A_488, %mul3A_489 : i32
      %min3A_491 = arith.constant 944 : i32
      %min3A_492 = arith.minsi %mul3A_490, %min3A_491 : i32
      %multiple_of3A_493 = tpu.assume_multiple %min3A_492, 8 : i32
      %dma_wait3A_494 = arith.constant 0 : i32
      %dma_wait3A_495 = arith.constant 56 : i32
      %dma_wait3A_496 = arith.constant 0 : i32
      %dma_wait3A_497 = tpu.memref_slice %arg5[%dma_wait3A_495, %dma_wait3A_496] : memref<112x1024xf32, #tpu.memory_space<vmem>> -> memref<56x1024xf32, #tpu.memory_space<vmem>>
      %dma_wait3A_498 = arith.constant 0 : i32
      %dma_wait3A_499 = arith.constant 0 : i32
      %dma_wait3A_500 = tpu.memref_slice %arg3[%dma_wait3A_494, %dma_wait3A_498, %dma_wait3A_499] : memref<50x1000x1024xf32, #tpu.memory_space<hbm>> -> memref<1x56x1024xf32, #tpu.memory_space<hbm>>
      %dma_wait3A_501 = tpu.memref_squeeze %dma_wait3A_500 : memref<1x56x1024xf32, #tpu.memory_space<hbm>> -> memref<56x1024xf32, #tpu.memory_space<hbm>>
      %dma_wait3A_502 = arith.constant 0 : i32
      %dma_wait3A_503 = arith.constant 0 : i32
      %dma_wait3A_504 = tpu.memref_slice %arg3[%dma_wait3A_494, %dma_wait3A_502, %dma_wait3A_503] : memref<50x1000x1024xf32, #tpu.memory_space<hbm>> -> memref<1x56x1024xf32, #tpu.memory_space<hbm>>
      %dma_wait3A_505 = tpu.memref_squeeze %dma_wait3A_504 : memref<1x56x1024xf32, #tpu.memory_space<hbm>> -> memref<56x1024xf32, #tpu.memory_space<hbm>>
      %dma_wait3A_506 = arith.constant 56 : i32
      %dma_wait3A_507 = arith.constant 0 : i32
      %dma_wait3A_508 = tpu.memref_slice %arg5[%dma_wait3A_506, %dma_wait3A_507] : memref<112x1024xf32, #tpu.memory_space<vmem>> -> memref<56x1024xf32, #tpu.memory_space<vmem>>
      tpu.wait_dma2 semaphore(%arg7 : memref<!tpu.dma_semaphore, #tpu.memory_space<semaphore_mem>>) src(%dma_wait3A_508 : memref<56x1024xf32, #tpu.memory_space<vmem>>) dst(%dma_wait3A_505 : memref<56x1024xf32, #tpu.memory_space<hbm>>)
      %sub3A_509 = arith.constant 2 : i32
      %sub3A_510 = arith.subi %add3A_461, %sub3A_509 : i32
      %jit3A_511 = arith.constant 18 : i32
      %div3A_512 = arith.divsi %sub3A_510, %jit3A_511 : i32
      %sign3A_513 = arith.constant 0 : i32
      %sign3A_514 = arith.cmpi sgt, %sub3A_510, %sign3A_513 : i32
      %sign3A_515 = arith.extui %sign3A_514 : i1 to i32
      %sign3A_516 = arith.constant 0 : i32
      %sign3A_517 = arith.cmpi slt, %sub3A_510, %sign3A_516 : i32
      %sign3A_518 = arith.extui %sign3A_517 : i1 to i32
      %sign3A_519 = arith.subi %sign3A_515, %sign3A_518 : i32
      %sign3A_520 = arith.constant 0 : i32
      %sign3A_521 = arith.cmpi sgt, %jit3A_511, %sign3A_520 : i32
      %sign3A_522 = arith.extui %sign3A_521 : i1 to i32
      %sign3A_523 = arith.constant 0 : i32
      %sign3A_524 = arith.cmpi slt, %jit3A_511, %sign3A_523 : i32
      %sign3A_525 = arith.extui %sign3A_524 : i1 to i32
      %sign3A_526 = arith.subi %sign3A_522, %sign3A_525 : i32
      %ne3A_527 = arith.cmpi ne, %sign3A_519, %sign3A_526 : i32
      %rem3A_528 = arith.remsi %sub3A_510, %jit3A_511 : i32
      %ne3A_529 = arith.constant 0 : i32
      %ne3A_530 = arith.cmpi ne, %rem3A_528, %ne3A_529 : i32
      %and3A_531 = arith.andi %ne3A_527, %ne3A_530 : i1
      %sub3A_532 = arith.constant 1 : i32
      %sub3A_533 = arith.subi %div3A_512, %sub3A_532 : i32
      %select_n3A_534 = arith.select %and3A_531, %sub3A_533, %div3A_512 : i32
      %mul3A_535 = arith.constant 18 : i32
      %mul3A_536 = arith.muli %select_n3A_534, %mul3A_535 : i32
      %sub3A_537 = arith.subi %sub3A_510, %mul3A_536 : i32
      %mul3A_538 = arith.constant 56 : i32
      %mul3A_539 = arith.muli %sub3A_537, %mul3A_538 : i32
      %min3A_540 = arith.constant 944 : i32
      %min3A_541 = arith.minsi %mul3A_539, %min3A_540 : i32
      %multiple_of3A_542 = tpu.assume_multiple %min3A_541, 8 : i32
      %sub3A_543 = arith.subi %select_n3A_534, %min3A_72 : i32
      %scan3A_544 = arith.constant 0 : i32
      %scan3A_545 = arith.constant 0 : i32
      %scan3A_546 = arith.constant 8 : i32
      %scan3A_547 = arith.addi %scan3A_545, %scan3A_546 : i32
      %scan3A_548 = arith.constant 1 : i32
      scf.for %scan3A_569 = %scan3A_545 to %scan3A_547 step %scan3A_548  : i32 {
        %mul3A_570 = arith.constant 8 : i32
        %mul3A_571 = arith.muli %scan3A_569, %mul3A_570 : i32
        %add3A_572 = arith.constant 0 : i32
        %add3A_573 = arith.addi %mul3A_571, %add3A_572 : i32
        %mul3A_574 = arith.constant 1024 : i32
        %mul3A_575 = arith.muli %sub3A_543, %mul3A_574 : i32
        %mul3A_576 = arith.constant 16 : i32
        %mul3A_577 = arith.muli %add3A_573, %mul3A_576 : i32
        %add3A_578 = arith.addi %mul3A_575, %mul3A_577 : i32
        %get3A = arith.index_cast %add3A_578 : i32 to index
        %get3A_579 = tpu.vector_load %arg4[%get3A] {strides = array<i32>} : memref<3072xi32, #tpu.memory_space<vmem>>, vector<16xi32>,
        %sub3A_580 = vector.broadcast %multiple_of3A_542 : i32 to vector<16xi32>
        %sub3A_581 = arith.subi %get3A_579, %sub3A_580 : vector<16xi32>
        %ge3A = arith.constant 0 : i32
        %ge3A_582 = vector.broadcast %ge3A : i32 to vector<16xi32>
        %ge3A_583 = arith.cmpi sge, %sub3A_581, %ge3A_582 : vector<16xi32>
        %lt3A_584 = arith.constant 56 : i32
        %lt3A_585 = vector.broadcast %lt3A_584 : i32 to vector<16xi32>
        %lt3A_586 = arith.cmpi slt, %sub3A_581, %lt3A_585 : vector<16xi32>
        %and3A_587 = arith.andi %ge3A_583, %lt3A_586 : vector<16xi1>
        %add3A_588 = arith.constant 56 : i32
        %add3A_589 = vector.broadcast %add3A_588 : i32 to vector<16xi32>
        %add3A_590 = arith.addi %sub3A_581, %add3A_589 : vector<16xi32>
        %mul3A_591 = arith.constant 16 : i32
        %mul3A_592 = arith.muli %add3A_573, %mul3A_591 : i32
        %add3A_593 = vector.broadcast %mul3A_592 : i32 to vector<16xi32>
        %add3A_594 = arith.addi %iota3A, %add3A_593 : vector<16xi32>
        tpu.vector_store_idx %arg5[%add3A_590, %add3A_594], %broadcast_in_dim3A_108 masked %and3A_587 : memref<112x1024xf32, #tpu.memory_space<vmem>>[vector<16xi32>, vector<16xi32>], vector<16xf32>, vector<16xi1>
        %mul3A_595 = arith.constant 8 : i32
        %mul3A_596 = arith.muli %scan3A_569, %mul3A_595 : i32
        %add3A_597 = arith.constant 1 : i32
        %add3A_598 = arith.addi %mul3A_596, %add3A_597 : i32
        %mul3A_599 = arith.constant 1024 : i32
        %mul3A_600 = arith.muli %sub3A_543, %mul3A_599 : i32
        %mul3A_601 = arith.constant 16 : i32
        %mul3A_602 = arith.muli %add3A_598, %mul3A_601 : i32
        %add3A_603 = arith.addi %mul3A_600, %mul3A_602 : i32
        %get3A_604 = arith.index_cast %add3A_603 : i32 to index
        %get3A_605 = tpu.vector_load %arg4[%get3A_604] {strides = array<i32>} : memref<3072xi32, #tpu.memory_space<vmem>>, vector<16xi32>,
        %sub3A_606 = vector.broadcast %multiple_of3A_542 : i32 to vector<16xi32>
        %sub3A_607 = arith.subi %get3A_605, %sub3A_606 : vector<16xi32>
        %ge3A_608 = arith.constant 0 : i32
        %ge3A_609 = vector.broadcast %ge3A_608 : i32 to vector<16xi32>
        %ge3A_610 = arith.cmpi sge, %sub3A_607, %ge3A_609 : vector<16xi32>
        %lt3A_611 = arith.constant 56 : i32
        %lt3A_612 = vector.broadcast %lt3A_611 : i32 to vector<16xi32>
        %lt3A_613 = arith.cmpi slt, %sub3A_607, %lt3A_612 : vector<16xi32>
        %and3A_614 = arith.andi %ge3A_610, %lt3A_613 : vector<16xi1>
        %add3A_615 = arith.constant 56 : i32
        %add3A_616 = vector.broadcast %add3A_615 : i32 to vector<16xi32>
        %add3A_617 = arith.addi %sub3A_607, %add3A_616 : vector<16xi32>
        %mul3A_618 = arith.constant 16 : i32
        %mul3A_619 = arith.muli %add3A_598, %mul3A_618 : i32
        %add3A_620 = vector.broadcast %mul3A_619 : i32 to vector<16xi32>
        %add3A_621 = arith.addi %iota3A, %add3A_620 : vector<16xi32>
        tpu.vector_store_idx %arg5[%add3A_617, %add3A_621], %broadcast_in_dim3A_108 masked %and3A_614 : memref<112x1024xf32, #tpu.memory_space<vmem>>[vector<16xi32>, vector<16xi32>], vector<16xf32>, vector<16xi1>
        %mul3A_622 = arith.constant 8 : i32
        %mul3A_623 = arith.muli %scan3A_569, %mul3A_622 : i32
        %add3A_624 = arith.constant 2 : i32
        %add3A_625 = arith.addi %mul3A_623, %add3A_624 : i32
        %mul3A_626 = arith.constant 1024 : i32
        %mul3A_627 = arith.muli %sub3A_543, %mul3A_626 : i32
        %mul3A_628 = arith.constant 16 : i32
        %mul3A_629 = arith.muli %add3A_625, %mul3A_628 : i32
        %add3A_630 = arith.addi %mul3A_627, %mul3A_629 : i32
        %get3A_631 = arith.index_cast %add3A_630 : i32 to index
        %get3A_632 = tpu.vector_load %arg4[%get3A_631] {strides = array<i32>} : memref<3072xi32, #tpu.memory_space<vmem>>, vector<16xi32>,
        %sub3A_633 = vector.broadcast %multiple_of3A_542 : i32 to vector<16xi32>
        %sub3A_634 = arith.subi %get3A_632, %sub3A_633 : vector<16xi32>
        %ge3A_635 = arith.constant 0 : i32
        %ge3A_636 = vector.broadcast %ge3A_635 : i32 to vector<16xi32>
        %ge3A_637 = arith.cmpi sge, %sub3A_634, %ge3A_636 : vector<16xi32>
        %lt3A_638 = arith.constant 56 : i32
        %lt3A_639 = vector.broadcast %lt3A_638 : i32 to vector<16xi32>
        %lt3A_640 = arith.cmpi slt, %sub3A_634, %lt3A_639 : vector<16xi32>
        %and3A_641 = arith.andi %ge3A_637, %lt3A_640 : vector<16xi1>
        %add3A_642 = arith.constant 56 : i32
        %add3A_643 = vector.broadcast %add3A_642 : i32 to vector<16xi32>
        %add3A_644 = arith.addi %sub3A_634, %add3A_643 : vector<16xi32>
        %mul3A_645 = arith.constant 16 : i32
        %mul3A_646 = arith.muli %add3A_625, %mul3A_645 : i32
        %add3A_647 = vector.broadcast %mul3A_646 : i32 to vector<16xi32>
        %add3A_648 = arith.addi %iota3A, %add3A_647 : vector<16xi32>
        tpu.vector_store_idx %arg5[%add3A_644, %add3A_648], %broadcast_in_dim3A_108 masked %and3A_641 : memref<112x1024xf32, #tpu.memory_space<vmem>>[vector<16xi32>, vector<16xi32>], vector<16xf32>, vector<16xi1>
        %mul3A_649 = arith.constant 8 : i32
        %mul3A_650 = arith.muli %scan3A_569, %mul3A_649 : i32
        %add3A_651 = arith.constant 3 : i32
        %add3A_652 = arith.addi %mul3A_650, %add3A_651 : i32
        %mul3A_653 = arith.constant 1024 : i32
        %mul3A_654 = arith.muli %sub3A_543, %mul3A_653 : i32
        %mul3A_655 = arith.constant 16 : i32
        %mul3A_656 = arith.muli %add3A_652, %mul3A_655 : i32
        %add3A_657 = arith.addi %mul3A_654, %mul3A_656 : i32
        %get3A_658 = arith.index_cast %add3A_657 : i32 to index
        %get3A_659 = tpu.vector_load %arg4[%get3A_658] {strides = array<i32>} : memref<3072xi32, #tpu.memory_space<vmem>>, vector<16xi32>,
        %sub3A_660 = vector.broadcast %multiple_of3A_542 : i32 to vector<16xi32>
        %sub3A_661 = arith.subi %get3A_659, %sub3A_660 : vector<16xi32>
        %ge3A_662 = arith.constant 0 : i32
        %ge3A_663 = vector.broadcast %ge3A_662 : i32 to vector<16xi32>
        %ge3A_664 = arith.cmpi sge, %sub3A_661, %ge3A_663 : vector<16xi32>
        %lt3A_665 = arith.constant 56 : i32
        %lt3A_666 = vector.broadcast %lt3A_665 : i32 to vector<16xi32>
        %lt3A_667 = arith.cmpi slt, %sub3A_661, %lt3A_666 : vector<16xi32>
        %and3A_668 = arith.andi %ge3A_664, %lt3A_667 : vector<16xi1>
        %add3A_669 = arith.constant 56 : i32
        %add3A_670 = vector.broadcast %add3A_669 : i32 to vector<16xi32>
        %add3A_671 = arith.addi %sub3A_661, %add3A_670 : vector<16xi32>
        %mul3A_672 = arith.constant 16 : i32
        %mul3A_673 = arith.muli %add3A_652, %mul3A_672 : i32
        %add3A_674 = vector.broadcast %mul3A_673 : i32 to vector<16xi32>
        %add3A_675 = arith.addi %iota3A, %add3A_674 : vector<16xi32>
        tpu.vector_store_idx %arg5[%add3A_671, %add3A_675], %broadcast_in_dim3A_108 masked %and3A_668 : memref<112x1024xf32, #tpu.memory_space<vmem>>[vector<16xi32>, vector<16xi32>], vector<16xf32>, vector<16xi1>
        %mul3A_676 = arith.constant 8 : i32
        %mul3A_677 = arith.muli %scan3A_569, %mul3A_676 : i32
        %add3A_678 = arith.constant 4 : i32
        %add3A_679 = arith.addi %mul3A_677, %add3A_678 : i32
        %mul3A_680 = arith.constant 1024 : i32
        %mul3A_681 = arith.muli %sub3A_543, %mul3A_680 : i32
        %mul3A_682 = arith.constant 16 : i32
        %mul3A_683 = arith.muli %add3A_679, %mul3A_682 : i32
        %add3A_684 = arith.addi %mul3A_681, %mul3A_683 : i32
        %get3A_685 = arith.index_cast %add3A_684 : i32 to index
        %get3A_686 = tpu.vector_load %arg4[%get3A_685] {strides = array<i32>} : memref<3072xi32, #tpu.memory_space<vmem>>, vector<16xi32>,
        %sub3A_687 = vector.broadcast %multiple_of3A_542 : i32 to vector<16xi32>
        %sub3A_688 = arith.subi %get3A_686, %sub3A_687 : vector<16xi32>
        %ge3A_689 = arith.constant 0 : i32
        %ge3A_690 = vector.broadcast %ge3A_689 : i32 to vector<16xi32>
        %ge3A_691 = arith.cmpi sge, %sub3A_688, %ge3A_690 : vector<16xi32>
        %lt3A_692 = arith.constant 56 : i32
        %lt3A_693 = vector.broadcast %lt3A_692 : i32 to vector<16xi32>
        %lt3A_694 = arith.cmpi slt, %sub3A_688, %lt3A_693 : vector<16xi32>
        %and3A_695 = arith.andi %ge3A_691, %lt3A_694 : vector<16xi1>
        %add3A_696 = arith.constant 56 : i32
        %add3A_697 = vector.broadcast %add3A_696 : i32 to vector<16xi32>
        %add3A_698 = arith.addi %sub3A_688, %add3A_697 : vector<16xi32>
        %mul3A_699 = arith.constant 16 : i32
        %mul3A_700 = arith.muli %add3A_679, %mul3A_699 : i32
        %add3A_701 = vector.broadcast %mul3A_700 : i32 to vector<16xi32>
        %add3A_702 = arith.addi %iota3A, %add3A_701 : vector<16xi32>
        tpu.vector_store_idx %arg5[%add3A_698, %add3A_702], %broadcast_in_dim3A_108 masked %and3A_695 : memref<112x1024xf32, #tpu.memory_space<vmem>>[vector<16xi32>, vector<16xi32>], vector<16xf32>, vector<16xi1>
        %mul3A_703 = arith.constant 8 : i32
        %mul3A_704 = arith.muli %scan3A_569, %mul3A_703 : i32
        %add3A_705 = arith.constant 5 : i32
        %add3A_706 = arith.addi %mul3A_704, %add3A_705 : i32
        %mul3A_707 = arith.constant 1024 : i32
        %mul3A_708 = arith.muli %sub3A_543, %mul3A_707 : i32
        %mul3A_709 = arith.constant 16 : i32
        %mul3A_710 = arith.muli %add3A_706, %mul3A_709 : i32
        %add3A_711 = arith.addi %mul3A_708, %mul3A_710 : i32
        %get3A_712 = arith.index_cast %add3A_711 : i32 to index
        %get3A_713 = tpu.vector_load %arg4[%get3A_712] {strides = array<i32>} : memref<3072xi32, #tpu.memory_space<vmem>>, vector<16xi32>,
        %sub3A_714 = vector.broadcast %multiple_of3A_542 : i32 to vector<16xi32>
        %sub3A_715 = arith.subi %get3A_713, %sub3A_714 : vector<16xi32>
        %ge3A_716 = arith.constant 0 : i32
        %ge3A_717 = vector.broadcast %ge3A_716 : i32 to vector<16xi32>
        %ge3A_718 = arith.cmpi sge, %sub3A_715, %ge3A_717 : vector<16xi32>
        %lt3A_719 = arith.constant 56 : i32
        %lt3A_720 = vector.broadcast %lt3A_719 : i32 to vector<16xi32>
        %lt3A_721 = arith.cmpi slt, %sub3A_715, %lt3A_720 : vector<16xi32>
        %and3A_722 = arith.andi %ge3A_718, %lt3A_721 : vector<16xi1>
        %add3A_723 = arith.constant 56 : i32
        %add3A_724 = vector.broadcast %add3A_723 : i32 to vector<16xi32>
        %add3A_725 = arith.addi %sub3A_715, %add3A_724 : vector<16xi32>
        %mul3A_726 = arith.constant 16 : i32
        %mul3A_727 = arith.muli %add3A_706, %mul3A_726 : i32
        %add3A_728 = vector.broadcast %mul3A_727 : i32 to vector<16xi32>
        %add3A_729 = arith.addi %iota3A, %add3A_728 : vector<16xi32>
        tpu.vector_store_idx %arg5[%add3A_725, %add3A_729], %broadcast_in_dim3A_108 masked %and3A_722 : memref<112x1024xf32, #tpu.memory_space<vmem>>[vector<16xi32>, vector<16xi32>], vector<16xf32>, vector<16xi1>
        %mul3A_730 = arith.constant 8 : i32
        %mul3A_731 = arith.muli %scan3A_569, %mul3A_730 : i32
        %add3A_732 = arith.constant 6 : i32
        %add3A_733 = arith.addi %mul3A_731, %add3A_732 : i32
        %mul3A_734 = arith.constant 1024 : i32
        %mul3A_735 = arith.muli %sub3A_543, %mul3A_734 : i32
        %mul3A_736 = arith.constant 16 : i32
        %mul3A_737 = arith.muli %add3A_733, %mul3A_736 : i32
        %add3A_738 = arith.addi %mul3A_735, %mul3A_737 : i32
        %get3A_739 = arith.index_cast %add3A_738 : i32 to index
        %get3A_740 = tpu.vector_load %arg4[%get3A_739] {strides = array<i32>} : memref<3072xi32, #tpu.memory_space<vmem>>, vector<16xi32>,
        %sub3A_741 = vector.broadcast %multiple_of3A_542 : i32 to vector<16xi32>
        %sub3A_742 = arith.subi %get3A_740, %sub3A_741 : vector<16xi32>
        %ge3A_743 = arith.constant 0 : i32
        %ge3A_744 = vector.broadcast %ge3A_743 : i32 to vector<16xi32>
        %ge3A_745 = arith.cmpi sge, %sub3A_742, %ge3A_744 : vector<16xi32>
        %lt3A_746 = arith.constant 56 : i32
        %lt3A_747 = vector.broadcast %lt3A_746 : i32 to vector<16xi32>
        %lt3A_748 = arith.cmpi slt, %sub3A_742, %lt3A_747 : vector<16xi32>
        %and3A_749 = arith.andi %ge3A_745, %lt3A_748 : vector<16xi1>
        %add3A_750 = arith.constant 56 : i32
        %add3A_751 = vector.broadcast %add3A_750 : i32 to vector<16xi32>
        %add3A_752 = arith.addi %sub3A_742, %add3A_751 : vector<16xi32>
        %mul3A_753 = arith.constant 16 : i32
        %mul3A_754 = arith.muli %add3A_733, %mul3A_753 : i32
        %add3A_755 = vector.broadcast %mul3A_754 : i32 to vector<16xi32>
        %add3A_756 = arith.addi %iota3A, %add3A_755 : vector<16xi32>
        tpu.vector_store_idx %arg5[%add3A_752, %add3A_756], %broadcast_in_dim3A_108 masked %and3A_749 : memref<112x1024xf32, #tpu.memory_space<vmem>>[vector<16xi32>, vector<16xi32>], vector<16xf32>, vector<16xi1>
        %mul3A_757 = arith.constant 8 : i32
        %mul3A_758 = arith.muli %scan3A_569, %mul3A_757 : i32
        %add3A_759 = arith.constant 7 : i32
        %add3A_760 = arith.addi %mul3A_758, %add3A_759 : i32
        %mul3A_761 = arith.constant 1024 : i32
        %mul3A_762 = arith.muli %sub3A_543, %mul3A_761 : i32
        %mul3A_763 = arith.constant 16 : i32
        %mul3A_764 = arith.muli %add3A_760, %mul3A_763 : i32
        %add3A_765 = arith.addi %mul3A_762, %mul3A_764 : i32
        %get3A_766 = arith.index_cast %add3A_765 : i32 to index
        %get3A_767 = tpu.vector_load %arg4[%get3A_766] {strides = array<i32>} : memref<3072xi32, #tpu.memory_space<vmem>>, vector<16xi32>,
        %sub3A_768 = vector.broadcast %multiple_of3A_542 : i32 to vector<16xi32>
        %sub3A_769 = arith.subi %get3A_767, %sub3A_768 : vector<16xi32>
        %ge3A_770 = arith.constant 0 : i32
        %ge3A_771 = vector.broadcast %ge3A_770 : i32 to vector<16xi32>
        %ge3A_772 = arith.cmpi sge, %sub3A_769, %ge3A_771 : vector<16xi32>
        %lt3A_773 = arith.constant 56 : i32
        %lt3A_774 = vector.broadcast %lt3A_773 : i32 to vector<16xi32>
        %lt3A_775 = arith.cmpi slt, %sub3A_769, %lt3A_774 : vector<16xi32>
        %and3A_776 = arith.andi %ge3A_772, %lt3A_775 : vector<16xi1>
        %add3A_777 = arith.constant 56 : i32
        %add3A_778 = vector.broadcast %add3A_777 : i32 to vector<16xi32>
        %add3A_779 = arith.addi %sub3A_769, %add3A_778 : vector<16xi32>
        %mul3A_780 = arith.constant 16 : i32
        %mul3A_781 = arith.muli %add3A_760, %mul3A_780 : i32
        %add3A_782 = vector.broadcast %mul3A_781 : i32 to vector<16xi32>
        %add3A_783 = arith.addi %iota3A, %add3A_782 : vector<16xi32>
        tpu.vector_store_idx %arg5[%add3A_779, %add3A_783], %broadcast_in_dim3A_108 masked %and3A_776 : memref<112x1024xf32, #tpu.memory_space<vmem>>[vector<16xi32>, vector<16xi32>], vector<16xf32>, vector<16xi1>
      }
      %scan3A_549 = arith.constant 8 : i32
      %sub3A_550 = arith.subi %select_n3A_485, %min3A_72 : i32
      %scan3A_551 = arith.constant 0 : i32
      %scan3A_552 = arith.constant 0 : i32
      %scan3A_553 = arith.constant 8 : i32
      %scan3A_554 = arith.addi %scan3A_552, %scan3A_553 : i32
      %scan3A_555 = arith.constant 1 : i32
      scf.for %scan3A_569 = %scan3A_552 to %scan3A_554 step %scan3A_555  : i32 {
        %mul3A_570 = arith.constant 8 : i32
        %mul3A_571 = arith.muli %scan3A_569, %mul3A_570 : i32
        %add3A_572 = arith.constant 0 : i32
        %add3A_573 = arith.addi %mul3A_571, %add3A_572 : i32
        %mul3A_574 = arith.constant 1024 : i32
        %mul3A_575 = arith.muli %sub3A_550, %mul3A_574 : i32
        %mul3A_576 = arith.constant 16 : i32
        %mul3A_577 = arith.muli %add3A_573, %mul3A_576 : i32
        %add3A_578 = arith.addi %mul3A_575, %mul3A_577 : i32
        %get3A = arith.index_cast %add3A_578 : i32 to index
        %get3A_579 = tpu.vector_load %arg4[%get3A] {strides = array<i32>} : memref<3072xi32, #tpu.memory_space<vmem>>, vector<16xi32>,
        %sub3A_580 = vector.broadcast %multiple_of3A_493 : i32 to vector<16xi32>
        %sub3A_581 = arith.subi %get3A_579, %sub3A_580 : vector<16xi32>
        %ge3A = arith.constant 0 : i32
        %ge3A_582 = vector.broadcast %ge3A : i32 to vector<16xi32>
        %ge3A_583 = arith.cmpi sge, %sub3A_581, %ge3A_582 : vector<16xi32>
        %lt3A_584 = arith.constant 56 : i32
        %lt3A_585 = vector.broadcast %lt3A_584 : i32 to vector<16xi32>
        %lt3A_586 = arith.cmpi slt, %sub3A_581, %lt3A_585 : vector<16xi32>
        %and3A_587 = arith.andi %ge3A_583, %lt3A_586 : vector<16xi1>
        %add3A_588 = arith.constant 56 : i32
        %add3A_589 = vector.broadcast %add3A_588 : i32 to vector<16xi32>
        %add3A_590 = arith.addi %sub3A_581, %add3A_589 : vector<16xi32>
        %mul3A_591 = arith.constant 16 : i32
        %mul3A_592 = arith.muli %add3A_573, %mul3A_591 : i32
        %add3A_593 = vector.broadcast %mul3A_592 : i32 to vector<16xi32>
        %add3A_594 = arith.addi %iota3A, %add3A_593 : vector<16xi32>
        tpu.vector_store_idx %arg5[%add3A_590, %add3A_594], %broadcast_in_dim3A_110 masked %and3A_587 : memref<112x1024xf32, #tpu.memory_space<vmem>>[vector<16xi32>, vector<16xi32>], vector<16xf32>, vector<16xi1>
        %mul3A_595 = arith.constant 8 : i32
        %mul3A_596 = arith.muli %scan3A_569, %mul3A_595 : i32
        %add3A_597 = arith.constant 1 : i32
        %add3A_598 = arith.addi %mul3A_596, %add3A_597 : i32
        %mul3A_599 = arith.constant 1024 : i32
        %mul3A_600 = arith.muli %sub3A_550, %mul3A_599 : i32
        %mul3A_601 = arith.constant 16 : i32
        %mul3A_602 = arith.muli %add3A_598, %mul3A_601 : i32
        %add3A_603 = arith.addi %mul3A_600, %mul3A_602 : i32
        %get3A_604 = arith.index_cast %add3A_603 : i32 to index
        %get3A_605 = tpu.vector_load %arg4[%get3A_604] {strides = array<i32>} : memref<3072xi32, #tpu.memory_space<vmem>>, vector<16xi32>,
        %sub3A_606 = vector.broadcast %multiple_of3A_493 : i32 to vector<16xi32>
        %sub3A_607 = arith.subi %get3A_605, %sub3A_606 : vector<16xi32>
        %ge3A_608 = arith.constant 0 : i32
        %ge3A_609 = vector.broadcast %ge3A_608 : i32 to vector<16xi32>
        %ge3A_610 = arith.cmpi sge, %sub3A_607, %ge3A_609 : vector<16xi32>
        %lt3A_611 = arith.constant 56 : i32
        %lt3A_612 = vector.broadcast %lt3A_611 : i32 to vector<16xi32>
        %lt3A_613 = arith.cmpi slt, %sub3A_607, %lt3A_612 : vector<16xi32>
        %and3A_614 = arith.andi %ge3A_610, %lt3A_613 : vector<16xi1>
        %add3A_615 = arith.constant 56 : i32
        %add3A_616 = vector.broadcast %add3A_615 : i32 to vector<16xi32>
        %add3A_617 = arith.addi %sub3A_607, %add3A_616 : vector<16xi32>
        %mul3A_618 = arith.constant 16 : i32
        %mul3A_619 = arith.muli %add3A_598, %mul3A_618 : i32
        %add3A_620 = vector.broadcast %mul3A_619 : i32 to vector<16xi32>
        %add3A_621 = arith.addi %iota3A, %add3A_620 : vector<16xi32>
        tpu.vector_store_idx %arg5[%add3A_617, %add3A_621], %broadcast_in_dim3A_110 masked %and3A_614 : memref<112x1024xf32, #tpu.memory_space<vmem>>[vector<16xi32>, vector<16xi32>], vector<16xf32>, vector<16xi1>
        %mul3A_622 = arith.constant 8 : i32
        %mul3A_623 = arith.muli %scan3A_569, %mul3A_622 : i32
        %add3A_624 = arith.constant 2 : i32
        %add3A_625 = arith.addi %mul3A_623, %add3A_624 : i32
        %mul3A_626 = arith.constant 1024 : i32
        %mul3A_627 = arith.muli %sub3A_550, %mul3A_626 : i32
        %mul3A_628 = arith.constant 16 : i32
        %mul3A_629 = arith.muli %add3A_625, %mul3A_628 : i32
        %add3A_630 = arith.addi %mul3A_627, %mul3A_629 : i32
        %get3A_631 = arith.index_cast %add3A_630 : i32 to index
        %get3A_632 = tpu.vector_load %arg4[%get3A_631] {strides = array<i32>} : memref<3072xi32, #tpu.memory_space<vmem>>, vector<16xi32>,
        %sub3A_633 = vector.broadcast %multiple_of3A_493 : i32 to vector<16xi32>
        %sub3A_634 = arith.subi %get3A_632, %sub3A_633 : vector<16xi32>
        %ge3A_635 = arith.constant 0 : i32
        %ge3A_636 = vector.broadcast %ge3A_635 : i32 to vector<16xi32>
        %ge3A_637 = arith.cmpi sge, %sub3A_634, %ge3A_636 : vector<16xi32>
        %lt3A_638 = arith.constant 56 : i32
        %lt3A_639 = vector.broadcast %lt3A_638 : i32 to vector<16xi32>
        %lt3A_640 = arith.cmpi slt, %sub3A_634, %lt3A_639 : vector<16xi32>
        %and3A_641 = arith.andi %ge3A_637, %lt3A_640 : vector<16xi1>
        %add3A_642 = arith.constant 56 : i32
        %add3A_643 = vector.broadcast %add3A_642 : i32 to vector<16xi32>
        %add3A_644 = arith.addi %sub3A_634, %add3A_643 : vector<16xi32>
        %mul3A_645 = arith.constant 16 : i32
        %mul3A_646 = arith.muli %add3A_625, %mul3A_645 : i32
        %add3A_647 = vector.broadcast %mul3A_646 : i32 to vector<16xi32>
        %add3A_648 = arith.addi %iota3A, %add3A_647 : vector<16xi32>
        tpu.vector_store_idx %arg5[%add3A_644, %add3A_648], %broadcast_in_dim3A_110 masked %and3A_641 : memref<112x1024xf32, #tpu.memory_space<vmem>>[vector<16xi32>, vector<16xi32>], vector<16xf32>, vector<16xi1>
        %mul3A_649 = arith.constant 8 : i32
        %mul3A_650 = arith.muli %scan3A_569, %mul3A_649 : i32
        %add3A_651 = arith.constant 3 : i32
        %add3A_652 = arith.addi %mul3A_650, %add3A_651 : i32
        %mul3A_653 = arith.constant 1024 : i32
        %mul3A_654 = arith.muli %sub3A_550, %mul3A_653 : i32
        %mul3A_655 = arith.constant 16 : i32
        %mul3A_656 = arith.muli %add3A_652, %mul3A_655 : i32
        %add3A_657 = arith.addi %mul3A_654, %mul3A_656 : i32
        %get3A_658 = arith.index_cast %add3A_657 : i32 to index
        %get3A_659 = tpu.vector_load %arg4[%get3A_658] {strides = array<i32>} : memref<3072xi32, #tpu.memory_space<vmem>>, vector<16xi32>,
        %sub3A_660 = vector.broadcast %multiple_of3A_493 : i32 to vector<16xi32>
        %sub3A_661 = arith.subi %get3A_659, %sub3A_660 : vector<16xi32>
        %ge3A_662 = arith.constant 0 : i32
        %ge3A_663 = vector.broadcast %ge3A_662 : i32 to vector<16xi32>
        %ge3A_664 = arith.cmpi sge, %sub3A_661, %ge3A_663 : vector<16xi32>
        %lt3A_665 = arith.constant 56 : i32
        %lt3A_666 = vector.broadcast %lt3A_665 : i32 to vector<16xi32>
        %lt3A_667 = arith.cmpi slt, %sub3A_661, %lt3A_666 : vector<16xi32>
        %and3A_668 = arith.andi %ge3A_664, %lt3A_667 : vector<16xi1>
        %add3A_669 = arith.constant 56 : i32
        %add3A_670 = vector.broadcast %add3A_669 : i32 to vector<16xi32>
        %add3A_671 = arith.addi %sub3A_661, %add3A_670 : vector<16xi32>
        %mul3A_672 = arith.constant 16 : i32
        %mul3A_673 = arith.muli %add3A_652, %mul3A_672 : i32
        %add3A_674 = vector.broadcast %mul3A_673 : i32 to vector<16xi32>
        %add3A_675 = arith.addi %iota3A, %add3A_674 : vector<16xi32>
        tpu.vector_store_idx %arg5[%add3A_671, %add3A_675], %broadcast_in_dim3A_110 masked %and3A_668 : memref<112x1024xf32, #tpu.memory_space<vmem>>[vector<16xi32>, vector<16xi32>], vector<16xf32>, vector<16xi1>
        %mul3A_676 = arith.constant 8 : i32
        %mul3A_677 = arith.muli %scan3A_569, %mul3A_676 : i32
        %add3A_678 = arith.constant 4 : i32
        %add3A_679 = arith.addi %mul3A_677, %add3A_678 : i32
        %mul3A_680 = arith.constant 1024 : i32
        %mul3A_681 = arith.muli %sub3A_550, %mul3A_680 : i32
        %mul3A_682 = arith.constant 16 : i32
        %mul3A_683 = arith.muli %add3A_679, %mul3A_682 : i32
        %add3A_684 = arith.addi %mul3A_681, %mul3A_683 : i32
        %get3A_685 = arith.index_cast %add3A_684 : i32 to index
        %get3A_686 = tpu.vector_load %arg4[%get3A_685] {strides = array<i32>} : memref<3072xi32, #tpu.memory_space<vmem>>, vector<16xi32>,
        %sub3A_687 = vector.broadcast %multiple_of3A_493 : i32 to vector<16xi32>
        %sub3A_688 = arith.subi %get3A_686, %sub3A_687 : vector<16xi32>
        %ge3A_689 = arith.constant 0 : i32
        %ge3A_690 = vector.broadcast %ge3A_689 : i32 to vector<16xi32>
        %ge3A_691 = arith.cmpi sge, %sub3A_688, %ge3A_690 : vector<16xi32>
        %lt3A_692 = arith.constant 56 : i32
        %lt3A_693 = vector.broadcast %lt3A_692 : i32 to vector<16xi32>
        %lt3A_694 = arith.cmpi slt, %sub3A_688, %lt3A_693 : vector<16xi32>
        %and3A_695 = arith.andi %ge3A_691, %lt3A_694 : vector<16xi1>
        %add3A_696 = arith.constant 56 : i32
        %add3A_697 = vector.broadcast %add3A_696 : i32 to vector<16xi32>
        %add3A_698 = arith.addi %sub3A_688, %add3A_697 : vector<16xi32>
        %mul3A_699 = arith.constant 16 : i32
        %mul3A_700 = arith.muli %add3A_679, %mul3A_699 : i32
        %add3A_701 = vector.broadcast %mul3A_700 : i32 to vector<16xi32>
        %add3A_702 = arith.addi %iota3A, %add3A_701 : vector<16xi32>
        tpu.vector_store_idx %arg5[%add3A_698, %add3A_702], %broadcast_in_dim3A_110 masked %and3A_695 : memref<112x1024xf32, #tpu.memory_space<vmem>>[vector<16xi32>, vector<16xi32>], vector<16xf32>, vector<16xi1>
        %mul3A_703 = arith.constant 8 : i32
        %mul3A_704 = arith.muli %scan3A_569, %mul3A_703 : i32
        %add3A_705 = arith.constant 5 : i32
        %add3A_706 = arith.addi %mul3A_704, %add3A_705 : i32
        %mul3A_707 = arith.constant 1024 : i32
        %mul3A_708 = arith.muli %sub3A_550, %mul3A_707 : i32
        %mul3A_709 = arith.constant 16 : i32
        %mul3A_710 = arith.muli %add3A_706, %mul3A_709 : i32
        %add3A_711 = arith.addi %mul3A_708, %mul3A_710 : i32
        %get3A_712 = arith.index_cast %add3A_711 : i32 to index
        %get3A_713 = tpu.vector_load %arg4[%get3A_712] {strides = array<i32>} : memref<3072xi32, #tpu.memory_space<vmem>>, vector<16xi32>,
        %sub3A_714 = vector.broadcast %multiple_of3A_493 : i32 to vector<16xi32>
        %sub3A_715 = arith.subi %get3A_713, %sub3A_714 : vector<16xi32>
        %ge3A_716 = arith.constant 0 : i32
        %ge3A_717 = vector.broadcast %ge3A_716 : i32 to vector<16xi32>
        %ge3A_718 = arith.cmpi sge, %sub3A_715, %ge3A_717 : vector<16xi32>
        %lt3A_719 = arith.constant 56 : i32
        %lt3A_720 = vector.broadcast %lt3A_719 : i32 to vector<16xi32>
        %lt3A_721 = arith.cmpi slt, %sub3A_715, %lt3A_720 : vector<16xi32>
        %and3A_722 = arith.andi %ge3A_718, %lt3A_721 : vector<16xi1>
        %add3A_723 = arith.constant 56 : i32
        %add3A_724 = vector.broadcast %add3A_723 : i32 to vector<16xi32>
        %add3A_725 = arith.addi %sub3A_715, %add3A_724 : vector<16xi32>
        %mul3A_726 = arith.constant 16 : i32
        %mul3A_727 = arith.muli %add3A_706, %mul3A_726 : i32
        %add3A_728 = vector.broadcast %mul3A_727 : i32 to vector<16xi32>
        %add3A_729 = arith.addi %iota3A, %add3A_728 : vector<16xi32>
        tpu.vector_store_idx %arg5[%add3A_725, %add3A_729], %broadcast_in_dim3A_110 masked %and3A_722 : memref<112x1024xf32, #tpu.memory_space<vmem>>[vector<16xi32>, vector<16xi32>], vector<16xf32>, vector<16xi1>
        %mul3A_730 = arith.constant 8 : i32
        %mul3A_731 = arith.muli %scan3A_569, %mul3A_730 : i32
        %add3A_732 = arith.constant 6 : i32
        %add3A_733 = arith.addi %mul3A_731, %add3A_732 : i32
        %mul3A_734 = arith.constant 1024 : i32
        %mul3A_735 = arith.muli %sub3A_550, %mul3A_734 : i32
        %mul3A_736 = arith.constant 16 : i32
        %mul3A_737 = arith.muli %add3A_733, %mul3A_736 : i32
        %add3A_738 = arith.addi %mul3A_735, %mul3A_737 : i32
        %get3A_739 = arith.index_cast %add3A_738 : i32 to index
        %get3A_740 = tpu.vector_load %arg4[%get3A_739] {strides = array<i32>} : memref<3072xi32, #tpu.memory_space<vmem>>, vector<16xi32>,
        %sub3A_741 = vector.broadcast %multiple_of3A_493 : i32 to vector<16xi32>
        %sub3A_742 = arith.subi %get3A_740, %sub3A_741 : vector<16xi32>
        %ge3A_743 = arith.constant 0 : i32
        %ge3A_744 = vector.broadcast %ge3A_743 : i32 to vector<16xi32>
        %ge3A_745 = arith.cmpi sge, %sub3A_742, %ge3A_744 : vector<16xi32>
        %lt3A_746 = arith.constant 56 : i32
        %lt3A_747 = vector.broadcast %lt3A_746 : i32 to vector<16xi32>
        %lt3A_748 = arith.cmpi slt, %sub3A_742, %lt3A_747 : vector<16xi32>
        %and3A_749 = arith.andi %ge3A_745, %lt3A_748 : vector<16xi1>
        %add3A_750 = arith.constant 56 : i32
        %add3A_751 = vector.broadcast %add3A_750 : i32 to vector<16xi32>
        %add3A_752 = arith.addi %sub3A_742, %add3A_751 : vector<16xi32>
        %mul3A_753 = arith.constant 16 : i32
        %mul3A_754 = arith.muli %add3A_733, %mul3A_753 : i32
        %add3A_755 = vector.broadcast %mul3A_754 : i32 to vector<16xi32>
        %add3A_756 = arith.addi %iota3A, %add3A_755 : vector<16xi32>
        tpu.vector_store_idx %arg5[%add3A_752, %add3A_756], %broadcast_in_dim3A_110 masked %and3A_749 : memref<112x1024xf32, #tpu.memory_space<vmem>>[vector<16xi32>, vector<16xi32>], vector<16xf32>, vector<16xi1>
        %mul3A_757 = arith.constant 8 : i32
        %mul3A_758 = arith.muli %scan3A_569, %mul3A_757 : i32
        %add3A_759 = arith.constant 7 : i32
        %add3A_760 = arith.addi %mul3A_758, %add3A_759 : i32
        %mul3A_761 = arith.constant 1024 : i32
        %mul3A_762 = arith.muli %sub3A_550, %mul3A_761 : i32
        %mul3A_763 = arith.constant 16 : i32
        %mul3A_764 = arith.muli %add3A_760, %mul3A_763 : i32
        %add3A_765 = arith.addi %mul3A_762, %mul3A_764 : i32
        %get3A_766 = arith.index_cast %add3A_765 : i32 to index
        %get3A_767 = tpu.vector_load %arg4[%get3A_766] {strides = array<i32>} : memref<3072xi32, #tpu.memory_space<vmem>>, vector<16xi32>,
        %sub3A_768 = vector.broadcast %multiple_of3A_493 : i32 to vector<16xi32>
        %sub3A_769 = arith.subi %get3A_767, %sub3A_768 : vector<16xi32>
        %ge3A_770 = arith.constant 0 : i32
        %ge3A_771 = vector.broadcast %ge3A_770 : i32 to vector<16xi32>
        %ge3A_772 = arith.cmpi sge, %sub3A_769, %ge3A_771 : vector<16xi32>
        %lt3A_773 = arith.constant 56 : i32
        %lt3A_774 = vector.broadcast %lt3A_773 : i32 to vector<16xi32>
        %lt3A_775 = arith.cmpi slt, %sub3A_769, %lt3A_774 : vector<16xi32>
        %and3A_776 = arith.andi %ge3A_772, %lt3A_775 : vector<16xi1>
        %add3A_777 = arith.constant 56 : i32
        %add3A_778 = vector.broadcast %add3A_777 : i32 to vector<16xi32>
        %add3A_779 = arith.addi %sub3A_769, %add3A_778 : vector<16xi32>
        %mul3A_780 = arith.constant 16 : i32
        %mul3A_781 = arith.muli %add3A_760, %mul3A_780 : i32
        %add3A_782 = vector.broadcast %mul3A_781 : i32 to vector<16xi32>
        %add3A_783 = arith.addi %iota3A, %add3A_782 : vector<16xi32>
        tpu.vector_store_idx %arg5[%add3A_779, %add3A_783], %broadcast_in_dim3A_110 masked %and3A_776 : memref<112x1024xf32, #tpu.memory_space<vmem>>[vector<16xi32>, vector<16xi32>], vector<16xf32>, vector<16xi1>
      }
      %scan3A_556 = arith.constant 8 : i32
      %dma_start3A_557 = arith.constant 56 : i32
      %dma_start3A_558 = arith.constant 0 : i32
      %dma_start3A_559 = tpu.memref_slice %arg5[%dma_start3A_557, %dma_start3A_558] : memref<112x1024xf32, #tpu.memory_space<vmem>> -> memref<56x1024xf32, #tpu.memory_space<vmem>>
      %dma_start3A_560 = arith.constant 0 : i32
      %dma_start3A_561 = tpu.memref_slice %arg3[%select_n3A_485, %multiple_of3A_493, %dma_start3A_560] : memref<50x1000x1024xf32, #tpu.memory_space<hbm>> -> memref<1x56x1024xf32, #tpu.memory_space<hbm>>
      %dma_start3A_562 = tpu.memref_squeeze %dma_start3A_561 : memref<1x56x1024xf32, #tpu.memory_space<hbm>> -> memref<56x1024xf32, #tpu.memory_space<hbm>>
      %dma_start3A_563 = arith.constant 0 : i32
      %dma_start3A_564 = tpu.memref_slice %arg3[%select_n3A_485, %multiple_of3A_493, %dma_start3A_563] : memref<50x1000x1024xf32, #tpu.memory_space<hbm>> -> memref<1x56x1024xf32, #tpu.memory_space<hbm>>
      %dma_start3A_565 = tpu.memref_squeeze %dma_start3A_564 : memref<1x56x1024xf32, #tpu.memory_space<hbm>> -> memref<56x1024xf32, #tpu.memory_space<hbm>>
      %dma_start3A_566 = arith.constant 56 : i32
      %dma_start3A_567 = arith.constant 0 : i32
      %dma_start3A_568 = tpu.memref_slice %arg5[%dma_start3A_566, %dma_start3A_567] : memref<112x1024xf32, #tpu.memory_space<vmem>> -> memref<56x1024xf32, #tpu.memory_space<vmem>>
      tpu.enqueue_dma source(%dma_start3A_568 : memref<56x1024xf32, #tpu.memory_space<vmem>>) target(%dma_start3A_565 : memref<56x1024xf32, #tpu.memory_space<hbm>>) target_semaphore(%arg7 : memref<!tpu.dma_semaphore, #tpu.memory_space<semaphore_mem>>)
    }
    %jit3A_297 = arith.constant 2 : i32
    %eq3A = arith.constant 0 : i32
    %eq3A_298 = arith.cmpi eq, %jit3A_297, %eq3A : i32
    %jit3A_299 = arith.constant 1 : i32
    %select_n3A_300 = arith.select %eq3A_298, %jit3A_299, %jit3A_297 : i32
    %rem3A_301 = arith.remsi %sub3A_47, %select_n3A_300 : i32
    %ne3A_302 = arith.constant 0 : i32
    %ne3A_303 = arith.cmpi ne, %rem3A_301, %ne3A_302 : i32
    %lt3A = arith.constant 0 : i32
    %lt3A_304 = arith.cmpi slt, %rem3A_301, %lt3A : i32
    %lt3A_305 = arith.constant 0 : i32
    %lt3A_306 = arith.cmpi slt, %select_n3A_300, %lt3A_305 : i32
    %ne3A_307 = arith.xori %lt3A_304, %lt3A_306 : i1
    %and3A_308 = arith.andi %ne3A_307, %ne3A_303 : i1
    %add3A_309 = arith.addi %rem3A_301, %select_n3A_300 : i32
    %select_n3A_310 = arith.select %and3A_308, %add3A_309, %rem3A_301 : i32
    %eq3A_311 = arith.constant 1 : i32
    %eq3A_312 = arith.cmpi eq, %select_n3A_310, %eq3A_311 : i32
    %convert_element_type3A = arith.extui %eq3A_312 : i1 to i32
    %cond3A = arith.constant 0 : i32
    %cond3A_313 = arith.cmpi ne, %convert_element_type3A, %cond3A : i32
    scf.if %cond3A_313 {
      %sub3A_344 = arith.constant 1 : i32
      %sub3A_345 = arith.subi %sub3A_47, %sub3A_344 : i32
      %add3A_346 = arith.addi %select_n3A, %sub3A_345 : i32
      %jit3A_347 = arith.constant 18 : i32
      %div3A_348 = arith.divsi %add3A_346, %jit3A_347 : i32
      %sign3A_349 = arith.constant 0 : i32
      %sign3A_350 = arith.cmpi sgt, %add3A_346, %sign3A_349 : i32
      %sign3A_351 = arith.extui %sign3A_350 : i1 to i32
      %sign3A_352 = arith.constant 0 : i32
      %sign3A_353 = arith.cmpi slt, %add3A_346, %sign3A_352 : i32
      %sign3A_354 = arith.extui %sign3A_353 : i1 to i32
      %sign3A_355 = arith.subi %sign3A_351, %sign3A_354 : i32
      %sign3A_356 = arith.constant 0 : i32
      %sign3A_357 = arith.cmpi sgt, %jit3A_347, %sign3A_356 : i32
      %sign3A_358 = arith.extui %sign3A_357 : i1 to i32
      %sign3A_359 = arith.constant 0 : i32
      %sign3A_360 = arith.cmpi slt, %jit3A_347, %sign3A_359 : i32
      %sign3A_361 = arith.extui %sign3A_360 : i1 to i32
      %sign3A_362 = arith.subi %sign3A_358, %sign3A_361 : i32
      %ne3A_363 = arith.cmpi ne, %sign3A_355, %sign3A_362 : i32
      %rem3A_364 = arith.remsi %add3A_346, %jit3A_347 : i32
      %ne3A_365 = arith.constant 0 : i32
      %ne3A_366 = arith.cmpi ne, %rem3A_364, %ne3A_365 : i32
      %and3A_367 = arith.andi %ne3A_363, %ne3A_366 : i1
      %sub3A_368 = arith.constant 1 : i32
      %sub3A_369 = arith.subi %div3A_348, %sub3A_368 : i32
      %select_n3A_370 = arith.select %and3A_367, %sub3A_369, %div3A_348 : i32
      %mul3A_371 = arith.constant 18 : i32
      %mul3A_372 = arith.muli %select_n3A_370, %mul3A_371 : i32
      %sub3A_373 = arith.subi %add3A_346, %mul3A_372 : i32
      %mul3A_374 = arith.constant 56 : i32
      %mul3A_375 = arith.muli %sub3A_373, %mul3A_374 : i32
      %min3A_376 = arith.constant 944 : i32
      %min3A_377 = arith.minsi %mul3A_375, %min3A_376 : i32
      %multiple_of3A_378 = tpu.assume_multiple %min3A_377, 8 : i32
      %dma_wait3A_379 = arith.constant 0 : i32
      %dma_wait3A_380 = arith.constant 0 : i32
      %dma_wait3A_381 = arith.constant 0 : i32
      %dma_wait3A_382 = tpu.memref_slice %arg5[%dma_wait3A_380, %dma_wait3A_381] : memref<112x1024xf32, #tpu.memory_space<vmem>> -> memref<56x1024xf32, #tpu.memory_space<vmem>>
      %dma_wait3A_383 = arith.constant 0 : i32
      %dma_wait3A_384 = arith.constant 0 : i32
      %dma_wait3A_385 = tpu.memref_slice %arg3[%dma_wait3A_379, %dma_wait3A_383, %dma_wait3A_384] : memref<50x1000x1024xf32, #tpu.memory_space<hbm>> -> memref<1x56x1024xf32, #tpu.memory_space<hbm>>
      %dma_wait3A_386 = tpu.memref_squeeze %dma_wait3A_385 : memref<1x56x1024xf32, #tpu.memory_space<hbm>> -> memref<56x1024xf32, #tpu.memory_space<hbm>>
      %dma_wait3A_387 = arith.constant 0 : i32
      %dma_wait3A_388 = arith.constant 0 : i32
      %dma_wait3A_389 = tpu.memref_slice %arg3[%dma_wait3A_379, %dma_wait3A_387, %dma_wait3A_388] : memref<50x1000x1024xf32, #tpu.memory_space<hbm>> -> memref<1x56x1024xf32, #tpu.memory_space<hbm>>
      %dma_wait3A_390 = tpu.memref_squeeze %dma_wait3A_389 : memref<1x56x1024xf32, #tpu.memory_space<hbm>> -> memref<56x1024xf32, #tpu.memory_space<hbm>>
      %dma_wait3A_391 = arith.constant 0 : i32
      %dma_wait3A_392 = arith.constant 0 : i32
      %dma_wait3A_393 = tpu.memref_slice %arg5[%dma_wait3A_391, %dma_wait3A_392] : memref<112x1024xf32, #tpu.memory_space<vmem>> -> memref<56x1024xf32, #tpu.memory_space<vmem>>
      tpu.wait_dma2 semaphore(%arg6 : memref<!tpu.dma_semaphore, #tpu.memory_space<semaphore_mem>>) src(%dma_wait3A_393 : memref<56x1024xf32, #tpu.memory_space<vmem>>) dst(%dma_wait3A_390 : memref<56x1024xf32, #tpu.memory_space<hbm>>)
      %sub3A_394 = arith.constant 2 : i32
      %sub3A_395 = arith.subi %add3A_346, %sub3A_394 : i32
      %jit3A_396 = arith.constant 18 : i32
      %div3A_397 = arith.divsi %sub3A_395, %jit3A_396 : i32
      %sign3A_398 = arith.constant 0 : i32
      %sign3A_399 = arith.cmpi sgt, %sub3A_395, %sign3A_398 : i32
      %sign3A_400 = arith.extui %sign3A_399 : i1 to i32
      %sign3A_401 = arith.constant 0 : i32
      %sign3A_402 = arith.cmpi slt, %sub3A_395, %sign3A_401 : i32
      %sign3A_403 = arith.extui %sign3A_402 : i1 to i32
      %sign3A_404 = arith.subi %sign3A_400, %sign3A_403 : i32
      %sign3A_405 = arith.constant 0 : i32
      %sign3A_406 = arith.cmpi sgt, %jit3A_396, %sign3A_405 : i32
      %sign3A_407 = arith.extui %sign3A_406 : i1 to i32
      %sign3A_408 = arith.constant 0 : i32
      %sign3A_409 = arith.cmpi slt, %jit3A_396, %sign3A_408 : i32
      %sign3A_410 = arith.extui %sign3A_409 : i1 to i32
      %sign3A_411 = arith.subi %sign3A_407, %sign3A_410 : i32
      %ne3A_412 = arith.cmpi ne, %sign3A_404, %sign3A_411 : i32
      %rem3A_413 = arith.remsi %sub3A_395, %jit3A_396 : i32
      %ne3A_414 = arith.constant 0 : i32
      %ne3A_415 = arith.cmpi ne, %rem3A_413, %ne3A_414 : i32
      %and3A_416 = arith.andi %ne3A_412, %ne3A_415 : i1
      %sub3A_417 = arith.constant 1 : i32
      %sub3A_418 = arith.subi %div3A_397, %sub3A_417 : i32
      %select_n3A_419 = arith.select %and3A_416, %sub3A_418, %div3A_397 : i32
      %mul3A_420 = arith.constant 18 : i32
      %mul3A_421 = arith.muli %select_n3A_419, %mul3A_420 : i32
      %sub3A_422 = arith.subi %sub3A_395, %mul3A_421 : i32
      %mul3A_423 = arith.constant 56 : i32
      %mul3A_424 = arith.muli %sub3A_422, %mul3A_423 : i32
      %min3A_425 = arith.constant 944 : i32
      %min3A_426 = arith.minsi %mul3A_424, %min3A_425 : i32
      %multiple_of3A_427 = tpu.assume_multiple %min3A_426, 8 : i32
      %sub3A_428 = arith.subi %select_n3A_419, %min3A_72 : i32
      %scan3A_429 = arith.constant 0 : i32
      %scan3A_430 = arith.constant 0 : i32
      %scan3A_431 = arith.constant 8 : i32
      %scan3A_432 = arith.addi %scan3A_430, %scan3A_431 : i32
      %scan3A_433 = arith.constant 1 : i32
      scf.for %scan3A_454 = %scan3A_430 to %scan3A_432 step %scan3A_433  : i32 {
        %mul3A_455 = arith.constant 8 : i32
        %mul3A_456 = arith.muli %scan3A_454, %mul3A_455 : i32
        %add3A_457 = arith.constant 0 : i32
        %add3A_458 = arith.addi %mul3A_456, %add3A_457 : i32
        %mul3A_459 = arith.constant 1024 : i32
        %mul3A_460 = arith.muli %sub3A_428, %mul3A_459 : i32
        %mul3A_461 = arith.constant 16 : i32
        %mul3A_462 = arith.muli %add3A_458, %mul3A_461 : i32
        %add3A_463 = arith.addi %mul3A_460, %mul3A_462 : i32
        %get3A = arith.index_cast %add3A_463 : i32 to index
        %get3A_464 = tpu.vector_load %arg4[%get3A] {strides = array<i32>} : memref<3072xi32, #tpu.memory_space<vmem>>, vector<16xi32>,
        %sub3A_465 = vector.broadcast %multiple_of3A_427 : i32 to vector<16xi32>
        %sub3A_466 = arith.subi %get3A_464, %sub3A_465 : vector<16xi32>
        %ge3A = arith.constant 0 : i32
        %ge3A_467 = vector.broadcast %ge3A : i32 to vector<16xi32>
        %ge3A_468 = arith.cmpi sge, %sub3A_466, %ge3A_467 : vector<16xi32>
        %lt3A_469 = arith.constant 56 : i32
        %lt3A_470 = vector.broadcast %lt3A_469 : i32 to vector<16xi32>
        %lt3A_471 = arith.cmpi slt, %sub3A_466, %lt3A_470 : vector<16xi32>
        %and3A_472 = arith.andi %ge3A_468, %lt3A_471 : vector<16xi1>
        %add3A_473 = arith.constant 0 : i32
        %add3A_474 = vector.broadcast %add3A_473 : i32 to vector<16xi32>
        %add3A_475 = arith.addi %sub3A_466, %add3A_474 : vector<16xi32>
        %mul3A_476 = arith.constant 16 : i32
        %mul3A_477 = arith.muli %add3A_458, %mul3A_476 : i32
        %add3A_478 = vector.broadcast %mul3A_477 : i32 to vector<16xi32>
        %add3A_479 = arith.addi %iota3A, %add3A_478 : vector<16xi32>
        tpu.vector_store_idx %arg5[%add3A_475, %add3A_479], %broadcast_in_dim3A_108 masked %and3A_472 : memref<112x1024xf32, #tpu.memory_space<vmem>>[vector<16xi32>, vector<16xi32>], vector<16xf32>, vector<16xi1>
        %mul3A_480 = arith.constant 8 : i32
        %mul3A_481 = arith.muli %scan3A_454, %mul3A_480 : i32
        %add3A_482 = arith.constant 1 : i32
        %add3A_483 = arith.addi %mul3A_481, %add3A_482 : i32
        %mul3A_484 = arith.constant 1024 : i32
        %mul3A_485 = arith.muli %sub3A_428, %mul3A_484 : i32
        %mul3A_486 = arith.constant 16 : i32
        %mul3A_487 = arith.muli %add3A_483, %mul3A_486 : i32
        %add3A_488 = arith.addi %mul3A_485, %mul3A_487 : i32
        %get3A_489 = arith.index_cast %add3A_488 : i32 to index
        %get3A_490 = tpu.vector_load %arg4[%get3A_489] {strides = array<i32>} : memref<3072xi32, #tpu.memory_space<vmem>>, vector<16xi32>,
        %sub3A_491 = vector.broadcast %multiple_of3A_427 : i32 to vector<16xi32>
        %sub3A_492 = arith.subi %get3A_490, %sub3A_491 : vector<16xi32>
        %ge3A_493 = arith.constant 0 : i32
        %ge3A_494 = vector.broadcast %ge3A_493 : i32 to vector<16xi32>
        %ge3A_495 = arith.cmpi sge, %sub3A_492, %ge3A_494 : vector<16xi32>
        %lt3A_496 = arith.constant 56 : i32
        %lt3A_497 = vector.broadcast %lt3A_496 : i32 to vector<16xi32>
        %lt3A_498 = arith.cmpi slt, %sub3A_492, %lt3A_497 : vector<16xi32>
        %and3A_499 = arith.andi %ge3A_495, %lt3A_498 : vector<16xi1>
        %add3A_500 = arith.constant 0 : i32
        %add3A_501 = vector.broadcast %add3A_500 : i32 to vector<16xi32>
        %add3A_502 = arith.addi %sub3A_492, %add3A_501 : vector<16xi32>
        %mul3A_503 = arith.constant 16 : i32
        %mul3A_504 = arith.muli %add3A_483, %mul3A_503 : i32
        %add3A_505 = vector.broadcast %mul3A_504 : i32 to vector<16xi32>
        %add3A_506 = arith.addi %iota3A, %add3A_505 : vector<16xi32>
        tpu.vector_store_idx %arg5[%add3A_502, %add3A_506], %broadcast_in_dim3A_108 masked %and3A_499 : memref<112x1024xf32, #tpu.memory_space<vmem>>[vector<16xi32>, vector<16xi32>], vector<16xf32>, vector<16xi1>
        %mul3A_507 = arith.constant 8 : i32
        %mul3A_508 = arith.muli %scan3A_454, %mul3A_507 : i32
        %add3A_509 = arith.constant 2 : i32
        %add3A_510 = arith.addi %mul3A_508, %add3A_509 : i32
        %mul3A_511 = arith.constant 1024 : i32
        %mul3A_512 = arith.muli %sub3A_428, %mul3A_511 : i32
        %mul3A_513 = arith.constant 16 : i32
        %mul3A_514 = arith.muli %add3A_510, %mul3A_513 : i32
        %add3A_515 = arith.addi %mul3A_512, %mul3A_514 : i32
        %get3A_516 = arith.index_cast %add3A_515 : i32 to index
        %get3A_517 = tpu.vector_load %arg4[%get3A_516] {strides = array<i32>} : memref<3072xi32, #tpu.memory_space<vmem>>, vector<16xi32>,
        %sub3A_518 = vector.broadcast %multiple_of3A_427 : i32 to vector<16xi32>
        %sub3A_519 = arith.subi %get3A_517, %sub3A_518 : vector<16xi32>
        %ge3A_520 = arith.constant 0 : i32
        %ge3A_521 = vector.broadcast %ge3A_520 : i32 to vector<16xi32>
        %ge3A_522 = arith.cmpi sge, %sub3A_519, %ge3A_521 : vector<16xi32>
        %lt3A_523 = arith.constant 56 : i32
        %lt3A_524 = vector.broadcast %lt3A_523 : i32 to vector<16xi32>
        %lt3A_525 = arith.cmpi slt, %sub3A_519, %lt3A_524 : vector<16xi32>
        %and3A_526 = arith.andi %ge3A_522, %lt3A_525 : vector<16xi1>
        %add3A_527 = arith.constant 0 : i32
        %add3A_528 = vector.broadcast %add3A_527 : i32 to vector<16xi32>
        %add3A_529 = arith.addi %sub3A_519, %add3A_528 : vector<16xi32>
        %mul3A_530 = arith.constant 16 : i32
        %mul3A_531 = arith.muli %add3A_510, %mul3A_530 : i32
        %add3A_532 = vector.broadcast %mul3A_531 : i32 to vector<16xi32>
        %add3A_533 = arith.addi %iota3A, %add3A_532 : vector<16xi32>
        tpu.vector_store_idx %arg5[%add3A_529, %add3A_533], %broadcast_in_dim3A_108 masked %and3A_526 : memref<112x1024xf32, #tpu.memory_space<vmem>>[vector<16xi32>, vector<16xi32>], vector<16xf32>, vector<16xi1>
        %mul3A_534 = arith.constant 8 : i32
        %mul3A_535 = arith.muli %scan3A_454, %mul3A_534 : i32
        %add3A_536 = arith.constant 3 : i32
        %add3A_537 = arith.addi %mul3A_535, %add3A_536 : i32
        %mul3A_538 = arith.constant 1024 : i32
        %mul3A_539 = arith.muli %sub3A_428, %mul3A_538 : i32
        %mul3A_540 = arith.constant 16 : i32
        %mul3A_541 = arith.muli %add3A_537, %mul3A_540 : i32
        %add3A_542 = arith.addi %mul3A_539, %mul3A_541 : i32
        %get3A_543 = arith.index_cast %add3A_542 : i32 to index
        %get3A_544 = tpu.vector_load %arg4[%get3A_543] {strides = array<i32>} : memref<3072xi32, #tpu.memory_space<vmem>>, vector<16xi32>,
        %sub3A_545 = vector.broadcast %multiple_of3A_427 : i32 to vector<16xi32>
        %sub3A_546 = arith.subi %get3A_544, %sub3A_545 : vector<16xi32>
        %ge3A_547 = arith.constant 0 : i32
        %ge3A_548 = vector.broadcast %ge3A_547 : i32 to vector<16xi32>
        %ge3A_549 = arith.cmpi sge, %sub3A_546, %ge3A_548 : vector<16xi32>
        %lt3A_550 = arith.constant 56 : i32
        %lt3A_551 = vector.broadcast %lt3A_550 : i32 to vector<16xi32>
        %lt3A_552 = arith.cmpi slt, %sub3A_546, %lt3A_551 : vector<16xi32>
        %and3A_553 = arith.andi %ge3A_549, %lt3A_552 : vector<16xi1>
        %add3A_554 = arith.constant 0 : i32
        %add3A_555 = vector.broadcast %add3A_554 : i32 to vector<16xi32>
        %add3A_556 = arith.addi %sub3A_546, %add3A_555 : vector<16xi32>
        %mul3A_557 = arith.constant 16 : i32
        %mul3A_558 = arith.muli %add3A_537, %mul3A_557 : i32
        %add3A_559 = vector.broadcast %mul3A_558 : i32 to vector<16xi32>
        %add3A_560 = arith.addi %iota3A, %add3A_559 : vector<16xi32>
        tpu.vector_store_idx %arg5[%add3A_556, %add3A_560], %broadcast_in_dim3A_108 masked %and3A_553 : memref<112x1024xf32, #tpu.memory_space<vmem>>[vector<16xi32>, vector<16xi32>], vector<16xf32>, vector<16xi1>
        %mul3A_561 = arith.constant 8 : i32
        %mul3A_562 = arith.muli %scan3A_454, %mul3A_561 : i32
        %add3A_563 = arith.constant 4 : i32
        %add3A_564 = arith.addi %mul3A_562, %add3A_563 : i32
        %mul3A_565 = arith.constant 1024 : i32
        %mul3A_566 = arith.muli %sub3A_428, %mul3A_565 : i32
        %mul3A_567 = arith.constant 16 : i32
        %mul3A_568 = arith.muli %add3A_564, %mul3A_567 : i32
        %add3A_569 = arith.addi %mul3A_566, %mul3A_568 : i32
        %get3A_570 = arith.index_cast %add3A_569 : i32 to index
        %get3A_571 = tpu.vector_load %arg4[%get3A_570] {strides = array<i32>} : memref<3072xi32, #tpu.memory_space<vmem>>, vector<16xi32>,
        %sub3A_572 = vector.broadcast %multiple_of3A_427 : i32 to vector<16xi32>
        %sub3A_573 = arith.subi %get3A_571, %sub3A_572 : vector<16xi32>
        %ge3A_574 = arith.constant 0 : i32
        %ge3A_575 = vector.broadcast %ge3A_574 : i32 to vector<16xi32>
        %ge3A_576 = arith.cmpi sge, %sub3A_573, %ge3A_575 : vector<16xi32>
        %lt3A_577 = arith.constant 56 : i32
        %lt3A_578 = vector.broadcast %lt3A_577 : i32 to vector<16xi32>
        %lt3A_579 = arith.cmpi slt, %sub3A_573, %lt3A_578 : vector<16xi32>
        %and3A_580 = arith.andi %ge3A_576, %lt3A_579 : vector<16xi1>
        %add3A_581 = arith.constant 0 : i32
        %add3A_582 = vector.broadcast %add3A_581 : i32 to vector<16xi32>
        %add3A_583 = arith.addi %sub3A_573, %add3A_582 : vector<16xi32>
        %mul3A_584 = arith.constant 16 : i32
        %mul3A_585 = arith.muli %add3A_564, %mul3A_584 : i32
        %add3A_586 = vector.broadcast %mul3A_585 : i32 to vector<16xi32>
        %add3A_587 = arith.addi %iota3A, %add3A_586 : vector<16xi32>
        tpu.vector_store_idx %arg5[%add3A_583, %add3A_587], %broadcast_in_dim3A_108 masked %and3A_580 : memref<112x1024xf32, #tpu.memory_space<vmem>>[vector<16xi32>, vector<16xi32>], vector<16xf32>, vector<16xi1>
        %mul3A_588 = arith.constant 8 : i32
        %mul3A_589 = arith.muli %scan3A_454, %mul3A_588 : i32
        %add3A_590 = arith.constant 5 : i32
        %add3A_591 = arith.addi %mul3A_589, %add3A_590 : i32
        %mul3A_592 = arith.constant 1024 : i32
        %mul3A_593 = arith.muli %sub3A_428, %mul3A_592 : i32
        %mul3A_594 = arith.constant 16 : i32
        %mul3A_595 = arith.muli %add3A_591, %mul3A_594 : i32
        %add3A_596 = arith.addi %mul3A_593, %mul3A_595 : i32
        %get3A_597 = arith.index_cast %add3A_596 : i32 to index
        %get3A_598 = tpu.vector_load %arg4[%get3A_597] {strides = array<i32>} : memref<3072xi32, #tpu.memory_space<vmem>>, vector<16xi32>,
        %sub3A_599 = vector.broadcast %multiple_of3A_427 : i32 to vector<16xi32>
        %sub3A_600 = arith.subi %get3A_598, %sub3A_599 : vector<16xi32>
        %ge3A_601 = arith.constant 0 : i32
        %ge3A_602 = vector.broadcast %ge3A_601 : i32 to vector<16xi32>
        %ge3A_603 = arith.cmpi sge, %sub3A_600, %ge3A_602 : vector<16xi32>
        %lt3A_604 = arith.constant 56 : i32
        %lt3A_605 = vector.broadcast %lt3A_604 : i32 to vector<16xi32>
        %lt3A_606 = arith.cmpi slt, %sub3A_600, %lt3A_605 : vector<16xi32>
        %and3A_607 = arith.andi %ge3A_603, %lt3A_606 : vector<16xi1>
        %add3A_608 = arith.constant 0 : i32
        %add3A_609 = vector.broadcast %add3A_608 : i32 to vector<16xi32>
        %add3A_610 = arith.addi %sub3A_600, %add3A_609 : vector<16xi32>
        %mul3A_611 = arith.constant 16 : i32
        %mul3A_612 = arith.muli %add3A_591, %mul3A_611 : i32
        %add3A_613 = vector.broadcast %mul3A_612 : i32 to vector<16xi32>
        %add3A_614 = arith.addi %iota3A, %add3A_613 : vector<16xi32>
        tpu.vector_store_idx %arg5[%add3A_610, %add3A_614], %broadcast_in_dim3A_108 masked %and3A_607 : memref<112x1024xf32, #tpu.memory_space<vmem>>[vector<16xi32>, vector<16xi32>], vector<16xf32>, vector<16xi1>
        %mul3A_615 = arith.constant 8 : i32
        %mul3A_616 = arith.muli %scan3A_454, %mul3A_615 : i32
        %add3A_617 = arith.constant 6 : i32
        %add3A_618 = arith.addi %mul3A_616, %add3A_617 : i32
        %mul3A_619 = arith.constant 1024 : i32
        %mul3A_620 = arith.muli %sub3A_428, %mul3A_619 : i32
        %mul3A_621 = arith.constant 16 : i32
        %mul3A_622 = arith.muli %add3A_618, %mul3A_621 : i32
        %add3A_623 = arith.addi %mul3A_620, %mul3A_622 : i32
        %get3A_624 = arith.index_cast %add3A_623 : i32 to index
        %get3A_625 = tpu.vector_load %arg4[%get3A_624] {strides = array<i32>} : memref<3072xi32, #tpu.memory_space<vmem>>, vector<16xi32>,
        %sub3A_626 = vector.broadcast %multiple_of3A_427 : i32 to vector<16xi32>
        %sub3A_627 = arith.subi %get3A_625, %sub3A_626 : vector<16xi32>
        %ge3A_628 = arith.constant 0 : i32
        %ge3A_629 = vector.broadcast %ge3A_628 : i32 to vector<16xi32>
        %ge3A_630 = arith.cmpi sge, %sub3A_627, %ge3A_629 : vector<16xi32>
        %lt3A_631 = arith.constant 56 : i32
        %lt3A_632 = vector.broadcast %lt3A_631 : i32 to vector<16xi32>
        %lt3A_633 = arith.cmpi slt, %sub3A_627, %lt3A_632 : vector<16xi32>
        %and3A_634 = arith.andi %ge3A_630, %lt3A_633 : vector<16xi1>
        %add3A_635 = arith.constant 0 : i32
        %add3A_636 = vector.broadcast %add3A_635 : i32 to vector<16xi32>
        %add3A_637 = arith.addi %sub3A_627, %add3A_636 : vector<16xi32>
        %mul3A_638 = arith.constant 16 : i32
        %mul3A_639 = arith.muli %add3A_618, %mul3A_638 : i32
        %add3A_640 = vector.broadcast %mul3A_639 : i32 to vector<16xi32>
        %add3A_641 = arith.addi %iota3A, %add3A_640 : vector<16xi32>
        tpu.vector_store_idx %arg5[%add3A_637, %add3A_641], %broadcast_in_dim3A_108 masked %and3A_634 : memref<112x1024xf32, #tpu.memory_space<vmem>>[vector<16xi32>, vector<16xi32>], vector<16xf32>, vector<16xi1>
        %mul3A_642 = arith.constant 8 : i32
        %mul3A_643 = arith.muli %scan3A_454, %mul3A_642 : i32
        %add3A_644 = arith.constant 7 : i32
        %add3A_645 = arith.addi %mul3A_643, %add3A_644 : i32
        %mul3A_646 = arith.constant 1024 : i32
        %mul3A_647 = arith.muli %sub3A_428, %mul3A_646 : i32
        %mul3A_648 = arith.constant 16 : i32
        %mul3A_649 = arith.muli %add3A_645, %mul3A_648 : i32
        %add3A_650 = arith.addi %mul3A_647, %mul3A_649 : i32
        %get3A_651 = arith.index_cast %add3A_650 : i32 to index
        %get3A_652 = tpu.vector_load %arg4[%get3A_651] {strides = array<i32>} : memref<3072xi32, #tpu.memory_space<vmem>>, vector<16xi32>,
        %sub3A_653 = vector.broadcast %multiple_of3A_427 : i32 to vector<16xi32>
        %sub3A_654 = arith.subi %get3A_652, %sub3A_653 : vector<16xi32>
        %ge3A_655 = arith.constant 0 : i32
        %ge3A_656 = vector.broadcast %ge3A_655 : i32 to vector<16xi32>
        %ge3A_657 = arith.cmpi sge, %sub3A_654, %ge3A_656 : vector<16xi32>
        %lt3A_658 = arith.constant 56 : i32
        %lt3A_659 = vector.broadcast %lt3A_658 : i32 to vector<16xi32>
        %lt3A_660 = arith.cmpi slt, %sub3A_654, %lt3A_659 : vector<16xi32>
        %and3A_661 = arith.andi %ge3A_657, %lt3A_660 : vector<16xi1>
        %add3A_662 = arith.constant 0 : i32
        %add3A_663 = vector.broadcast %add3A_662 : i32 to vector<16xi32>
        %add3A_664 = arith.addi %sub3A_654, %add3A_663 : vector<16xi32>
        %mul3A_665 = arith.constant 16 : i32
        %mul3A_666 = arith.muli %add3A_645, %mul3A_665 : i32
        %add3A_667 = vector.broadcast %mul3A_666 : i32 to vector<16xi32>
        %add3A_668 = arith.addi %iota3A, %add3A_667 : vector<16xi32>
        tpu.vector_store_idx %arg5[%add3A_664, %add3A_668], %broadcast_in_dim3A_108 masked %and3A_661 : memref<112x1024xf32, #tpu.memory_space<vmem>>[vector<16xi32>, vector<16xi32>], vector<16xf32>, vector<16xi1>
      }
      %scan3A_434 = arith.constant 8 : i32
      %sub3A_435 = arith.subi %select_n3A_370, %min3A_72 : i32
      %scan3A_436 = arith.constant 0 : i32
      %scan3A_437 = arith.constant 0 : i32
      %scan3A_438 = arith.constant 8 : i32
      %scan3A_439 = arith.addi %scan3A_437, %scan3A_438 : i32
      %scan3A_440 = arith.constant 1 : i32
      scf.for %scan3A_454 = %scan3A_437 to %scan3A_439 step %scan3A_440  : i32 {
        %mul3A_455 = arith.constant 8 : i32
        %mul3A_456 = arith.muli %scan3A_454, %mul3A_455 : i32
        %add3A_457 = arith.constant 0 : i32
        %add3A_458 = arith.addi %mul3A_456, %add3A_457 : i32
        %mul3A_459 = arith.constant 1024 : i32
        %mul3A_460 = arith.muli %sub3A_435, %mul3A_459 : i32
        %mul3A_461 = arith.constant 16 : i32
        %mul3A_462 = arith.muli %add3A_458, %mul3A_461 : i32
        %add3A_463 = arith.addi %mul3A_460, %mul3A_462 : i32
        %get3A = arith.index_cast %add3A_463 : i32 to index
        %get3A_464 = tpu.vector_load %arg4[%get3A] {strides = array<i32>} : memref<3072xi32, #tpu.memory_space<vmem>>, vector<16xi32>,
        %sub3A_465 = vector.broadcast %multiple_of3A_378 : i32 to vector<16xi32>
        %sub3A_466 = arith.subi %get3A_464, %sub3A_465 : vector<16xi32>
        %ge3A = arith.constant 0 : i32
        %ge3A_467 = vector.broadcast %ge3A : i32 to vector<16xi32>
        %ge3A_468 = arith.cmpi sge, %sub3A_466, %ge3A_467 : vector<16xi32>
        %lt3A_469 = arith.constant 56 : i32
        %lt3A_470 = vector.broadcast %lt3A_469 : i32 to vector<16xi32>
        %lt3A_471 = arith.cmpi slt, %sub3A_466, %lt3A_470 : vector<16xi32>
        %and3A_472 = arith.andi %ge3A_468, %lt3A_471 : vector<16xi1>
        %add3A_473 = arith.constant 0 : i32
        %add3A_474 = vector.broadcast %add3A_473 : i32 to vector<16xi32>
        %add3A_475 = arith.addi %sub3A_466, %add3A_474 : vector<16xi32>
        %mul3A_476 = arith.constant 16 : i32
        %mul3A_477 = arith.muli %add3A_458, %mul3A_476 : i32
        %add3A_478 = vector.broadcast %mul3A_477 : i32 to vector<16xi32>
        %add3A_479 = arith.addi %iota3A, %add3A_478 : vector<16xi32>
        tpu.vector_store_idx %arg5[%add3A_475, %add3A_479], %broadcast_in_dim3A_110 masked %and3A_472 : memref<112x1024xf32, #tpu.memory_space<vmem>>[vector<16xi32>, vector<16xi32>], vector<16xf32>, vector<16xi1>
        %mul3A_480 = arith.constant 8 : i32
        %mul3A_481 = arith.muli %scan3A_454, %mul3A_480 : i32
        %add3A_482 = arith.constant 1 : i32
        %add3A_483 = arith.addi %mul3A_481, %add3A_482 : i32
        %mul3A_484 = arith.constant 1024 : i32
        %mul3A_485 = arith.muli %sub3A_435, %mul3A_484 : i32
        %mul3A_486 = arith.constant 16 : i32
        %mul3A_487 = arith.muli %add3A_483, %mul3A_486 : i32
        %add3A_488 = arith.addi %mul3A_485, %mul3A_487 : i32
        %get3A_489 = arith.index_cast %add3A_488 : i32 to index
        %get3A_490 = tpu.vector_load %arg4[%get3A_489] {strides = array<i32>} : memref<3072xi32, #tpu.memory_space<vmem>>, vector<16xi32>,
        %sub3A_491 = vector.broadcast %multiple_of3A_378 : i32 to vector<16xi32>
        %sub3A_492 = arith.subi %get3A_490, %sub3A_491 : vector<16xi32>
        %ge3A_493 = arith.constant 0 : i32
        %ge3A_494 = vector.broadcast %ge3A_493 : i32 to vector<16xi32>
        %ge3A_495 = arith.cmpi sge, %sub3A_492, %ge3A_494 : vector<16xi32>
        %lt3A_496 = arith.constant 56 : i32
        %lt3A_497 = vector.broadcast %lt3A_496 : i32 to vector<16xi32>
        %lt3A_498 = arith.cmpi slt, %sub3A_492, %lt3A_497 : vector<16xi32>
        %and3A_499 = arith.andi %ge3A_495, %lt3A_498 : vector<16xi1>
        %add3A_500 = arith.constant 0 : i32
        %add3A_501 = vector.broadcast %add3A_500 : i32 to vector<16xi32>
        %add3A_502 = arith.addi %sub3A_492, %add3A_501 : vector<16xi32>
        %mul3A_503 = arith.constant 16 : i32
        %mul3A_504 = arith.muli %add3A_483, %mul3A_503 : i32
        %add3A_505 = vector.broadcast %mul3A_504 : i32 to vector<16xi32>
        %add3A_506 = arith.addi %iota3A, %add3A_505 : vector<16xi32>
        tpu.vector_store_idx %arg5[%add3A_502, %add3A_506], %broadcast_in_dim3A_110 masked %and3A_499 : memref<112x1024xf32, #tpu.memory_space<vmem>>[vector<16xi32>, vector<16xi32>], vector<16xf32>, vector<16xi1>
        %mul3A_507 = arith.constant 8 : i32
        %mul3A_508 = arith.muli %scan3A_454, %mul3A_507 : i32
        %add3A_509 = arith.constant 2 : i32
        %add3A_510 = arith.addi %mul3A_508, %add3A_509 : i32
        %mul3A_511 = arith.constant 1024 : i32
        %mul3A_512 = arith.muli %sub3A_435, %mul3A_511 : i32
        %mul3A_513 = arith.constant 16 : i32
        %mul3A_514 = arith.muli %add3A_510, %mul3A_513 : i32
        %add3A_515 = arith.addi %mul3A_512, %mul3A_514 : i32
        %get3A_516 = arith.index_cast %add3A_515 : i32 to index
        %get3A_517 = tpu.vector_load %arg4[%get3A_516] {strides = array<i32>} : memref<3072xi32, #tpu.memory_space<vmem>>, vector<16xi32>,
        %sub3A_518 = vector.broadcast %multiple_of3A_378 : i32 to vector<16xi32>
        %sub3A_519 = arith.subi %get3A_517, %sub3A_518 : vector<16xi32>
        %ge3A_520 = arith.constant 0 : i32
        %ge3A_521 = vector.broadcast %ge3A_520 : i32 to vector<16xi32>
        %ge3A_522 = arith.cmpi sge, %sub3A_519, %ge3A_521 : vector<16xi32>
        %lt3A_523 = arith.constant 56 : i32
        %lt3A_524 = vector.broadcast %lt3A_523 : i32 to vector<16xi32>
        %lt3A_525 = arith.cmpi slt, %sub3A_519, %lt3A_524 : vector<16xi32>
        %and3A_526 = arith.andi %ge3A_522, %lt3A_525 : vector<16xi1>
        %add3A_527 = arith.constant 0 : i32
        %add3A_528 = vector.broadcast %add3A_527 : i32 to vector<16xi32>
        %add3A_529 = arith.addi %sub3A_519, %add3A_528 : vector<16xi32>
        %mul3A_530 = arith.constant 16 : i32
        %mul3A_531 = arith.muli %add3A_510, %mul3A_530 : i32
        %add3A_532 = vector.broadcast %mul3A_531 : i32 to vector<16xi32>
        %add3A_533 = arith.addi %iota3A, %add3A_532 : vector<16xi32>
        tpu.vector_store_idx %arg5[%add3A_529, %add3A_533], %broadcast_in_dim3A_110 masked %and3A_526 : memref<112x1024xf32, #tpu.memory_space<vmem>>[vector<16xi32>, vector<16xi32>], vector<16xf32>, vector<16xi1>
        %mul3A_534 = arith.constant 8 : i32
        %mul3A_535 = arith.muli %scan3A_454, %mul3A_534 : i32
        %add3A_536 = arith.constant 3 : i32
        %add3A_537 = arith.addi %mul3A_535, %add3A_536 : i32
        %mul3A_538 = arith.constant 1024 : i32
        %mul3A_539 = arith.muli %sub3A_435, %mul3A_538 : i32
        %mul3A_540 = arith.constant 16 : i32
        %mul3A_541 = arith.muli %add3A_537, %mul3A_540 : i32
        %add3A_542 = arith.addi %mul3A_539, %mul3A_541 : i32
        %get3A_543 = arith.index_cast %add3A_542 : i32 to index
        %get3A_544 = tpu.vector_load %arg4[%get3A_543] {strides = array<i32>} : memref<3072xi32, #tpu.memory_space<vmem>>, vector<16xi32>,
        %sub3A_545 = vector.broadcast %multiple_of3A_378 : i32 to vector<16xi32>
        %sub3A_546 = arith.subi %get3A_544, %sub3A_545 : vector<16xi32>
        %ge3A_547 = arith.constant 0 : i32
        %ge3A_548 = vector.broadcast %ge3A_547 : i32 to vector<16xi32>
        %ge3A_549 = arith.cmpi sge, %sub3A_546, %ge3A_548 : vector<16xi32>
        %lt3A_550 = arith.constant 56 : i32
        %lt3A_551 = vector.broadcast %lt3A_550 : i32 to vector<16xi32>
        %lt3A_552 = arith.cmpi slt, %sub3A_546, %lt3A_551 : vector<16xi32>
        %and3A_553 = arith.andi %ge3A_549, %lt3A_552 : vector<16xi1>
        %add3A_554 = arith.constant 0 : i32
        %add3A_555 = vector.broadcast %add3A_554 : i32 to vector<16xi32>
        %add3A_556 = arith.addi %sub3A_546, %add3A_555 : vector<16xi32>
        %mul3A_557 = arith.constant 16 : i32
        %mul3A_558 = arith.muli %add3A_537, %mul3A_557 : i32
        %add3A_559 = vector.broadcast %mul3A_558 : i32 to vector<16xi32>
        %add3A_560 = arith.addi %iota3A, %add3A_559 : vector<16xi32>
        tpu.vector_store_idx %arg5[%add3A_556, %add3A_560], %broadcast_in_dim3A_110 masked %and3A_553 : memref<112x1024xf32, #tpu.memory_space<vmem>>[vector<16xi32>, vector<16xi32>], vector<16xf32>, vector<16xi1>
        %mul3A_561 = arith.constant 8 : i32
        %mul3A_562 = arith.muli %scan3A_454, %mul3A_561 : i32
        %add3A_563 = arith.constant 4 : i32
        %add3A_564 = arith.addi %mul3A_562, %add3A_563 : i32
        %mul3A_565 = arith.constant 1024 : i32
        %mul3A_566 = arith.muli %sub3A_435, %mul3A_565 : i32
        %mul3A_567 = arith.constant 16 : i32
        %mul3A_568 = arith.muli %add3A_564, %mul3A_567 : i32
        %add3A_569 = arith.addi %mul3A_566, %mul3A_568 : i32
        %get3A_570 = arith.index_cast %add3A_569 : i32 to index
        %get3A_571 = tpu.vector_load %arg4[%get3A_570] {strides = array<i32>} : memref<3072xi32, #tpu.memory_space<vmem>>, vector<16xi32>,
        %sub3A_572 = vector.broadcast %multiple_of3A_378 : i32 to vector<16xi32>
        %sub3A_573 = arith.subi %get3A_571, %sub3A_572 : vector<16xi32>
        %ge3A_574 = arith.constant 0 : i32
        %ge3A_575 = vector.broadcast %ge3A_574 : i32 to vector<16xi32>
        %ge3A_576 = arith.cmpi sge, %sub3A_573, %ge3A_575 : vector<16xi32>
        %lt3A_577 = arith.constant 56 : i32
        %lt3A_578 = vector.broadcast %lt3A_577 : i32 to vector<16xi32>
        %lt3A_579 = arith.cmpi slt, %sub3A_573, %lt3A_578 : vector<16xi32>
        %and3A_580 = arith.andi %ge3A_576, %lt3A_579 : vector<16xi1>
        %add3A_581 = arith.constant 0 : i32
        %add3A_582 = vector.broadcast %add3A_581 : i32 to vector<16xi32>
        %add3A_583 = arith.addi %sub3A_573, %add3A_582 : vector<16xi32>
        %mul3A_584 = arith.constant 16 : i32
        %mul3A_585 = arith.muli %add3A_564, %mul3A_584 : i32
        %add3A_586 = vector.broadcast %mul3A_585 : i32 to vector<16xi32>
        %add3A_587 = arith.addi %iota3A, %add3A_586 : vector<16xi32>
        tpu.vector_store_idx %arg5[%add3A_583, %add3A_587], %broadcast_in_dim3A_110 masked %and3A_580 : memref<112x1024xf32, #tpu.memory_space<vmem>>[vector<16xi32>, vector<16xi32>], vector<16xf32>, vector<16xi1>
        %mul3A_588 = arith.constant 8 : i32
        %mul3A_589 = arith.muli %scan3A_454, %mul3A_588 : i32
        %add3A_590 = arith.constant 5 : i32
        %add3A_591 = arith.addi %mul3A_589, %add3A_590 : i32
        %mul3A_592 = arith.constant 1024 : i32
        %mul3A_593 = arith.muli %sub3A_435, %mul3A_592 : i32
        %mul3A_594 = arith.constant 16 : i32
        %mul3A_595 = arith.muli %add3A_591, %mul3A_594 : i32
        %add3A_596 = arith.addi %mul3A_593, %mul3A_595 : i32
        %get3A_597 = arith.index_cast %add3A_596 : i32 to index
        %get3A_598 = tpu.vector_load %arg4[%get3A_597] {strides = array<i32>} : memref<3072xi32, #tpu.memory_space<vmem>>, vector<16xi32>,
        %sub3A_599 = vector.broadcast %multiple_of3A_378 : i32 to vector<16xi32>
        %sub3A_600 = arith.subi %get3A_598, %sub3A_599 : vector<16xi32>
        %ge3A_601 = arith.constant 0 : i32
        %ge3A_602 = vector.broadcast %ge3A_601 : i32 to vector<16xi32>
        %ge3A_603 = arith.cmpi sge, %sub3A_600, %ge3A_602 : vector<16xi32>
        %lt3A_604 = arith.constant 56 : i32
        %lt3A_605 = vector.broadcast %lt3A_604 : i32 to vector<16xi32>
        %lt3A_606 = arith.cmpi slt, %sub3A_600, %lt3A_605 : vector<16xi32>
        %and3A_607 = arith.andi %ge3A_603, %lt3A_606 : vector<16xi1>
        %add3A_608 = arith.constant 0 : i32
        %add3A_609 = vector.broadcast %add3A_608 : i32 to vector<16xi32>
        %add3A_610 = arith.addi %sub3A_600, %add3A_609 : vector<16xi32>
        %mul3A_611 = arith.constant 16 : i32
        %mul3A_612 = arith.muli %add3A_591, %mul3A_611 : i32
        %add3A_613 = vector.broadcast %mul3A_612 : i32 to vector<16xi32>
        %add3A_614 = arith.addi %iota3A, %add3A_613 : vector<16xi32>
        tpu.vector_store_idx %arg5[%add3A_610, %add3A_614], %broadcast_in_dim3A_110 masked %and3A_607 : memref<112x1024xf32, #tpu.memory_space<vmem>>[vector<16xi32>, vector<16xi32>], vector<16xf32>, vector<16xi1>
        %mul3A_615 = arith.constant 8 : i32
        %mul3A_616 = arith.muli %scan3A_454, %mul3A_615 : i32
        %add3A_617 = arith.constant 6 : i32
        %add3A_618 = arith.addi %mul3A_616, %add3A_617 : i32
        %mul3A_619 = arith.constant 1024 : i32
        %mul3A_620 = arith.muli %sub3A_435, %mul3A_619 : i32
        %mul3A_621 = arith.constant 16 : i32
        %mul3A_622 = arith.muli %add3A_618, %mul3A_621 : i32
        %add3A_623 = arith.addi %mul3A_620, %mul3A_622 : i32
        %get3A_624 = arith.index_cast %add3A_623 : i32 to index
        %get3A_625 = tpu.vector_load %arg4[%get3A_624] {strides = array<i32>} : memref<3072xi32, #tpu.memory_space<vmem>>, vector<16xi32>,
        %sub3A_626 = vector.broadcast %multiple_of3A_378 : i32 to vector<16xi32>
        %sub3A_627 = arith.subi %get3A_625, %sub3A_626 : vector<16xi32>
        %ge3A_628 = arith.constant 0 : i32
        %ge3A_629 = vector.broadcast %ge3A_628 : i32 to vector<16xi32>
        %ge3A_630 = arith.cmpi sge, %sub3A_627, %ge3A_629 : vector<16xi32>
        %lt3A_631 = arith.constant 56 : i32
        %lt3A_632 = vector.broadcast %lt3A_631 : i32 to vector<16xi32>
        %lt3A_633 = arith.cmpi slt, %sub3A_627, %lt3A_632 : vector<16xi32>
        %and3A_634 = arith.andi %ge3A_630, %lt3A_633 : vector<16xi1>
        %add3A_635 = arith.constant 0 : i32
        %add3A_636 = vector.broadcast %add3A_635 : i32 to vector<16xi32>
        %add3A_637 = arith.addi %sub3A_627, %add3A_636 : vector<16xi32>
        %mul3A_638 = arith.constant 16 : i32
        %mul3A_639 = arith.muli %add3A_618, %mul3A_638 : i32
        %add3A_640 = vector.broadcast %mul3A_639 : i32 to vector<16xi32>
        %add3A_641 = arith.addi %iota3A, %add3A_640 : vector<16xi32>
        tpu.vector_store_idx %arg5[%add3A_637, %add3A_641], %broadcast_in_dim3A_110 masked %and3A_634 : memref<112x1024xf32, #tpu.memory_space<vmem>>[vector<16xi32>, vector<16xi32>], vector<16xf32>, vector<16xi1>
        %mul3A_642 = arith.constant 8 : i32
        %mul3A_643 = arith.muli %scan3A_454, %mul3A_642 : i32
        %add3A_644 = arith.constant 7 : i32
        %add3A_645 = arith.addi %mul3A_643, %add3A_644 : i32
        %mul3A_646 = arith.constant 1024 : i32
        %mul3A_647 = arith.muli %sub3A_435, %mul3A_646 : i32
        %mul3A_648 = arith.constant 16 : i32
        %mul3A_649 = arith.muli %add3A_645, %mul3A_648 : i32
        %add3A_650 = arith.addi %mul3A_647, %mul3A_649 : i32
        %get3A_651 = arith.index_cast %add3A_650 : i32 to index
        %get3A_652 = tpu.vector_load %arg4[%get3A_651] {strides = array<i32>} : memref<3072xi32, #tpu.memory_space<vmem>>, vector<16xi32>,
        %sub3A_653 = vector.broadcast %multiple_of3A_378 : i32 to vector<16xi32>
        %sub3A_654 = arith.subi %get3A_652, %sub3A_653 : vector<16xi32>
        %ge3A_655 = arith.constant 0 : i32
        %ge3A_656 = vector.broadcast %ge3A_655 : i32 to vector<16xi32>
        %ge3A_657 = arith.cmpi sge, %sub3A_654, %ge3A_656 : vector<16xi32>
        %lt3A_658 = arith.constant 56 : i32
        %lt3A_659 = vector.broadcast %lt3A_658 : i32 to vector<16xi32>
        %lt3A_660 = arith.cmpi slt, %sub3A_654, %lt3A_659 : vector<16xi32>
        %and3A_661 = arith.andi %ge3A_657, %lt3A_660 : vector<16xi1>
        %add3A_662 = arith.constant 0 : i32
        %add3A_663 = vector.broadcast %add3A_662 : i32 to vector<16xi32>
        %add3A_664 = arith.addi %sub3A_654, %add3A_663 : vector<16xi32>
        %mul3A_665 = arith.constant 16 : i32
        %mul3A_666 = arith.muli %add3A_645, %mul3A_665 : i32
        %add3A_667 = vector.broadcast %mul3A_666 : i32 to vector<16xi32>
        %add3A_668 = arith.addi %iota3A, %add3A_667 : vector<16xi32>
        tpu.vector_store_idx %arg5[%add3A_664, %add3A_668], %broadcast_in_dim3A_110 masked %and3A_661 : memref<112x1024xf32, #tpu.memory_space<vmem>>[vector<16xi32>, vector<16xi32>], vector<16xf32>, vector<16xi1>
      }
      %scan3A_441 = arith.constant 8 : i32
      %dma_start3A_442 = arith.constant 0 : i32
      %dma_start3A_443 = arith.constant 0 : i32
      %dma_start3A_444 = tpu.memref_slice %arg5[%dma_start3A_442, %dma_start3A_443] : memref<112x1024xf32, #tpu.memory_space<vmem>> -> memref<56x1024xf32, #tpu.memory_space<vmem>>
      %dma_start3A_445 = arith.constant 0 : i32
      %dma_start3A_446 = tpu.memref_slice %arg3[%select_n3A_370, %multiple_of3A_378, %dma_start3A_445] : memref<50x1000x1024xf32, #tpu.memory_space<hbm>> -> memref<1x56x1024xf32, #tpu.memory_space<hbm>>
      %dma_start3A_447 = tpu.memref_squeeze %dma_start3A_446 : memref<1x56x1024xf32, #tpu.memory_space<hbm>> -> memref<56x1024xf32, #tpu.memory_space<hbm>>
      %dma_start3A_448 = arith.constant 0 : i32
      %dma_start3A_449 = tpu.memref_slice %arg3[%select_n3A_370, %multiple_of3A_378, %dma_start3A_448] : memref<50x1000x1024xf32, #tpu.memory_space<hbm>> -> memref<1x56x1024xf32, #tpu.memory_space<hbm>>
      %dma_start3A_450 = tpu.memref_squeeze %dma_start3A_449 : memref<1x56x1024xf32, #tpu.memory_space<hbm>> -> memref<56x1024xf32, #tpu.memory_space<hbm>>
      %dma_start3A_451 = arith.constant 0 : i32
      %dma_start3A_452 = arith.constant 0 : i32
      %dma_start3A_453 = tpu.memref_slice %arg5[%dma_start3A_451, %dma_start3A_452] : memref<112x1024xf32, #tpu.memory_space<vmem>> -> memref<56x1024xf32, #tpu.memory_space<vmem>>
      tpu.enqueue_dma source(%dma_start3A_453 : memref<56x1024xf32, #tpu.memory_space<vmem>>) target(%dma_start3A_450 : memref<56x1024xf32, #tpu.memory_space<hbm>>) target_semaphore(%arg6 : memref<!tpu.dma_semaphore, #tpu.memory_space<semaphore_mem>>)
    } else {
    }
    %dma_wait3A_314 = arith.constant 0 : i32
    %dma_wait3A_315 = arith.constant 0 : i32
    %dma_wait3A_316 = arith.constant 0 : i32
    %dma_wait3A_317 = tpu.memref_slice %arg5[%dma_wait3A_315, %dma_wait3A_316] : memref<112x1024xf32, #tpu.memory_space<vmem>> -> memref<56x1024xf32, #tpu.memory_space<vmem>>
    %dma_wait3A_318 = arith.constant 0 : i32
    %dma_wait3A_319 = arith.constant 0 : i32
    %dma_wait3A_320 = tpu.memref_slice %arg3[%dma_wait3A_314, %dma_wait3A_318, %dma_wait3A_319] : memref<50x1000x1024xf32, #tpu.memory_space<hbm>> -> memref<1x56x1024xf32, #tpu.memory_space<hbm>>
    %dma_wait3A_321 = tpu.memref_squeeze %dma_wait3A_320 : memref<1x56x1024xf32, #tpu.memory_space<hbm>> -> memref<56x1024xf32, #tpu.memory_space<hbm>>
    %dma_wait3A_322 = arith.constant 0 : i32
    %dma_wait3A_323 = arith.constant 0 : i32
    %dma_wait3A_324 = tpu.memref_slice %arg3[%dma_wait3A_314, %dma_wait3A_322, %dma_wait3A_323] : memref<50x1000x1024xf32, #tpu.memory_space<hbm>> -> memref<1x56x1024xf32, #tpu.memory_space<hbm>>
    %dma_wait3A_325 = tpu.memref_squeeze %dma_wait3A_324 : memref<1x56x1024xf32, #tpu.memory_space<hbm>> -> memref<56x1024xf32, #tpu.memory_space<hbm>>
    %dma_wait3A_326 = arith.constant 0 : i32
    %dma_wait3A_327 = arith.constant 0 : i32
    %dma_wait3A_328 = tpu.memref_slice %arg5[%dma_wait3A_326, %dma_wait3A_327] : memref<112x1024xf32, #tpu.memory_space<vmem>> -> memref<56x1024xf32, #tpu.memory_space<vmem>>
    tpu.wait_dma2 semaphore(%arg6 : memref<!tpu.dma_semaphore, #tpu.memory_space<semaphore_mem>>) src(%dma_wait3A_328 : memref<56x1024xf32, #tpu.memory_space<vmem>>) dst(%dma_wait3A_325 : memref<56x1024xf32, #tpu.memory_space<hbm>>)
    %dma_wait3A_329 = arith.constant 0 : i32
    %dma_wait3A_330 = arith.constant 56 : i32
    %dma_wait3A_331 = arith.constant 0 : i32
    %dma_wait3A_332 = tpu.memref_slice %arg5[%dma_wait3A_330, %dma_wait3A_331] : memref<112x1024xf32, #tpu.memory_space<vmem>> -> memref<56x1024xf32, #tpu.memory_space<vmem>>
    %dma_wait3A_333 = arith.constant 0 : i32
    %dma_wait3A_334 = arith.constant 0 : i32
    %dma_wait3A_335 = tpu.memref_slice %arg3[%dma_wait3A_329, %dma_wait3A_333, %dma_wait3A_334] : memref<50x1000x1024xf32, #tpu.memory_space<hbm>> -> memref<1x56x1024xf32, #tpu.memory_space<hbm>>
    %dma_wait3A_336 = tpu.memref_squeeze %dma_wait3A_335 : memref<1x56x1024xf32, #tpu.memory_space<hbm>> -> memref<56x1024xf32, #tpu.memory_space<hbm>>
    %dma_wait3A_337 = arith.constant 0 : i32
    %dma_wait3A_338 = arith.constant 0 : i32
    %dma_wait3A_339 = tpu.memref_slice %arg3[%dma_wait3A_329, %dma_wait3A_337, %dma_wait3A_338] : memref<50x1000x1024xf32, #tpu.memory_space<hbm>> -> memref<1x56x1024xf32, #tpu.memory_space<hbm>>
    %dma_wait3A_340 = tpu.memref_squeeze %dma_wait3A_339 : memref<1x56x1024xf32, #tpu.memory_space<hbm>> -> memref<56x1024xf32, #tpu.memory_space<hbm>>
    %dma_wait3A_341 = arith.constant 56 : i32
    %dma_wait3A_342 = arith.constant 0 : i32
    %dma_wait3A_343 = tpu.memref_slice %arg5[%dma_wait3A_341, %dma_wait3A_342] : memref<112x1024xf32, #tpu.memory_space<vmem>> -> memref<56x1024xf32, #tpu.memory_space<vmem>>
    tpu.wait_dma2 semaphore(%arg7 : memref<!tpu.dma_semaphore, #tpu.memory_space<semaphore_mem>>) src(%dma_wait3A_343 : memref<56x1024xf32, #tpu.memory_space<vmem>>) dst(%dma_wait3A_340 : memref<56x1024xf32, #tpu.memory_space<hbm>>)
    return
  }
}

</mosaic_0001>

<sc_bundles>
// kernel: kernel.3.cloned.1.call-start
scs
__scs_entry_jumppad:
0x0: {  	(pc) =	sbr.rel $0x88, $3  }
0x1: {  	(tag) =	ssettag $0x0;
	lr =	simm.s32 $0x1  }
0x2: {  	[smem:$0x3FA0] =	sst lr;
	_ =	strace $0xD0000000  }
0x3: {  	_ = 	snop  }
0x4: {  	_ = 	snop  }
0x5: {  	_ = 	snop  }
0x6: {  	_ = 	snop  }
0x7: {  	_ = 	snop  }
__scs_overlays_trampoline_lowered:
0x8: {  	[smem:$0x3FAF] =	sst s0  }
0x9: {  	[smem:$0x3FB0] =	sst s1  }
0xa: {  	[smem:$0x3FB1] =	sst s2  }
0xb: {  	[smem:$0x3FB2] =	sst s3  }
0xc: {  	[smem:$0x3FB3] =	sst s4  }
0xd: {  	[smem:$0x3FB4] =	sst s5  }
0xe: {  	[smem:$0x3FB5] =	sst s6  }
0xf: {  	[smem:$0x3FB6] =	sst s7  }
0x10: {  	[smem:$0x3FB7] =	sst s8  }
0x11: {  	[smem:$0x3FB8] =	sst s9;
	s0 =	simm.s32 @!p0 $0x0  }
0x12: {  	s1 =	sld [smem:$0x3F9E];
	s0 =	simm.s32 @p0 $0x1  }
0x13: {  	[smem:$0x3FB9] =	sst s0;
	s0 =	simm.s32 @!p1 $0x0  }
0x14: {  	s2 =	sld [smem:$0x3F9D];
	s0 =	simm.s32 @p1 $0x1  }
0x15: {  	[smem:$0x3FBA] =	sst s0;
	s0 =	simm.s32 @!p2 $0x0  }
0x16: {  	s3 =	sld [smem:$0x3FDB];
	s0 =	simm.s32 @p2 $0x1  }
0x17: {  	s4 =	simm.s32 $0x1BF5;
	[smem:$0x3FBC] =	sst s0  }
0x18: {  	s0 =	sld [smem:$0x3F9F];
	_ =	swait.ge [sflag:s4], $0x0  }
0x19: {  	s7 =	sld [smem:$0x3FA0]  }
0x1a: {  	s8 =	sadd.s32 $0xFFFFE003, lr  }
0x1b: {  	s9 =	sadd.s32 $0xFFFFFEF7, lr;
	s5 =	simm.s32 $0xFFFFFFFF;
	p2 =	slt.u32 s8, $0xFFFFF086  }
0x1c: {  	p1 =	slt.u32 s9, $0xF7A;
	s5 =	simm.s32 @!p2 $0x0  }
0x1d: {  	s5 =	simm.s32 @p1 $0x1;
	p0 =	seq.s32 s7, s2  }
0x1e: {  	s7 =	smul.u32 @!p0 $0xF7A, s2;
	p2 =	seq.s32 @!p0 s5, $0x0  }
0x1f: {  	s9 =	smul.u32 $0xF7A, s1;
	s8 =	simm.s32 @!p0 $0x1BF5;
	p2 =	por !p2, p0  }
0x20: {  	[sflag:s8] =	ssyncset.s32 @!p0 $0xFFFFF086;
	s6 =	sadd.s32 @!p0 s3, s7;
	s7 =	simm.s32 @!p0 $0x108  }
0x21: {  	s3 =	sadd.s32 s3, s9;
	s6 =	sadd.s32 @!p0 $0x88, s6;
	s7 =	simm.s32 @p2 $0x1082  }
0x22: {  	[simem:s7], [sflag:s8] =	dma.local @!p0 [hbm:s6], $0xF7A  }
0x23: {  	s9 =	sor.u32 $0xD0000000, s2;
	s6 =	simm.s32 $0x108;
	_ =	swait.ge @!p0 [sflag:s8], $0x0  }
0x24: {  	s3 =	sadd.s32 $0x88, s3;
	s6 =	simm.s32 @!p1 $0x1082;
	[sflag:s4] =	ssyncset.s32 $0xFFFFF086  }
0x25: {  	[simem:s6], [sflag:s4] =	dma.local [hbm:s3], $0xF7A  }
0x26: {  	[smem:$0x3FA0] =	sst s1;
	(tag) =	ssettag s2;
	_ =	strace s9  }
0x27: {  	s1 =	sld [smem:$0x3FB0]  }
0x28: {  	s2 =	sld [smem:$0x3FB1]  }
0x29: {  	s4 =	sld [smem:$0x3FB3]  }
0x2a: {  	p0 =	seq.s32 s5, $0x0;
	s5 =	sld [smem:$0x3FB4]  }
0x2b: {  	s6 =	sld [smem:$0x3FB5]  }
0x2c: {  	s7 =	sld [smem:$0x3FB6]  }
0x2d: {  	s3 =	simm.s32 $0x108;
	s8 =	sld [smem:$0x3FB7]  }
0x2e: {  	s3 =	simm.s32 @!p0 $0x1082;
	s9 =	sld [smem:$0x3FB8]  }
0x2f: {  	lr =	sadd.s32 s0, s3;
	s0 =	sld [smem:$0x3FAF]  }
0x30: {  	s3 =	sld [smem:$0x3FB2]  }
0x31: {  	[smem:$0x3FBB] =	sst s10  }
0x32: {  	s10 =	sld [smem:$0x3FB9];
	_ =	sdelay $0x3  }
0x33: {  	p0 =	seq.s32 s10, $0x1;
	s10 =	sld [smem:$0x3FBB];
	_ =	sdelay $0x3  }
0x34: {  	[smem:$0x3FBB] =	sst s10  }
0x35: {  	s10 =	sld [smem:$0x3FBA];
	_ =	sdelay $0x3  }
0x36: {  	p1 =	seq.s32 s10, $0x1;
	s10 =	sld [smem:$0x3FBB];
	_ =	sdelay $0x3  }
0x37: {  	[smem:$0x3FBB] =	sst s10  }
0x38: {  	s10 =	sld [smem:$0x3FBC]  }
0x39: {  	_ = 	snop;
	(pc) =	sbr.ind lr, $3  }
0x3a: {  	_ = 	snop  }
0x3b: {  	_ = 	snop  }
0x3c: {  	p2 =	seq.s32 s10, $0x1;
	s10 =	sld [smem:$0x3FBB]  }
0x3d: {  	_ =	shalt  }
0x3e: {  	_ =	shalt  }
0x3f: {  	_ =	shalt  }
0x40: {  	_ =	shalt  }
0x41: {  	_ =	shalt  }
0x42: {  	_ =	shalt  }
0x43: {  	_ =	shalt  }
0x44: {  	_ =	shalt  }
0x45: {  	_ =	shalt  }
0x46: {  	_ =	shalt  }
0x47: {  	_ =	shalt  }
0x48: {  	_ =	shalt  }
0x49: {  	_ =	shalt  }
0x4a: {  	_ =	shalt  }
0x4b: {  	_ =	shalt  }
0x4c: {  	_ =	shalt  }
0x4d: {  	_ =	shalt  }
0x4e: {  	_ =	shalt  }
0x4f: {  	_ =	shalt  }
0x50: {  	_ =	shalt  }
0x51: {  	_ =	shalt  }
0x52: {  	_ =	shalt  }
0x53: {  	_ =	shalt  }
0x54: {  	_ =	shalt  }
0x55: {  	_ =	shalt  }
0x56: {  	_ =	shalt  }
0x57: {  	_ =	shalt  }
0x58: {  	_ =	shalt  }
0x59: {  	_ =	shalt  }
0x5a: {  	_ =	shalt  }
0x5b: {  	_ =	shalt  }
0x5c: {  	_ =	shalt  }
0x5d: {  	_ =	shalt  }
0x5e: {  	_ =	shalt  }
0x5f: {  	_ =	shalt  }
0x60: {  	_ =	shalt  }
0x61: {  	_ =	shalt  }
0x62: {  	_ =	shalt  }
0x63: {  	_ =	shalt  }
0x64: {  	_ =	shalt  }
0x65: {  	_ =	shalt  }
0x66: {  	_ =	shalt  }
0x67: {  	_ =	shalt  }
0x68: {  	_ =	shalt  }
0x69: {  	_ =	shalt  }
0x6a: {  	_ =	shalt  }
0x6b: {  	_ =	shalt  }
0x6c: {  	_ =	shalt  }
0x6d: {  	_ =	shalt  }
0x6e: {  	_ =	shalt  }
0x6f: {  	_ =	shalt  }
0x70: {  	_ =	shalt  }
0x71: {  	_ =	shalt  }
0x72: {  	_ =	shalt  }
0x73: {  	_ =	shalt  }
0x74: {  	_ =	shalt  }
0x75: {  	_ =	shalt  }
0x76: {  	_ =	shalt  }
0x77: {  	_ =	shalt  }
0x78: {  	_ =	shalt  }
0x79: {  	_ =	shalt  }
0x7a: {  	_ =	shalt  }
0x7b: {  	_ =	shalt  }
0x7c: {  	_ =	shalt  }
0x7d: {  	_ =	shalt  }
0x7e: {  	_ =	shalt  }
0x7f: {  	_ =	shalt  }
0x80: {  	_ =	shalt  }
0x81: {  	_ =	shalt  }
0x82: {  	_ =	shalt  }
0x83: {  	_ =	shalt  }
0x84: {  	_ =	shalt  }
0x85: {  	_ =	shalt  }
0x86: {  	_ =	shalt  }
0x87: {  	_ =	shalt  }
.Lfunc_end0:
.L_simem_size_0:
called_computation_lowered:
.L_overlay_start_0:
0x88: {  	s2 =	sld [smem:$0x3FD9]  }
0x89: {  	s3 =	sld [smem:$0x3FFE];
	_ =	sdelay $0x1  }
0x8a: {  	s1 =	srdreg.scid  }
0x8b: {  	s0 =	sand.u32 $0x1, s1  }
0x8c: {  	s18 =	sshll.u32 s0, $0xA;
	s2 =	sadd.s32 s3, s2  }
0x8d: {  	s2 =	sadd.s32 s2, s18  }
0x8e: {  	[smem:$0x3FC7] =	sst s2  }
0x8f: {  	_ = 	snop  }
0x90: {  	s2 =	sld [smem:$0x3FC9]  }
0x91: {  	s19 =	sld [smem:$0x3FD0];
	(tm) =	ssettm $0x1  }
0x92: {  	s4 =	sld [smem:$0x3FFB];
	_ =	sdelay $0x3  }
0x93: {  	_ =	strace s4  }
0x94: {  	s4 =	sld [smem:$0x3FFC];
	_ =	sdelay $0x3  }
0x95: {  	_ =	strace s4  }
0x96: {  	s4 =	sld [smem:$0x3FFD];
	_ =	sdelay $0x3  }
0x97: {  	_ =	strace s4  }
0x98: {  	_ =	strace $0x8FFFFFFF  }
0x99: {  	s20 =	sld [smem:$0x3FDB];
	_ =	sdelay $0x1  }
0x9a: {  	s5 =	simm.s32 $_scs_section_size  }
0x9b: {  	s6 =	simm.s32 $_size__tile_overlayer_lowered;
	s7 =	simm.s32 $_tile_overlayer_lowered  }
0x9c: {  	s23 =	simm.s32 $0x1BFF;
	s22 =	sshll.u32 s7, $0x1;
	s4 =	sadd.s32 s5, s20  }
0x9d: {  	s8 =	simm.s32 $0x0;
	s21 =	sshll.u32 s6, $0x1;
	s6 =	sadd.s32 s22, s4  }
0x9e: {  	[timem:s8], [sflag:s23] =	dma.local [hbm:s6], s21  }
0x9f: {  	_ =	swait.ge [sflag:s23], s21  }
0xa0: {  	s5 =	ssub.s32 $0x0, s21;
	[sflag:s23] =	ssyncset.done $0x0  }
0xa1: {  	[sflag:s23] =	ssyncadd.s32 s5;
	_ =	sdelay $0x1  }
0xa2: {  	s24 =	simm.s32 $0x1B8B  }
0xa3: {  	_ =	swait.ge [sflag:s24], $0x1  }
0xa4: {  	[sflag:s24] =	ssyncset.done $0x0  }
0xa5: {  	s25 =	simm.s32 $0x1B8E;
	[sflag:s24] =	ssyncadd.s32 $0xFFFFFFFF  }
0xa6: {  	s26 =	simm.s32 $execute0_lowered;
	[smem:$0x3FD2] =	sst s25  }
0xa7: {  	s5 =	sshll.u32 s26, $0x1;
	_ =	strace $0x80000046;
	[dreg:$0x1] =	wrdreg $0xFFFFFFFF  }
0xa8: {  	s28 =	simm.s32 $_size_execute0_lowered;
	s4 =	sadd.s32 s4, s5;
	[dreg:$0x0] =	wrdreg $0x0  }
0xa9: {  	s5 =	sshll.u32 s28, $0x1;
	[dreg:$0x2] =	wrdreg s4  }
0xaa: {  	[dreg:$0x3] =	wrdreg s5  }
0xab: {  	[dreg:$0x4] =	wrdreg $0xC0  }
0xac: {  	_ =	task [dreg:s8], $0x5FFFF  }
0xad: {  	[dreg:$0x1] =	wrdreg $0xFFFFFFFF  }
0xae: {  	[dreg:$0x0] =	wrdreg $0x60  }
0xaf: {  	[dreg:$0x2] =	wrdreg s2  }
0xb0: {  	[dreg:$0x3] =	wrdreg s19  }
0xb1: {  	[dreg:$0x4] =	wrdreg $0x9  }
0xb2: {  	_ =	task.clear_ibuf [dreg:s8], $0x5FFFF;
	_ =	strace $0x90000046  }
0xb3: {  	s29 =	simm.s32 $0x9;
	_ =	strace $0x80000048  }
0xb4: {  	_ =	swait.ge [sflag:s29], $0x1  }
0xb5: {  	[sflag:s29] =	ssyncadd.s32 $0xFFFFFFFF  }
0xb6: {  	_ =	strace $0x90000048  }
0xb7: {  	_ =	sfence  }
0xb8: {  	s30 =	sld [smem:$0x0];
	_ =	sdelay $0x2  }
0xb9: {  	s31 =	sshll.u32 s1, $0xD;
	s1 =	sshrl.u32 s1, $0x2  }
0xba: {  	s3 =	sand.u32 $0x4000, s31;
	s1 =	sadd.s32 s1, s30  }
0xbb: {  	s0 =	sor.u32 s3, s0;
	s1 =	sshll.u32 s1, $0x11  }
0xbc: {  	s0 =	sor.u32 s1, s0  }
0xbd: {  	s0 =	sadd.s32 $0x8F2B, s0  }
0xbe: {  	[sflag:s0] =	ssyncadd.remote.s32 $0x1  }
0xbf: {  	_ =	sfence.sel $0xFFFF  }
0xc0: {  	[dreg:$0x0] =	wrdreg $0xFFFFFFFF;
	(pc) =	sbr.abs _section_cstart, $3  }
0xc1: {  	[dreg:$0x1] =	wrdreg $0xFFFFFFFF  }
0xc2: {  	_ =	task.clear_ibuf [dreg:s8], $0x2FFFF;
	_ =	strace $0x9FFFFFFF  }
0xc3: {  	(tm) =	ssettm $0x7FFFFFFF  }
tec
execute0_lowered:
.L_overlay_start_1:
0x0: {  	(tag) =	ssettag $0x1  }
0x1: {  	s7 =	rddreg [dreg:$0x0]  }
0x2: {  	s0 =	srdreg.scid;
	s18 =	stileid.u32  }
0x3: {  	s2 =	rddreg [dreg:$0x1];
	s5 =	sand.u32 $0x1, s0;
	s16 =	sshll.u32 s18, $0x1  }
0x4: {  	s3 =	simm.s32 $0x0;
	s29 =	simm.s32 $0x2;
	s0 =	sor.u32 s5, s16  }
0x5: {  	s30 =	simm.s32 $0xC00;
	s31 =	simm.s32 $0xEC00;
	s4 =	smul.u32 $0x320064, s0  }
0x6: {  	[smem:$0x7FF] =	sst s3;
	s1 =	ssub.s32 $0x2, s5;
	s8 =	smul.u32 $0x384, s0  }
0x7: {  	_ =	strace $0x80000047;
	s5 =	smul.u32 $0x384, s5;
	s6 =	sshrl.u32 s1, $0x1  }
0x8: {  	s0 =	ssub.s32 s1, s6;
	s6 =	sshrl.u32 s4, $0x15;
	s4 =	sshrl.u32 s8, $0x5  }
0x9: {  	s17 =	sadd.s32 $0x384, s8;
	s0 =	smax.u32 s0, $0x1;
	s19 =	smin.u32 s6, $0x2F  }
0xa: {  	s9 =	sshrl.u32 s17, $0x5;
	s13 =	smul.u32 $0xFFFFFFEE, s6;
	s15 =	sadd.s32 $0x1, s4  }
0xb: {  	s6 =	smul.u32 $0xFA000, s6;
	[dreg:$0x9] =	wrdreg s0;
	s20 =	sshll.u32 s19, $0x7  }
0xc: {  	s10 =	sshll.u32 s19, $0x4;
	s11 =	ssub.s32 s9, s4;
	s22 =	sadd.s32 $0x1, s19  }
0xd: {  	s16 =	smul.u32 $0xE38F, s15;
	s8 =	sadd.s32 $0x2, s19;
	s12 =	sand.u32 $0x1C00, s20  }
0xe: {  	s21 =	sand.u32 $0x70, s10;
	s14 =	sshll.u32 s22, $0x7;
	s1 =	sshll.u32 s22, $0x4  }
0xf: {  	s13 =	sadd.s32 s4, s13;
	s26 =	sshll.u32 s8, $0x7;
	s8 =	sshll.u32 s8, $0x4  }
0x10: {  	s22 =	sadd.s32 $0xFFFFFFFF, s9;
	s9 =	sadd.s32 $0xFFFFFFFD, s9;
	p6 =	slt.s32 s11, $0x3  }
0x11: {  	s10 =	sadd.s32 s7, s21;
	s1 =	sand.u32 $0x70, s1;
	s14 =	sand.u32 $0x3C00, s14  }
0x12: {  	s24 =	sshrl.u32 s16, $0x14;
	s17 =	sadd.s32 s7, s1;
	s1 =	smul.u32 $0x38, s13  }
0x13: {  	s8 =	sand.u32 $0x70, s8;
	s10 =	sadd.s32 s12, s10;
	s25 =	smul.u32 $0xFFFFFFEE, s24  }
0x14: {  	s7 =	sadd.s32 s7, s8;
	s21 =	smul.u32 $0xFA000, s24;
	s24 =	sand.u32 $0xFFFF, s22  }
0x15: {  	s13 =	simm.s32 $0x1;
	[dreg:$0x3] =	wrdreg s10;
	s23 =	sadd.s32 s14, s17  }
0x16: {  	s17 =	sand.u32 $0x3C00, s26;
	s26 =	sand.u32 $0xFFFF, s9;
	[dreg:$0x4] =	wrdreg s23  }
0x17: {  	p0 =	slt.s32 s1, $0x3B0;
	s12 =	sadd.s32 s15, s25;
	s25 =	sadd.s32 $0xFFFFFFFE, s11  }
0x18: {  	s7 =	sadd.s32 s17, s7;
	s1 =	simm.s32 @!p0 $0x3B0;
	s15 =	sand.u32 $0x8000, s25  }
0x19: {  	[dreg:$0x5] =	wrdreg s7;
	s16 =	sshll.u32 s1, $0xA;
	s10 =	sshrl.u32 s15, $0xF  }
0x1a: {  	v0 =	vmov s1;
	s1 =	simm.s32 $0x0;
	s14 =	sadd.s32 s6, s16;
	s6 =	smul.u32 $0x38, s12  }
0x1b: {  	s12 =	smul.u32 $0xE38F, s24;
	s10 =	sadd.s32 s10, s25;
	s19 =	sshrl.u32 s14, $0x3  }
0x1c: {  	s14 =	smul.u32 $0xE38F, s26;
	s10 =	sshll.u32 s10, $0x10;
	s20 =	sadd.s32 s2, s19  }
0x1d: {  	p0 =	slt.s32 s6, $0x3B0;
	s12 =	sshrl.u32 s12, $0x14;
	s19 =	smul.u32 $0x708, s18  }
0x1e: {  	s17 =	sshra.s32 s10, $0x11;
	s10 =	simm.s32 $0x1;
	s16 =	smul.u32 $0xFFFFFFEE, s12  }
0x1f: {  	s6 =	simm.s32 @!p0 $0x3B0;
	s14 =	sshrl.u32 s14, $0x14;
	s12 =	smul.u32 $0xFA000, s12  }
0x20: {  	[dreg:$0x6] =	wrdreg s20;
	s23 =	sshll.u32 s6, $0xA;
	s14 =	smul.u32 $0xFFFFFFEE, s14  }
0x21: {  	s5 =	sadd.s32 s5, s19;
	s7 =	sadd.s32 s21, s23;
	s8 =	sadd.s32 s22, s16  }
0x22: {  	s21 =	smulhi.u32 $0x71C71D, s5;
	s24 =	sshrl.u32 s5, $0x5;
	s7 =	sshrl.u32 s7, $0x3  }
0x23: {  	s8 =	smul.u32 $0x38, s8;
	s9 =	sadd.s32 s9, s14;
	s14 =	sadd.s32 $0x384, s5  }
0x24: {  	s28 =	sadd.s32 $0x3, s24;
	s7 =	sadd.s32 s2, s7;
	s9 =	smul.u32 $0x38, s9  }
0x25: {  	s22 =	sshll.u32 s21, $0xC;
	s23 =	sshrl.u32 s14, $0x5;
	s14 =	sadd.s32 $0x1, s24  }
0x26: {  	[dreg:$0x7] =	wrdreg s7;
	s7 =	sand.u32 $0x1, s11;
	s25 =	sadd.s32 $0xFFFFFFFD, s23  }
0x27: {  	s26 =	smulhi.u32 $0xE38E38F, s14;
	s5 =	sadd.s32 $0xFFFFFFFF, s23;
	p1 =	seq.s32 s7, $0x1  }
0x28: {  	s23 =	sadd.s32 $0x2, s24;
	s5 =	sand.u32 $0xFFFF, s5;
	p0 =	por !p6, !p1  }
0x29: {  	s16 =	sand.u32 $0xFFFF, s25;
	s5 =	smulhi.u32 $0xE38E38F, s5;
	p0 =	por !p0, !p0  }
0x2a: {  	s16 =	smulhi.u32 $0xE38E38F, s16;
	s13 =	simm.s32 @!p0 $0x0;
	p0 =	slt.s32 s8, $0x3B0  }
0x2b: {  	s19 =	sshll.u32 s26, $0xC;
	s5 =	sshll.u32 s5, $0xC;
	s8 =	simm.s32 @!p0 $0x3B0  }
0x2c: {  	s11 =	ssub.s32 s17, s13;
	p0 =	slt.s32 s9, $0x3B0;
	s13 =	smin.u32 s21, $0x2F  }
0x2d: {  	s17 =	sadd.s32 $0x3, s4;
	s20 =	sshll.u32 s8, $0xA;
	s9 =	simm.s32 @!p0 $0x3B0  }
0x2e: {  	s13 =	sshll.u32 s13, $0xC;
	p0 =	seq.s32 s7, $0x0;
	p1 =	slt.s32 s11, $0x1  }
0x2f: {  	s12 =	sadd.s32 s12, s20;
	s15 =	ssub.s32 s22, s13;
	s20 =	sshll.u32 s16, $0xC  }
0x30: {  	s5 =	ssub.s32 s5, s13;
	s16 =	sadd.s32 $0x2, s4;
	s12 =	sshrl.u32 s12, $0x3  }
0x31: {  	s18 =	sor.u32 $0x100, s15;
	s15 =	ssub.s32 s20, s13;
	s25 =	sor.u32 $0x100, s5  }
0x32: {  	v4 =	vimm.f32 $0.0e+00;
	s12 =	sadd.s32 s2, s12;
	s0 =	sshra.s32 s18, $0x2;
	s22 =	sor.u32 $0x100, s15  }
.Ltmp0:
0x33: {  	v6 =	vimm.s32 $0x0;
	vm0 =	vcmask $0x300;
	v5 =	vlaneseq.u32;
	s26 =	sshra.s32 s25, $0x2;
	[dreg:$0x8] =	wrdreg s12;
	(pc) =	sbr.rel .LBB2_1-.Ltmp0, $4  }
0x34: {  	v7 =	vimm.f32 $1.000000000e+00;
	v6 =	vsel vm0, $0xA, v6;
	v8 =	vor.u32 $0x10, v5;
	s25 =	simm.s32 $0x80;
	s12 =	ssub.s32 s19, s13;
	[dreg:$0xa] =	wrdreg s0  }
0x35: {  	v9 =	vor.u32 $0x20, v5;
	v10 =	vor.u32 $0x30, v5;
	v11 =	vor.u32 $0x40, v5;
	s0 =	sshra.s32 s22, $0x2;
	[dreg:$0xd] =	wrdreg s26;
	s12 =	sor.u32 $0x100, s12  }
0x36: {  	v12 =	vor.u32 $0x50, v5;
	v13 =	vor.u32 $0x60, v5;
	v14 =	vor.u32 $0x70, v5;
	s13 =	ssub.s32 $0x100, s13;
	[dreg:$0xc] =	wrdreg s0;
	s21 =	sshra.s32 s12, $0x2  }
0x37: {  	v1 =	vmov s6;
	v3 =	vmov s8;
	v2 =	vmov s9;
	s26 =	simm.s32 $0x400;
	s20 =	sshra.s32 s13, $0x2;
	[dreg:$0xb] =	wrdreg s21  }
.LBB2_25:
0x38: {  	_ =	swait.ge [sflag:s10], $0xE000  }
0x39: {  	[sflag:s10] =	ssyncset.done $0x0  }
0x3a: {  	[sflag:s10] =	ssyncadd.s32 $0xFFFF2000  }
0x3b: {  	_ =	swait.ge [sflag:s29], $0xE000  }
0x3c: {  	s1 =	sadd.s32 $0x1, s1;
	s0 =	rddreg [dreg:$0x9]  }
0x3d: {  	p2 =	sne.s32 s1, s0  }
.Ltmp1:
0x3e: {  	_ = 	snop;
	(pc) =	sbr.rel @!p2 .LBB2_26-.Ltmp1, $3  }
0x3f: {  	_ =	sdelay $0x1  }
0x40: {  	[sflag:s29] =	ssyncset.done $0x0  }
0x41: {  	[sflag:s29] =	ssyncadd.s32 $0xFFFF2000  }
.LBB2_1:
0x42: {  	s0 =	rddreg [dreg:$0x3]  }
0x43: {  	[tilespmem:s3], [sflag:$0x2] =	stream.strided.gather [hbm4b:s0+s25], $0x400, s26, s25, $0x38;
	[tilespmem:$0x1CC00] =	vst v63  }
0x44: {  	s21 =	rddreg [dreg:$0x4]  }
0x45: {  	[tilespmem:s26], [sflag:$0x2] =	stream.strided.gather [hbm4b:s21+s25], $0x400, s26, s25, $0x38;
	[tilespmem:$0x1CC00] =	vst v63  }
0x46: {  	s22 =	rddreg [dreg:$0x5];
	s5 =	simm.s32 $0x800;
	s6 =	simm.s32 $0x0  }
0x47: {  	[tilespmem:s5], [sflag:$0x2] =	stream.strided.gather [hbm4b:s22+s25], $0x400, s26, s25, $0x38;
	[tilespmem:$0x1CC00] =	vst v63  }
0x48: {  	s7 =	simm.s32 $0x0;
	s0 =	simm.s32 $0xFFFF2000;
	s5 =	simm.s32 $0x0  }
.LBB2_2:
0x49: {  	s8 =	sadd.s32 $0xE000, s0  }
0x4a: {  	s9 =	sand.u32 $0x380, s7;
	s8 =	sand.u32 $0xE000, s8  }
0x4b: {  	s8 =	sor.u32 s9, s8  }
0x4c: {  	[tilespmem:s8+$0xC00] =	vst v4  }
0x4d: {  	[tilespmem:s8+$0xC10] =	vst v4  }
0x4e: {  	[tilespmem:s8+$0xC20] =	vst v4  }
0x4f: {  	[tilespmem:s8+$0xC30] =	vst v4  }
0x50: {  	[tilespmem:s8+$0xC40] =	vst v4  }
0x51: {  	[tilespmem:s8+$0xC50] =	vst v4  }
0x52: {  	[tilespmem:s8+$0xC60] =	vst v4  }
0x53: {  	[tilespmem:s8+$0xC70] =	vst v4  }
0x54: {  	[tilespmem:s8+$0x1000] =	vst v4  }
0x55: {  	[tilespmem:s8+$0x1010] =	vst v4  }
0x56: {  	[tilespmem:s8+$0x1020] =	vst v4  }
0x57: {  	[tilespmem:s8+$0x1030] =	vst v4  }
0x58: {  	[tilespmem:s8+$0x1040] =	vst v4  }
0x59: {  	[tilespmem:s8+$0x1050] =	vst v4  }
0x5a: {  	[tilespmem:s8+$0x1060] =	vst v4  }
0x5b: {  	[tilespmem:s8+$0x1070] =	vst v4  }
0x5c: {  	[tilespmem:s8+$0x1400] =	vst v4  }
0x5d: {  	[tilespmem:s8+$0x1410] =	vst v4  }
0x5e: {  	[tilespmem:s8+$0x1420] =	vst v4  }
0x5f: {  	[tilespmem:s8+$0x1430] =	vst v4  }
0x60: {  	[tilespmem:s8+$0x1440] =	vst v4  }
0x61: {  	[tilespmem:s8+$0x1450] =	vst v4  }
0x62: {  	[tilespmem:s8+$0x1460] =	vst v4  }
0x63: {  	[tilespmem:s8+$0x1470] =	vst v4  }
0x64: {  	[tilespmem:s8+$0x1800] =	vst v4  }
0x65: {  	[tilespmem:s8+$0x1810] =	vst v4  }
0x66: {  	[tilespmem:s8+$0x1820] =	vst v4  }
0x67: {  	[tilespmem:s8+$0x1830] =	vst v4  }
0x68: {  	[tilespmem:s8+$0x1840] =	vst v4  }
0x69: {  	[tilespmem:s8+$0x1850] =	vst v4  }
0x6a: {  	[tilespmem:s8+$0x1860] =	vst v4  }
0x6b: {  	[tilespmem:s8+$0x1870] =	vst v4  }
0x6c: {  	[tilespmem:s8+$0x1C00] =	vst v4  }
0x6d: {  	[tilespmem:s8+$0x1C10] =	vst v4  }
0x6e: {  	[tilespmem:s8+$0x1C20] =	vst v4  }
0x6f: {  	[tilespmem:s8+$0x1C30] =	vst v4  }
0x70: {  	[tilespmem:s8+$0x1C40] =	vst v4  }
0x71: {  	[tilespmem:s8+$0x1C50] =	vst v4  }
0x72: {  	[tilespmem:s8+$0x1C60] =	vst v4  }
0x73: {  	[tilespmem:s8+$0x1C70] =	vst v4  }
0x74: {  	[tilespmem:s8+$0x2000] =	vst v4  }
0x75: {  	[tilespmem:s8+$0x2010] =	vst v4  }
0x76: {  	[tilespmem:s8+$0x2020] =	vst v4  }
0x77: {  	[tilespmem:s8+$0x2030] =	vst v4  }
0x78: {  	[tilespmem:s8+$0x2040] =	vst v4  }
0x79: {  	[tilespmem:s8+$0x2050] =	vst v4  }
0x7a: {  	[tilespmem:s8+$0x2060] =	vst v4  }
0x7b: {  	[tilespmem:s8+$0x2070] =	vst v4  }
0x7c: {  	[tilespmem:s8+$0x2400] =	vst v4  }
0x7d: {  	[tilespmem:s8+$0x2410] =	vst v4  }
0x7e: {  	[tilespmem:s8+$0x2420] =	vst v4  }
0x7f: {  	[tilespmem:s8+$0x2430] =	vst v4  }
0x80: {  	s21 =	sand.u32 $0x7, s5;
	[tilespmem:s8+$0x2440] =	vst v4  }
0x81: {  	s9 =	sshll.u32 s21, $0x7;
	[tilespmem:s8+$0x2450] =	vst v4  }
0x82: {  	s9 =	sadd.s32 s9, s6;
	[tilespmem:s8+$0x2460] =	vst v4  }
0x83: {  	[tilespmem:s8+$0x2470] =	vst v4;
	s22 =	sor.u32 $0x1C00, s9  }
0x84: {  	s12 =	sor.u32 $0x1C10, s9;
	[tilespmem:s22+$0xC00] =	vst v4  }
0x85: {  	s13 =	sor.u32 $0x1C20, s9;
	[tilespmem:s12+$0xC00] =	vst v4  }
0x86: {  	p2 =	sne.s32 s7, $0x1B80;
	s15 =	sor.u32 $0x1C30, s9;
	[tilespmem:s13+$0xC00] =	vst v4  }
.Ltmp2:
0x87: {  	s18 =	sor.u32 $0x1C40, s9;
	[tilespmem:s15+$0xC00] =	vst v4;
	(pc) =	sbr.rel @p2 .LBB2_2-.Ltmp2, $4  }
0x88: {  	s19 =	sor.u32 $0x1C50, s9;
	[tilespmem:s18+$0xC00] =	vst v4  }
0x89: {  	s21 =	sor.u32 $0x1C60, s9;
	[tilespmem:s19+$0xC00] =	vst v4  }
0x8a: {  	s5 =	sadd.s32 $0x1, s5;
	s22 =	sor.u32 $0x1C70, s9;
	[tilespmem:s21+$0xC00] =	vst v4  }
0x8b: {  	s0 =	sadd.s32 $0x400, s0;
	s7 =	sadd.s32 $0x80, s7;
	s6 =	sadd.s32 $0x400, s6;
	[tilespmem:s22+$0xC00] =	vst v4  }
0x8c: {  	_ =	swait.ge [sflag:s29], $0x400  }
0x8d: {  	[sflag:s29] =	ssyncset.done $0x0  }
0x8e: {  	[sflag:s29] =	ssyncadd.s32 $0xFFFFFC00  }
0x8f: {  	_ =	swait.ge [sflag:s29], $0x400  }
0x90: {  	[sflag:s29] =	ssyncset.done $0x0  }
0x91: {  	[sflag:s29] =	ssyncadd.s32 $0xFFFFFC00  }
0x92: {  	_ =	swait.ge [sflag:s29], $0x400  }
0x93: {  	[sflag:s29] =	ssyncset.done $0x0  }
0x94: {  	s0 =	simm.s32 $0x70;
	s5 =	rddreg [dreg:$0xa];
	[sflag:s29] =	ssyncadd.s32 $0xFFFFFC00  }
.LBB2_4:
0x95: {  	v15 =	vld [tilespmem:s5+$0xFFFFFFC0]  }
0x96: {  	s6 =	sadd.s32 $0xFFFFFF90, s0  }
0x97: {  	v16 =	vmov s6  }
0x98: {  	v16 =	vshrl.u32 v16, $0x7  }
0x99: {  	v16 =	vshll.u32 v16, v6  }
0x9a: {  	v16 =	vbroadcast v16, $0x0;
	v17 =	vsub.s32 v15, v0;
	v15 =	vshll.u32 v15, $0x7  }
0x9b: {  	v18 =	vshll.u32 v17, $0xA;
	v15 =	vand.u32 $0x380, v15  }
0x9c: {  	v18 =	vand.u32 $0xFFFFE000, v18;
	v15 =	vor.u32 v15, v16  }
0x9d: {  	vm0 =	vlt.u32 v17, $0x38;
	v15 =	vor.u32 v18, v15  }
0x9e: {  	v15 =	vor.u32 v5, v15;
	_ =	sdelay $0x4  }
0x9f: {  	[tilespmem:v15+s30+$0x0] =	vst.idx.msk vm0, v7  }
0xa0: {  	v15 =	vld [tilespmem:s5+$0xFFFFFFD0];
	_ =	sdelay $0x1  }
0xa1: {  	s13 =	sadd.s32 $0xFFFFFFA0, s0  }
0xa2: {  	v43 =	vmov s13  }
0xa3: {  	v16 =	vshrl.u32 v43, $0x7  }
0xa4: {  	v16 =	vshll.u32 v16, v6;
	v44 =	vsub.s32 v15, v0  }
0xa5: {  	v16 =	vbroadcast v16, $0x0;
	v45 =	vshll.u32 v44, $0xA  }
0xa6: {  	v15 =	vshll.u32 v15, $0x7;
	v18 =	vand.u32 $0xFFFFE000, v45  }
0xa7: {  	v15 =	vand.u32 $0x380, v15;
	v16 =	vadd.s32 v16, v18  }
0xa8: {  	vm9 =	vlt.u32 v44, $0x38;
	v15 =	vor.u32 v15, v16  }
0xa9: {  	v15 =	vor.u32 v8, v15;
	_ =	sdelay $0x4  }
0xaa: {  	[tilespmem:v15+s30+$0x0] =	vst.idx.msk vm9, v7  }
0xab: {  	v15 =	vld [tilespmem:s5+$0xFFFFFFE0];
	_ =	sdelay $0x1  }
0xac: {  	s15 =	sadd.s32 $0xFFFFFFB0, s0  }
0xad: {  	v46 =	vmov s15  }
0xae: {  	v16 =	vshrl.u32 v46, $0x7  }
0xaf: {  	v16 =	vshll.u32 v16, v6;
	v47 =	vsub.s32 v15, v0  }
0xb0: {  	v16 =	vbroadcast v16, $0x0;
	v48 =	vshll.u32 v47, $0xA  }
0xb1: {  	v15 =	vshll.u32 v15, $0x7;
	v18 =	vand.u32 $0xFFFFE000, v48  }
0xb2: {  	v15 =	vand.u32 $0x380, v15;
	v16 =	vadd.s32 v16, v18  }
0xb3: {  	vm10 =	vlt.u32 v47, $0x38;
	v15 =	vor.u32 v15, v16  }
0xb4: {  	v15 =	vor.u32 v9, v15;
	_ =	sdelay $0x4  }
0xb5: {  	[tilespmem:v15+s30+$0x0] =	vst.idx.msk vm10, v7  }
0xb6: {  	v15 =	vld [tilespmem:s5+$0xFFFFFFF0];
	_ =	sdelay $0x1  }
0xb7: {  	s18 =	sadd.s32 $0xFFFFFFC0, s0  }
0xb8: {  	v49 =	vmov s18  }
0xb9: {  	v16 =	vshrl.u32 v49, $0x7  }
0xba: {  	v16 =	vshll.u32 v16, v6;
	v50 =	vsub.s32 v15, v0  }
0xbb: {  	v16 =	vbroadcast v16, $0x0;
	v51 =	vshll.u32 v50, $0xA  }
0xbc: {  	v15 =	vshll.u32 v15, $0x7;
	v18 =	vand.u32 $0xFFFFE000, v51  }
0xbd: {  	v15 =	vand.u32 $0x380, v15;
	v16 =	vadd.s32 v16, v18  }
0xbe: {  	vm11 =	vlt.u32 v50, $0x38;
	v15 =	vor.u32 v15, v16  }
0xbf: {  	v15 =	vor.u32 v10, v15;
	_ =	sdelay $0x4  }
0xc0: {  	[tilespmem:v15+s30+$0x0] =	vst.idx.msk vm11, v7  }
0xc1: {  	v15 =	vld [tilespmem:s5+$0x0];
	_ =	sdelay $0x1  }
0xc2: {  	s19 =	sadd.s32 $0xFFFFFFD0, s0  }
0xc3: {  	v52 =	vmov s19  }
0xc4: {  	v16 =	vshrl.u32 v52, $0x7  }
0xc5: {  	v16 =	vshll.u32 v16, v6;
	v53 =	vsub.s32 v15, v0  }
0xc6: {  	v16 =	vbroadcast v16, $0x0;
	v54 =	vshll.u32 v53, $0xA  }
0xc7: {  	v15 =	vshll.u32 v15, $0x7;
	v18 =	vand.u32 $0xFFFFE000, v54  }
0xc8: {  	v15 =	vand.u32 $0x380, v15;
	v16 =	vadd.s32 v16, v18  }
0xc9: {  	vm12 =	vlt.u32 v53, $0x38;
	v15 =	vor.u32 v15, v16  }
0xca: {  	v15 =	vor.u32 v11, v15;
	_ =	sdelay $0x4  }
0xcb: {  	[tilespmem:v15+s30+$0x0] =	vst.idx.msk vm12, v7  }
0xcc: {  	v15 =	vld [tilespmem:s5+$0x10];
	_ =	sdelay $0x1  }
0xcd: {  	s21 =	sadd.s32 $0xFFFFFFE0, s0  }
0xce: {  	v55 =	vmov s21  }
0xcf: {  	v16 =	vshrl.u32 v55, $0x7  }
0xd0: {  	v16 =	vshll.u32 v16, v6;
	v56 =	vsub.s32 v15, v0  }
0xd1: {  	v16 =	vbroadcast v16, $0x0;
	v57 =	vshll.u32 v56, $0xA  }
0xd2: {  	v15 =	vshll.u32 v15, $0x7;
	v18 =	vand.u32 $0xFFFFE000, v57  }
0xd3: {  	v15 =	vand.u32 $0x380, v15;
	v16 =	vadd.s32 v16, v18  }
0xd4: {  	vm13 =	vlt.u32 v56, $0x38;
	v15 =	vor.u32 v15, v16  }
0xd5: {  	v15 =	vor.u32 v12, v15;
	_ =	sdelay $0x4  }
0xd6: {  	[tilespmem:v15+s30+$0x0] =	vst.idx.msk vm13, v7  }
0xd7: {  	v15 =	vld [tilespmem:s5+$0x20];
	_ =	sdelay $0x1  }
0xd8: {  	s22 =	sadd.s32 $0xFFFFFFF0, s0  }
0xd9: {  	v58 =	vmov s22  }
0xda: {  	v16 =	vshrl.u32 v58, $0x7  }
0xdb: {  	v16 =	vshll.u32 v16, v6;
	v59 =	vsub.s32 v15, v0  }
0xdc: {  	v16 =	vbroadcast v16, $0x0;
	v60 =	vshll.u32 v59, $0xA  }
0xdd: {  	v15 =	vshll.u32 v15, $0x7;
	v18 =	vand.u32 $0xFFFFE000, v60  }
0xde: {  	v15 =	vand.u32 $0x380, v15;
	v16 =	vadd.s32 v16, v18  }
0xdf: {  	vm14 =	vlt.u32 v59, $0x38;
	v15 =	vor.u32 v15, v16  }
0xe0: {  	v15 =	vor.u32 v13, v15;
	_ =	sdelay $0x4  }
0xe1: {  	[tilespmem:v15+s30+$0x0] =	vst.idx.msk vm14, v7  }
0xe2: {  	v15 =	vld [tilespmem:s5+$0x30];
	_ =	sdelay $0x2  }
0xe3: {  	v61 =	vmov s0  }
0xe4: {  	v16 =	vshrl.u32 v61, $0x7  }
0xe5: {  	v16 =	vshll.u32 v16, v6;
	v62 =	vsub.s32 v15, v0  }
0xe6: {  	v16 =	vbroadcast v16, $0x0;
	v63 =	vshll.u32 v62, $0xA  }
0xe7: {  	v15 =	vshll.u32 v15, $0x7;
	v18 =	vand.u32 $0xFFFFE000, v63  }
0xe8: {  	v15 =	vand.u32 $0x380, v15;
	v16 =	vadd.s32 v16, v18  }
0xe9: {  	vm15 =	vlt.u32 v62, $0x38;
	v15 =	vor.u32 v15, v16  }
0xea: {  	p2 =	sne.s32 s0, $0x3F0;
	v15 =	vor.u32 v14, v15  }
.Ltmp3:
0xeb: {  	_ = 	snop;
	(pc) =	sbr.rel @p2 .LBB2_4-.Ltmp3, $2  }
0xec: {  	_ =	sdelay $0x2  }
0xed: {  	s0 =	sadd.s32 $0x80, s0;
	s5 =	sadd.s32 $0x80, s5;
	[tilespmem:v15+s30+$0x0] =	vst.idx.msk vm15, v7  }
0xee: {  	s0 =	simm.s32 $0x0;
	s5 =	rddreg [dreg:$0x6]  }
0xef: {  	[hbm4b:s5+s0] =	stream.linear.scatter [tilespmem:s30], [sflag:$0x1], $0xE000, $0x38;
	[tilespmem:$0x1CC00] =	vst v63  }
0xf0: {  	s22 =	sand.u32 $0xE000, s0;
	s0 =	sand.u32 $0x380, s0  }
0xf1: {  	s0 =	sor.u32 s0, s22  }
0xf2: {  	[tilespmem:s0+$0x10870] =	vst v4  }
0xf3: {  	[tilespmem:s0+$0xEC00] =	vst v4  }
0xf4: {  	[tilespmem:s0+$0xEC10] =	vst v4  }
0xf5: {  	[tilespmem:s0+$0xEC20] =	vst v4  }
0xf6: {  	[tilespmem:s0+$0xEC30] =	vst v4  }
0xf7: {  	[tilespmem:s0+$0xEC40] =	vst v4  }
0xf8: {  	[tilespmem:s0+$0xEC50] =	vst v4  }
0xf9: {  	[tilespmem:s0+$0xEC60] =	vst v4  }
0xfa: {  	[tilespmem:s0+$0xEC70] =	vst v4  }
0xfb: {  	[tilespmem:s0+$0xF000] =	vst v4  }
0xfc: {  	[tilespmem:s0+$0xF010] =	vst v4  }
0xfd: {  	[tilespmem:s0+$0xF020] =	vst v4  }
0xfe: {  	[tilespmem:s0+$0xF030] =	vst v4  }
0xff: {  	[tilespmem:s0+$0xF040] =	vst v4  }
0x100: {  	[tilespmem:s0+$0xF050] =	vst v4  }
0x101: {  	[tilespmem:s0+$0xF060] =	vst v4  }
0x102: {  	[tilespmem:s0+$0xF070] =	vst v4  }
0x103: {  	[tilespmem:s0+$0xF400] =	vst v4  }
0x104: {  	[tilespmem:s0+$0xF410] =	vst v4  }
0x105: {  	[tilespmem:s0+$0xF420] =	vst v4  }
0x106: {  	[tilespmem:s0+$0xF430] =	vst v4  }
0x107: {  	[tilespmem:s0+$0xF440] =	vst v4  }
0x108: {  	[tilespmem:s0+$0xF450] =	vst v4  }
0x109: {  	[tilespmem:s0+$0xF460] =	vst v4  }
0x10a: {  	[tilespmem:s0+$0xF470] =	vst v4  }
0x10b: {  	[tilespmem:s0+$0xF800] =	vst v4  }
0x10c: {  	[tilespmem:s0+$0xF810] =	vst v4  }
0x10d: {  	[tilespmem:s0+$0xF820] =	vst v4  }
0x10e: {  	[tilespmem:s0+$0xF830] =	vst v4  }
0x10f: {  	[tilespmem:s0+$0xF840] =	vst v4  }
0x110: {  	[tilespmem:s0+$0xF850] =	vst v4  }
0x111: {  	[tilespmem:s0+$0xF860] =	vst v4  }
0x112: {  	[tilespmem:s0+$0xF870] =	vst v4  }
0x113: {  	[tilespmem:s0+$0xFC00] =	vst v4  }
0x114: {  	[tilespmem:s0+$0xFC10] =	vst v4  }
0x115: {  	[tilespmem:s0+$0xFC20] =	vst v4  }
0x116: {  	[tilespmem:s0+$0xFC30] =	vst v4  }
0x117: {  	[tilespmem:s0+$0xFC40] =	vst v4  }
0x118: {  	[tilespmem:s0+$0xFC50] =	vst v4  }
0x119: {  	[tilespmem:s0+$0xFC60] =	vst v4  }
0x11a: {  	[tilespmem:s0+$0xFC70] =	vst v4  }
0x11b: {  	[tilespmem:s0+$0x10000] =	vst v4  }
0x11c: {  	[tilespmem:s0+$0x10010] =	vst v4  }
0x11d: {  	[tilespmem:s0+$0x10020] =	vst v4  }
0x11e: {  	[tilespmem:s0+$0x10030] =	vst v4  }
0x11f: {  	[tilespmem:s0+$0x10040] =	vst v4  }
0x120: {  	[tilespmem:s0+$0x10050] =	vst v4  }
0x121: {  	[tilespmem:s0+$0x10060] =	vst v4  }
0x122: {  	[tilespmem:s0+$0x10070] =	vst v4  }
0x123: {  	[tilespmem:s0+$0x10400] =	vst v4  }
0x124: {  	[tilespmem:s0+$0x10410] =	vst v4  }
0x125: {  	[tilespmem:s0+$0x10420] =	vst v4  }
0x126: {  	[tilespmem:s0+$0x10430] =	vst v4  }
0x127: {  	[tilespmem:s0+$0x10440] =	vst v4  }
0x128: {  	[tilespmem:s0+$0x10450] =	vst v4  }
0x129: {  	[tilespmem:s0+$0x10460] =	vst v4  }
0x12a: {  	[tilespmem:s0+$0x10470] =	vst v4  }
0x12b: {  	[tilespmem:s0+$0x10800] =	vst v4  }
0x12c: {  	[tilespmem:s0+$0x10810] =	vst v4  }
0x12d: {  	[tilespmem:s0+$0x10820] =	vst v4  }
0x12e: {  	[tilespmem:s0+$0x10830] =	vst v4  }
0x12f: {  	s6 =	simm.s32 $0x400;
	s5 =	simm.s32 $0x80;
	[tilespmem:s0+$0x10840] =	vst v4  }
0x130: {  	s7 =	sand.u32 $0xE000, s6;
	s6 =	simm.s32 $0x800;
	s8 =	sand.u32 $0x380, s5;
	[tilespmem:s0+$0x10850] =	vst v4  }
.LBB2_6:
0x131: {  	p2 =	sne.s32 s6, $0xDC00;
	[tilespmem:s0+$0x10860] =	vst v4;
	s0 =	sor.u32 s8, s7  }
0x132: {  	[tilespmem:s0+$0x10870] =	vst v4  }
0x133: {  	[tilespmem:s0+$0xEC00] =	vst v4  }
0x134: {  	[tilespmem:s0+$0xEC10] =	vst v4  }
0x135: {  	[tilespmem:s0+$0xEC20] =	vst v4  }
0x136: {  	[tilespmem:s0+$0xEC30] =	vst v4  }
0x137: {  	[tilespmem:s0+$0xEC40] =	vst v4  }
0x138: {  	[tilespmem:s0+$0xEC50] =	vst v4  }
0x139: {  	[tilespmem:s0+$0xEC60] =	vst v4  }
0x13a: {  	[tilespmem:s0+$0xEC70] =	vst v4  }
0x13b: {  	[tilespmem:s0+$0xF000] =	vst v4  }
0x13c: {  	[tilespmem:s0+$0xF010] =	vst v4  }
0x13d: {  	[tilespmem:s0+$0xF020] =	vst v4  }
0x13e: {  	[tilespmem:s0+$0xF030] =	vst v4  }
0x13f: {  	[tilespmem:s0+$0xF040] =	vst v4  }
0x140: {  	[tilespmem:s0+$0xF050] =	vst v4  }
0x141: {  	[tilespmem:s0+$0xF060] =	vst v4  }
0x142: {  	[tilespmem:s0+$0xF070] =	vst v4  }
0x143: {  	[tilespmem:s0+$0xF400] =	vst v4  }
0x144: {  	[tilespmem:s0+$0xF410] =	vst v4  }
0x145: {  	[tilespmem:s0+$0xF420] =	vst v4  }
0x146: {  	[tilespmem:s0+$0xF430] =	vst v4  }
0x147: {  	[tilespmem:s0+$0xF440] =	vst v4  }
0x148: {  	[tilespmem:s0+$0xF450] =	vst v4  }
0x149: {  	[tilespmem:s0+$0xF460] =	vst v4  }
0x14a: {  	[tilespmem:s0+$0xF470] =	vst v4  }
0x14b: {  	[tilespmem:s0+$0xF800] =	vst v4  }
0x14c: {  	[tilespmem:s0+$0xF810] =	vst v4  }
0x14d: {  	[tilespmem:s0+$0xF820] =	vst v4  }
0x14e: {  	[tilespmem:s0+$0xF830] =	vst v4  }
0x14f: {  	[tilespmem:s0+$0xF840] =	vst v4  }
0x150: {  	[tilespmem:s0+$0xF850] =	vst v4  }
0x151: {  	[tilespmem:s0+$0xF860] =	vst v4  }
0x152: {  	[tilespmem:s0+$0xF870] =	vst v4  }
0x153: {  	[tilespmem:s0+$0xFC00] =	vst v4  }
0x154: {  	[tilespmem:s0+$0xFC10] =	vst v4  }
0x155: {  	[tilespmem:s0+$0xFC20] =	vst v4  }
0x156: {  	[tilespmem:s0+$0xFC30] =	vst v4  }
0x157: {  	[tilespmem:s0+$0xFC40] =	vst v4  }
0x158: {  	[tilespmem:s0+$0xFC50] =	vst v4  }
0x159: {  	[tilespmem:s0+$0xFC60] =	vst v4  }
0x15a: {  	[tilespmem:s0+$0xFC70] =	vst v4  }
0x15b: {  	[tilespmem:s0+$0x10000] =	vst v4  }
0x15c: {  	[tilespmem:s0+$0x10010] =	vst v4  }
0x15d: {  	[tilespmem:s0+$0x10020] =	vst v4  }
0x15e: {  	[tilespmem:s0+$0x10030] =	vst v4  }
0x15f: {  	[tilespmem:s0+$0x10040] =	vst v4  }
0x160: {  	[tilespmem:s0+$0x10050] =	vst v4  }
0x161: {  	[tilespmem:s0+$0x10060] =	vst v4  }
0x162: {  	[tilespmem:s0+$0x10070] =	vst v4  }
0x163: {  	[tilespmem:s0+$0x10400] =	vst v4  }
0x164: {  	[tilespmem:s0+$0x10410] =	vst v4  }
0x165: {  	[tilespmem:s0+$0x10420] =	vst v4  }
0x166: {  	[tilespmem:s0+$0x10430] =	vst v4  }
0x167: {  	[tilespmem:s0+$0x10440] =	vst v4  }
0x168: {  	[tilespmem:s0+$0x10450] =	vst v4  }
0x169: {  	[tilespmem:s0+$0x10460] =	vst v4  }
0x16a: {  	[tilespmem:s0+$0x10470] =	vst v4  }
0x16b: {  	[tilespmem:s0+$0x10800] =	vst v4  }
.Ltmp4:
0x16c: {  	[tilespmem:s0+$0x10810] =	vst v4;
	(pc) =	sbr.rel @p2 .LBB2_6-.Ltmp4, $4  }
0x16d: {  	[tilespmem:s0+$0x10820] =	vst v4  }
0x16e: {  	[tilespmem:s0+$0x10830] =	vst v4  }
0x16f: {  	s5 =	sadd.s32 $0x80, s5;
	[tilespmem:s0+$0x10840] =	vst v4  }
0x170: {  	s7 =	sand.u32 $0xE000, s6;
	s6 =	sadd.s32 $0x400, s6;
	s8 =	sand.u32 $0x380, s5;
	[tilespmem:s0+$0x10850] =	vst v4  }
0x171: {  	s5 =	sor.u32 s8, s7;
	[tilespmem:s0+$0x10860] =	vst v4  }
0x172: {  	[tilespmem:s5+$0x10870] =	vst v4  }
0x173: {  	[tilespmem:s5+$0xEC00] =	vst v4  }
0x174: {  	[tilespmem:s5+$0xEC10] =	vst v4  }
0x175: {  	[tilespmem:s5+$0xEC20] =	vst v4  }
0x176: {  	[tilespmem:s5+$0xEC30] =	vst v4  }
0x177: {  	[tilespmem:s5+$0xEC40] =	vst v4  }
0x178: {  	[tilespmem:s5+$0xEC50] =	vst v4  }
0x179: {  	[tilespmem:s5+$0xEC60] =	vst v4  }
0x17a: {  	[tilespmem:s5+$0xEC70] =	vst v4  }
0x17b: {  	[tilespmem:s5+$0xF000] =	vst v4  }
0x17c: {  	[tilespmem:s5+$0xF010] =	vst v4  }
0x17d: {  	[tilespmem:s5+$0xF020] =	vst v4  }
0x17e: {  	[tilespmem:s5+$0xF030] =	vst v4  }
0x17f: {  	[tilespmem:s5+$0xF040] =	vst v4  }
0x180: {  	[tilespmem:s5+$0xF050] =	vst v4  }
0x181: {  	[tilespmem:s5+$0xF060] =	vst v4  }
0x182: {  	[tilespmem:s5+$0xF070] =	vst v4  }
0x183: {  	[tilespmem:s5+$0xF400] =	vst v4  }
0x184: {  	[tilespmem:s5+$0xF410] =	vst v4  }
0x185: {  	[tilespmem:s5+$0xF420] =	vst v4  }
0x186: {  	[tilespmem:s5+$0xF430] =	vst v4  }
0x187: {  	[tilespmem:s5+$0xF440] =	vst v4  }
0x188: {  	[tilespmem:s5+$0xF450] =	vst v4  }
0x189: {  	[tilespmem:s5+$0xF460] =	vst v4  }
0x18a: {  	[tilespmem:s5+$0xF470] =	vst v4  }
0x18b: {  	[tilespmem:s5+$0xF800] =	vst v4  }
0x18c: {  	[tilespmem:s5+$0xF810] =	vst v4  }
0x18d: {  	[tilespmem:s5+$0xF820] =	vst v4  }
0x18e: {  	[tilespmem:s5+$0xF830] =	vst v4  }
0x18f: {  	[tilespmem:s5+$0xF840] =	vst v4  }
0x190: {  	[tilespmem:s5+$0xF850] =	vst v4  }
0x191: {  	[tilespmem:s5+$0xF860] =	vst v4  }
0x192: {  	[tilespmem:s5+$0xF870] =	vst v4  }
0x193: {  	[tilespmem:s5+$0xFC00] =	vst v4  }
0x194: {  	[tilespmem:s5+$0xFC10] =	vst v4  }
0x195: {  	[tilespmem:s5+$0xFC20] =	vst v4  }
0x196: {  	[tilespmem:s5+$0xFC30] =	vst v4  }
0x197: {  	[tilespmem:s5+$0xFC40] =	vst v4  }
0x198: {  	[tilespmem:s5+$0xFC50] =	vst v4  }
0x199: {  	[tilespmem:s5+$0xFC60] =	vst v4  }
0x19a: {  	[tilespmem:s5+$0xFC70] =	vst v4  }
0x19b: {  	[tilespmem:s5+$0x10000] =	vst v4  }
0x19c: {  	[tilespmem:s5+$0x10010] =	vst v4  }
0x19d: {  	[tilespmem:s5+$0x10020] =	vst v4  }
0x19e: {  	[tilespmem:s5+$0x10030] =	vst v4  }
0x19f: {  	[tilespmem:s5+$0x10040] =	vst v4  }
0x1a0: {  	[tilespmem:s5+$0x10050] =	vst v4  }
0x1a1: {  	[tilespmem:s5+$0x10060] =	vst v4  }
0x1a2: {  	[tilespmem:s5+$0x10070] =	vst v4  }
0x1a3: {  	[tilespmem:s5+$0x10400] =	vst v4  }
0x1a4: {  	[tilespmem:s5+$0x10410] =	vst v4  }
0x1a5: {  	[tilespmem:s5+$0x10420] =	vst v4  }
0x1a6: {  	[tilespmem:s5+$0x10430] =	vst v4  }
0x1a7: {  	[tilespmem:s5+$0x10440] =	vst v4  }
0x1a8: {  	[tilespmem:s5+$0x10450] =	vst v4  }
0x1a9: {  	[tilespmem:s5+$0x10460] =	vst v4  }
0x1aa: {  	[tilespmem:s5+$0x10470] =	vst v4  }
0x1ab: {  	[tilespmem:s5+$0x10800] =	vst v4  }
0x1ac: {  	[tilespmem:s5+$0x10810] =	vst v4  }
0x1ad: {  	[tilespmem:s5+$0x10820] =	vst v4  }
0x1ae: {  	[tilespmem:s5+$0x10830] =	vst v4  }
0x1af: {  	[tilespmem:s5+$0x10840] =	vst v4  }
0x1b0: {  	[tilespmem:s5+$0x10850] =	vst v4  }
0x1b1: {  	s0 =	simm.s32 $0x70;
	[tilespmem:s5+$0x10860] =	vst v4;
	s5 =	rddreg [dreg:$0xb]  }
.LBB2_8:
0x1b2: {  	v15 =	vld [tilespmem:s5+$0xFFFFFFC0]  }
0x1b3: {  	s6 =	sadd.s32 $0xFFFFFF90, s0  }
0x1b4: {  	v16 =	vmov s6  }
0x1b5: {  	v16 =	vshrl.u32 v16, $0x7  }
0x1b6: {  	v16 =	vshll.u32 v16, v6  }
0x1b7: {  	v16 =	vadd.s32 $0xE000, v16;
	v17 =	vsub.s32 v15, v1  }
0x1b8: {  	v16 =	vbroadcast v16, $0x0;
	v18 =	vshll.u32 v17, $0xA  }
0x1b9: {  	v15 =	vshll.u32 v15, $0x7;
	v18 =	vand.u32 $0xFFFFE000, v18  }
0x1ba: {  	v15 =	vand.u32 $0x380, v15;
	v16 =	vadd.s32 v16, v18  }
0x1bb: {  	vm0 =	vlt.u32 v17, $0x38;
	v15 =	vor.u32 v15, v16  }
0x1bc: {  	v15 =	vor.u32 v5, v15;
	_ =	sdelay $0x4  }
0x1bd: {  	[tilespmem:v15+s30+$0x0] =	vst.idx.msk vm0, v7  }
0x1be: {  	v15 =	vld [tilespmem:s5+$0xFFFFFFD0]  }
0x1bf: {  	s13 =	sadd.s32 $0xFFFFFFA0, s0  }
0x1c0: {  	v43 =	vmov s13  }
0x1c1: {  	v16 =	vshrl.u32 v43, $0x7  }
0x1c2: {  	v16 =	vshll.u32 v16, v6  }
0x1c3: {  	v16 =	vadd.s32 $0xE000, v16;
	v44 =	vsub.s32 v15, v1  }
0x1c4: {  	v16 =	vbroadcast v16, $0x0;
	v45 =	vshll.u32 v44, $0xA  }
0x1c5: {  	v15 =	vshll.u32 v15, $0x7;
	v18 =	vand.u32 $0xFFFFE000, v45  }
0x1c6: {  	v15 =	vand.u32 $0x380, v15;
	v16 =	vadd.s32 v16, v18  }
0x1c7: {  	vm9 =	vlt.u32 v44, $0x38;
	v15 =	vor.u32 v15, v16  }
0x1c8: {  	v15 =	vor.u32 v8, v15;
	_ =	sdelay $0x4  }
0x1c9: {  	[tilespmem:v15+s30+$0x0] =	vst.idx.msk vm9, v7  }
0x1ca: {  	v15 =	vld [tilespmem:s5+$0xFFFFFFE0]  }
0x1cb: {  	s15 =	sadd.s32 $0xFFFFFFB0, s0  }
0x1cc: {  	v46 =	vmov s15  }
0x1cd: {  	v16 =	vshrl.u32 v46, $0x7  }
0x1ce: {  	v16 =	vshll.u32 v16, v6  }
0x1cf: {  	v16 =	vadd.s32 $0xE000, v16;
	v47 =	vsub.s32 v15, v1  }
0x1d0: {  	v16 =	vbroadcast v16, $0x0;
	v48 =	vshll.u32 v47, $0xA  }
0x1d1: {  	v15 =	vshll.u32 v15, $0x7;
	v18 =	vand.u32 $0xFFFFE000, v48  }
0x1d2: {  	v15 =	vand.u32 $0x380, v15;
	v16 =	vadd.s32 v16, v18  }
0x1d3: {  	vm10 =	vlt.u32 v47, $0x38;
	v15 =	vor.u32 v15, v16  }
0x1d4: {  	v15 =	vor.u32 v9, v15;
	_ =	sdelay $0x4  }
0x1d5: {  	[tilespmem:v15+s30+$0x0] =	vst.idx.msk vm10, v7  }
0x1d6: {  	v15 =	vld [tilespmem:s5+$0xFFFFFFF0]  }
0x1d7: {  	s18 =	sadd.s32 $0xFFFFFFC0, s0  }
0x1d8: {  	v49 =	vmov s18  }
0x1d9: {  	v16 =	vshrl.u32 v49, $0x7  }
0x1da: {  	v16 =	vshll.u32 v16, v6  }
0x1db: {  	v16 =	vadd.s32 $0xE000, v16;
	v50 =	vsub.s32 v15, v1  }
0x1dc: {  	v16 =	vbroadcast v16, $0x0;
	v51 =	vshll.u32 v50, $0xA  }
0x1dd: {  	v15 =	vshll.u32 v15, $0x7;
	v18 =	vand.u32 $0xFFFFE000, v51  }
0x1de: {  	v15 =	vand.u32 $0x380, v15;
	v16 =	vadd.s32 v16, v18  }
0x1df: {  	vm11 =	vlt.u32 v50, $0x38;
	v15 =	vor.u32 v15, v16  }
0x1e0: {  	v15 =	vor.u32 v10, v15;
	_ =	sdelay $0x4  }
0x1e1: {  	[tilespmem:v15+s30+$0x0] =	vst.idx.msk vm11, v7  }
0x1e2: {  	v15 =	vld [tilespmem:s5+$0x0]  }
0x1e3: {  	s19 =	sadd.s32 $0xFFFFFFD0, s0  }
0x1e4: {  	v52 =	vmov s19  }
0x1e5: {  	v16 =	vshrl.u32 v52, $0x7  }
0x1e6: {  	v16 =	vshll.u32 v16, v6  }
0x1e7: {  	v16 =	vadd.s32 $0xE000, v16;
	v53 =	vsub.s32 v15, v1  }
0x1e8: {  	v16 =	vbroadcast v16, $0x0;
	v54 =	vshll.u32 v53, $0xA  }
0x1e9: {  	v15 =	vshll.u32 v15, $0x7;
	v18 =	vand.u32 $0xFFFFE000, v54  }
0x1ea: {  	v15 =	vand.u32 $0x380, v15;
	v16 =	vadd.s32 v16, v18  }
0x1eb: {  	vm12 =	vlt.u32 v53, $0x38;
	v15 =	vor.u32 v15, v16  }
0x1ec: {  	v15 =	vor.u32 v11, v15;
	_ =	sdelay $0x4  }
0x1ed: {  	[tilespmem:v15+s30+$0x0] =	vst.idx.msk vm12, v7  }
0x1ee: {  	v15 =	vld [tilespmem:s5+$0x10]  }
0x1ef: {  	s21 =	sadd.s32 $0xFFFFFFE0, s0  }
0x1f0: {  	v55 =	vmov s21  }
0x1f1: {  	v16 =	vshrl.u32 v55, $0x7  }
0x1f2: {  	v16 =	vshll.u32 v16, v6  }
0x1f3: {  	v16 =	vadd.s32 $0xE000, v16;
	v56 =	vsub.s32 v15, v1  }
0x1f4: {  	v16 =	vbroadcast v16, $0x0;
	v57 =	vshll.u32 v56, $0xA  }
0x1f5: {  	v15 =	vshll.u32 v15, $0x7;
	v18 =	vand.u32 $0xFFFFE000, v57  }
0x1f6: {  	v15 =	vand.u32 $0x380, v15;
	v16 =	vadd.s32 v16, v18  }
0x1f7: {  	vm13 =	vlt.u32 v56, $0x38;
	v15 =	vor.u32 v15, v16  }
0x1f8: {  	v15 =	vor.u32 v12, v15;
	_ =	sdelay $0x4  }
0x1f9: {  	[tilespmem:v15+s30+$0x0] =	vst.idx.msk vm13, v7  }
0x1fa: {  	v15 =	vld [tilespmem:s5+$0x20]  }
0x1fb: {  	s22 =	sadd.s32 $0xFFFFFFF0, s0  }
0x1fc: {  	v58 =	vmov s22  }
0x1fd: {  	v16 =	vshrl.u32 v58, $0x7  }
0x1fe: {  	v16 =	vshll.u32 v16, v6  }
0x1ff: {  	v16 =	vadd.s32 $0xE000, v16;
	v59 =	vsub.s32 v15, v1  }
0x200: {  	v16 =	vbroadcast v16, $0x0;
	v60 =	vshll.u32 v59, $0xA  }
0x201: {  	v15 =	vshll.u32 v15, $0x7;
	v18 =	vand.u32 $0xFFFFE000, v60  }
0x202: {  	v15 =	vand.u32 $0x380, v15;
	v16 =	vadd.s32 v16, v18  }
0x203: {  	vm14 =	vlt.u32 v59, $0x38;
	v15 =	vor.u32 v15, v16  }
0x204: {  	v15 =	vor.u32 v13, v15;
	_ =	sdelay $0x4  }
0x205: {  	[tilespmem:v15+s30+$0x0] =	vst.idx.msk vm14, v7  }
0x206: {  	v15 =	vld [tilespmem:s5+$0x30];
	_ =	sdelay $0x1  }
0x207: {  	v61 =	vmov s0  }
0x208: {  	v16 =	vshrl.u32 v61, $0x7  }
0x209: {  	v16 =	vshll.u32 v16, v6  }
0x20a: {  	v16 =	vadd.s32 $0xE000, v16;
	v62 =	vsub.s32 v15, v1  }
0x20b: {  	v16 =	vbroadcast v16, $0x0;
	v63 =	vshll.u32 v62, $0xA  }
0x20c: {  	v15 =	vshll.u32 v15, $0x7;
	v18 =	vand.u32 $0xFFFFE000, v63  }
0x20d: {  	v15 =	vand.u32 $0x380, v15;
	v16 =	vadd.s32 v16, v18  }
0x20e: {  	vm15 =	vlt.u32 v62, $0x38;
	v15 =	vor.u32 v15, v16  }
0x20f: {  	p2 =	sne.s32 s0, $0x3F0;
	v15 =	vor.u32 v14, v15  }
.Ltmp5:
0x210: {  	_ = 	snop;
	(pc) =	sbr.rel @p2 .LBB2_8-.Ltmp5, $2  }
0x211: {  	_ =	sdelay $0x2  }
0x212: {  	s0 =	sadd.s32 $0x80, s0;
	s5 =	sadd.s32 $0x80, s5;
	[tilespmem:v15+s30+$0x0] =	vst.idx.msk vm15, v7  }
.Ltmp6:
0x213: {  	(pc) =	sbr.rel @p1 .LBB2_19-.Ltmp6, $4  }
0x214: {  	_ = 	snop  }
0x215: {  	s0 =	simm.s32 $0x0;
	s5 =	rddreg [dreg:$0x7];
	s22 =	smov.u32 s28  }
0x216: {  	s13 =	smov.u32 s14;
	s21 =	smov.u32 s23;
	s12 =	smov.u32 s24  }
0x217: {  	[hbm4b:s5+s0] =	stream.linear.scatter [tilespmem:s31], [sflag:$0x2], $0xE000, $0x38;
	[tilespmem:$0x1CC00] =	vst v63  }
.LBB2_10:
0x218: {  	s7 =	sshll.u32 s0, $0x1  }
0x219: {  	s5 =	smulhi.u32 $0x38E38E39, s22;
	s6 =	sadd.s32 s4, s7  }
0x21a: {  	s8 =	smulhi.u32 $0x38E38E39, s6  }
0x21b: {  	s9 =	smulhi.u32 $0x38E38E39, s13  }
0x21c: {  	s15 =	smulhi.u32 $0x38E38E39, s21;
	s8 =	sshrl.u32 s8, $0x2  }
0x21d: {  	_ =	swait.ge [sflag:s10], $0xE000;
	s8 =	smul.u32 $0xFFFFFFEE, s8  }
0x21e: {  	s18 =	smulhi.u32 $0x38E38E39, s12;
	[sflag:s10] =	ssyncset.done $0x0  }
0x21f: {  	s5 =	sshll.u32 s5, $0x8;
	s15 =	sshll.u32 s15, $0x8;
	s6 =	sadd.s32 s6, s8  }
0x220: {  	s9 =	sshll.u32 s9, $0x8;
	s19 =	sand.u32 $0x3FFFFC00, s15;
	s15 =	smul.u32 $0x38, s6  }
0x221: {  	[sflag:s10] =	ssyncadd.s32 $0xFFFF2000;
	s5 =	sand.u32 $0x3FFFFC00, s5;
	s9 =	sand.u32 $0x3FFFFC00, s9  }
0x222: {  	s8 =	sadd.s32 s19, s20;
	s19 =	sshll.u32 s18, $0x8;
	p2 =	slt.s32 s15, $0x3B0  }
0x223: {  	s6 =	sadd.s32 s9, s20;
	s9 =	sand.u32 $0x3FFFFC00, s19;
	s15 =	simm.s32 @!p2 $0x3B0  }
0x224: {  	s5 =	sadd.s32 s5, s20;
	s9 =	sadd.s32 s9, s20;
	v15 =	vmov s15;
	s15 =	simm.s32 $0x70  }
.LBB2_11:
0x225: {  	v16 =	vld [tilespmem:s9+$0xFFFFFFC0]  }
0x226: {  	s18 =	sadd.s32 $0xFFFFFF90, s15  }
0x227: {  	v17 =	vmov s18  }
0x228: {  	v17 =	vshrl.u32 v17, $0x7  }
0x229: {  	v17 =	vshll.u32 v17, v6  }
0x22a: {  	v17 =	vbroadcast v17, $0x0;
	v18 =	vsub.s32 v16, v15;
	v16 =	vshll.u32 v16, $0x7  }
0x22b: {  	v19 =	vshll.u32 v18, $0xA;
	v16 =	vand.u32 $0x380, v16  }
0x22c: {  	v19 =	vand.u32 $0xFFFFE000, v19;
	v16 =	vor.u32 v16, v17  }
0x22d: {  	vm0 =	vlt.u32 v18, $0x38;
	v16 =	vor.u32 v19, v16  }
0x22e: {  	v16 =	vor.u32 v5, v16;
	_ =	sdelay $0x4  }
0x22f: {  	[tilespmem:v16+s30+$0x0] =	vst.idx.msk vm0, v4  }
0x230: {  	v16 =	vld [tilespmem:s9+$0xFFFFFFD0];
	_ =	sdelay $0x1  }
0x231: {  	s19 =	sadd.s32 $0xFFFFFFA0, s15  }
0x232: {  	v17 =	vmov s19  }
0x233: {  	v17 =	vshrl.u32 v17, $0x7  }
0x234: {  	v17 =	vshll.u32 v17, v6;
	v50 =	vsub.s32 v16, v15  }
0x235: {  	v17 =	vbroadcast v17, $0x0;
	v51 =	vshll.u32 v50, $0xA  }
0x236: {  	v16 =	vshll.u32 v16, $0x7;
	v19 =	vand.u32 $0xFFFFE000, v51  }
0x237: {  	v16 =	vand.u32 $0x380, v16;
	v17 =	vadd.s32 v17, v19  }
0x238: {  	vm9 =	vlt.u32 v50, $0x38;
	v16 =	vor.u32 v16, v17  }
0x239: {  	v16 =	vor.u32 v8, v16;
	_ =	sdelay $0x4  }
0x23a: {  	[tilespmem:v16+s30+$0x0] =	vst.idx.msk vm9, v4  }
0x23b: {  	v16 =	vld [tilespmem:s9+$0xFFFFFFE0];
	_ =	sdelay $0x1  }
0x23c: {  	s19 =	sadd.s32 $0xFFFFFFB0, s15  }
0x23d: {  	v17 =	vmov s19  }
0x23e: {  	v17 =	vshrl.u32 v17, $0x7  }
0x23f: {  	v17 =	vshll.u32 v17, v6;
	v52 =	vsub.s32 v16, v15  }
0x240: {  	v17 =	vbroadcast v17, $0x0;
	v53 =	vshll.u32 v52, $0xA  }
0x241: {  	v16 =	vshll.u32 v16, $0x7;
	v19 =	vand.u32 $0xFFFFE000, v53  }
0x242: {  	v16 =	vand.u32 $0x380, v16;
	v17 =	vadd.s32 v17, v19  }
0x243: {  	vm10 =	vlt.u32 v52, $0x38;
	v16 =	vor.u32 v16, v17  }
0x244: {  	v16 =	vor.u32 v9, v16;
	_ =	sdelay $0x4  }
0x245: {  	[tilespmem:v16+s30+$0x0] =	vst.idx.msk vm10, v4  }
0x246: {  	v16 =	vld [tilespmem:s9+$0xFFFFFFF0];
	_ =	sdelay $0x1  }
0x247: {  	s19 =	sadd.s32 $0xFFFFFFC0, s15  }
0x248: {  	v17 =	vmov s19  }
0x249: {  	v17 =	vshrl.u32 v17, $0x7  }
0x24a: {  	v17 =	vshll.u32 v17, v6;
	v54 =	vsub.s32 v16, v15  }
0x24b: {  	v17 =	vbroadcast v17, $0x0;
	v55 =	vshll.u32 v54, $0xA  }
0x24c: {  	v16 =	vshll.u32 v16, $0x7;
	v19 =	vand.u32 $0xFFFFE000, v55  }
0x24d: {  	v16 =	vand.u32 $0x380, v16;
	v17 =	vadd.s32 v17, v19  }
0x24e: {  	vm11 =	vlt.u32 v54, $0x38;
	v16 =	vor.u32 v16, v17  }
0x24f: {  	v16 =	vor.u32 v10, v16;
	_ =	sdelay $0x4  }
0x250: {  	[tilespmem:v16+s30+$0x0] =	vst.idx.msk vm11, v4  }
0x251: {  	v16 =	vld [tilespmem:s9+$0x0];
	_ =	sdelay $0x1  }
0x252: {  	s19 =	sadd.s32 $0xFFFFFFD0, s15  }
0x253: {  	v17 =	vmov s19  }
0x254: {  	v17 =	vshrl.u32 v17, $0x7  }
0x255: {  	v17 =	vshll.u32 v17, v6;
	v56 =	vsub.s32 v16, v15  }
0x256: {  	v17 =	vbroadcast v17, $0x0;
	v57 =	vshll.u32 v56, $0xA  }
0x257: {  	v16 =	vshll.u32 v16, $0x7;
	v19 =	vand.u32 $0xFFFFE000, v57  }
0x258: {  	v16 =	vand.u32 $0x380, v16;
	v17 =	vadd.s32 v17, v19  }
0x259: {  	vm12 =	vlt.u32 v56, $0x38;
	v16 =	vor.u32 v16, v17  }
0x25a: {  	v16 =	vor.u32 v11, v16;
	_ =	sdelay $0x4  }
0x25b: {  	[tilespmem:v16+s30+$0x0] =	vst.idx.msk vm12, v4  }
0x25c: {  	v16 =	vld [tilespmem:s9+$0x10];
	_ =	sdelay $0x1  }
0x25d: {  	s19 =	sadd.s32 $0xFFFFFFE0, s15  }
0x25e: {  	v17 =	vmov s19  }
0x25f: {  	v17 =	vshrl.u32 v17, $0x7  }
0x260: {  	v17 =	vshll.u32 v17, v6;
	v58 =	vsub.s32 v16, v15  }
0x261: {  	v17 =	vbroadcast v17, $0x0;
	v59 =	vshll.u32 v58, $0xA  }
0x262: {  	v16 =	vshll.u32 v16, $0x7;
	v19 =	vand.u32 $0xFFFFE000, v59  }
0x263: {  	v16 =	vand.u32 $0x380, v16;
	v17 =	vadd.s32 v17, v19  }
0x264: {  	vm13 =	vlt.u32 v58, $0x38;
	v16 =	vor.u32 v16, v17  }
0x265: {  	v16 =	vor.u32 v12, v16;
	_ =	sdelay $0x4  }
0x266: {  	[tilespmem:v16+s30+$0x0] =	vst.idx.msk vm13, v4  }
0x267: {  	v16 =	vld [tilespmem:s9+$0x20];
	_ =	sdelay $0x1  }
0x268: {  	s19 =	sadd.s32 $0xFFFFFFF0, s15  }
0x269: {  	v17 =	vmov s19  }
0x26a: {  	v17 =	vshrl.u32 v17, $0x7  }
0x26b: {  	v17 =	vshll.u32 v17, v6;
	v60 =	vsub.s32 v16, v15  }
0x26c: {  	v17 =	vbroadcast v17, $0x0;
	v61 =	vshll.u32 v60, $0xA  }
0x26d: {  	v16 =	vshll.u32 v16, $0x7;
	v19 =	vand.u32 $0xFFFFE000, v61  }
0x26e: {  	v16 =	vand.u32 $0x380, v16;
	v17 =	vadd.s32 v17, v19  }
0x26f: {  	vm14 =	vlt.u32 v60, $0x38;
	v16 =	vor.u32 v16, v17  }
0x270: {  	v16 =	vor.u32 v13, v16;
	_ =	sdelay $0x4  }
0x271: {  	[tilespmem:v16+s30+$0x0] =	vst.idx.msk vm14, v4  }
0x272: {  	v16 =	vld [tilespmem:s9+$0x30];
	_ =	sdelay $0x2  }
0x273: {  	v17 =	vmov s15  }
0x274: {  	v17 =	vshrl.u32 v17, $0x7  }
0x275: {  	v17 =	vshll.u32 v17, v6;
	v62 =	vsub.s32 v16, v15  }
0x276: {  	v17 =	vbroadcast v17, $0x0;
	v63 =	vshll.u32 v62, $0xA  }
0x277: {  	v16 =	vshll.u32 v16, $0x7;
	v19 =	vand.u32 $0xFFFFE000, v63  }
0x278: {  	v16 =	vand.u32 $0x380, v16;
	v17 =	vadd.s32 v17, v19  }
0x279: {  	vm15 =	vlt.u32 v62, $0x38;
	v16 =	vor.u32 v16, v17  }
0x27a: {  	p2 =	sne.s32 s15, $0x3F0;
	v16 =	vor.u32 v14, v16  }
.Ltmp7:
0x27b: {  	_ = 	snop;
	(pc) =	sbr.rel @p2 .LBB2_11-.Ltmp7, $2  }
0x27c: {  	_ =	sdelay $0x2  }
0x27d: {  	s15 =	sadd.s32 $0x80, s15;
	s9 =	sadd.s32 $0x80, s9;
	[tilespmem:v16+s30+$0x0] =	vst.idx.msk vm15, v4  }
0x27e: {  	s15 =	sadd.s32 s7, s16  }
0x27f: {  	s9 =	smulhi.u32 $0x38E38E39, s15;
	_ =	sdelay $0x1  }
0x280: {  	s9 =	sshrl.u32 s9, $0x2  }
0x281: {  	s18 =	smul.u32 $0xFFFFFFEE, s9;
	_ =	sdelay $0x1  }
0x282: {  	s15 =	sadd.s32 s15, s18  }
0x283: {  	s15 =	smul.u32 $0x38, s15;
	_ =	sdelay $0x1  }
0x284: {  	p2 =	slt.s32 s15, $0x3B0  }
0x285: {  	s15 =	simm.s32 @!p2 $0x3B0  }
0x286: {  	s18 =	simm.s32 $0x70;
	v15 =	vmov s15  }
.LBB2_13:
0x287: {  	v16 =	vld [tilespmem:s8+$0xFFFFFFC0]  }
0x288: {  	s19 =	sadd.s32 $0xFFFFFF90, s18  }
0x289: {  	v17 =	vmov s19  }
0x28a: {  	v17 =	vshrl.u32 v17, $0x7  }
0x28b: {  	v17 =	vshll.u32 v17, v6  }
0x28c: {  	v17 =	vbroadcast v17, $0x0;
	v18 =	vsub.s32 v16, v15;
	v16 =	vshll.u32 v16, $0x7  }
0x28d: {  	v19 =	vshll.u32 v18, $0xA;
	v16 =	vand.u32 $0x380, v16  }
0x28e: {  	v19 =	vand.u32 $0xFFFFE000, v19;
	v16 =	vor.u32 v16, v17  }
0x28f: {  	vm0 =	vlt.u32 v18, $0x38;
	v16 =	vor.u32 v19, v16  }
0x290: {  	v16 =	vor.u32 v5, v16;
	_ =	sdelay $0x4  }
0x291: {  	[tilespmem:v16+s30+$0x0] =	vst.idx.msk vm0, v7  }
0x292: {  	v16 =	vld [tilespmem:s8+$0xFFFFFFD0];
	_ =	sdelay $0x1  }
0x293: {  	s19 =	sadd.s32 $0xFFFFFFA0, s18  }
0x294: {  	v17 =	vmov s19  }
0x295: {  	v17 =	vshrl.u32 v17, $0x7  }
0x296: {  	v17 =	vshll.u32 v17, v6;
	v50 =	vsub.s32 v16, v15  }
0x297: {  	v17 =	vbroadcast v17, $0x0;
	v51 =	vshll.u32 v50, $0xA  }
0x298: {  	v16 =	vshll.u32 v16, $0x7;
	v19 =	vand.u32 $0xFFFFE000, v51  }
0x299: {  	v16 =	vand.u32 $0x380, v16;
	v17 =	vadd.s32 v17, v19  }
0x29a: {  	vm9 =	vlt.u32 v50, $0x38;
	v16 =	vor.u32 v16, v17  }
0x29b: {  	v16 =	vor.u32 v8, v16;
	_ =	sdelay $0x4  }
0x29c: {  	[tilespmem:v16+s30+$0x0] =	vst.idx.msk vm9, v7  }
0x29d: {  	v16 =	vld [tilespmem:s8+$0xFFFFFFE0];
	_ =	sdelay $0x1  }
0x29e: {  	s19 =	sadd.s32 $0xFFFFFFB0, s18  }
0x29f: {  	v17 =	vmov s19  }
0x2a0: {  	v17 =	vshrl.u32 v17, $0x7  }
0x2a1: {  	v17 =	vshll.u32 v17, v6;
	v52 =	vsub.s32 v16, v15  }
0x2a2: {  	v17 =	vbroadcast v17, $0x0;
	v53 =	vshll.u32 v52, $0xA  }
0x2a3: {  	v16 =	vshll.u32 v16, $0x7;
	v19 =	vand.u32 $0xFFFFE000, v53  }
0x2a4: {  	v16 =	vand.u32 $0x380, v16;
	v17 =	vadd.s32 v17, v19  }
0x2a5: {  	vm10 =	vlt.u32 v52, $0x38;
	v16 =	vor.u32 v16, v17  }
0x2a6: {  	v16 =	vor.u32 v9, v16;
	_ =	sdelay $0x4  }
0x2a7: {  	[tilespmem:v16+s30+$0x0] =	vst.idx.msk vm10, v7  }
0x2a8: {  	v16 =	vld [tilespmem:s8+$0xFFFFFFF0];
	_ =	sdelay $0x1  }
0x2a9: {  	s19 =	sadd.s32 $0xFFFFFFC0, s18  }
0x2aa: {  	v17 =	vmov s19  }
0x2ab: {  	v17 =	vshrl.u32 v17, $0x7  }
0x2ac: {  	v17 =	vshll.u32 v17, v6;
	v54 =	vsub.s32 v16, v15  }
0x2ad: {  	v17 =	vbroadcast v17, $0x0;
	v55 =	vshll.u32 v54, $0xA  }
0x2ae: {  	v16 =	vshll.u32 v16, $0x7;
	v19 =	vand.u32 $0xFFFFE000, v55  }
0x2af: {  	v16 =	vand.u32 $0x380, v16;
	v17 =	vadd.s32 v17, v19  }
0x2b0: {  	vm11 =	vlt.u32 v54, $0x38;
	v16 =	vor.u32 v16, v17  }
0x2b1: {  	v16 =	vor.u32 v10, v16;
	_ =	sdelay $0x4  }
0x2b2: {  	[tilespmem:v16+s30+$0x0] =	vst.idx.msk vm11, v7  }
0x2b3: {  	v16 =	vld [tilespmem:s8+$0x0];
	_ =	sdelay $0x1  }
0x2b4: {  	s19 =	sadd.s32 $0xFFFFFFD0, s18  }
0x2b5: {  	v17 =	vmov s19  }
0x2b6: {  	v17 =	vshrl.u32 v17, $0x7  }
0x2b7: {  	v17 =	vshll.u32 v17, v6;
	v56 =	vsub.s32 v16, v15  }
0x2b8: {  	v17 =	vbroadcast v17, $0x0;
	v57 =	vshll.u32 v56, $0xA  }
0x2b9: {  	v16 =	vshll.u32 v16, $0x7;
	v19 =	vand.u32 $0xFFFFE000, v57  }
0x2ba: {  	v16 =	vand.u32 $0x380, v16;
	v17 =	vadd.s32 v17, v19  }
0x2bb: {  	vm12 =	vlt.u32 v56, $0x38;
	v16 =	vor.u32 v16, v17  }
0x2bc: {  	v16 =	vor.u32 v11, v16;
	_ =	sdelay $0x4  }
0x2bd: {  	[tilespmem:v16+s30+$0x0] =	vst.idx.msk vm12, v7  }
0x2be: {  	v16 =	vld [tilespmem:s8+$0x10];
	_ =	sdelay $0x1  }
0x2bf: {  	s19 =	sadd.s32 $0xFFFFFFE0, s18  }
0x2c0: {  	v17 =	vmov s19  }
0x2c1: {  	v17 =	vshrl.u32 v17, $0x7  }
0x2c2: {  	v17 =	vshll.u32 v17, v6;
	v58 =	vsub.s32 v16, v15  }
0x2c3: {  	v17 =	vbroadcast v17, $0x0;
	v59 =	vshll.u32 v58, $0xA  }
0x2c4: {  	v16 =	vshll.u32 v16, $0x7;
	v19 =	vand.u32 $0xFFFFE000, v59  }
0x2c5: {  	v16 =	vand.u32 $0x380, v16;
	v17 =	vadd.s32 v17, v19  }
0x2c6: {  	vm13 =	vlt.u32 v58, $0x38;
	v16 =	vor.u32 v16, v17  }
0x2c7: {  	v16 =	vor.u32 v12, v16;
	_ =	sdelay $0x4  }
0x2c8: {  	[tilespmem:v16+s30+$0x0] =	vst.idx.msk vm13, v7  }
0x2c9: {  	v16 =	vld [tilespmem:s8+$0x20];
	_ =	sdelay $0x1  }
0x2ca: {  	s19 =	sadd.s32 $0xFFFFFFF0, s18  }
0x2cb: {  	v17 =	vmov s19  }
0x2cc: {  	v17 =	vshrl.u32 v17, $0x7  }
0x2cd: {  	v17 =	vshll.u32 v17, v6;
	v60 =	vsub.s32 v16, v15  }
0x2ce: {  	v17 =	vbroadcast v17, $0x0;
	v61 =	vshll.u32 v60, $0xA  }
0x2cf: {  	v16 =	vshll.u32 v16, $0x7;
	v19 =	vand.u32 $0xFFFFE000, v61  }
0x2d0: {  	v16 =	vand.u32 $0x380, v16;
	v17 =	vadd.s32 v17, v19  }
0x2d1: {  	vm14 =	vlt.u32 v60, $0x38;
	v16 =	vor.u32 v16, v17  }
0x2d2: {  	v16 =	vor.u32 v13, v16;
	_ =	sdelay $0x4  }
0x2d3: {  	[tilespmem:v16+s30+$0x0] =	vst.idx.msk vm14, v7  }
0x2d4: {  	v16 =	vld [tilespmem:s8+$0x30];
	_ =	sdelay $0x2  }
0x2d5: {  	v17 =	vmov s18  }
0x2d6: {  	v17 =	vshrl.u32 v17, $0x7  }
0x2d7: {  	v17 =	vshll.u32 v17, v6;
	v62 =	vsub.s32 v16, v15  }
0x2d8: {  	v17 =	vbroadcast v17, $0x0;
	v63 =	vshll.u32 v62, $0xA  }
0x2d9: {  	v16 =	vshll.u32 v16, $0x7;
	v19 =	vand.u32 $0xFFFFE000, v63  }
0x2da: {  	v16 =	vand.u32 $0x380, v16;
	v17 =	vadd.s32 v17, v19  }
0x2db: {  	vm15 =	vlt.u32 v62, $0x38;
	v16 =	vor.u32 v16, v17  }
0x2dc: {  	p2 =	sne.s32 s18, $0x3F0;
	v16 =	vor.u32 v14, v16  }
.Ltmp8:
0x2dd: {  	_ = 	snop;
	(pc) =	sbr.rel @p2 .LBB2_13-.Ltmp8, $2  }
0x2de: {  	_ =	sdelay $0x2  }
0x2df: {  	s18 =	sadd.s32 $0x80, s18;
	s8 =	sadd.s32 $0x80, s8;
	[tilespmem:v16+s30+$0x0] =	vst.idx.msk vm15, v7  }
0x2e0: {  	s7 =	sadd.s32 s7, s17  }
0x2e1: {  	s8 =	sadd.s32 $0xFFFFFFFE, s7  }
0x2e2: {  	s18 =	smulhi.u32 $0x38E38E39, s8;
	_ =	sdelay $0x1  }
0x2e3: {  	s9 =	smul.u32 $0xFA000, s9;
	s18 =	sshrl.u32 s18, $0x2  }
0x2e4: {  	s15 =	sshll.u32 s15, $0xA;
	s18 =	smul.u32 $0xFFFFFFEE, s18  }
0x2e5: {  	s9 =	sadd.s32 s9, s15  }
0x2e6: {  	s9 =	sshrl.u32 s9, $0x3;
	s8 =	sadd.s32 s8, s18  }
0x2e7: {  	s9 =	sadd.s32 s2, s9;
	s8 =	smul.u32 $0x38, s8  }
0x2e8: {  	[hbm4b:s9+s3] =	stream.linear.scatter [tilespmem:s30], [sflag:$0x1], $0xE000, $0x38;
	[tilespmem:$0x1CC00] =	vst v63  }
0x2e9: {  	_ =	swait.ge [sflag:s29], $0xE000;
	p2 =	slt.s32 s8, $0x3B0  }
0x2ea: {  	[sflag:s29] =	ssyncset.done $0x0;
	s8 =	simm.s32 @!p2 $0x3B0  }
0x2eb: {  	[sflag:s29] =	ssyncadd.s32 $0xFFFF2000;
	v15 =	vmov s8;
	s8 =	simm.s32 $0x70  }
.LBB2_15:
0x2ec: {  	v16 =	vld [tilespmem:s6+$0xFFFFFFC0]  }
0x2ed: {  	s9 =	sadd.s32 $0xFFFFFF90, s8  }
0x2ee: {  	v17 =	vmov s9  }
0x2ef: {  	v17 =	vshrl.u32 v17, $0x7  }
0x2f0: {  	v17 =	vshll.u32 v17, v6  }
0x2f1: {  	v17 =	vadd.s32 $0xE000, v17;
	v18 =	vsub.s32 v16, v15  }
0x2f2: {  	v17 =	vbroadcast v17, $0x0;
	v19 =	vshll.u32 v18, $0xA  }
0x2f3: {  	v16 =	vshll.u32 v16, $0x7;
	v19 =	vand.u32 $0xFFFFE000, v19  }
0x2f4: {  	v16 =	vand.u32 $0x380, v16;
	v17 =	vadd.s32 v17, v19  }
0x2f5: {  	vm0 =	vlt.u32 v18, $0x38;
	v16 =	vor.u32 v16, v17  }
0x2f6: {  	v16 =	vor.u32 v5, v16;
	_ =	sdelay $0x4  }
0x2f7: {  	[tilespmem:v16+s30+$0x0] =	vst.idx.msk vm0, v4  }
0x2f8: {  	v16 =	vld [tilespmem:s6+$0xFFFFFFD0]  }
0x2f9: {  	s15 =	sadd.s32 $0xFFFFFFA0, s8  }
0x2fa: {  	v17 =	vmov s15  }
0x2fb: {  	v17 =	vshrl.u32 v17, $0x7  }
0x2fc: {  	v17 =	vshll.u32 v17, v6  }
0x2fd: {  	v17 =	vadd.s32 $0xE000, v17;
	v50 =	vsub.s32 v16, v15  }
0x2fe: {  	v17 =	vbroadcast v17, $0x0;
	v51 =	vshll.u32 v50, $0xA  }
0x2ff: {  	v16 =	vshll.u32 v16, $0x7;
	v19 =	vand.u32 $0xFFFFE000, v51  }
0x300: {  	v16 =	vand.u32 $0x380, v16;
	v17 =	vadd.s32 v17, v19  }
0x301: {  	vm9 =	vlt.u32 v50, $0x38;
	v16 =	vor.u32 v16, v17  }
0x302: {  	v16 =	vor.u32 v8, v16;
	_ =	sdelay $0x4  }
0x303: {  	[tilespmem:v16+s30+$0x0] =	vst.idx.msk vm9, v4  }
0x304: {  	v16 =	vld [tilespmem:s6+$0xFFFFFFE0]  }
0x305: {  	s18 =	sadd.s32 $0xFFFFFFB0, s8  }
0x306: {  	v17 =	vmov s18  }
0x307: {  	v17 =	vshrl.u32 v17, $0x7  }
0x308: {  	v17 =	vshll.u32 v17, v6  }
0x309: {  	v17 =	vadd.s32 $0xE000, v17;
	v52 =	vsub.s32 v16, v15  }
0x30a: {  	v17 =	vbroadcast v17, $0x0;
	v53 =	vshll.u32 v52, $0xA  }
0x30b: {  	v16 =	vshll.u32 v16, $0x7;
	v19 =	vand.u32 $0xFFFFE000, v53  }
0x30c: {  	v16 =	vand.u32 $0x380, v16;
	v17 =	vadd.s32 v17, v19  }
0x30d: {  	vm10 =	vlt.u32 v52, $0x38;
	v16 =	vor.u32 v16, v17  }
0x30e: {  	v16 =	vor.u32 v9, v16;
	_ =	sdelay $0x4  }
0x30f: {  	[tilespmem:v16+s30+$0x0] =	vst.idx.msk vm10, v4  }
0x310: {  	v16 =	vld [tilespmem:s6+$0xFFFFFFF0]  }
0x311: {  	s19 =	sadd.s32 $0xFFFFFFC0, s8  }
0x312: {  	v17 =	vmov s19  }
0x313: {  	v17 =	vshrl.u32 v17, $0x7  }
0x314: {  	v17 =	vshll.u32 v17, v6  }
0x315: {  	v17 =	vadd.s32 $0xE000, v17;
	v54 =	vsub.s32 v16, v15  }
0x316: {  	v17 =	vbroadcast v17, $0x0;
	v55 =	vshll.u32 v54, $0xA  }
0x317: {  	v16 =	vshll.u32 v16, $0x7;
	v19 =	vand.u32 $0xFFFFE000, v55  }
0x318: {  	v16 =	vand.u32 $0x380, v16;
	v17 =	vadd.s32 v17, v19  }
0x319: {  	vm11 =	vlt.u32 v54, $0x38;
	v16 =	vor.u32 v16, v17  }
0x31a: {  	v16 =	vor.u32 v10, v16;
	_ =	sdelay $0x4  }
0x31b: {  	[tilespmem:v16+s30+$0x0] =	vst.idx.msk vm11, v4  }
0x31c: {  	v16 =	vld [tilespmem:s6+$0x0]  }
0x31d: {  	s15 =	sadd.s32 $0xFFFFFFD0, s8  }
0x31e: {  	v17 =	vmov s15  }
0x31f: {  	v17 =	vshrl.u32 v17, $0x7  }
0x320: {  	v17 =	vshll.u32 v17, v6  }
0x321: {  	v17 =	vadd.s32 $0xE000, v17;
	v56 =	vsub.s32 v16, v15  }
0x322: {  	v17 =	vbroadcast v17, $0x0;
	v57 =	vshll.u32 v56, $0xA  }
0x323: {  	v16 =	vshll.u32 v16, $0x7;
	v19 =	vand.u32 $0xFFFFE000, v57  }
0x324: {  	v16 =	vand.u32 $0x380, v16;
	v17 =	vadd.s32 v17, v19  }
0x325: {  	vm12 =	vlt.u32 v56, $0x38;
	v16 =	vor.u32 v16, v17  }
0x326: {  	v16 =	vor.u32 v11, v16;
	_ =	sdelay $0x4  }
0x327: {  	[tilespmem:v16+s30+$0x0] =	vst.idx.msk vm12, v4  }
0x328: {  	v16 =	vld [tilespmem:s6+$0x10]  }
0x329: {  	s18 =	sadd.s32 $0xFFFFFFE0, s8  }
0x32a: {  	v17 =	vmov s18  }
0x32b: {  	v17 =	vshrl.u32 v17, $0x7  }
0x32c: {  	v17 =	vshll.u32 v17, v6  }
0x32d: {  	v17 =	vadd.s32 $0xE000, v17;
	v58 =	vsub.s32 v16, v15  }
0x32e: {  	v17 =	vbroadcast v17, $0x0;
	v59 =	vshll.u32 v58, $0xA  }
0x32f: {  	v16 =	vshll.u32 v16, $0x7;
	v19 =	vand.u32 $0xFFFFE000, v59  }
0x330: {  	v16 =	vand.u32 $0x380, v16;
	v17 =	vadd.s32 v17, v19  }
0x331: {  	vm13 =	vlt.u32 v58, $0x38;
	v16 =	vor.u32 v16, v17  }
0x332: {  	v16 =	vor.u32 v12, v16;
	_ =	sdelay $0x4  }
0x333: {  	[tilespmem:v16+s30+$0x0] =	vst.idx.msk vm13, v4  }
0x334: {  	v16 =	vld [tilespmem:s6+$0x20]  }
0x335: {  	s19 =	sadd.s32 $0xFFFFFFF0, s8  }
0x336: {  	v17 =	vmov s19  }
0x337: {  	v17 =	vshrl.u32 v17, $0x7  }
0x338: {  	v17 =	vshll.u32 v17, v6  }
0x339: {  	v17 =	vadd.s32 $0xE000, v17;
	v60 =	vsub.s32 v16, v15  }
0x33a: {  	v17 =	vbroadcast v17, $0x0;
	v61 =	vshll.u32 v60, $0xA  }
0x33b: {  	v16 =	vshll.u32 v16, $0x7;
	v19 =	vand.u32 $0xFFFFE000, v61  }
0x33c: {  	v16 =	vand.u32 $0x380, v16;
	v17 =	vadd.s32 v17, v19  }
0x33d: {  	vm14 =	vlt.u32 v60, $0x38;
	v16 =	vor.u32 v16, v17  }
0x33e: {  	v16 =	vor.u32 v13, v16;
	_ =	sdelay $0x4  }
0x33f: {  	[tilespmem:v16+s30+$0x0] =	vst.idx.msk vm14, v4  }
0x340: {  	v16 =	vld [tilespmem:s6+$0x30];
	_ =	sdelay $0x1  }
0x341: {  	v17 =	vmov s8  }
0x342: {  	v17 =	vshrl.u32 v17, $0x7  }
0x343: {  	v17 =	vshll.u32 v17, v6  }
0x344: {  	v17 =	vadd.s32 $0xE000, v17;
	v62 =	vsub.s32 v16, v15  }
0x345: {  	v17 =	vbroadcast v17, $0x0;
	v63 =	vshll.u32 v62, $0xA  }
0x346: {  	v16 =	vshll.u32 v16, $0x7;
	v19 =	vand.u32 $0xFFFFE000, v63  }
0x347: {  	v16 =	vand.u32 $0x380, v16;
	v17 =	vadd.s32 v17, v19  }
0x348: {  	vm15 =	vlt.u32 v62, $0x38;
	v16 =	vor.u32 v16, v17  }
0x349: {  	p2 =	sne.s32 s8, $0x3F0;
	v16 =	vor.u32 v14, v16  }
.Ltmp9:
0x34a: {  	_ = 	snop;
	(pc) =	sbr.rel @p2 .LBB2_15-.Ltmp9, $2  }
0x34b: {  	_ =	sdelay $0x2  }
0x34c: {  	s8 =	sadd.s32 $0x80, s8;
	s6 =	sadd.s32 $0x80, s6;
	[tilespmem:v16+s30+$0x0] =	vst.idx.msk vm15, v4  }
0x34d: {  	s6 =	smulhi.u32 $0x38E38E39, s7;
	_ =	sdelay $0x1  }
0x34e: {  	s6 =	sshrl.u32 s6, $0x2  }
0x34f: {  	s8 =	smul.u32 $0xFFFFFFEE, s6;
	_ =	sdelay $0x1  }
0x350: {  	s19 =	sadd.s32 s7, s8  }
0x351: {  	s7 =	smul.u32 $0x38, s19;
	_ =	sdelay $0x1  }
0x352: {  	p2 =	slt.s32 s7, $0x3B0  }
0x353: {  	s7 =	simm.s32 @!p2 $0x3B0  }
0x354: {  	s8 =	simm.s32 $0x70;
	v15 =	vmov s7  }
.LBB2_17:
0x355: {  	v16 =	vld [tilespmem:s5+$0xFFFFFFC0]  }
0x356: {  	s9 =	sadd.s32 $0xFFFFFF90, s8  }
0x357: {  	v17 =	vmov s9  }
0x358: {  	v17 =	vshrl.u32 v17, $0x7  }
0x359: {  	v17 =	vshll.u32 v17, v6  }
0x35a: {  	v17 =	vadd.s32 $0xE000, v17;
	v18 =	vsub.s32 v16, v15  }
0x35b: {  	v17 =	vbroadcast v17, $0x0;
	v19 =	vshll.u32 v18, $0xA  }
0x35c: {  	v16 =	vshll.u32 v16, $0x7;
	v19 =	vand.u32 $0xFFFFE000, v19  }
0x35d: {  	v16 =	vand.u32 $0x380, v16;
	v17 =	vadd.s32 v17, v19  }
0x35e: {  	vm0 =	vlt.u32 v18, $0x38;
	v16 =	vor.u32 v16, v17  }
0x35f: {  	v16 =	vor.u32 v5, v16;
	_ =	sdelay $0x4  }
0x360: {  	[tilespmem:v16+s30+$0x0] =	vst.idx.msk vm0, v7  }
0x361: {  	v16 =	vld [tilespmem:s5+$0xFFFFFFD0]  }
0x362: {  	s15 =	sadd.s32 $0xFFFFFFA0, s8  }
0x363: {  	v17 =	vmov s15  }
0x364: {  	v17 =	vshrl.u32 v17, $0x7  }
0x365: {  	v17 =	vshll.u32 v17, v6  }
0x366: {  	v17 =	vadd.s32 $0xE000, v17;
	v50 =	vsub.s32 v16, v15  }
0x367: {  	v17 =	vbroadcast v17, $0x0;
	v51 =	vshll.u32 v50, $0xA  }
0x368: {  	v16 =	vshll.u32 v16, $0x7;
	v19 =	vand.u32 $0xFFFFE000, v51  }
0x369: {  	v16 =	vand.u32 $0x380, v16;
	v17 =	vadd.s32 v17, v19  }
0x36a: {  	vm9 =	vlt.u32 v50, $0x38;
	v16 =	vor.u32 v16, v17  }
0x36b: {  	v16 =	vor.u32 v8, v16;
	_ =	sdelay $0x4  }
0x36c: {  	[tilespmem:v16+s30+$0x0] =	vst.idx.msk vm9, v7  }
0x36d: {  	v16 =	vld [tilespmem:s5+$0xFFFFFFE0]  }
0x36e: {  	s18 =	sadd.s32 $0xFFFFFFB0, s8  }
0x36f: {  	v17 =	vmov s18  }
0x370: {  	v17 =	vshrl.u32 v17, $0x7  }
0x371: {  	v17 =	vshll.u32 v17, v6  }
0x372: {  	v17 =	vadd.s32 $0xE000, v17;
	v52 =	vsub.s32 v16, v15  }
0x373: {  	v17 =	vbroadcast v17, $0x0;
	v53 =	vshll.u32 v52, $0xA  }
0x374: {  	v16 =	vshll.u32 v16, $0x7;
	v19 =	vand.u32 $0xFFFFE000, v53  }
0x375: {  	v16 =	vand.u32 $0x380, v16;
	v17 =	vadd.s32 v17, v19  }
0x376: {  	vm10 =	vlt.u32 v52, $0x38;
	v16 =	vor.u32 v16, v17  }
0x377: {  	v16 =	vor.u32 v9, v16;
	_ =	sdelay $0x4  }
0x378: {  	[tilespmem:v16+s30+$0x0] =	vst.idx.msk vm10, v7  }
0x379: {  	v16 =	vld [tilespmem:s5+$0xFFFFFFF0]  }
0x37a: {  	s19 =	sadd.s32 $0xFFFFFFC0, s8  }
0x37b: {  	v17 =	vmov s19  }
0x37c: {  	v17 =	vshrl.u32 v17, $0x7  }
0x37d: {  	v17 =	vshll.u32 v17, v6  }
0x37e: {  	v17 =	vadd.s32 $0xE000, v17;
	v54 =	vsub.s32 v16, v15  }
0x37f: {  	v17 =	vbroadcast v17, $0x0;
	v55 =	vshll.u32 v54, $0xA  }
0x380: {  	v16 =	vshll.u32 v16, $0x7;
	v19 =	vand.u32 $0xFFFFE000, v55  }
0x381: {  	v16 =	vand.u32 $0x380, v16;
	v17 =	vadd.s32 v17, v19  }
0x382: {  	vm11 =	vlt.u32 v54, $0x38;
	v16 =	vor.u32 v16, v17  }
0x383: {  	v16 =	vor.u32 v10, v16;
	_ =	sdelay $0x4  }
0x384: {  	[tilespmem:v16+s30+$0x0] =	vst.idx.msk vm11, v7  }
0x385: {  	v16 =	vld [tilespmem:s5+$0x0]  }
0x386: {  	s15 =	sadd.s32 $0xFFFFFFD0, s8  }
0x387: {  	v17 =	vmov s15  }
0x388: {  	v17 =	vshrl.u32 v17, $0x7  }
0x389: {  	v17 =	vshll.u32 v17, v6  }
0x38a: {  	v17 =	vadd.s32 $0xE000, v17;
	v56 =	vsub.s32 v16, v15  }
0x38b: {  	v17 =	vbroadcast v17, $0x0;
	v57 =	vshll.u32 v56, $0xA  }
0x38c: {  	v16 =	vshll.u32 v16, $0x7;
	v19 =	vand.u32 $0xFFFFE000, v57  }
0x38d: {  	v16 =	vand.u32 $0x380, v16;
	v17 =	vadd.s32 v17, v19  }
0x38e: {  	vm12 =	vlt.u32 v56, $0x38;
	v16 =	vor.u32 v16, v17  }
0x38f: {  	v16 =	vor.u32 v11, v16;
	_ =	sdelay $0x4  }
0x390: {  	[tilespmem:v16+s30+$0x0] =	vst.idx.msk vm12, v7  }
0x391: {  	v16 =	vld [tilespmem:s5+$0x10]  }
0x392: {  	s18 =	sadd.s32 $0xFFFFFFE0, s8  }
0x393: {  	v17 =	vmov s18  }
0x394: {  	v17 =	vshrl.u32 v17, $0x7  }
0x395: {  	v17 =	vshll.u32 v17, v6  }
0x396: {  	v17 =	vadd.s32 $0xE000, v17;
	v58 =	vsub.s32 v16, v15  }
0x397: {  	v17 =	vbroadcast v17, $0x0;
	v59 =	vshll.u32 v58, $0xA  }
0x398: {  	v16 =	vshll.u32 v16, $0x7;
	v19 =	vand.u32 $0xFFFFE000, v59  }
0x399: {  	v16 =	vand.u32 $0x380, v16;
	v17 =	vadd.s32 v17, v19  }
0x39a: {  	vm13 =	vlt.u32 v58, $0x38;
	v16 =	vor.u32 v16, v17  }
0x39b: {  	v16 =	vor.u32 v12, v16;
	_ =	sdelay $0x4  }
0x39c: {  	[tilespmem:v16+s30+$0x0] =	vst.idx.msk vm13, v7  }
0x39d: {  	v16 =	vld [tilespmem:s5+$0x20]  }
0x39e: {  	s19 =	sadd.s32 $0xFFFFFFF0, s8  }
0x39f: {  	v17 =	vmov s19  }
0x3a0: {  	v17 =	vshrl.u32 v17, $0x7  }
0x3a1: {  	v17 =	vshll.u32 v17, v6  }
0x3a2: {  	v17 =	vadd.s32 $0xE000, v17;
	v60 =	vsub.s32 v16, v15  }
0x3a3: {  	v17 =	vbroadcast v17, $0x0;
	v61 =	vshll.u32 v60, $0xA  }
0x3a4: {  	v16 =	vshll.u32 v16, $0x7;
	v19 =	vand.u32 $0xFFFFE000, v61  }
0x3a5: {  	v16 =	vand.u32 $0x380, v16;
	v17 =	vadd.s32 v17, v19  }
0x3a6: {  	vm14 =	vlt.u32 v60, $0x38;
	v16 =	vor.u32 v16, v17  }
0x3a7: {  	v16 =	vor.u32 v13, v16;
	_ =	sdelay $0x4  }
0x3a8: {  	[tilespmem:v16+s30+$0x0] =	vst.idx.msk vm14, v7  }
0x3a9: {  	v16 =	vld [tilespmem:s5+$0x30];
	_ =	sdelay $0x1  }
0x3aa: {  	v17 =	vmov s8  }
0x3ab: {  	v17 =	vshrl.u32 v17, $0x7  }
0x3ac: {  	v17 =	vshll.u32 v17, v6  }
0x3ad: {  	v17 =	vadd.s32 $0xE000, v17;
	v62 =	vsub.s32 v16, v15  }
0x3ae: {  	v17 =	vbroadcast v17, $0x0;
	v63 =	vshll.u32 v62, $0xA  }
0x3af: {  	v16 =	vshll.u32 v16, $0x7;
	v19 =	vand.u32 $0xFFFFE000, v63  }
0x3b0: {  	v16 =	vand.u32 $0x380, v16;
	v17 =	vadd.s32 v17, v19  }
0x3b1: {  	vm15 =	vlt.u32 v62, $0x38;
	v16 =	vor.u32 v16, v17  }
0x3b2: {  	p2 =	sne.s32 s8, $0x3F0;
	v16 =	vor.u32 v14, v16  }
.Ltmp10:
0x3b3: {  	_ = 	snop;
	(pc) =	sbr.rel @p2 .LBB2_17-.Ltmp10, $2  }
0x3b4: {  	_ =	sdelay $0x2  }
0x3b5: {  	s8 =	sadd.s32 $0x80, s8;
	s5 =	sadd.s32 $0x80, s5;
	[tilespmem:v16+s30+$0x0] =	vst.idx.msk vm15, v7  }
0x3b6: {  	s0 =	sadd.s32 $0x1, s0  }
0x3b7: {  	s5 =	smul.u32 $0xFA000, s6;
	p2 =	slt.s32 s0, s11  }
.Ltmp11:
0x3b8: {  	s19 =	sshll.u32 s7, $0xA;
	(pc) =	sbr.rel @p2 .LBB2_10-.Ltmp11, $4  }
0x3b9: {  	s5 =	sadd.s32 s5, s19  }
0x3ba: {  	s12 =	sadd.s32 $0x2, s12;
	s21 =	sadd.s32 $0x2, s21;
	s5 =	sshrl.u32 s5, $0x3  }
0x3bb: {  	s13 =	sadd.s32 $0x2, s13;
	s22 =	sadd.s32 $0x2, s22;
	s5 =	sadd.s32 s2, s5  }
0x3bc: {  	[hbm4b:s5+s3] =	stream.linear.scatter [tilespmem:s31], [sflag:$0x2], $0xE000, $0x38;
	[tilespmem:$0x1CC00] =	vst v63  }
.LBB2_19:
.Ltmp12:
0x3bd: {  	(pc) =	sbr.rel @p0 .LBB2_25-.Ltmp12, $1  }
0x3be: {  	_ =	sdelay $0x3  }
0x3bf: {  	_ =	swait.ge [sflag:s10], $0xE000  }
0x3c0: {  	s0 =	simm.s32 $0x70;
	[sflag:s10] =	ssyncset.done $0x0  }
0x3c1: {  	s6 =	simm.s32 $0x70;
	s5 =	rddreg [dreg:$0xc];
	[sflag:s10] =	ssyncadd.s32 $0xFFFF2000  }
.LBB2_21:
0x3c2: {  	v15 =	vld [tilespmem:s5+$0xFFFFFFC0]  }
0x3c3: {  	s7 =	sadd.s32 $0xFFFFFF90, s6  }
0x3c4: {  	v16 =	vmov s7  }
0x3c5: {  	v16 =	vshrl.u32 v16, $0x7  }
0x3c6: {  	v16 =	vshll.u32 v16, v6  }
0x3c7: {  	v16 =	vbroadcast v16, $0x0;
	v17 =	vsub.s32 v15, v2;
	v15 =	vshll.u32 v15, $0x7  }
0x3c8: {  	v18 =	vshll.u32 v17, $0xA;
	v15 =	vand.u32 $0x380, v15  }
0x3c9: {  	v18 =	vand.u32 $0xFFFFE000, v18;
	v15 =	vor.u32 v15, v16  }
0x3ca: {  	vm0 =	vlt.u32 v17, $0x38;
	v15 =	vor.u32 v18, v15  }
0x3cb: {  	v15 =	vor.u32 v5, v15;
	_ =	sdelay $0x4  }
0x3cc: {  	[tilespmem:v15+s30+$0x0] =	vst.idx.msk vm0, v4  }
0x3cd: {  	v15 =	vld [tilespmem:s5+$0xFFFFFFD0];
	_ =	sdelay $0x1  }
0x3ce: {  	s13 =	sadd.s32 $0xFFFFFFA0, s6  }
0x3cf: {  	v43 =	vmov s13  }
0x3d0: {  	v16 =	vshrl.u32 v43, $0x7  }
0x3d1: {  	v16 =	vshll.u32 v16, v6;
	v44 =	vsub.s32 v15, v2  }
0x3d2: {  	v16 =	vbroadcast v16, $0x0;
	v45 =	vshll.u32 v44, $0xA  }
0x3d3: {  	v15 =	vshll.u32 v15, $0x7;
	v18 =	vand.u32 $0xFFFFE000, v45  }
0x3d4: {  	v15 =	vand.u32 $0x380, v15;
	v16 =	vadd.s32 v16, v18  }
0x3d5: {  	vm9 =	vlt.u32 v44, $0x38;
	v15 =	vor.u32 v15, v16  }
0x3d6: {  	v15 =	vor.u32 v8, v15;
	_ =	sdelay $0x4  }
0x3d7: {  	[tilespmem:v15+s30+$0x0] =	vst.idx.msk vm9, v4  }
0x3d8: {  	v15 =	vld [tilespmem:s5+$0xFFFFFFE0];
	_ =	sdelay $0x1  }
0x3d9: {  	s15 =	sadd.s32 $0xFFFFFFB0, s6  }
0x3da: {  	v46 =	vmov s15  }
0x3db: {  	v16 =	vshrl.u32 v46, $0x7  }
0x3dc: {  	v16 =	vshll.u32 v16, v6;
	v47 =	vsub.s32 v15, v2  }
0x3dd: {  	v16 =	vbroadcast v16, $0x0;
	v48 =	vshll.u32 v47, $0xA  }
0x3de: {  	v15 =	vshll.u32 v15, $0x7;
	v18 =	vand.u32 $0xFFFFE000, v48  }
0x3df: {  	v15 =	vand.u32 $0x380, v15;
	v16 =	vadd.s32 v16, v18  }
0x3e0: {  	vm10 =	vlt.u32 v47, $0x38;
	v15 =	vor.u32 v15, v16  }
0x3e1: {  	v15 =	vor.u32 v9, v15;
	_ =	sdelay $0x4  }
0x3e2: {  	[tilespmem:v15+s30+$0x0] =	vst.idx.msk vm10, v4  }
0x3e3: {  	v15 =	vld [tilespmem:s5+$0xFFFFFFF0];
	_ =	sdelay $0x1  }
0x3e4: {  	s18 =	sadd.s32 $0xFFFFFFC0, s6  }
0x3e5: {  	v49 =	vmov s18  }
0x3e6: {  	v16 =	vshrl.u32 v49, $0x7  }
0x3e7: {  	v16 =	vshll.u32 v16, v6;
	v50 =	vsub.s32 v15, v2  }
0x3e8: {  	v16 =	vbroadcast v16, $0x0;
	v51 =	vshll.u32 v50, $0xA  }
0x3e9: {  	v15 =	vshll.u32 v15, $0x7;
	v18 =	vand.u32 $0xFFFFE000, v51  }
0x3ea: {  	v15 =	vand.u32 $0x380, v15;
	v16 =	vadd.s32 v16, v18  }
0x3eb: {  	vm11 =	vlt.u32 v50, $0x38;
	v15 =	vor.u32 v15, v16  }
0x3ec: {  	v15 =	vor.u32 v10, v15;
	_ =	sdelay $0x4  }
0x3ed: {  	[tilespmem:v15+s30+$0x0] =	vst.idx.msk vm11, v4  }
0x3ee: {  	v15 =	vld [tilespmem:s5+$0x0];
	_ =	sdelay $0x1  }
0x3ef: {  	s19 =	sadd.s32 $0xFFFFFFD0, s6  }
0x3f0: {  	v52 =	vmov s19  }
0x3f1: {  	v16 =	vshrl.u32 v52, $0x7  }
0x3f2: {  	v16 =	vshll.u32 v16, v6;
	v53 =	vsub.s32 v15, v2  }
0x3f3: {  	v16 =	vbroadcast v16, $0x0;
	v54 =	vshll.u32 v53, $0xA  }
0x3f4: {  	v15 =	vshll.u32 v15, $0x7;
	v18 =	vand.u32 $0xFFFFE000, v54  }
0x3f5: {  	v15 =	vand.u32 $0x380, v15;
	v16 =	vadd.s32 v16, v18  }
0x3f6: {  	vm12 =	vlt.u32 v53, $0x38;
	v15 =	vor.u32 v15, v16  }
0x3f7: {  	v15 =	vor.u32 v11, v15;
	_ =	sdelay $0x4  }
0x3f8: {  	[tilespmem:v15+s30+$0x0] =	vst.idx.msk vm12, v4  }
0x3f9: {  	v15 =	vld [tilespmem:s5+$0x10];
	_ =	sdelay $0x1  }
0x3fa: {  	s21 =	sadd.s32 $0xFFFFFFE0, s6  }
0x3fb: {  	v55 =	vmov s21  }
0x3fc: {  	v16 =	vshrl.u32 v55, $0x7  }
0x3fd: {  	v16 =	vshll.u32 v16, v6;
	v56 =	vsub.s32 v15, v2  }
0x3fe: {  	v16 =	vbroadcast v16, $0x0;
	v57 =	vshll.u32 v56, $0xA  }
0x3ff: {  	v15 =	vshll.u32 v15, $0x7;
	v18 =	vand.u32 $0xFFFFE000, v57  }
0x400: {  	v15 =	vand.u32 $0x380, v15;
	v16 =	vadd.s32 v16, v18  }
0x401: {  	vm13 =	vlt.u32 v56, $0x38;
	v15 =	vor.u32 v15, v16  }
0x402: {  	v15 =	vor.u32 v12, v15;
	_ =	sdelay $0x4  }
0x403: {  	[tilespmem:v15+s30+$0x0] =	vst.idx.msk vm13, v4  }
0x404: {  	v15 =	vld [tilespmem:s5+$0x20];
	_ =	sdelay $0x1  }
0x405: {  	s22 =	sadd.s32 $0xFFFFFFF0, s6  }
0x406: {  	v58 =	vmov s22  }
0x407: {  	v16 =	vshrl.u32 v58, $0x7  }
0x408: {  	v16 =	vshll.u32 v16, v6;
	v59 =	vsub.s32 v15, v2  }
0x409: {  	v16 =	vbroadcast v16, $0x0;
	v60 =	vshll.u32 v59, $0xA  }
0x40a: {  	v15 =	vshll.u32 v15, $0x7;
	v18 =	vand.u32 $0xFFFFE000, v60  }
0x40b: {  	v15 =	vand.u32 $0x380, v15;
	v16 =	vadd.s32 v16, v18  }
0x40c: {  	vm14 =	vlt.u32 v59, $0x38;
	v15 =	vor.u32 v15, v16  }
0x40d: {  	v15 =	vor.u32 v13, v15;
	_ =	sdelay $0x4  }
0x40e: {  	[tilespmem:v15+s30+$0x0] =	vst.idx.msk vm14, v4  }
0x40f: {  	v15 =	vld [tilespmem:s5+$0x30];
	_ =	sdelay $0x2  }
0x410: {  	v61 =	vmov s6  }
0x411: {  	v16 =	vshrl.u32 v61, $0x7  }
0x412: {  	v16 =	vshll.u32 v16, v6;
	v62 =	vsub.s32 v15, v2  }
0x413: {  	v16 =	vbroadcast v16, $0x0;
	v63 =	vshll.u32 v62, $0xA  }
0x414: {  	v15 =	vshll.u32 v15, $0x7;
	v18 =	vand.u32 $0xFFFFE000, v63  }
0x415: {  	v15 =	vand.u32 $0x380, v15;
	v16 =	vadd.s32 v16, v18  }
0x416: {  	vm15 =	vlt.u32 v62, $0x38;
	v15 =	vor.u32 v15, v16  }
0x417: {  	p2 =	sne.s32 s6, $0x3F0;
	v15 =	vor.u32 v14, v15  }
.Ltmp13:
0x418: {  	_ = 	snop;
	(pc) =	sbr.rel @p2 .LBB2_21-.Ltmp13, $2  }
0x419: {  	_ =	sdelay $0x2  }
0x41a: {  	s6 =	sadd.s32 $0x80, s6;
	s5 =	sadd.s32 $0x80, s5;
	[tilespmem:v15+s30+$0x0] =	vst.idx.msk vm15, v4  }
0x41b: {  	s5 =	rddreg [dreg:$0xd]  }
.LBB2_23:
0x41c: {  	v15 =	vld [tilespmem:s5+$0xFFFFFFC0]  }
0x41d: {  	s6 =	sadd.s32 $0xFFFFFF90, s0  }
0x41e: {  	v16 =	vmov s6  }
0x41f: {  	v16 =	vshrl.u32 v16, $0x7  }
0x420: {  	v16 =	vshll.u32 v16, v6  }
0x421: {  	v16 =	vbroadcast v16, $0x0;
	v17 =	vsub.s32 v15, v3;
	v15 =	vshll.u32 v15, $0x7  }
0x422: {  	v18 =	vshll.u32 v17, $0xA;
	v15 =	vand.u32 $0x380, v15  }
0x423: {  	v18 =	vand.u32 $0xFFFFE000, v18;
	v15 =	vor.u32 v15, v16  }
0x424: {  	vm0 =	vlt.u32 v17, $0x38;
	v15 =	vor.u32 v18, v15  }
0x425: {  	v15 =	vor.u32 v5, v15;
	_ =	sdelay $0x4  }
0x426: {  	[tilespmem:v15+s30+$0x0] =	vst.idx.msk vm0, v7  }
0x427: {  	v15 =	vld [tilespmem:s5+$0xFFFFFFD0];
	_ =	sdelay $0x1  }
0x428: {  	s13 =	sadd.s32 $0xFFFFFFA0, s0  }
0x429: {  	v43 =	vmov s13  }
0x42a: {  	v16 =	vshrl.u32 v43, $0x7  }
0x42b: {  	v16 =	vshll.u32 v16, v6;
	v44 =	vsub.s32 v15, v3  }
0x42c: {  	v16 =	vbroadcast v16, $0x0;
	v45 =	vshll.u32 v44, $0xA  }
0x42d: {  	v15 =	vshll.u32 v15, $0x7;
	v18 =	vand.u32 $0xFFFFE000, v45  }
0x42e: {  	v15 =	vand.u32 $0x380, v15;
	v16 =	vadd.s32 v16, v18  }
0x42f: {  	vm9 =	vlt.u32 v44, $0x38;
	v15 =	vor.u32 v15, v16  }
0x430: {  	v15 =	vor.u32 v8, v15;
	_ =	sdelay $0x4  }
0x431: {  	[tilespmem:v15+s30+$0x0] =	vst.idx.msk vm9, v7  }
0x432: {  	v15 =	vld [tilespmem:s5+$0xFFFFFFE0];
	_ =	sdelay $0x1  }
0x433: {  	s15 =	sadd.s32 $0xFFFFFFB0, s0  }
0x434: {  	v46 =	vmov s15  }
0x435: {  	v16 =	vshrl.u32 v46, $0x7  }
0x436: {  	v16 =	vshll.u32 v16, v6;
	v47 =	vsub.s32 v15, v3  }
0x437: {  	v16 =	vbroadcast v16, $0x0;
	v48 =	vshll.u32 v47, $0xA  }
0x438: {  	v15 =	vshll.u32 v15, $0x7;
	v18 =	vand.u32 $0xFFFFE000, v48  }
0x439: {  	v15 =	vand.u32 $0x380, v15;
	v16 =	vadd.s32 v16, v18  }
0x43a: {  	vm10 =	vlt.u32 v47, $0x38;
	v15 =	vor.u32 v15, v16  }
0x43b: {  	v15 =	vor.u32 v9, v15;
	_ =	sdelay $0x4  }
0x43c: {  	[tilespmem:v15+s30+$0x0] =	vst.idx.msk vm10, v7  }
0x43d: {  	v15 =	vld [tilespmem:s5+$0xFFFFFFF0];
	_ =	sdelay $0x1  }
0x43e: {  	s18 =	sadd.s32 $0xFFFFFFC0, s0  }
0x43f: {  	v49 =	vmov s18  }
0x440: {  	v16 =	vshrl.u32 v49, $0x7  }
0x441: {  	v16 =	vshll.u32 v16, v6;
	v50 =	vsub.s32 v15, v3  }
0x442: {  	v16 =	vbroadcast v16, $0x0;
	v51 =	vshll.u32 v50, $0xA  }
0x443: {  	v15 =	vshll.u32 v15, $0x7;
	v18 =	vand.u32 $0xFFFFE000, v51  }
0x444: {  	v15 =	vand.u32 $0x380, v15;
	v16 =	vadd.s32 v16, v18  }
0x445: {  	vm11 =	vlt.u32 v50, $0x38;
	v15 =	vor.u32 v15, v16  }
0x446: {  	v15 =	vor.u32 v10, v15;
	_ =	sdelay $0x4  }
0x447: {  	[tilespmem:v15+s30+$0x0] =	vst.idx.msk vm11, v7  }
0x448: {  	v15 =	vld [tilespmem:s5+$0x0];
	_ =	sdelay $0x1  }
0x449: {  	s19 =	sadd.s32 $0xFFFFFFD0, s0  }
0x44a: {  	v52 =	vmov s19  }
0x44b: {  	v16 =	vshrl.u32 v52, $0x7  }
0x44c: {  	v16 =	vshll.u32 v16, v6;
	v53 =	vsub.s32 v15, v3  }
0x44d: {  	v16 =	vbroadcast v16, $0x0;
	v54 =	vshll.u32 v53, $0xA  }
0x44e: {  	v15 =	vshll.u32 v15, $0x7;
	v18 =	vand.u32 $0xFFFFE000, v54  }
0x44f: {  	v15 =	vand.u32 $0x380, v15;
	v16 =	vadd.s32 v16, v18  }
0x450: {  	vm12 =	vlt.u32 v53, $0x38;
	v15 =	vor.u32 v15, v16  }
0x451: {  	v15 =	vor.u32 v11, v15;
	_ =	sdelay $0x4  }
0x452: {  	[tilespmem:v15+s30+$0x0] =	vst.idx.msk vm12, v7  }
0x453: {  	v15 =	vld [tilespmem:s5+$0x10];
	_ =	sdelay $0x1  }
0x454: {  	s21 =	sadd.s32 $0xFFFFFFE0, s0  }
0x455: {  	v55 =	vmov s21  }
0x456: {  	v16 =	vshrl.u32 v55, $0x7  }
0x457: {  	v16 =	vshll.u32 v16, v6;
	v56 =	vsub.s32 v15, v3  }
0x458: {  	v16 =	vbroadcast v16, $0x0;
	v57 =	vshll.u32 v56, $0xA  }
0x459: {  	v15 =	vshll.u32 v15, $0x7;
	v18 =	vand.u32 $0xFFFFE000, v57  }
0x45a: {  	v15 =	vand.u32 $0x380, v15;
	v16 =	vadd.s32 v16, v18  }
0x45b: {  	vm13 =	vlt.u32 v56, $0x38;
	v15 =	vor.u32 v15, v16  }
0x45c: {  	v15 =	vor.u32 v12, v15;
	_ =	sdelay $0x4  }
0x45d: {  	[tilespmem:v15+s30+$0x0] =	vst.idx.msk vm13, v7  }
0x45e: {  	v15 =	vld [tilespmem:s5+$0x20];
	_ =	sdelay $0x1  }
0x45f: {  	s22 =	sadd.s32 $0xFFFFFFF0, s0  }
0x460: {  	v58 =	vmov s22  }
0x461: {  	v16 =	vshrl.u32 v58, $0x7  }
0x462: {  	v16 =	vshll.u32 v16, v6;
	v59 =	vsub.s32 v15, v3  }
0x463: {  	v16 =	vbroadcast v16, $0x0;
	v60 =	vshll.u32 v59, $0xA  }
0x464: {  	v15 =	vshll.u32 v15, $0x7;
	v18 =	vand.u32 $0xFFFFE000, v60  }
0x465: {  	v15 =	vand.u32 $0x380, v15;
	v16 =	vadd.s32 v16, v18  }
0x466: {  	vm14 =	vlt.u32 v59, $0x38;
	v15 =	vor.u32 v15, v16  }
0x467: {  	v15 =	vor.u32 v13, v15;
	_ =	sdelay $0x4  }
0x468: {  	[tilespmem:v15+s30+$0x0] =	vst.idx.msk vm14, v7  }
0x469: {  	v15 =	vld [tilespmem:s5+$0x30];
	_ =	sdelay $0x2  }
0x46a: {  	v61 =	vmov s0  }
0x46b: {  	v16 =	vshrl.u32 v61, $0x7  }
0x46c: {  	v16 =	vshll.u32 v16, v6;
	v62 =	vsub.s32 v15, v3  }
0x46d: {  	v16 =	vbroadcast v16, $0x0;
	v63 =	vshll.u32 v62, $0xA  }
0x46e: {  	v15 =	vshll.u32 v15, $0x7;
	v18 =	vand.u32 $0xFFFFE000, v63  }
0x46f: {  	v15 =	vand.u32 $0x380, v15;
	v16 =	vadd.s32 v16, v18  }
0x470: {  	vm15 =	vlt.u32 v62, $0x38;
	v15 =	vor.u32 v15, v16  }
0x471: {  	p2 =	sne.s32 s0, $0x3F0;
	v15 =	vor.u32 v14, v15  }
.Ltmp14:
0x472: {  	_ = 	snop;
	(pc) =	sbr.rel @p2 .LBB2_23-.Ltmp14, $2  }
0x473: {  	_ =	sdelay $0x2  }
0x474: {  	s0 =	sadd.s32 $0x80, s0;
	s5 =	sadd.s32 $0x80, s5;
	[tilespmem:v15+s30+$0x0] =	vst.idx.msk vm15, v7  }
.Ltmp15:
0x475: {  	(pc) =	sbr.rel .LBB2_25-.Ltmp15, $3  }
0x476: {  	_ =	sdelay $0x1  }
0x477: {  	s0 =	rddreg [dreg:$0x8]  }
0x478: {  	[hbm4b:s0+s3] =	stream.linear.scatter [tilespmem:s30], [sflag:$0x1], $0xE000, $0x38;
	[tilespmem:$0x1CC00] =	vst v63  }
.LBB2_26:
0x479: {  	_ =	sfence.sel $0x180000  }
0x47a: {  	[bflag:$0x0] =	sbarrier.arrive $0xFFFF  }
0x47b: {  	_ =	strace $0x90000047  }
0x47c: {  	s0 =	stileid.u32;
	[bflag:$0x2] =	sbarrier.arrive $0xFFFF  }
0x47d: {  	p0 =	sne.s32 s0, $0x0;
	s0 =	rddreg [dreg:$0x2]  }
0x47e: {  	s0 =	sadd.s32 @!p0 $0x100000, s0  }
0x47f: {  	[sflag:s0] =	ssyncadd.tile.s32 @!p0 $0x1;
	_ =	shalt  }
.Lfunc_end2:
_tile_overlayer_lowered:
.L_overlay_start_2:
0x480: {  	(tag) =	ssettag $0x2  }
0x481: {  	s0 =	rddreg [dreg:$0x0];
	s2 =	stileid.u32  }
0x482: {  	s1 =	rddreg [dreg:$0x1];
	p0 =	sne.s32 s2, $0x0  }
0x483: {  	s3 =	rddreg [dreg:$0x2];
	[bflag:$0x3] =	sbarrier.arrive $0xFFFF;
	s2 =	simm.s32 @!p0 $0x1C03  }
0x484: {  	[timem:s3], [sflag:s2] =	dma.local @!p0 [hbm:s0], s1  }
0x485: {  	s0 =	simm.s32 @!p0 $0x3  }
0x486: {  	_ =	swait.ge @!p0 [sflag:s0], s1  }
0x487: {  	s1 =	ssub.s32 @!p0 $0x0, s1;
	[sflag:s0] =	ssyncset.done @!p0 $0x0  }
0x488: {  	[sflag:s0] =	ssyncadd.s32 @!p0 s1  }
0x489: {  	[bflag:$0x3] =	sbarrier.arrive $0xFFFF  }
0x48a: {  	_ =	shalt  }

</sc_bundles>
